<compile_context>
chip_gen: v7x
topology: tpu7x:2x2x1
jax: 0.10.2.dev20260603
libtpu: 0.0.44.dev20260713+nightly
codegen_flags: <defaults>
</compile_context>

<pallas_src>
import functools

import jax
import jax.numpy as jnp
from jax import lax
from jax.experimental import pallas as pl
from jax.experimental.pallas import tpu as pltpu
from jax.experimental.pallas import tpu_sc as plsc

_L = 16


def _make_sc_kernel(B, C, D, V):
    NW = 32
    BPW = B // NW
    CB = 128
    NCH = BPW // CB
    NG = CB // _L
    IW = 80
    NJ = (CB * C) // IW
    KD = D // _L

    mesh = plsc.VectorSubcoreMesh(core_axis_name="c", subcore_axis_name="s")

    @functools.partial(
        pl.kernel,
        mesh=mesh,
        compiler_params=pltpu.CompilerParams(
            needs_layout_passes=False, use_tc_tiling_on_sc=False),
        out_type=jax.ShapeDtypeStruct((B * C,), jnp.float32),
        scratch_types=[
            pltpu.VMEM((CB,), jnp.int32),
            pltpu.VMEM((NJ, IW), jnp.int32),
            pltpu.VMEM((CB, D), jnp.float32),
            pltpu.VMEM((NJ, IW, D), jnp.float32),
            pltpu.VMEM((IW * _L,), jnp.float32),
            pltpu.VMEM((CB * C,), jnp.float32),
            pltpu.SemaphoreType.DMA,
            pltpu.SemaphoreType.DMA,
        ],
    )
    def k(tgt_hbm, ctx_hbm, ttab_hbm, ctab_hbm, out_hbm,
          tgt_idx, ce_idx, we_v, ce_v, acc_buf, out_v, sem_t, sem_c):
        wid = lax.axis_index("s") * 2 + lax.axis_index("c")
        lanes = lax.iota(jnp.int32, _L)

        def chunk_body(ch, carry):
            b_base = pl.multiple_of(wid * BPW + ch * CB, CB)
            pltpu.sync_copy(tgt_hbm.at[pl.ds(b_base, CB)], tgt_idx)
            pltpu.sync_copy(
                ctx_hbm.at[pl.ds(pl.multiple_of((b_base * C) // IW, NJ), NJ)],
                ce_idx)
            dwe = pltpu.async_copy(ttab_hbm.at[tgt_idx], we_v, sem_t)
            dce = [
                pltpu.async_copy(ctab_hbm.at[ce_idx.at[j]], ce_v.at[j], sem_c)
                for j in range(NJ)
            ]
            dwe.wait()
            for d in dce:
                d.wait()

            def g_body(g, gcarry):
                for i in range(_L):
                    b = g * _L + i
                    wv = [we_v[b, pl.ds(kk * _L, _L)] for kk in range(KD)]
                    for c in range(C):
                        q = i * C + c
                        acc = wv[0] * ce_v[g, q, pl.ds(0, _L)]
                        for kk in range(1, KD):
                            acc = acc + wv[kk] * ce_v[g, q, pl.ds(kk * _L, _L)]
                        acc_buf[pl.ds(q * _L, _L)] = acc
                for t in range(C):
                    base_idx = (lanes + t * _L) * _L
                    out_vec = plsc.load_gather(acc_buf, [base_idx])
                    for j in range(1, _L):
                        col = plsc.load_gather(acc_buf, [base_idx + j])
                        out_vec = out_vec + col
                    out_v[pl.ds(g * IW + t * _L, _L)] = out_vec
                return gcarry

            lax.fori_loop(0, NG, g_body, 0)
            pltpu.sync_copy(out_v, out_hbm.at[pl.ds(b_base * C, CB * C)])
            return carry

        lax.fori_loop(0, NCH, chunk_body, 0)

    return k


def kernel(target, context, target_table, context_table):
    B, C = context.shape
    V, D = target_table.shape
    tgt_flat = target.reshape(B)
    ctx_2d = context.reshape((B * C) // 80, 80)
    k = _make_sc_kernel(B, C, D, V)
    out_flat = k(tgt_flat, ctx_2d, target_table, context_table)
    return out_flat.reshape(B, C)

# --- scband reference (transcript-rebuilt; emitter-appended) ---
"""Pipeline reference for scband-word2-vec-6854767804683 (READ-ONLY COPY).

The authoritative reference and input builder live on the scoring server;
editing this copy changes nothing except your own understanding.
"""

import jax, jax.numpy as jnp
import numpy as np

VOCAB = 1000000
EMBED = 64
BATCH = 16384
NUM_NS = 4

def setup_inputs(seed: int = 0) -> dict:
    key = jax.random.key(seed)
    k1, k2, k3, k4 = jax.random.split(key, 4)
    target = jax.random.randint(k1, (BATCH, 1), 0, VOCAB, dtype=jnp.int64 if jax.config.jax_enable_x64 else jnp.int32).astype(jnp.int32)
    context = jax.random.randint(k2, (BATCH, NUM_NS + 1), 0, VOCAB).astype(jnp.int32)
    target_table = jax.random.normal(k3, (VOCAB, EMBED), dtype=jnp.float32) * 0.05
    context_table = jax.random.normal(k4, (VOCAB, EMBED), dtype=jnp.float32) * 0.05
    return {"target": target, "context": context, "target_table": target_table, "context_table": context_table}

def reference(target, context, target_table, context_table):
    # target_embedding lookup: [B, 1] -> [B, 1, D]
    we = jnp.take(target_table, target, axis=0)
    # context_embedding lookup: [B, num_ns+1] -> [B, num_ns+1, D]
    ce = jnp.take(context_table, context, axis=0)
    # Dot along embedding dim: [B, num_ns+1, D] x [B, 1, D] -> [B, num_ns+1, 1]
    dots = jnp.einsum('bcd,btd->bct', ce, we)
    # Flatten -> [B, num_ns+1]
    return dots.reshape(dots.shape[0], -1)

if __name__ == "__main__":
    import jax
    _d = setup_inputs()
    print(jax.jit(kernel)(*tuple(_d.values())))

</pallas_src>

<mosaic_0001>
#map = affine_map<(d0, d1) -> (0)>
#map1 = affine_map<(d0, d1) -> (0, 0)>
module attributes {stable_mosaic.version = 14 : i64} {
  func.func @k(%arg0: i32, %arg1: i32, %arg2: memref<16384xi32, #tpu.memory_space<hbm>>, %arg3: memref<1024x80xi32, #tpu.memory_space<hbm>>, %arg4: memref<1000000x64xf32, #tpu.memory_space<hbm>>, %arg5: memref<1000000x64xf32, #tpu.memory_space<hbm>>, %arg6: memref<81920xf32, #tpu.memory_space<hbm>>, %arg7: memref<128xi32, #tpu.memory_space<vmem>>, %arg8: memref<8x80xi32, #tpu.memory_space<vmem>>, %arg9: memref<128x64xf32, #tpu.memory_space<vmem>>, %arg10: memref<8x80x64xf32, #tpu.memory_space<vmem>>, %arg11: memref<1280xf32, #tpu.memory_space<vmem>>, %arg12: memref<640xf32, #tpu.memory_space<vmem>>, %arg13: memref<!tpu.dma_semaphore, #tpu.memory_space<semaphore_mem>>, %arg14: memref<!tpu.dma_semaphore, #tpu.memory_space<semaphore_mem>>) attributes {dimension_semantics = [#tpu.dimension_semantics<core_parallel>, #tpu.dimension_semantics<subcore_parallel>], iteration_bounds = array<i64: 2, 16>, scalar_prefetch = 0 : i64, scratch_operands = 8 : i64, tpu.core_type = #tpu.core_type<sc_vector_subcore>, window_params = [{transform_indices = #map}, {transform_indices = #map1}, {transform_indices = #map1}, {transform_indices = #map1}, {transform_indices = #map}]} {
    %mul3A = arith.constant 2 : i32
    %mul3A_0 = arith.muli %arg1, %mul3A : i32
    %add3A = arith.addi %mul3A_0, %arg0 : i32
    %iota3A = tpu.iota {dimensions = array<i32: 0>} : vector<16xi32>
    %scan3A = arith.constant 0 : i32
    %scan3A_1 = arith.constant 0 : i32
    %scan3A_2 = arith.constant 4 : i32
    %scan3A_3 = arith.addi %scan3A_1, %scan3A_2 : i32
    %scan3A_4 = arith.constant 1 : i32
    scf.for %scan3A_6 = %scan3A_1 to %scan3A_3 step %scan3A_4  : i32 {
      %mul3A_7 = arith.constant 512 : i32
      %mul3A_8 = arith.muli %add3A, %mul3A_7 : i32
      %mul3A_9 = arith.constant 128 : i32
      %mul3A_10 = arith.muli %scan3A_6, %mul3A_9 : i32
      %add3A_11 = arith.addi %mul3A_8, %mul3A_10 : i32
      %multiple_of3A = tpu.assume_multiple %add3A_11, 128 : i32
      "tpu.region"() ({
        %run_scoped3A = tpu.sem_alloc : memref<!tpu.dma_semaphore, #tpu.memory_space<semaphore_mem>>
        %dma_start3A_235 = tpu.memref_slice %arg2[%multiple_of3A] : memref<16384xi32, #tpu.memory_space<hbm>> -> memref<128xi32, #tpu.memory_space<hbm>>
        %dma_start3A_236 = tpu.memref_slice %arg2[%multiple_of3A] : memref<16384xi32, #tpu.memory_space<hbm>> -> memref<128xi32, #tpu.memory_space<hbm>>
        tpu.enqueue_dma source(%dma_start3A_236 : memref<128xi32, #tpu.memory_space<hbm>>) target(%arg7 : memref<128xi32, #tpu.memory_space<vmem>>) target_semaphore(%run_scoped3A : memref<!tpu.dma_semaphore, #tpu.memory_space<semaphore_mem>>)
        %dma_wait3A_237 = tpu.memref_slice %arg2[%multiple_of3A] : memref<16384xi32, #tpu.memory_space<hbm>> -> memref<128xi32, #tpu.memory_space<hbm>>
        %dma_wait3A_238 = tpu.memref_slice %arg2[%multiple_of3A] : memref<16384xi32, #tpu.memory_space<hbm>> -> memref<128xi32, #tpu.memory_space<hbm>>
        tpu.wait_dma2 semaphore(%run_scoped3A : memref<!tpu.dma_semaphore, #tpu.memory_space<semaphore_mem>>) src(%dma_wait3A_238 : memref<128xi32, #tpu.memory_space<hbm>>) dst(%arg7 : memref<128xi32, #tpu.memory_space<vmem>>)
        tpu.yield
      }) : () -> ()
      %mul3A_12 = arith.constant 5 : i32
      %mul3A_13 = arith.muli %multiple_of3A, %mul3A_12 : i32
      %jit3A = arith.constant 80 : i32
      %div3A = arith.divsi %mul3A_13, %jit3A : i32
      %sign3A = arith.constant 0 : i32
      %sign3A_14 = arith.cmpi sgt, %mul3A_13, %sign3A : i32
      %sign3A_15 = arith.extui %sign3A_14 : i1 to i32
      %sign3A_16 = arith.constant 0 : i32
      %sign3A_17 = arith.cmpi slt, %mul3A_13, %sign3A_16 : i32
      %sign3A_18 = arith.extui %sign3A_17 : i1 to i32
      %sign3A_19 = arith.subi %sign3A_15, %sign3A_18 : i32
      %sign3A_20 = arith.constant 0 : i32
      %sign3A_21 = arith.cmpi sgt, %jit3A, %sign3A_20 : i32
      %sign3A_22 = arith.extui %sign3A_21 : i1 to i32
      %sign3A_23 = arith.constant 0 : i32
      %sign3A_24 = arith.cmpi slt, %jit3A, %sign3A_23 : i32
      %sign3A_25 = arith.extui %sign3A_24 : i1 to i32
      %sign3A_26 = arith.subi %sign3A_22, %sign3A_25 : i32
      %ne3A = arith.cmpi ne, %sign3A_19, %sign3A_26 : i32
      %rem3A = arith.remsi %mul3A_13, %jit3A : i32
      %ne3A_27 = arith.constant 0 : i32
      %ne3A_28 = arith.cmpi ne, %rem3A, %ne3A_27 : i32
      %and3A = arith.andi %ne3A, %ne3A_28 : i1
      %sub3A = arith.constant 1 : i32
      %sub3A_29 = arith.subi %div3A, %sub3A : i32
      %select_n3A = arith.select %and3A, %sub3A_29, %div3A : i32
      %multiple_of3A_30 = tpu.assume_multiple %select_n3A, 8 : i32
      "tpu.region"() ({
        %run_scoped3A = tpu.sem_alloc : memref<!tpu.dma_semaphore, #tpu.memory_space<semaphore_mem>>
        %dma_start3A_235 = arith.constant 0 : i32
        %dma_start3A_236 = tpu.memref_slice %arg3[%multiple_of3A_30, %dma_start3A_235] : memref<1024x80xi32, #tpu.memory_space<hbm>> -> memref<8x80xi32, #tpu.memory_space<hbm>>
        %dma_start3A_237 = arith.constant 0 : i32
        %dma_start3A_238 = tpu.memref_slice %arg3[%multiple_of3A_30, %dma_start3A_237] : memref<1024x80xi32, #tpu.memory_space<hbm>> -> memref<8x80xi32, #tpu.memory_space<hbm>>
        tpu.enqueue_dma source(%dma_start3A_238 : memref<8x80xi32, #tpu.memory_space<hbm>>) target(%arg8 : memref<8x80xi32, #tpu.memory_space<vmem>>) target_semaphore(%run_scoped3A : memref<!tpu.dma_semaphore, #tpu.memory_space<semaphore_mem>>)
        %dma_wait3A_239 = arith.constant 0 : i32
        %dma_wait3A_240 = tpu.memref_slice %arg3[%multiple_of3A_30, %dma_wait3A_239] : memref<1024x80xi32, #tpu.memory_space<hbm>> -> memref<8x80xi32, #tpu.memory_space<hbm>>
        %dma_wait3A_241 = arith.constant 0 : i32
        %dma_wait3A_242 = tpu.memref_slice %arg3[%multiple_of3A_30, %dma_wait3A_241] : memref<1024x80xi32, #tpu.memory_space<hbm>> -> memref<8x80xi32, #tpu.memory_space<hbm>>
        tpu.wait_dma2 semaphore(%run_scoped3A : memref<!tpu.dma_semaphore, #tpu.memory_space<semaphore_mem>>) src(%dma_wait3A_242 : memref<8x80xi32, #tpu.memory_space<hbm>>) dst(%arg8 : memref<8x80xi32, #tpu.memory_space<vmem>>)
        tpu.yield
      }) : () -> ()
      %dma_start3A = arith.constant 0 : i32
      %dma_start3A_31 = arith.constant 0 : i32
      %dma_start3A_32 = tpu.memref_slice %arg4[%dma_start3A, %dma_start3A_31] : memref<1000000x64xf32, #tpu.memory_space<hbm>> -> memref<1000000x64xf32, #tpu.memory_space<hbm>>
      tpu.enqueue_indirect_dma source(%dma_start3A_32 : memref<1000000x64xf32, #tpu.memory_space<hbm>>) target(%arg9 : memref<128x64xf32, #tpu.memory_space<vmem>>) offsets(%arg7 : memref<128xi32, #tpu.memory_space<vmem>>) semaphore(%arg13 : memref<!tpu.dma_semaphore, #tpu.memory_space<semaphore_mem>>)
      %dma_start3A_33 = arith.constant 0 : i32
      %dma_start3A_34 = arith.constant 0 : i32
      %dma_start3A_35 = arith.constant 0 : i32
      %dma_start3A_36 = arith.constant 0 : i32
      %dma_start3A_37 = tpu.memref_slice %arg10[%dma_start3A_34, %dma_start3A_35, %dma_start3A_36] : memref<8x80x64xf32, #tpu.memory_space<vmem>> -> memref<1x80x64xf32, #tpu.memory_space<vmem>>
      %dma_start3A_38 = tpu.memref_squeeze %dma_start3A_37 : memref<1x80x64xf32, #tpu.memory_space<vmem>> -> memref<80x64xf32, #tpu.memory_space<vmem>>
      %dma_start3A_39 = arith.constant 0 : i32
      %dma_start3A_40 = tpu.memref_slice %arg8[%dma_start3A_33, %dma_start3A_39] : memref<8x80xi32, #tpu.memory_space<vmem>> -> memref<1x80xi32, #tpu.memory_space<vmem>>
      %dma_start3A_41 = tpu.memref_squeeze %dma_start3A_40 : memref<1x80xi32, #tpu.memory_space<vmem>> -> memref<80xi32, #tpu.memory_space<vmem>>
      %dma_start3A_42 = arith.constant 0 : i32
      %dma_start3A_43 = arith.constant 0 : i32
      %dma_start3A_44 = tpu.memref_slice %arg5[%dma_start3A_42, %dma_start3A_43] : memref<1000000x64xf32, #tpu.memory_space<hbm>> -> memref<1000000x64xf32, #tpu.memory_space<hbm>>
      tpu.enqueue_indirect_dma source(%dma_start3A_44 : memref<1000000x64xf32, #tpu.memory_space<hbm>>) target(%dma_start3A_38 : memref<80x64xf32, #tpu.memory_space<vmem>>) offsets(%dma_start3A_41 : memref<80xi32, #tpu.memory_space<vmem>>) semaphore(%arg14 : memref<!tpu.dma_semaphore, #tpu.memory_space<semaphore_mem>>)
      %dma_start3A_45 = arith.constant 1 : i32
      %dma_start3A_46 = arith.constant 1 : i32
      %dma_start3A_47 = arith.constant 0 : i32
      %dma_start3A_48 = arith.constant 0 : i32
      %dma_start3A_49 = tpu.memref_slice %arg10[%dma_start3A_46, %dma_start3A_47, %dma_start3A_48] : memref<8x80x64xf32, #tpu.memory_space<vmem>> -> memref<1x80x64xf32, #tpu.memory_space<vmem>>
      %dma_start3A_50 = tpu.memref_squeeze %dma_start3A_49 : memref<1x80x64xf32, #tpu.memory_space<vmem>> -> memref<80x64xf32, #tpu.memory_space<vmem>>
      %dma_start3A_51 = arith.constant 0 : i32
      %dma_start3A_52 = tpu.memref_slice %arg8[%dma_start3A_45, %dma_start3A_51] : memref<8x80xi32, #tpu.memory_space<vmem>> -> memref<1x80xi32, #tpu.memory_space<vmem>>
      %dma_start3A_53 = tpu.memref_squeeze %dma_start3A_52 : memref<1x80xi32, #tpu.memory_space<vmem>> -> memref<80xi32, #tpu.memory_space<vmem>>
      %dma_start3A_54 = arith.constant 0 : i32
      %dma_start3A_55 = arith.constant 0 : i32
      %dma_start3A_56 = tpu.memref_slice %arg5[%dma_start3A_54, %dma_start3A_55] : memref<1000000x64xf32, #tpu.memory_space<hbm>> -> memref<1000000x64xf32, #tpu.memory_space<hbm>>
      tpu.enqueue_indirect_dma source(%dma_start3A_56 : memref<1000000x64xf32, #tpu.memory_space<hbm>>) target(%dma_start3A_50 : memref<80x64xf32, #tpu.memory_space<vmem>>) offsets(%dma_start3A_53 : memref<80xi32, #tpu.memory_space<vmem>>) semaphore(%arg14 : memref<!tpu.dma_semaphore, #tpu.memory_space<semaphore_mem>>)
      %dma_start3A_57 = arith.constant 2 : i32
      %dma_start3A_58 = arith.constant 2 : i32
      %dma_start3A_59 = arith.constant 0 : i32
      %dma_start3A_60 = arith.constant 0 : i32
      %dma_start3A_61 = tpu.memref_slice %arg10[%dma_start3A_58, %dma_start3A_59, %dma_start3A_60] : memref<8x80x64xf32, #tpu.memory_space<vmem>> -> memref<1x80x64xf32, #tpu.memory_space<vmem>>
      %dma_start3A_62 = tpu.memref_squeeze %dma_start3A_61 : memref<1x80x64xf32, #tpu.memory_space<vmem>> -> memref<80x64xf32, #tpu.memory_space<vmem>>
      %dma_start3A_63 = arith.constant 0 : i32
      %dma_start3A_64 = tpu.memref_slice %arg8[%dma_start3A_57, %dma_start3A_63] : memref<8x80xi32, #tpu.memory_space<vmem>> -> memref<1x80xi32, #tpu.memory_space<vmem>>
      %dma_start3A_65 = tpu.memref_squeeze %dma_start3A_64 : memref<1x80xi32, #tpu.memory_space<vmem>> -> memref<80xi32, #tpu.memory_space<vmem>>
      %dma_start3A_66 = arith.constant 0 : i32
      %dma_start3A_67 = arith.constant 0 : i32
      %dma_start3A_68 = tpu.memref_slice %arg5[%dma_start3A_66, %dma_start3A_67] : memref<1000000x64xf32, #tpu.memory_space<hbm>> -> memref<1000000x64xf32, #tpu.memory_space<hbm>>
      tpu.enqueue_indirect_dma source(%dma_start3A_68 : memref<1000000x64xf32, #tpu.memory_space<hbm>>) target(%dma_start3A_62 : memref<80x64xf32, #tpu.memory_space<vmem>>) offsets(%dma_start3A_65 : memref<80xi32, #tpu.memory_space<vmem>>) semaphore(%arg14 : memref<!tpu.dma_semaphore, #tpu.memory_space<semaphore_mem>>)
      %dma_start3A_69 = arith.constant 3 : i32
      %dma_start3A_70 = arith.constant 3 : i32
      %dma_start3A_71 = arith.constant 0 : i32
      %dma_start3A_72 = arith.constant 0 : i32
      %dma_start3A_73 = tpu.memref_slice %arg10[%dma_start3A_70, %dma_start3A_71, %dma_start3A_72] : memref<8x80x64xf32, #tpu.memory_space<vmem>> -> memref<1x80x64xf32, #tpu.memory_space<vmem>>
      %dma_start3A_74 = tpu.memref_squeeze %dma_start3A_73 : memref<1x80x64xf32, #tpu.memory_space<vmem>> -> memref<80x64xf32, #tpu.memory_space<vmem>>
      %dma_start3A_75 = arith.constant 0 : i32
      %dma_start3A_76 = tpu.memref_slice %arg8[%dma_start3A_69, %dma_start3A_75] : memref<8x80xi32, #tpu.memory_space<vmem>> -> memref<1x80xi32, #tpu.memory_space<vmem>>
      %dma_start3A_77 = tpu.memref_squeeze %dma_start3A_76 : memref<1x80xi32, #tpu.memory_space<vmem>> -> memref<80xi32, #tpu.memory_space<vmem>>
      %dma_start3A_78 = arith.constant 0 : i32
      %dma_start3A_79 = arith.constant 0 : i32
      %dma_start3A_80 = tpu.memref_slice %arg5[%dma_start3A_78, %dma_start3A_79] : memref<1000000x64xf32, #tpu.memory_space<hbm>> -> memref<1000000x64xf32, #tpu.memory_space<hbm>>
      tpu.enqueue_indirect_dma source(%dma_start3A_80 : memref<1000000x64xf32, #tpu.memory_space<hbm>>) target(%dma_start3A_74 : memref<80x64xf32, #tpu.memory_space<vmem>>) offsets(%dma_start3A_77 : memref<80xi32, #tpu.memory_space<vmem>>) semaphore(%arg14 : memref<!tpu.dma_semaphore, #tpu.memory_space<semaphore_mem>>)
      %dma_start3A_81 = arith.constant 4 : i32
      %dma_start3A_82 = arith.constant 4 : i32
      %dma_start3A_83 = arith.constant 0 : i32
      %dma_start3A_84 = arith.constant 0 : i32
      %dma_start3A_85 = tpu.memref_slice %arg10[%dma_start3A_82, %dma_start3A_83, %dma_start3A_84] : memref<8x80x64xf32, #tpu.memory_space<vmem>> -> memref<1x80x64xf32, #tpu.memory_space<vmem>>
      %dma_start3A_86 = tpu.memref_squeeze %dma_start3A_85 : memref<1x80x64xf32, #tpu.memory_space<vmem>> -> memref<80x64xf32, #tpu.memory_space<vmem>>
      %dma_start3A_87 = arith.constant 0 : i32
      %dma_start3A_88 = tpu.memref_slice %arg8[%dma_start3A_81, %dma_start3A_87] : memref<8x80xi32, #tpu.memory_space<vmem>> -> memref<1x80xi32, #tpu.memory_space<vmem>>
      %dma_start3A_89 = tpu.memref_squeeze %dma_start3A_88 : memref<1x80xi32, #tpu.memory_space<vmem>> -> memref<80xi32, #tpu.memory_space<vmem>>
      %dma_start3A_90 = arith.constant 0 : i32
      %dma_start3A_91 = arith.constant 0 : i32
      %dma_start3A_92 = tpu.memref_slice %arg5[%dma_start3A_90, %dma_start3A_91] : memref<1000000x64xf32, #tpu.memory_space<hbm>> -> memref<1000000x64xf32, #tpu.memory_space<hbm>>
      tpu.enqueue_indirect_dma source(%dma_start3A_92 : memref<1000000x64xf32, #tpu.memory_space<hbm>>) target(%dma_start3A_86 : memref<80x64xf32, #tpu.memory_space<vmem>>) offsets(%dma_start3A_89 : memref<80xi32, #tpu.memory_space<vmem>>) semaphore(%arg14 : memref<!tpu.dma_semaphore, #tpu.memory_space<semaphore_mem>>)
      %dma_start3A_93 = arith.constant 5 : i32
      %dma_start3A_94 = arith.constant 5 : i32
      %dma_start3A_95 = arith.constant 0 : i32
      %dma_start3A_96 = arith.constant 0 : i32
      %dma_start3A_97 = tpu.memref_slice %arg10[%dma_start3A_94, %dma_start3A_95, %dma_start3A_96] : memref<8x80x64xf32, #tpu.memory_space<vmem>> -> memref<1x80x64xf32, #tpu.memory_space<vmem>>
      %dma_start3A_98 = tpu.memref_squeeze %dma_start3A_97 : memref<1x80x64xf32, #tpu.memory_space<vmem>> -> memref<80x64xf32, #tpu.memory_space<vmem>>
      %dma_start3A_99 = arith.constant 0 : i32
      %dma_start3A_100 = tpu.memref_slice %arg8[%dma_start3A_93, %dma_start3A_99] : memref<8x80xi32, #tpu.memory_space<vmem>> -> memref<1x80xi32, #tpu.memory_space<vmem>>
      %dma_start3A_101 = tpu.memref_squeeze %dma_start3A_100 : memref<1x80xi32, #tpu.memory_space<vmem>> -> memref<80xi32, #tpu.memory_space<vmem>>
      %dma_start3A_102 = arith.constant 0 : i32
      %dma_start3A_103 = arith.constant 0 : i32
      %dma_start3A_104 = tpu.memref_slice %arg5[%dma_start3A_102, %dma_start3A_103] : memref<1000000x64xf32, #tpu.memory_space<hbm>> -> memref<1000000x64xf32, #tpu.memory_space<hbm>>
      tpu.enqueue_indirect_dma source(%dma_start3A_104 : memref<1000000x64xf32, #tpu.memory_space<hbm>>) target(%dma_start3A_98 : memref<80x64xf32, #tpu.memory_space<vmem>>) offsets(%dma_start3A_101 : memref<80xi32, #tpu.memory_space<vmem>>) semaphore(%arg14 : memref<!tpu.dma_semaphore, #tpu.memory_space<semaphore_mem>>)
      %dma_start3A_105 = arith.constant 6 : i32
      %dma_start3A_106 = arith.constant 6 : i32
      %dma_start3A_107 = arith.constant 0 : i32
      %dma_start3A_108 = arith.constant 0 : i32
      %dma_start3A_109 = tpu.memref_slice %arg10[%dma_start3A_106, %dma_start3A_107, %dma_start3A_108] : memref<8x80x64xf32, #tpu.memory_space<vmem>> -> memref<1x80x64xf32, #tpu.memory_space<vmem>>
      %dma_start3A_110 = tpu.memref_squeeze %dma_start3A_109 : memref<1x80x64xf32, #tpu.memory_space<vmem>> -> memref<80x64xf32, #tpu.memory_space<vmem>>
      %dma_start3A_111 = arith.constant 0 : i32
      %dma_start3A_112 = tpu.memref_slice %arg8[%dma_start3A_105, %dma_start3A_111] : memref<8x80xi32, #tpu.memory_space<vmem>> -> memref<1x80xi32, #tpu.memory_space<vmem>>
      %dma_start3A_113 = tpu.memref_squeeze %dma_start3A_112 : memref<1x80xi32, #tpu.memory_space<vmem>> -> memref<80xi32, #tpu.memory_space<vmem>>
      %dma_start3A_114 = arith.constant 0 : i32
      %dma_start3A_115 = arith.constant 0 : i32
      %dma_start3A_116 = tpu.memref_slice %arg5[%dma_start3A_114, %dma_start3A_115] : memref<1000000x64xf32, #tpu.memory_space<hbm>> -> memref<1000000x64xf32, #tpu.memory_space<hbm>>
      tpu.enqueue_indirect_dma source(%dma_start3A_116 : memref<1000000x64xf32, #tpu.memory_space<hbm>>) target(%dma_start3A_110 : memref<80x64xf32, #tpu.memory_space<vmem>>) offsets(%dma_start3A_113 : memref<80xi32, #tpu.memory_space<vmem>>) semaphore(%arg14 : memref<!tpu.dma_semaphore, #tpu.memory_space<semaphore_mem>>)
      %dma_start3A_117 = arith.constant 7 : i32
      %dma_start3A_118 = arith.constant 7 : i32
      %dma_start3A_119 = arith.constant 0 : i32
      %dma_start3A_120 = arith.constant 0 : i32
      %dma_start3A_121 = tpu.memref_slice %arg10[%dma_start3A_118, %dma_start3A_119, %dma_start3A_120] : memref<8x80x64xf32, #tpu.memory_space<vmem>> -> memref<1x80x64xf32, #tpu.memory_space<vmem>>
      %dma_start3A_122 = tpu.memref_squeeze %dma_start3A_121 : memref<1x80x64xf32, #tpu.memory_space<vmem>> -> memref<80x64xf32, #tpu.memory_space<vmem>>
      %dma_start3A_123 = arith.constant 0 : i32
      %dma_start3A_124 = tpu.memref_slice %arg8[%dma_start3A_117, %dma_start3A_123] : memref<8x80xi32, #tpu.memory_space<vmem>> -> memref<1x80xi32, #tpu.memory_space<vmem>>
      %dma_start3A_125 = tpu.memref_squeeze %dma_start3A_124 : memref<1x80xi32, #tpu.memory_space<vmem>> -> memref<80xi32, #tpu.memory_space<vmem>>
      %dma_start3A_126 = arith.constant 0 : i32
      %dma_start3A_127 = arith.constant 0 : i32
      %dma_start3A_128 = tpu.memref_slice %arg5[%dma_start3A_126, %dma_start3A_127] : memref<1000000x64xf32, #tpu.memory_space<hbm>> -> memref<1000000x64xf32, #tpu.memory_space<hbm>>
      tpu.enqueue_indirect_dma source(%dma_start3A_128 : memref<1000000x64xf32, #tpu.memory_space<hbm>>) target(%dma_start3A_122 : memref<80x64xf32, #tpu.memory_space<vmem>>) offsets(%dma_start3A_125 : memref<80xi32, #tpu.memory_space<vmem>>) semaphore(%arg14 : memref<!tpu.dma_semaphore, #tpu.memory_space<semaphore_mem>>)
      %dma_wait3A = arith.constant 0 : i32
      %dma_wait3A_129 = arith.constant 0 : i32
      %dma_wait3A_130 = tpu.memref_slice %arg4[%dma_wait3A, %dma_wait3A_129] : memref<1000000x64xf32, #tpu.memory_space<hbm>> -> memref<1000000x64xf32, #tpu.memory_space<hbm>>
      tpu.wait_indirect_dma semaphore(%arg13 : memref<!tpu.dma_semaphore, #tpu.memory_space<semaphore_mem>>) src(%dma_wait3A_130 : memref<1000000x64xf32, #tpu.memory_space<hbm>>) dst(%arg9 : memref<128x64xf32, #tpu.memory_space<vmem>>)
      %dma_wait3A_131 = arith.constant 0 : i32
      %dma_wait3A_132 = arith.constant 0 : i32
      %dma_wait3A_133 = arith.constant 0 : i32
      %dma_wait3A_134 = arith.constant 0 : i32
      %dma_wait3A_135 = tpu.memref_slice %arg10[%dma_wait3A_132, %dma_wait3A_133, %dma_wait3A_134] : memref<8x80x64xf32, #tpu.memory_space<vmem>> -> memref<1x80x64xf32, #tpu.memory_space<vmem>>
      %dma_wait3A_136 = tpu.memref_squeeze %dma_wait3A_135 : memref<1x80x64xf32, #tpu.memory_space<vmem>> -> memref<80x64xf32, #tpu.memory_space<vmem>>
      %dma_wait3A_137 = arith.constant 0 : i32
      %dma_wait3A_138 = tpu.memref_slice %arg8[%dma_wait3A_131, %dma_wait3A_137] : memref<8x80xi32, #tpu.memory_space<vmem>> -> memref<1x80xi32, #tpu.memory_space<vmem>>
      %dma_wait3A_139 = tpu.memref_squeeze %dma_wait3A_138 : memref<1x80xi32, #tpu.memory_space<vmem>> -> memref<80xi32, #tpu.memory_space<vmem>>
      %dma_wait3A_140 = arith.constant 0 : i32
      %dma_wait3A_141 = arith.constant 0 : i32
      %dma_wait3A_142 = tpu.memref_slice %arg5[%dma_wait3A_140, %dma_wait3A_141] : memref<1000000x64xf32, #tpu.memory_space<hbm>> -> memref<1000000x64xf32, #tpu.memory_space<hbm>>
      tpu.wait_indirect_dma semaphore(%arg14 : memref<!tpu.dma_semaphore, #tpu.memory_space<semaphore_mem>>) src(%dma_wait3A_142 : memref<1000000x64xf32, #tpu.memory_space<hbm>>) dst(%dma_wait3A_136 : memref<80x64xf32, #tpu.memory_space<vmem>>)
      %dma_wait3A_143 = arith.constant 1 : i32
      %dma_wait3A_144 = arith.constant 1 : i32
      %dma_wait3A_145 = arith.constant 0 : i32
      %dma_wait3A_146 = arith.constant 0 : i32
      %dma_wait3A_147 = tpu.memref_slice %arg10[%dma_wait3A_144, %dma_wait3A_145, %dma_wait3A_146] : memref<8x80x64xf32, #tpu.memory_space<vmem>> -> memref<1x80x64xf32, #tpu.memory_space<vmem>>
      %dma_wait3A_148 = tpu.memref_squeeze %dma_wait3A_147 : memref<1x80x64xf32, #tpu.memory_space<vmem>> -> memref<80x64xf32, #tpu.memory_space<vmem>>
      %dma_wait3A_149 = arith.constant 0 : i32
      %dma_wait3A_150 = tpu.memref_slice %arg8[%dma_wait3A_143, %dma_wait3A_149] : memref<8x80xi32, #tpu.memory_space<vmem>> -> memref<1x80xi32, #tpu.memory_space<vmem>>
      %dma_wait3A_151 = tpu.memref_squeeze %dma_wait3A_150 : memref<1x80xi32, #tpu.memory_space<vmem>> -> memref<80xi32, #tpu.memory_space<vmem>>
      %dma_wait3A_152 = arith.constant 0 : i32
      %dma_wait3A_153 = arith.constant 0 : i32
      %dma_wait3A_154 = tpu.memref_slice %arg5[%dma_wait3A_152, %dma_wait3A_153] : memref<1000000x64xf32, #tpu.memory_space<hbm>> -> memref<1000000x64xf32, #tpu.memory_space<hbm>>
      tpu.wait_indirect_dma semaphore(%arg14 : memref<!tpu.dma_semaphore, #tpu.memory_space<semaphore_mem>>) src(%dma_wait3A_154 : memref<1000000x64xf32, #tpu.memory_space<hbm>>) dst(%dma_wait3A_148 : memref<80x64xf32, #tpu.memory_space<vmem>>)
      %dma_wait3A_155 = arith.constant 2 : i32
      %dma_wait3A_156 = arith.constant 2 : i32
      %dma_wait3A_157 = arith.constant 0 : i32
      %dma_wait3A_158 = arith.constant 0 : i32
      %dma_wait3A_159 = tpu.memref_slice %arg10[%dma_wait3A_156, %dma_wait3A_157, %dma_wait3A_158] : memref<8x80x64xf32, #tpu.memory_space<vmem>> -> memref<1x80x64xf32, #tpu.memory_space<vmem>>
      %dma_wait3A_160 = tpu.memref_squeeze %dma_wait3A_159 : memref<1x80x64xf32, #tpu.memory_space<vmem>> -> memref<80x64xf32, #tpu.memory_space<vmem>>
      %dma_wait3A_161 = arith.constant 0 : i32
      %dma_wait3A_162 = tpu.memref_slice %arg8[%dma_wait3A_155, %dma_wait3A_161] : memref<8x80xi32, #tpu.memory_space<vmem>> -> memref<1x80xi32, #tpu.memory_space<vmem>>
      %dma_wait3A_163 = tpu.memref_squeeze %dma_wait3A_162 : memref<1x80xi32, #tpu.memory_space<vmem>> -> memref<80xi32, #tpu.memory_space<vmem>>
      %dma_wait3A_164 = arith.constant 0 : i32
      %dma_wait3A_165 = arith.constant 0 : i32
      %dma_wait3A_166 = tpu.memref_slice %arg5[%dma_wait3A_164, %dma_wait3A_165] : memref<1000000x64xf32, #tpu.memory_space<hbm>> -> memref<1000000x64xf32, #tpu.memory_space<hbm>>
      tpu.wait_indirect_dma semaphore(%arg14 : memref<!tpu.dma_semaphore, #tpu.memory_space<semaphore_mem>>) src(%dma_wait3A_166 : memref<1000000x64xf32, #tpu.memory_space<hbm>>) dst(%dma_wait3A_160 : memref<80x64xf32, #tpu.memory_space<vmem>>)
      %dma_wait3A_167 = arith.constant 3 : i32
      %dma_wait3A_168 = arith.constant 3 : i32
      %dma_wait3A_169 = arith.constant 0 : i32
      %dma_wait3A_170 = arith.constant 0 : i32
      %dma_wait3A_171 = tpu.memref_slice %arg10[%dma_wait3A_168, %dma_wait3A_169, %dma_wait3A_170] : memref<8x80x64xf32, #tpu.memory_space<vmem>> -> memref<1x80x64xf32, #tpu.memory_space<vmem>>
      %dma_wait3A_172 = tpu.memref_squeeze %dma_wait3A_171 : memref<1x80x64xf32, #tpu.memory_space<vmem>> -> memref<80x64xf32, #tpu.memory_space<vmem>>
      %dma_wait3A_173 = arith.constant 0 : i32
      %dma_wait3A_174 = tpu.memref_slice %arg8[%dma_wait3A_167, %dma_wait3A_173] : memref<8x80xi32, #tpu.memory_space<vmem>> -> memref<1x80xi32, #tpu.memory_space<vmem>>
      %dma_wait3A_175 = tpu.memref_squeeze %dma_wait3A_174 : memref<1x80xi32, #tpu.memory_space<vmem>> -> memref<80xi32, #tpu.memory_space<vmem>>
      %dma_wait3A_176 = arith.constant 0 : i32
      %dma_wait3A_177 = arith.constant 0 : i32
      %dma_wait3A_178 = tpu.memref_slice %arg5[%dma_wait3A_176, %dma_wait3A_177] : memref<1000000x64xf32, #tpu.memory_space<hbm>> -> memref<1000000x64xf32, #tpu.memory_space<hbm>>
      tpu.wait_indirect_dma semaphore(%arg14 : memref<!tpu.dma_semaphore, #tpu.memory_space<semaphore_mem>>) src(%dma_wait3A_178 : memref<1000000x64xf32, #tpu.memory_space<hbm>>) dst(%dma_wait3A_172 : memref<80x64xf32, #tpu.memory_space<vmem>>)
      %dma_wait3A_179 = arith.constant 4 : i32
      %dma_wait3A_180 = arith.constant 4 : i32
      %dma_wait3A_181 = arith.constant 0 : i32
      %dma_wait3A_182 = arith.constant 0 : i32
      %dma_wait3A_183 = tpu.memref_slice %arg10[%dma_wait3A_180, %dma_wait3A_181, %dma_wait3A_182] : memref<8x80x64xf32, #tpu.memory_space<vmem>> -> memref<1x80x64xf32, #tpu.memory_space<vmem>>
      %dma_wait3A_184 = tpu.memref_squeeze %dma_wait3A_183 : memref<1x80x64xf32, #tpu.memory_space<vmem>> -> memref<80x64xf32, #tpu.memory_space<vmem>>
      %dma_wait3A_185 = arith.constant 0 : i32
      %dma_wait3A_186 = tpu.memref_slice %arg8[%dma_wait3A_179, %dma_wait3A_185] : memref<8x80xi32, #tpu.memory_space<vmem>> -> memref<1x80xi32, #tpu.memory_space<vmem>>
      %dma_wait3A_187 = tpu.memref_squeeze %dma_wait3A_186 : memref<1x80xi32, #tpu.memory_space<vmem>> -> memref<80xi32, #tpu.memory_space<vmem>>
      %dma_wait3A_188 = arith.constant 0 : i32
      %dma_wait3A_189 = arith.constant 0 : i32
      %dma_wait3A_190 = tpu.memref_slice %arg5[%dma_wait3A_188, %dma_wait3A_189] : memref<1000000x64xf32, #tpu.memory_space<hbm>> -> memref<1000000x64xf32, #tpu.memory_space<hbm>>
      tpu.wait_indirect_dma semaphore(%arg14 : memref<!tpu.dma_semaphore, #tpu.memory_space<semaphore_mem>>) src(%dma_wait3A_190 : memref<1000000x64xf32, #tpu.memory_space<hbm>>) dst(%dma_wait3A_184 : memref<80x64xf32, #tpu.memory_space<vmem>>)
      %dma_wait3A_191 = arith.constant 5 : i32
      %dma_wait3A_192 = arith.constant 5 : i32
      %dma_wait3A_193 = arith.constant 0 : i32
      %dma_wait3A_194 = arith.constant 0 : i32
      %dma_wait3A_195 = tpu.memref_slice %arg10[%dma_wait3A_192, %dma_wait3A_193, %dma_wait3A_194] : memref<8x80x64xf32, #tpu.memory_space<vmem>> -> memref<1x80x64xf32, #tpu.memory_space<vmem>>
      %dma_wait3A_196 = tpu.memref_squeeze %dma_wait3A_195 : memref<1x80x64xf32, #tpu.memory_space<vmem>> -> memref<80x64xf32, #tpu.memory_space<vmem>>
      %dma_wait3A_197 = arith.constant 0 : i32
      %dma_wait3A_198 = tpu.memref_slice %arg8[%dma_wait3A_191, %dma_wait3A_197] : memref<8x80xi32, #tpu.memory_space<vmem>> -> memref<1x80xi32, #tpu.memory_space<vmem>>
      %dma_wait3A_199 = tpu.memref_squeeze %dma_wait3A_198 : memref<1x80xi32, #tpu.memory_space<vmem>> -> memref<80xi32, #tpu.memory_space<vmem>>
      %dma_wait3A_200 = arith.constant 0 : i32
      %dma_wait3A_201 = arith.constant 0 : i32
      %dma_wait3A_202 = tpu.memref_slice %arg5[%dma_wait3A_200, %dma_wait3A_201] : memref<1000000x64xf32, #tpu.memory_space<hbm>> -> memref<1000000x64xf32, #tpu.memory_space<hbm>>
      tpu.wait_indirect_dma semaphore(%arg14 : memref<!tpu.dma_semaphore, #tpu.memory_space<semaphore_mem>>) src(%dma_wait3A_202 : memref<1000000x64xf32, #tpu.memory_space<hbm>>) dst(%dma_wait3A_196 : memref<80x64xf32, #tpu.memory_space<vmem>>)
      %dma_wait3A_203 = arith.constant 6 : i32
      %dma_wait3A_204 = arith.constant 6 : i32
      %dma_wait3A_205 = arith.constant 0 : i32
      %dma_wait3A_206 = arith.constant 0 : i32
      %dma_wait3A_207 = tpu.memref_slice %arg10[%dma_wait3A_204, %dma_wait3A_205, %dma_wait3A_206] : memref<8x80x64xf32, #tpu.memory_space<vmem>> -> memref<1x80x64xf32, #tpu.memory_space<vmem>>
      %dma_wait3A_208 = tpu.memref_squeeze %dma_wait3A_207 : memref<1x80x64xf32, #tpu.memory_space<vmem>> -> memref<80x64xf32, #tpu.memory_space<vmem>>
      %dma_wait3A_209 = arith.constant 0 : i32
      %dma_wait3A_210 = tpu.memref_slice %arg8[%dma_wait3A_203, %dma_wait3A_209] : memref<8x80xi32, #tpu.memory_space<vmem>> -> memref<1x80xi32, #tpu.memory_space<vmem>>
      %dma_wait3A_211 = tpu.memref_squeeze %dma_wait3A_210 : memref<1x80xi32, #tpu.memory_space<vmem>> -> memref<80xi32, #tpu.memory_space<vmem>>
      %dma_wait3A_212 = arith.constant 0 : i32
      %dma_wait3A_213 = arith.constant 0 : i32
      %dma_wait3A_214 = tpu.memref_slice %arg5[%dma_wait3A_212, %dma_wait3A_213] : memref<1000000x64xf32, #tpu.memory_space<hbm>> -> memref<1000000x64xf32, #tpu.memory_space<hbm>>
      tpu.wait_indirect_dma semaphore(%arg14 : memref<!tpu.dma_semaphore, #tpu.memory_space<semaphore_mem>>) src(%dma_wait3A_214 : memref<1000000x64xf32, #tpu.memory_space<hbm>>) dst(%dma_wait3A_208 : memref<80x64xf32, #tpu.memory_space<vmem>>)
      %dma_wait3A_215 = arith.constant 7 : i32
      %dma_wait3A_216 = arith.constant 7 : i32
      %dma_wait3A_217 = arith.constant 0 : i32
      %dma_wait3A_218 = arith.constant 0 : i32
      %dma_wait3A_219 = tpu.memref_slice %arg10[%dma_wait3A_216, %dma_wait3A_217, %dma_wait3A_218] : memref<8x80x64xf32, #tpu.memory_space<vmem>> -> memref<1x80x64xf32, #tpu.memory_space<vmem>>
      %dma_wait3A_220 = tpu.memref_squeeze %dma_wait3A_219 : memref<1x80x64xf32, #tpu.memory_space<vmem>> -> memref<80x64xf32, #tpu.memory_space<vmem>>
      %dma_wait3A_221 = arith.constant 0 : i32
      %dma_wait3A_222 = tpu.memref_slice %arg8[%dma_wait3A_215, %dma_wait3A_221] : memref<8x80xi32, #tpu.memory_space<vmem>> -> memref<1x80xi32, #tpu.memory_space<vmem>>
      %dma_wait3A_223 = tpu.memref_squeeze %dma_wait3A_222 : memref<1x80xi32, #tpu.memory_space<vmem>> -> memref<80xi32, #tpu.memory_space<vmem>>
      %dma_wait3A_224 = arith.constant 0 : i32
      %dma_wait3A_225 = arith.constant 0 : i32
      %dma_wait3A_226 = tpu.memref_slice %arg5[%dma_wait3A_224, %dma_wait3A_225] : memref<1000000x64xf32, #tpu.memory_space<hbm>> -> memref<1000000x64xf32, #tpu.memory_space<hbm>>
      tpu.wait_indirect_dma semaphore(%arg14 : memref<!tpu.dma_semaphore, #tpu.memory_space<semaphore_mem>>) src(%dma_wait3A_226 : memref<1000000x64xf32, #tpu.memory_space<hbm>>) dst(%dma_wait3A_220 : memref<80x64xf32, #tpu.memory_space<vmem>>)
      %scan3A_227 = arith.constant 0 : i32
      %scan3A_228 = arith.constant 0 : i32
      %scan3A_229 = arith.constant 8 : i32
      %scan3A_230 = arith.addi %scan3A_228, %scan3A_229 : i32
      %scan3A_231 = arith.constant 1 : i32
      scf.for %scan3A_235 = %scan3A_228 to %scan3A_230 step %scan3A_231  : i32 {
        %mul3A_236 = arith.constant 16 : i32
        %mul3A_237 = arith.muli %scan3A_235, %mul3A_236 : i32
        %add3A_238 = arith.constant 0 : i32
        %add3A_239 = arith.addi %mul3A_237, %add3A_238 : i32
        %get3A = arith.index_cast %add3A_239 : i32 to index
        %get3A_240 = arith.constant 0 : index
        %get3A_241 = tpu.vector_load %arg9[%get3A, %get3A_240] {strides = array<i32>} : memref<128x64xf32, #tpu.memory_space<vmem>>, vector<16xf32>,
        %get3A_242 = arith.index_cast %add3A_239 : i32 to index
        %get3A_243 = arith.constant 16 : index
        %get3A_244 = tpu.vector_load %arg9[%get3A_242, %get3A_243] {strides = array<i32>} : memref<128x64xf32, #tpu.memory_space<vmem>>, vector<16xf32>,
        %get3A_245 = arith.index_cast %add3A_239 : i32 to index
        %get3A_246 = arith.constant 32 : index
        %get3A_247 = tpu.vector_load %arg9[%get3A_245, %get3A_246] {strides = array<i32>} : memref<128x64xf32, #tpu.memory_space<vmem>>, vector<16xf32>,
        %get3A_248 = arith.index_cast %add3A_239 : i32 to index
        %get3A_249 = arith.constant 48 : index
        %get3A_250 = tpu.vector_load %arg9[%get3A_248, %get3A_249] {strides = array<i32>} : memref<128x64xf32, #tpu.memory_space<vmem>>, vector<16xf32>,
        %get3A_251 = arith.constant 0 : i32
        %get3A_252 = arith.index_cast %scan3A_235 : i32 to index
        %get3A_253 = arith.index_cast %get3A_251 : i32 to index
        %get3A_254 = arith.constant 0 : index
        %get3A_255 = tpu.vector_load %arg10[%get3A_252, %get3A_253, %get3A_254] {strides = array<i32>} : memref<8x80x64xf32, #tpu.memory_space<vmem>>, vector<16xf32>,
        %mul3A_256 = arith.mulf %get3A_241, %get3A_255 : vector<16xf32>
        %get3A_257 = arith.constant 0 : i32
        %get3A_258 = arith.index_cast %scan3A_235 : i32 to index
        %get3A_259 = arith.index_cast %get3A_257 : i32 to index
        %get3A_260 = arith.constant 16 : index
        %get3A_261 = tpu.vector_load %arg10[%get3A_258, %get3A_259, %get3A_260] {strides = array<i32>} : memref<8x80x64xf32, #tpu.memory_space<vmem>>, vector<16xf32>,
        %mul3A_262 = arith.mulf %get3A_244, %get3A_261 : vector<16xf32>
        %add3A_263 = arith.addf %mul3A_256, %mul3A_262 : vector<16xf32>
        %get3A_264 = arith.constant 0 : i32
        %get3A_265 = arith.index_cast %scan3A_235 : i32 to index
        %get3A_266 = arith.index_cast %get3A_264 : i32 to index
        %get3A_267 = arith.constant 32 : index
        %get3A_268 = tpu.vector_load %arg10[%get3A_265, %get3A_266, %get3A_267] {strides = array<i32>} : memref<8x80x64xf32, #tpu.memory_space<vmem>>, vector<16xf32>,
        %mul3A_269 = arith.mulf %get3A_247, %get3A_268 : vector<16xf32>
        %add3A_270 = arith.addf %add3A_263, %mul3A_269 : vector<16xf32>
        %get3A_271 = arith.constant 0 : i32
        %get3A_272 = arith.index_cast %scan3A_235 : i32 to index
        %get3A_273 = arith.index_cast %get3A_271 : i32 to index
        %get3A_274 = arith.constant 48 : index
        %get3A_275 = tpu.vector_load %arg10[%get3A_272, %get3A_273, %get3A_274] {strides = array<i32>} : memref<8x80x64xf32, #tpu.memory_space<vmem>>, vector<16xf32>,
        %mul3A_276 = arith.mulf %get3A_250, %get3A_275 : vector<16xf32>
        %add3A_277 = arith.addf %add3A_270, %mul3A_276 : vector<16xf32>
        %swap3A = arith.constant 0 : index
        %swap3A_278 = tpu.vector_load %arg11[%swap3A] {strides = array<i32>} : memref<1280xf32, #tpu.memory_space<vmem>>, vector<16xf32>,
        tpu.vector_store %arg11[%swap3A], %add3A_277 {strides = array<i32>} : memref<1280xf32, #tpu.memory_space<vmem>>, vector<16xf32>,
        %get3A_279 = arith.constant 1 : i32
        %get3A_280 = arith.index_cast %scan3A_235 : i32 to index
        %get3A_281 = arith.index_cast %get3A_279 : i32 to index
        %get3A_282 = arith.constant 0 : index
        %get3A_283 = tpu.vector_load %arg10[%get3A_280, %get3A_281, %get3A_282] {strides = array<i32>} : memref<8x80x64xf32, #tpu.memory_space<vmem>>, vector<16xf32>,
        %mul3A_284 = arith.mulf %get3A_241, %get3A_283 : vector<16xf32>
        %get3A_285 = arith.constant 1 : i32
        %get3A_286 = arith.index_cast %scan3A_235 : i32 to index
        %get3A_287 = arith.index_cast %get3A_285 : i32 to index
        %get3A_288 = arith.constant 16 : index
        %get3A_289 = tpu.vector_load %arg10[%get3A_286, %get3A_287, %get3A_288] {strides = array<i32>} : memref<8x80x64xf32, #tpu.memory_space<vmem>>, vector<16xf32>,
        %mul3A_290 = arith.mulf %get3A_244, %get3A_289 : vector<16xf32>
        %add3A_291 = arith.addf %mul3A_284, %mul3A_290 : vector<16xf32>
        %get3A_292 = arith.constant 1 : i32
        %get3A_293 = arith.index_cast %scan3A_235 : i32 to index
        %get3A_294 = arith.index_cast %get3A_292 : i32 to index
        %get3A_295 = arith.constant 32 : index
        %get3A_296 = tpu.vector_load %arg10[%get3A_293, %get3A_294, %get3A_295] {strides = array<i32>} : memref<8x80x64xf32, #tpu.memory_space<vmem>>, vector<16xf32>,
        %mul3A_297 = arith.mulf %get3A_247, %get3A_296 : vector<16xf32>
        %add3A_298 = arith.addf %add3A_291, %mul3A_297 : vector<16xf32>
        %get3A_299 = arith.constant 1 : i32
        %get3A_300 = arith.index_cast %scan3A_235 : i32 to index
        %get3A_301 = arith.index_cast %get3A_299 : i32 to index
        %get3A_302 = arith.constant 48 : index
        %get3A_303 = tpu.vector_load %arg10[%get3A_300, %get3A_301, %get3A_302] {strides = array<i32>} : memref<8x80x64xf32, #tpu.memory_space<vmem>>, vector<16xf32>,
        %mul3A_304 = arith.mulf %get3A_250, %get3A_303 : vector<16xf32>
        %add3A_305 = arith.addf %add3A_298, %mul3A_304 : vector<16xf32>
        %swap3A_306 = arith.constant 16 : index
        %swap3A_307 = tpu.vector_load %arg11[%swap3A_306] {strides = array<i32>} : memref<1280xf32, #tpu.memory_space<vmem>>, vector<16xf32>,
        tpu.vector_store %arg11[%swap3A_306], %add3A_305 {strides = array<i32>} : memref<1280xf32, #tpu.memory_space<vmem>>, vector<16xf32>,
        %get3A_308 = arith.constant 2 : i32
        %get3A_309 = arith.index_cast %scan3A_235 : i32 to index
        %get3A_310 = arith.index_cast %get3A_308 : i32 to index
        %get3A_311 = arith.constant 0 : index
        %get3A_312 = tpu.vector_load %arg10[%get3A_309, %get3A_310, %get3A_311] {strides = array<i32>} : memref<8x80x64xf32, #tpu.memory_space<vmem>>, vector<16xf32>,
        %mul3A_313 = arith.mulf %get3A_241, %get3A_312 : vector<16xf32>
        %get3A_314 = arith.constant 2 : i32
        %get3A_315 = arith.index_cast %scan3A_235 : i32 to index
        %get3A_316 = arith.index_cast %get3A_314 : i32 to index
        %get3A_317 = arith.constant 16 : index
        %get3A_318 = tpu.vector_load %arg10[%get3A_315, %get3A_316, %get3A_317] {strides = array<i32>} : memref<8x80x64xf32, #tpu.memory_space<vmem>>, vector<16xf32>,
        %mul3A_319 = arith.mulf %get3A_244, %get3A_318 : vector<16xf32>
        %add3A_320 = arith.addf %mul3A_313, %mul3A_319 : vector<16xf32>
        %get3A_321 = arith.constant 2 : i32
        %get3A_322 = arith.index_cast %scan3A_235 : i32 to index
        %get3A_323 = arith.index_cast %get3A_321 : i32 to index
        %get3A_324 = arith.constant 32 : index
        %get3A_325 = tpu.vector_load %arg10[%get3A_322, %get3A_323, %get3A_324] {strides = array<i32>} : memref<8x80x64xf32, #tpu.memory_space<vmem>>, vector<16xf32>,
        %mul3A_326 = arith.mulf %get3A_247, %get3A_325 : vector<16xf32>
        %add3A_327 = arith.addf %add3A_320, %mul3A_326 : vector<16xf32>
        %get3A_328 = arith.constant 2 : i32
        %get3A_329 = arith.index_cast %scan3A_235 : i32 to index
        %get3A_330 = arith.index_cast %get3A_328 : i32 to index
        %get3A_331 = arith.constant 48 : index
        %get3A_332 = tpu.vector_load %arg10[%get3A_329, %get3A_330, %get3A_331] {strides = array<i32>} : memref<8x80x64xf32, #tpu.memory_space<vmem>>, vector<16xf32>,
        %mul3A_333 = arith.mulf %get3A_250, %get3A_332 : vector<16xf32>
        %add3A_334 = arith.addf %add3A_327, %mul3A_333 : vector<16xf32>
        %swap3A_335 = arith.constant 32 : index
        %swap3A_336 = tpu.vector_load %arg11[%swap3A_335] {strides = array<i32>} : memref<1280xf32, #tpu.memory_space<vmem>>, vector<16xf32>,
        tpu.vector_store %arg11[%swap3A_335], %add3A_334 {strides = array<i32>} : memref<1280xf32, #tpu.memory_space<vmem>>, vector<16xf32>,
        %get3A_337 = arith.constant 3 : i32
        %get3A_338 = arith.index_cast %scan3A_235 : i32 to index
        %get3A_339 = arith.index_cast %get3A_337 : i32 to index
        %get3A_340 = arith.constant 0 : index
        %get3A_341 = tpu.vector_load %arg10[%get3A_338, %get3A_339, %get3A_340] {strides = array<i32>} : memref<8x80x64xf32, #tpu.memory_space<vmem>>, vector<16xf32>,
        %mul3A_342 = arith.mulf %get3A_241, %get3A_341 : vector<16xf32>
        %get3A_343 = arith.constant 3 : i32
        %get3A_344 = arith.index_cast %scan3A_235 : i32 to index
        %get3A_345 = arith.index_cast %get3A_343 : i32 to index
        %get3A_346 = arith.constant 16 : index
        %get3A_347 = tpu.vector_load %arg10[%get3A_344, %get3A_345, %get3A_346] {strides = array<i32>} : memref<8x80x64xf32, #tpu.memory_space<vmem>>, vector<16xf32>,
        %mul3A_348 = arith.mulf %get3A_244, %get3A_347 : vector<16xf32>
        %add3A_349 = arith.addf %mul3A_342, %mul3A_348 : vector<16xf32>
        %get3A_350 = arith.constant 3 : i32
        %get3A_351 = arith.index_cast %scan3A_235 : i32 to index
        %get3A_352 = arith.index_cast %get3A_350 : i32 to index
        %get3A_353 = arith.constant 32 : index
        %get3A_354 = tpu.vector_load %arg10[%get3A_351, %get3A_352, %get3A_353] {strides = array<i32>} : memref<8x80x64xf32, #tpu.memory_space<vmem>>, vector<16xf32>,
        %mul3A_355 = arith.mulf %get3A_247, %get3A_354 : vector<16xf32>
        %add3A_356 = arith.addf %add3A_349, %mul3A_355 : vector<16xf32>
        %get3A_357 = arith.constant 3 : i32
        %get3A_358 = arith.index_cast %scan3A_235 : i32 to index
        %get3A_359 = arith.index_cast %get3A_357 : i32 to index
        %get3A_360 = arith.constant 48 : index
        %get3A_361 = tpu.vector_load %arg10[%get3A_358, %get3A_359, %get3A_360] {strides = array<i32>} : memref<8x80x64xf32, #tpu.memory_space<vmem>>, vector<16xf32>,
        %mul3A_362 = arith.mulf %get3A_250, %get3A_361 : vector<16xf32>
        %add3A_363 = arith.addf %add3A_356, %mul3A_362 : vector<16xf32>
        %swap3A_364 = arith.constant 48 : index
        %swap3A_365 = tpu.vector_load %arg11[%swap3A_364] {strides = array<i32>} : memref<1280xf32, #tpu.memory_space<vmem>>, vector<16xf32>,
        tpu.vector_store %arg11[%swap3A_364], %add3A_363 {strides = array<i32>} : memref<1280xf32, #tpu.memory_space<vmem>>, vector<16xf32>,
        %get3A_366 = arith.constant 4 : i32
        %get3A_367 = arith.index_cast %scan3A_235 : i32 to index
        %get3A_368 = arith.index_cast %get3A_366 : i32 to index
        %get3A_369 = arith.constant 0 : index
        %get3A_370 = tpu.vector_load %arg10[%get3A_367, %get3A_368, %get3A_369] {strides = array<i32>} : memref<8x80x64xf32, #tpu.memory_space<vmem>>, vector<16xf32>,
        %mul3A_371 = arith.mulf %get3A_241, %get3A_370 : vector<16xf32>
        %get3A_372 = arith.constant 4 : i32
        %get3A_373 = arith.index_cast %scan3A_235 : i32 to index
        %get3A_374 = arith.index_cast %get3A_372 : i32 to index
        %get3A_375 = arith.constant 16 : index
        %get3A_376 = tpu.vector_load %arg10[%get3A_373, %get3A_374, %get3A_375] {strides = array<i32>} : memref<8x80x64xf32, #tpu.memory_space<vmem>>, vector<16xf32>,
        %mul3A_377 = arith.mulf %get3A_244, %get3A_376 : vector<16xf32>
        %add3A_378 = arith.addf %mul3A_371, %mul3A_377 : vector<16xf32>
        %get3A_379 = arith.constant 4 : i32
        %get3A_380 = arith.index_cast %scan3A_235 : i32 to index
        %get3A_381 = arith.index_cast %get3A_379 : i32 to index
        %get3A_382 = arith.constant 32 : index
        %get3A_383 = tpu.vector_load %arg10[%get3A_380, %get3A_381, %get3A_382] {strides = array<i32>} : memref<8x80x64xf32, #tpu.memory_space<vmem>>, vector<16xf32>,
        %mul3A_384 = arith.mulf %get3A_247, %get3A_383 : vector<16xf32>
        %add3A_385 = arith.addf %add3A_378, %mul3A_384 : vector<16xf32>
        %get3A_386 = arith.constant 4 : i32
        %get3A_387 = arith.index_cast %scan3A_235 : i32 to index
        %get3A_388 = arith.index_cast %get3A_386 : i32 to index
        %get3A_389 = arith.constant 48 : index
        %get3A_390 = tpu.vector_load %arg10[%get3A_387, %get3A_388, %get3A_389] {strides = array<i32>} : memref<8x80x64xf32, #tpu.memory_space<vmem>>, vector<16xf32>,
        %mul3A_391 = arith.mulf %get3A_250, %get3A_390 : vector<16xf32>
        %add3A_392 = arith.addf %add3A_385, %mul3A_391 : vector<16xf32>
        %swap3A_393 = arith.constant 64 : index
        %swap3A_394 = tpu.vector_load %arg11[%swap3A_393] {strides = array<i32>} : memref<1280xf32, #tpu.memory_space<vmem>>, vector<16xf32>,
        tpu.vector_store %arg11[%swap3A_393], %add3A_392 {strides = array<i32>} : memref<1280xf32, #tpu.memory_space<vmem>>, vector<16xf32>,
        %mul3A_395 = arith.constant 16 : i32
        %mul3A_396 = arith.muli %scan3A_235, %mul3A_395 : i32
        %add3A_397 = arith.constant 1 : i32
        %add3A_398 = arith.addi %mul3A_396, %add3A_397 : i32
        %get3A_399 = arith.index_cast %add3A_398 : i32 to index
        %get3A_400 = arith.constant 0 : index
        %get3A_401 = tpu.vector_load %arg9[%get3A_399, %get3A_400] {strides = array<i32>} : memref<128x64xf32, #tpu.memory_space<vmem>>, vector<16xf32>,
        %get3A_402 = arith.index_cast %add3A_398 : i32 to index
        %get3A_403 = arith.constant 16 : index
        %get3A_404 = tpu.vector_load %arg9[%get3A_402, %get3A_403] {strides = array<i32>} : memref<128x64xf32, #tpu.memory_space<vmem>>, vector<16xf32>,
        %get3A_405 = arith.index_cast %add3A_398 : i32 to index
        %get3A_406 = arith.constant 32 : index
        %get3A_407 = tpu.vector_load %arg9[%get3A_405, %get3A_406] {strides = array<i32>} : memref<128x64xf32, #tpu.memory_space<vmem>>, vector<16xf32>,
        %get3A_408 = arith.index_cast %add3A_398 : i32 to index
        %get3A_409 = arith.constant 48 : index
        %get3A_410 = tpu.vector_load %arg9[%get3A_408, %get3A_409] {strides = array<i32>} : memref<128x64xf32, #tpu.memory_space<vmem>>, vector<16xf32>,
        %get3A_411 = arith.constant 5 : i32
        %get3A_412 = arith.index_cast %scan3A_235 : i32 to index
        %get3A_413 = arith.index_cast %get3A_411 : i32 to index
        %get3A_414 = arith.constant 0 : index
        %get3A_415 = tpu.vector_load %arg10[%get3A_412, %get3A_413, %get3A_414] {strides = array<i32>} : memref<8x80x64xf32, #tpu.memory_space<vmem>>, vector<16xf32>,
        %mul3A_416 = arith.mulf %get3A_401, %get3A_415 : vector<16xf32>
        %get3A_417 = arith.constant 5 : i32
        %get3A_418 = arith.index_cast %scan3A_235 : i32 to index
        %get3A_419 = arith.index_cast %get3A_417 : i32 to index
        %get3A_420 = arith.constant 16 : index
        %get3A_421 = tpu.vector_load %arg10[%get3A_418, %get3A_419, %get3A_420] {strides = array<i32>} : memref<8x80x64xf32, #tpu.memory_space<vmem>>, vector<16xf32>,
        %mul3A_422 = arith.mulf %get3A_404, %get3A_421 : vector<16xf32>
        %add3A_423 = arith.addf %mul3A_416, %mul3A_422 : vector<16xf32>
        %get3A_424 = arith.constant 5 : i32
        %get3A_425 = arith.index_cast %scan3A_235 : i32 to index
        %get3A_426 = arith.index_cast %get3A_424 : i32 to index
        %get3A_427 = arith.constant 32 : index
        %get3A_428 = tpu.vector_load %arg10[%get3A_425, %get3A_426, %get3A_427] {strides = array<i32>} : memref<8x80x64xf32, #tpu.memory_space<vmem>>, vector<16xf32>,
        %mul3A_429 = arith.mulf %get3A_407, %get3A_428 : vector<16xf32>
        %add3A_430 = arith.addf %add3A_423, %mul3A_429 : vector<16xf32>
        %get3A_431 = arith.constant 5 : i32
        %get3A_432 = arith.index_cast %scan3A_235 : i32 to index
        %get3A_433 = arith.index_cast %get3A_431 : i32 to index
        %get3A_434 = arith.constant 48 : index
        %get3A_435 = tpu.vector_load %arg10[%get3A_432, %get3A_433, %get3A_434] {strides = array<i32>} : memref<8x80x64xf32, #tpu.memory_space<vmem>>, vector<16xf32>,
        %mul3A_436 = arith.mulf %get3A_410, %get3A_435 : vector<16xf32>
        %add3A_437 = arith.addf %add3A_430, %mul3A_436 : vector<16xf32>
        %swap3A_438 = arith.constant 80 : index
        %swap3A_439 = tpu.vector_load %arg11[%swap3A_438] {strides = array<i32>} : memref<1280xf32, #tpu.memory_space<vmem>>, vector<16xf32>,
        tpu.vector_store %arg11[%swap3A_438], %add3A_437 {strides = array<i32>} : memref<1280xf32, #tpu.memory_space<vmem>>, vector<16xf32>,
        %get3A_440 = arith.constant 6 : i32
        %get3A_441 = arith.index_cast %scan3A_235 : i32 to index
        %get3A_442 = arith.index_cast %get3A_440 : i32 to index
        %get3A_443 = arith.constant 0 : index
        %get3A_444 = tpu.vector_load %arg10[%get3A_441, %get3A_442, %get3A_443] {strides = array<i32>} : memref<8x80x64xf32, #tpu.memory_space<vmem>>, vector<16xf32>,
        %mul3A_445 = arith.mulf %get3A_401, %get3A_444 : vector<16xf32>
        %get3A_446 = arith.constant 6 : i32
        %get3A_447 = arith.index_cast %scan3A_235 : i32 to index
        %get3A_448 = arith.index_cast %get3A_446 : i32 to index
        %get3A_449 = arith.constant 16 : index
        %get3A_450 = tpu.vector_load %arg10[%get3A_447, %get3A_448, %get3A_449] {strides = array<i32>} : memref<8x80x64xf32, #tpu.memory_space<vmem>>, vector<16xf32>,
        %mul3A_451 = arith.mulf %get3A_404, %get3A_450 : vector<16xf32>
        %add3A_452 = arith.addf %mul3A_445, %mul3A_451 : vector<16xf32>
        %get3A_453 = arith.constant 6 : i32
        %get3A_454 = arith.index_cast %scan3A_235 : i32 to index
        %get3A_455 = arith.index_cast %get3A_453 : i32 to index
        %get3A_456 = arith.constant 32 : index
        %get3A_457 = tpu.vector_load %arg10[%get3A_454, %get3A_455, %get3A_456] {strides = array<i32>} : memref<8x80x64xf32, #tpu.memory_space<vmem>>, vector<16xf32>,
        %mul3A_458 = arith.mulf %get3A_407, %get3A_457 : vector<16xf32>
        %add3A_459 = arith.addf %add3A_452, %mul3A_458 : vector<16xf32>
        %get3A_460 = arith.constant 6 : i32
        %get3A_461 = arith.index_cast %scan3A_235 : i32 to index
        %get3A_462 = arith.index_cast %get3A_460 : i32 to index
        %get3A_463 = arith.constant 48 : index
        %get3A_464 = tpu.vector_load %arg10[%get3A_461, %get3A_462, %get3A_463] {strides = array<i32>} : memref<8x80x64xf32, #tpu.memory_space<vmem>>, vector<16xf32>,
        %mul3A_465 = arith.mulf %get3A_410, %get3A_464 : vector<16xf32>
        %add3A_466 = arith.addf %add3A_459, %mul3A_465 : vector<16xf32>
        %swap3A_467 = arith.constant 96 : index
        %swap3A_468 = tpu.vector_load %arg11[%swap3A_467] {strides = array<i32>} : memref<1280xf32, #tpu.memory_space<vmem>>, vector<16xf32>,
        tpu.vector_store %arg11[%swap3A_467], %add3A_466 {strides = array<i32>} : memref<1280xf32, #tpu.memory_space<vmem>>, vector<16xf32>,
        %get3A_469 = arith.constant 7 : i32
        %get3A_470 = arith.index_cast %scan3A_235 : i32 to index
        %get3A_471 = arith.index_cast %get3A_469 : i32 to index
        %get3A_472 = arith.constant 0 : index
        %get3A_473 = tpu.vector_load %arg10[%get3A_470, %get3A_471, %get3A_472] {strides = array<i32>} : memref<8x80x64xf32, #tpu.memory_space<vmem>>, vector<16xf32>,
        %mul3A_474 = arith.mulf %get3A_401, %get3A_473 : vector<16xf32>
        %get3A_475 = arith.constant 7 : i32
        %get3A_476 = arith.index_cast %scan3A_235 : i32 to index
        %get3A_477 = arith.index_cast %get3A_475 : i32 to index
        %get3A_478 = arith.constant 16 : index
        %get3A_479 = tpu.vector_load %arg10[%get3A_476, %get3A_477, %get3A_478] {strides = array<i32>} : memref<8x80x64xf32, #tpu.memory_space<vmem>>, vector<16xf32>,
        %mul3A_480 = arith.mulf %get3A_404, %get3A_479 : vector<16xf32>
        %add3A_481 = arith.addf %mul3A_474, %mul3A_480 : vector<16xf32>
        %get3A_482 = arith.constant 7 : i32
        %get3A_483 = arith.index_cast %scan3A_235 : i32 to index
        %get3A_484 = arith.index_cast %get3A_482 : i32 to index
        %get3A_485 = arith.constant 32 : index
        %get3A_486 = tpu.vector_load %arg10[%get3A_483, %get3A_484, %get3A_485] {strides = array<i32>} : memref<8x80x64xf32, #tpu.memory_space<vmem>>, vector<16xf32>,
        %mul3A_487 = arith.mulf %get3A_407, %get3A_486 : vector<16xf32>
        %add3A_488 = arith.addf %add3A_481, %mul3A_487 : vector<16xf32>
        %get3A_489 = arith.constant 7 : i32
        %get3A_490 = arith.index_cast %scan3A_235 : i32 to index
        %get3A_491 = arith.index_cast %get3A_489 : i32 to index
        %get3A_492 = arith.constant 48 : index
        %get3A_493 = tpu.vector_load %arg10[%get3A_490, %get3A_491, %get3A_492] {strides = array<i32>} : memref<8x80x64xf32, #tpu.memory_space<vmem>>, vector<16xf32>,
        %mul3A_494 = arith.mulf %get3A_410, %get3A_493 : vector<16xf32>
        %add3A_495 = arith.addf %add3A_488, %mul3A_494 : vector<16xf32>
        %swap3A_496 = arith.constant 112 : index
        %swap3A_497 = tpu.vector_load %arg11[%swap3A_496] {strides = array<i32>} : memref<1280xf32, #tpu.memory_space<vmem>>, vector<16xf32>,
        tpu.vector_store %arg11[%swap3A_496], %add3A_495 {strides = array<i32>} : memref<1280xf32, #tpu.memory_space<vmem>>, vector<16xf32>,
        %get3A_498 = arith.constant 8 : i32
        %get3A_499 = arith.index_cast %scan3A_235 : i32 to index
        %get3A_500 = arith.index_cast %get3A_498 : i32 to index
        %get3A_501 = arith.constant 0 : index
        %get3A_502 = tpu.vector_load %arg10[%get3A_499, %get3A_500, %get3A_501] {strides = array<i32>} : memref<8x80x64xf32, #tpu.memory_space<vmem>>, vector<16xf32>,
        %mul3A_503 = arith.mulf %get3A_401, %get3A_502 : vector<16xf32>
        %get3A_504 = arith.constant 8 : i32
        %get3A_505 = arith.index_cast %scan3A_235 : i32 to index
        %get3A_506 = arith.index_cast %get3A_504 : i32 to index
        %get3A_507 = arith.constant 16 : index
        %get3A_508 = tpu.vector_load %arg10[%get3A_505, %get3A_506, %get3A_507] {strides = array<i32>} : memref<8x80x64xf32, #tpu.memory_space<vmem>>, vector<16xf32>,
        %mul3A_509 = arith.mulf %get3A_404, %get3A_508 : vector<16xf32>
        %add3A_510 = arith.addf %mul3A_503, %mul3A_509 : vector<16xf32>
        %get3A_511 = arith.constant 8 : i32
        %get3A_512 = arith.index_cast %scan3A_235 : i32 to index
        %get3A_513 = arith.index_cast %get3A_511 : i32 to index
        %get3A_514 = arith.constant 32 : index
        %get3A_515 = tpu.vector_load %arg10[%get3A_512, %get3A_513, %get3A_514] {strides = array<i32>} : memref<8x80x64xf32, #tpu.memory_space<vmem>>, vector<16xf32>,
        %mul3A_516 = arith.mulf %get3A_407, %get3A_515 : vector<16xf32>
        %add3A_517 = arith.addf %add3A_510, %mul3A_516 : vector<16xf32>
        %get3A_518 = arith.constant 8 : i32
        %get3A_519 = arith.index_cast %scan3A_235 : i32 to index
        %get3A_520 = arith.index_cast %get3A_518 : i32 to index
        %get3A_521 = arith.constant 48 : index
        %get3A_522 = tpu.vector_load %arg10[%get3A_519, %get3A_520, %get3A_521] {strides = array<i32>} : memref<8x80x64xf32, #tpu.memory_space<vmem>>, vector<16xf32>,
        %mul3A_523 = arith.mulf %get3A_410, %get3A_522 : vector<16xf32>
        %add3A_524 = arith.addf %add3A_517, %mul3A_523 : vector<16xf32>
        %swap3A_525 = arith.constant 128 : index
        %swap3A_526 = tpu.vector_load %arg11[%swap3A_525] {strides = array<i32>} : memref<1280xf32, #tpu.memory_space<vmem>>, vector<16xf32>,
        tpu.vector_store %arg11[%swap3A_525], %add3A_524 {strides = array<i32>} : memref<1280xf32, #tpu.memory_space<vmem>>, vector<16xf32>,
        %get3A_527 = arith.constant 9 : i32
        %get3A_528 = arith.index_cast %scan3A_235 : i32 to index
        %get3A_529 = arith.index_cast %get3A_527 : i32 to index
        %get3A_530 = arith.constant 0 : index
        %get3A_531 = tpu.vector_load %arg10[%get3A_528, %get3A_529, %get3A_530] {strides = array<i32>} : memref<8x80x64xf32, #tpu.memory_space<vmem>>, vector<16xf32>,
        %mul3A_532 = arith.mulf %get3A_401, %get3A_531 : vector<16xf32>
        %get3A_533 = arith.constant 9 : i32
        %get3A_534 = arith.index_cast %scan3A_235 : i32 to index
        %get3A_535 = arith.index_cast %get3A_533 : i32 to index
        %get3A_536 = arith.constant 16 : index
        %get3A_537 = tpu.vector_load %arg10[%get3A_534, %get3A_535, %get3A_536] {strides = array<i32>} : memref<8x80x64xf32, #tpu.memory_space<vmem>>, vector<16xf32>,
        %mul3A_538 = arith.mulf %get3A_404, %get3A_537 : vector<16xf32>
        %add3A_539 = arith.addf %mul3A_532, %mul3A_538 : vector<16xf32>
        %get3A_540 = arith.constant 9 : i32
        %get3A_541 = arith.index_cast %scan3A_235 : i32 to index
        %get3A_542 = arith.index_cast %get3A_540 : i32 to index
        %get3A_543 = arith.constant 32 : index
        %get3A_544 = tpu.vector_load %arg10[%get3A_541, %get3A_542, %get3A_543] {strides = array<i32>} : memref<8x80x64xf32, #tpu.memory_space<vmem>>, vector<16xf32>,
        %mul3A_545 = arith.mulf %get3A_407, %get3A_544 : vector<16xf32>
        %add3A_546 = arith.addf %add3A_539, %mul3A_545 : vector<16xf32>
        %get3A_547 = arith.constant 9 : i32
        %get3A_548 = arith.index_cast %scan3A_235 : i32 to index
        %get3A_549 = arith.index_cast %get3A_547 : i32 to index
        %get3A_550 = arith.constant 48 : index
        %get3A_551 = tpu.vector_load %arg10[%get3A_548, %get3A_549, %get3A_550] {strides = array<i32>} : memref<8x80x64xf32, #tpu.memory_space<vmem>>, vector<16xf32>,
        %mul3A_552 = arith.mulf %get3A_410, %get3A_551 : vector<16xf32>
        %add3A_553 = arith.addf %add3A_546, %mul3A_552 : vector<16xf32>
        %swap3A_554 = arith.constant 144 : index
        %swap3A_555 = tpu.vector_load %arg11[%swap3A_554] {strides = array<i32>} : memref<1280xf32, #tpu.memory_space<vmem>>, vector<16xf32>,
        tpu.vector_store %arg11[%swap3A_554], %add3A_553 {strides = array<i32>} : memref<1280xf32, #tpu.memory_space<vmem>>, vector<16xf32>,
        %mul3A_556 = arith.constant 16 : i32
        %mul3A_557 = arith.muli %scan3A_235, %mul3A_556 : i32
        %add3A_558 = arith.constant 2 : i32
        %add3A_559 = arith.addi %mul3A_557, %add3A_558 : i32
        %get3A_560 = arith.index_cast %add3A_559 : i32 to index
        %get3A_561 = arith.constant 0 : index
        %get3A_562 = tpu.vector_load %arg9[%get3A_560, %get3A_561] {strides = array<i32>} : memref<128x64xf32, #tpu.memory_space<vmem>>, vector<16xf32>,
        %get3A_563 = arith.index_cast %add3A_559 : i32 to index
        %get3A_564 = arith.constant 16 : index
        %get3A_565 = tpu.vector_load %arg9[%get3A_563, %get3A_564] {strides = array<i32>} : memref<128x64xf32, #tpu.memory_space<vmem>>, vector<16xf32>,
        %get3A_566 = arith.index_cast %add3A_559 : i32 to index
        %get3A_567 = arith.constant 32 : index
        %get3A_568 = tpu.vector_load %arg9[%get3A_566, %get3A_567] {strides = array<i32>} : memref<128x64xf32, #tpu.memory_space<vmem>>, vector<16xf32>,
        %get3A_569 = arith.index_cast %add3A_559 : i32 to index
        %get3A_570 = arith.constant 48 : index
        %get3A_571 = tpu.vector_load %arg9[%get3A_569, %get3A_570] {strides = array<i32>} : memref<128x64xf32, #tpu.memory_space<vmem>>, vector<16xf32>,
        %get3A_572 = arith.constant 10 : i32
        %get3A_573 = arith.index_cast %scan3A_235 : i32 to index
        %get3A_574 = arith.index_cast %get3A_572 : i32 to index
        %get3A_575 = arith.constant 0 : index
        %get3A_576 = tpu.vector_load %arg10[%get3A_573, %get3A_574, %get3A_575] {strides = array<i32>} : memref<8x80x64xf32, #tpu.memory_space<vmem>>, vector<16xf32>,
        %mul3A_577 = arith.mulf %get3A_562, %get3A_576 : vector<16xf32>
        %get3A_578 = arith.constant 10 : i32
        %get3A_579 = arith.index_cast %scan3A_235 : i32 to index
        %get3A_580 = arith.index_cast %get3A_578 : i32 to index
        %get3A_581 = arith.constant 16 : index
        %get3A_582 = tpu.vector_load %arg10[%get3A_579, %get3A_580, %get3A_581] {strides = array<i32>} : memref<8x80x64xf32, #tpu.memory_space<vmem>>, vector<16xf32>,
        %mul3A_583 = arith.mulf %get3A_565, %get3A_582 : vector<16xf32>
        %add3A_584 = arith.addf %mul3A_577, %mul3A_583 : vector<16xf32>
        %get3A_585 = arith.constant 10 : i32
        %get3A_586 = arith.index_cast %scan3A_235 : i32 to index
        %get3A_587 = arith.index_cast %get3A_585 : i32 to index
        %get3A_588 = arith.constant 32 : index
        %get3A_589 = tpu.vector_load %arg10[%get3A_586, %get3A_587, %get3A_588] {strides = array<i32>} : memref<8x80x64xf32, #tpu.memory_space<vmem>>, vector<16xf32>,
        %mul3A_590 = arith.mulf %get3A_568, %get3A_589 : vector<16xf32>
        %add3A_591 = arith.addf %add3A_584, %mul3A_590 : vector<16xf32>
        %get3A_592 = arith.constant 10 : i32
        %get3A_593 = arith.index_cast %scan3A_235 : i32 to index
        %get3A_594 = arith.index_cast %get3A_592 : i32 to index
        %get3A_595 = arith.constant 48 : index
        %get3A_596 = tpu.vector_load %arg10[%get3A_593, %get3A_594, %get3A_595] {strides = array<i32>} : memref<8x80x64xf32, #tpu.memory_space<vmem>>, vector<16xf32>,
        %mul3A_597 = arith.mulf %get3A_571, %get3A_596 : vector<16xf32>
        %add3A_598 = arith.addf %add3A_591, %mul3A_597 : vector<16xf32>
        %swap3A_599 = arith.constant 160 : index
        %swap3A_600 = tpu.vector_load %arg11[%swap3A_599] {strides = array<i32>} : memref<1280xf32, #tpu.memory_space<vmem>>, vector<16xf32>,
        tpu.vector_store %arg11[%swap3A_599], %add3A_598 {strides = array<i32>} : memref<1280xf32, #tpu.memory_space<vmem>>, vector<16xf32>,
        %get3A_601 = arith.constant 11 : i32
        %get3A_602 = arith.index_cast %scan3A_235 : i32 to index
        %get3A_603 = arith.index_cast %get3A_601 : i32 to index
        %get3A_604 = arith.constant 0 : index
        %get3A_605 = tpu.vector_load %arg10[%get3A_602, %get3A_603, %get3A_604] {strides = array<i32>} : memref<8x80x64xf32, #tpu.memory_space<vmem>>, vector<16xf32>,
        %mul3A_606 = arith.mulf %get3A_562, %get3A_605 : vector<16xf32>
        %get3A_607 = arith.constant 11 : i32
        %get3A_608 = arith.index_cast %scan3A_235 : i32 to index
        %get3A_609 = arith.index_cast %get3A_607 : i32 to index
        %get3A_610 = arith.constant 16 : index
        %get3A_611 = tpu.vector_load %arg10[%get3A_608, %get3A_609, %get3A_610] {strides = array<i32>} : memref<8x80x64xf32, #tpu.memory_space<vmem>>, vector<16xf32>,
        %mul3A_612 = arith.mulf %get3A_565, %get3A_611 : vector<16xf32>
        %add3A_613 = arith.addf %mul3A_606, %mul3A_612 : vector<16xf32>
        %get3A_614 = arith.constant 11 : i32
        %get3A_615 = arith.index_cast %scan3A_235 : i32 to index
        %get3A_616 = arith.index_cast %get3A_614 : i32 to index
        %get3A_617 = arith.constant 32 : index
        %get3A_618 = tpu.vector_load %arg10[%get3A_615, %get3A_616, %get3A_617] {strides = array<i32>} : memref<8x80x64xf32, #tpu.memory_space<vmem>>, vector<16xf32>,
        %mul3A_619 = arith.mulf %get3A_568, %get3A_618 : vector<16xf32>
        %add3A_620 = arith.addf %add3A_613, %mul3A_619 : vector<16xf32>
        %get3A_621 = arith.constant 11 : i32
        %get3A_622 = arith.index_cast %scan3A_235 : i32 to index
        %get3A_623 = arith.index_cast %get3A_621 : i32 to index
        %get3A_624 = arith.constant 48 : index
        %get3A_625 = tpu.vector_load %arg10[%get3A_622, %get3A_623, %get3A_624] {strides = array<i32>} : memref<8x80x64xf32, #tpu.memory_space<vmem>>, vector<16xf32>,
        %mul3A_626 = arith.mulf %get3A_571, %get3A_625 : vector<16xf32>
        %add3A_627 = arith.addf %add3A_620, %mul3A_626 : vector<16xf32>
        %swap3A_628 = arith.constant 176 : index
        %swap3A_629 = tpu.vector_load %arg11[%swap3A_628] {strides = array<i32>} : memref<1280xf32, #tpu.memory_space<vmem>>, vector<16xf32>,
        tpu.vector_store %arg11[%swap3A_628], %add3A_627 {strides = array<i32>} : memref<1280xf32, #tpu.memory_space<vmem>>, vector<16xf32>,
        %get3A_630 = arith.constant 12 : i32
        %get3A_631 = arith.index_cast %scan3A_235 : i32 to index
        %get3A_632 = arith.index_cast %get3A_630 : i32 to index
        %get3A_633 = arith.constant 0 : index
        %get3A_634 = tpu.vector_load %arg10[%get3A_631, %get3A_632, %get3A_633] {strides = array<i32>} : memref<8x80x64xf32, #tpu.memory_space<vmem>>, vector<16xf32>,
        %mul3A_635 = arith.mulf %get3A_562, %get3A_634 : vector<16xf32>
        %get3A_636 = arith.constant 12 : i32
        %get3A_637 = arith.index_cast %scan3A_235 : i32 to index
        %get3A_638 = arith.index_cast %get3A_636 : i32 to index
        %get3A_639 = arith.constant 16 : index
        %get3A_640 = tpu.vector_load %arg10[%get3A_637, %get3A_638, %get3A_639] {strides = array<i32>} : memref<8x80x64xf32, #tpu.memory_space<vmem>>, vector<16xf32>,
        %mul3A_641 = arith.mulf %get3A_565, %get3A_640 : vector<16xf32>
        %add3A_642 = arith.addf %mul3A_635, %mul3A_641 : vector<16xf32>
        %get3A_643 = arith.constant 12 : i32
        %get3A_644 = arith.index_cast %scan3A_235 : i32 to index
        %get3A_645 = arith.index_cast %get3A_643 : i32 to index
        %get3A_646 = arith.constant 32 : index
        %get3A_647 = tpu.vector_load %arg10[%get3A_644, %get3A_645, %get3A_646] {strides = array<i32>} : memref<8x80x64xf32, #tpu.memory_space<vmem>>, vector<16xf32>,
        %mul3A_648 = arith.mulf %get3A_568, %get3A_647 : vector<16xf32>
        %add3A_649 = arith.addf %add3A_642, %mul3A_648 : vector<16xf32>
        %get3A_650 = arith.constant 12 : i32
        %get3A_651 = arith.index_cast %scan3A_235 : i32 to index
        %get3A_652 = arith.index_cast %get3A_650 : i32 to index
        %get3A_653 = arith.constant 48 : index
        %get3A_654 = tpu.vector_load %arg10[%get3A_651, %get3A_652, %get3A_653] {strides = array<i32>} : memref<8x80x64xf32, #tpu.memory_space<vmem>>, vector<16xf32>,
        %mul3A_655 = arith.mulf %get3A_571, %get3A_654 : vector<16xf32>
        %add3A_656 = arith.addf %add3A_649, %mul3A_655 : vector<16xf32>
        %swap3A_657 = arith.constant 192 : index
        %swap3A_658 = tpu.vector_load %arg11[%swap3A_657] {strides = array<i32>} : memref<1280xf32, #tpu.memory_space<vmem>>, vector<16xf32>,
        tpu.vector_store %arg11[%swap3A_657], %add3A_656 {strides = array<i32>} : memref<1280xf32, #tpu.memory_space<vmem>>, vector<16xf32>,
        %get3A_659 = arith.constant 13 : i32
        %get3A_660 = arith.index_cast %scan3A_235 : i32 to index
        %get3A_661 = arith.index_cast %get3A_659 : i32 to index
        %get3A_662 = arith.constant 0 : index
        %get3A_663 = tpu.vector_load %arg10[%get3A_660, %get3A_661, %get3A_662] {strides = array<i32>} : memref<8x80x64xf32, #tpu.memory_space<vmem>>, vector<16xf32>,
        %mul3A_664 = arith.mulf %get3A_562, %get3A_663 : vector<16xf32>
        %get3A_665 = arith.constant 13 : i32
        %get3A_666 = arith.index_cast %scan3A_235 : i32 to index
        %get3A_667 = arith.index_cast %get3A_665 : i32 to index
        %get3A_668 = arith.constant 16 : index
        %get3A_669 = tpu.vector_load %arg10[%get3A_666, %get3A_667, %get3A_668] {strides = array<i32>} : memref<8x80x64xf32, #tpu.memory_space<vmem>>, vector<16xf32>,
        %mul3A_670 = arith.mulf %get3A_565, %get3A_669 : vector<16xf32>
        %add3A_671 = arith.addf %mul3A_664, %mul3A_670 : vector<16xf32>
        %get3A_672 = arith.constant 13 : i32
        %get3A_673 = arith.index_cast %scan3A_235 : i32 to index
        %get3A_674 = arith.index_cast %get3A_672 : i32 to index
        %get3A_675 = arith.constant 32 : index
        %get3A_676 = tpu.vector_load %arg10[%get3A_673, %get3A_674, %get3A_675] {strides = array<i32>} : memref<8x80x64xf32, #tpu.memory_space<vmem>>, vector<16xf32>,
        %mul3A_677 = arith.mulf %get3A_568, %get3A_676 : vector<16xf32>
        %add3A_678 = arith.addf %add3A_671, %mul3A_677 : vector<16xf32>
        %get3A_679 = arith.constant 13 : i32
        %get3A_680 = arith.index_cast %scan3A_235 : i32 to index
        %get3A_681 = arith.index_cast %get3A_679 : i32 to index
        %get3A_682 = arith.constant 48 : index
        %get3A_683 = tpu.vector_load %arg10[%get3A_680, %get3A_681, %get3A_682] {strides = array<i32>} : memref<8x80x64xf32, #tpu.memory_space<vmem>>, vector<16xf32>,
        %mul3A_684 = arith.mulf %get3A_571, %get3A_683 : vector<16xf32>
        %add3A_685 = arith.addf %add3A_678, %mul3A_684 : vector<16xf32>
        %swap3A_686 = arith.constant 208 : index
        %swap3A_687 = tpu.vector_load %arg11[%swap3A_686] {strides = array<i32>} : memref<1280xf32, #tpu.memory_space<vmem>>, vector<16xf32>,
        tpu.vector_store %arg11[%swap3A_686], %add3A_685 {strides = array<i32>} : memref<1280xf32, #tpu.memory_space<vmem>>, vector<16xf32>,
        %get3A_688 = arith.constant 14 : i32
        %get3A_689 = arith.index_cast %scan3A_235 : i32 to index
        %get3A_690 = arith.index_cast %get3A_688 : i32 to index
        %get3A_691 = arith.constant 0 : index
        %get3A_692 = tpu.vector_load %arg10[%get3A_689, %get3A_690, %get3A_691] {strides = array<i32>} : memref<8x80x64xf32, #tpu.memory_space<vmem>>, vector<16xf32>,
        %mul3A_693 = arith.mulf %get3A_562, %get3A_692 : vector<16xf32>
        %get3A_694 = arith.constant 14 : i32
        %get3A_695 = arith.index_cast %scan3A_235 : i32 to index
        %get3A_696 = arith.index_cast %get3A_694 : i32 to index
        %get3A_697 = arith.constant 16 : index
        %get3A_698 = tpu.vector_load %arg10[%get3A_695, %get3A_696, %get3A_697] {strides = array<i32>} : memref<8x80x64xf32, #tpu.memory_space<vmem>>, vector<16xf32>,
        %mul3A_699 = arith.mulf %get3A_565, %get3A_698 : vector<16xf32>
        %add3A_700 = arith.addf %mul3A_693, %mul3A_699 : vector<16xf32>
        %get3A_701 = arith.constant 14 : i32
        %get3A_702 = arith.index_cast %scan3A_235 : i32 to index
        %get3A_703 = arith.index_cast %get3A_701 : i32 to index
        %get3A_704 = arith.constant 32 : index
        %get3A_705 = tpu.vector_load %arg10[%get3A_702, %get3A_703, %get3A_704] {strides = array<i32>} : memref<8x80x64xf32, #tpu.memory_space<vmem>>, vector<16xf32>,
        %mul3A_706 = arith.mulf %get3A_568, %get3A_705 : vector<16xf32>
        %add3A_707 = arith.addf %add3A_700, %mul3A_706 : vector<16xf32>
        %get3A_708 = arith.constant 14 : i32
        %get3A_709 = arith.index_cast %scan3A_235 : i32 to index
        %get3A_710 = arith.index_cast %get3A_708 : i32 to index
        %get3A_711 = arith.constant 48 : index
        %get3A_712 = tpu.vector_load %arg10[%get3A_709, %get3A_710, %get3A_711] {strides = array<i32>} : memref<8x80x64xf32, #tpu.memory_space<vmem>>, vector<16xf32>,
        %mul3A_713 = arith.mulf %get3A_571, %get3A_712 : vector<16xf32>
        %add3A_714 = arith.addf %add3A_707, %mul3A_713 : vector<16xf32>
        %swap3A_715 = arith.constant 224 : index
        %swap3A_716 = tpu.vector_load %arg11[%swap3A_715] {strides = array<i32>} : memref<1280xf32, #tpu.memory_space<vmem>>, vector<16xf32>,
        tpu.vector_store %arg11[%swap3A_715], %add3A_714 {strides = array<i32>} : memref<1280xf32, #tpu.memory_space<vmem>>, vector<16xf32>,
        %mul3A_717 = arith.constant 16 : i32
        %mul3A_718 = arith.muli %scan3A_235, %mul3A_717 : i32
        %add3A_719 = arith.constant 3 : i32
        %add3A_720 = arith.addi %mul3A_718, %add3A_719 : i32
        %get3A_721 = arith.index_cast %add3A_720 : i32 to index
        %get3A_722 = arith.constant 0 : index
        %get3A_723 = tpu.vector_load %arg9[%get3A_721, %get3A_722] {strides = array<i32>} : memref<128x64xf32, #tpu.memory_space<vmem>>, vector<16xf32>,
        %get3A_724 = arith.index_cast %add3A_720 : i32 to index
        %get3A_725 = arith.constant 16 : index
        %get3A_726 = tpu.vector_load %arg9[%get3A_724, %get3A_725] {strides = array<i32>} : memref<128x64xf32, #tpu.memory_space<vmem>>, vector<16xf32>,
        %get3A_727 = arith.index_cast %add3A_720 : i32 to index
        %get3A_728 = arith.constant 32 : index
        %get3A_729 = tpu.vector_load %arg9[%get3A_727, %get3A_728] {strides = array<i32>} : memref<128x64xf32, #tpu.memory_space<vmem>>, vector<16xf32>,
        %get3A_730 = arith.index_cast %add3A_720 : i32 to index
        %get3A_731 = arith.constant 48 : index
        %get3A_732 = tpu.vector_load %arg9[%get3A_730, %get3A_731] {strides = array<i32>} : memref<128x64xf32, #tpu.memory_space<vmem>>, vector<16xf32>,
        %get3A_733 = arith.constant 15 : i32
        %get3A_734 = arith.index_cast %scan3A_235 : i32 to index
        %get3A_735 = arith.index_cast %get3A_733 : i32 to index
        %get3A_736 = arith.constant 0 : index
        %get3A_737 = tpu.vector_load %arg10[%get3A_734, %get3A_735, %get3A_736] {strides = array<i32>} : memref<8x80x64xf32, #tpu.memory_space<vmem>>, vector<16xf32>,
        %mul3A_738 = arith.mulf %get3A_723, %get3A_737 : vector<16xf32>
        %get3A_739 = arith.constant 15 : i32
        %get3A_740 = arith.index_cast %scan3A_235 : i32 to index
        %get3A_741 = arith.index_cast %get3A_739 : i32 to index
        %get3A_742 = arith.constant 16 : index
        %get3A_743 = tpu.vector_load %arg10[%get3A_740, %get3A_741, %get3A_742] {strides = array<i32>} : memref<8x80x64xf32, #tpu.memory_space<vmem>>, vector<16xf32>,
        %mul3A_744 = arith.mulf %get3A_726, %get3A_743 : vector<16xf32>
        %add3A_745 = arith.addf %mul3A_738, %mul3A_744 : vector<16xf32>
        %get3A_746 = arith.constant 15 : i32
        %get3A_747 = arith.index_cast %scan3A_235 : i32 to index
        %get3A_748 = arith.index_cast %get3A_746 : i32 to index
        %get3A_749 = arith.constant 32 : index
        %get3A_750 = tpu.vector_load %arg10[%get3A_747, %get3A_748, %get3A_749] {strides = array<i32>} : memref<8x80x64xf32, #tpu.memory_space<vmem>>, vector<16xf32>,
        %mul3A_751 = arith.mulf %get3A_729, %get3A_750 : vector<16xf32>
        %add3A_752 = arith.addf %add3A_745, %mul3A_751 : vector<16xf32>
        %get3A_753 = arith.constant 15 : i32
        %get3A_754 = arith.index_cast %scan3A_235 : i32 to index
        %get3A_755 = arith.index_cast %get3A_753 : i32 to index
        %get3A_756 = arith.constant 48 : index
        %get3A_757 = tpu.vector_load %arg10[%get3A_754, %get3A_755, %get3A_756] {strides = array<i32>} : memref<8x80x64xf32, #tpu.memory_space<vmem>>, vector<16xf32>,
        %mul3A_758 = arith.mulf %get3A_732, %get3A_757 : vector<16xf32>
        %add3A_759 = arith.addf %add3A_752, %mul3A_758 : vector<16xf32>
        %swap3A_760 = arith.constant 240 : index
        %swap3A_761 = tpu.vector_load %arg11[%swap3A_760] {strides = array<i32>} : memref<1280xf32, #tpu.memory_space<vmem>>, vector<16xf32>,
        tpu.vector_store %arg11[%swap3A_760], %add3A_759 {strides = array<i32>} : memref<1280xf32, #tpu.memory_space<vmem>>, vector<16xf32>,
        %get3A_762 = arith.constant 16 : i32
        %get3A_763 = arith.index_cast %scan3A_235 : i32 to index
        %get3A_764 = arith.index_cast %get3A_762 : i32 to index
        %get3A_765 = arith.constant 0 : index
        %get3A_766 = tpu.vector_load %arg10[%get3A_763, %get3A_764, %get3A_765] {strides = array<i32>} : memref<8x80x64xf32, #tpu.memory_space<vmem>>, vector<16xf32>,
        %mul3A_767 = arith.mulf %get3A_723, %get3A_766 : vector<16xf32>
        %get3A_768 = arith.constant 16 : i32
        %get3A_769 = arith.index_cast %scan3A_235 : i32 to index
        %get3A_770 = arith.index_cast %get3A_768 : i32 to index
        %get3A_771 = arith.constant 16 : index
        %get3A_772 = tpu.vector_load %arg10[%get3A_769, %get3A_770, %get3A_771] {strides = array<i32>} : memref<8x80x64xf32, #tpu.memory_space<vmem>>, vector<16xf32>,
        %mul3A_773 = arith.mulf %get3A_726, %get3A_772 : vector<16xf32>
        %add3A_774 = arith.addf %mul3A_767, %mul3A_773 : vector<16xf32>
        %get3A_775 = arith.constant 16 : i32
        %get3A_776 = arith.index_cast %scan3A_235 : i32 to index
        %get3A_777 = arith.index_cast %get3A_775 : i32 to index
        %get3A_778 = arith.constant 32 : index
        %get3A_779 = tpu.vector_load %arg10[%get3A_776, %get3A_777, %get3A_778] {strides = array<i32>} : memref<8x80x64xf32, #tpu.memory_space<vmem>>, vector<16xf32>,
        %mul3A_780 = arith.mulf %get3A_729, %get3A_779 : vector<16xf32>
        %add3A_781 = arith.addf %add3A_774, %mul3A_780 : vector<16xf32>
        %get3A_782 = arith.constant 16 : i32
        %get3A_783 = arith.index_cast %scan3A_235 : i32 to index
        %get3A_784 = arith.index_cast %get3A_782 : i32 to index
        %get3A_785 = arith.constant 48 : index
        %get3A_786 = tpu.vector_load %arg10[%get3A_783, %get3A_784, %get3A_785] {strides = array<i32>} : memref<8x80x64xf32, #tpu.memory_space<vmem>>, vector<16xf32>,
        %mul3A_787 = arith.mulf %get3A_732, %get3A_786 : vector<16xf32>
        %add3A_788 = arith.addf %add3A_781, %mul3A_787 : vector<16xf32>
        %swap3A_789 = arith.constant 256 : index
        %swap3A_790 = tpu.vector_load %arg11[%swap3A_789] {strides = array<i32>} : memref<1280xf32, #tpu.memory_space<vmem>>, vector<16xf32>,
        tpu.vector_store %arg11[%swap3A_789], %add3A_788 {strides = array<i32>} : memref<1280xf32, #tpu.memory_space<vmem>>, vector<16xf32>,
        %get3A_791 = arith.constant 17 : i32
        %get3A_792 = arith.index_cast %scan3A_235 : i32 to index
        %get3A_793 = arith.index_cast %get3A_791 : i32 to index
        %get3A_794 = arith.constant 0 : index
        %get3A_795 = tpu.vector_load %arg10[%get3A_792, %get3A_793, %get3A_794] {strides = array<i32>} : memref<8x80x64xf32, #tpu.memory_space<vmem>>, vector<16xf32>,
        %mul3A_796 = arith.mulf %get3A_723, %get3A_795 : vector<16xf32>
        %get3A_797 = arith.constant 17 : i32
        %get3A_798 = arith.index_cast %scan3A_235 : i32 to index
        %get3A_799 = arith.index_cast %get3A_797 : i32 to index
        %get3A_800 = arith.constant 16 : index
        %get3A_801 = tpu.vector_load %arg10[%get3A_798, %get3A_799, %get3A_800] {strides = array<i32>} : memref<8x80x64xf32, #tpu.memory_space<vmem>>, vector<16xf32>,
        %mul3A_802 = arith.mulf %get3A_726, %get3A_801 : vector<16xf32>
        %add3A_803 = arith.addf %mul3A_796, %mul3A_802 : vector<16xf32>
        %get3A_804 = arith.constant 17 : i32
        %get3A_805 = arith.index_cast %scan3A_235 : i32 to index
        %get3A_806 = arith.index_cast %get3A_804 : i32 to index
        %get3A_807 = arith.constant 32 : index
        %get3A_808 = tpu.vector_load %arg10[%get3A_805, %get3A_806, %get3A_807] {strides = array<i32>} : memref<8x80x64xf32, #tpu.memory_space<vmem>>, vector<16xf32>,
        %mul3A_809 = arith.mulf %get3A_729, %get3A_808 : vector<16xf32>
        %add3A_810 = arith.addf %add3A_803, %mul3A_809 : vector<16xf32>
        %get3A_811 = arith.constant 17 : i32
        %get3A_812 = arith.index_cast %scan3A_235 : i32 to index
        %get3A_813 = arith.index_cast %get3A_811 : i32 to index
        %get3A_814 = arith.constant 48 : index
        %get3A_815 = tpu.vector_load %arg10[%get3A_812, %get3A_813, %get3A_814] {strides = array<i32>} : memref<8x80x64xf32, #tpu.memory_space<vmem>>, vector<16xf32>,
        %mul3A_816 = arith.mulf %get3A_732, %get3A_815 : vector<16xf32>
        %add3A_817 = arith.addf %add3A_810, %mul3A_816 : vector<16xf32>
        %swap3A_818 = arith.constant 272 : index
        %swap3A_819 = tpu.vector_load %arg11[%swap3A_818] {strides = array<i32>} : memref<1280xf32, #tpu.memory_space<vmem>>, vector<16xf32>,
        tpu.vector_store %arg11[%swap3A_818], %add3A_817 {strides = array<i32>} : memref<1280xf32, #tpu.memory_space<vmem>>, vector<16xf32>,
        %get3A_820 = arith.constant 18 : i32
        %get3A_821 = arith.index_cast %scan3A_235 : i32 to index
        %get3A_822 = arith.index_cast %get3A_820 : i32 to index
        %get3A_823 = arith.constant 0 : index
        %get3A_824 = tpu.vector_load %arg10[%get3A_821, %get3A_822, %get3A_823] {strides = array<i32>} : memref<8x80x64xf32, #tpu.memory_space<vmem>>, vector<16xf32>,
        %mul3A_825 = arith.mulf %get3A_723, %get3A_824 : vector<16xf32>
        %get3A_826 = arith.constant 18 : i32
        %get3A_827 = arith.index_cast %scan3A_235 : i32 to index
        %get3A_828 = arith.index_cast %get3A_826 : i32 to index
        %get3A_829 = arith.constant 16 : index
        %get3A_830 = tpu.vector_load %arg10[%get3A_827, %get3A_828, %get3A_829] {strides = array<i32>} : memref<8x80x64xf32, #tpu.memory_space<vmem>>, vector<16xf32>,
        %mul3A_831 = arith.mulf %get3A_726, %get3A_830 : vector<16xf32>
        %add3A_832 = arith.addf %mul3A_825, %mul3A_831 : vector<16xf32>
        %get3A_833 = arith.constant 18 : i32
        %get3A_834 = arith.index_cast %scan3A_235 : i32 to index
        %get3A_835 = arith.index_cast %get3A_833 : i32 to index
        %get3A_836 = arith.constant 32 : index
        %get3A_837 = tpu.vector_load %arg10[%get3A_834, %get3A_835, %get3A_836] {strides = array<i32>} : memref<8x80x64xf32, #tpu.memory_space<vmem>>, vector<16xf32>,
        %mul3A_838 = arith.mulf %get3A_729, %get3A_837 : vector<16xf32>
        %add3A_839 = arith.addf %add3A_832, %mul3A_838 : vector<16xf32>
        %get3A_840 = arith.constant 18 : i32
        %get3A_841 = arith.index_cast %scan3A_235 : i32 to index
        %get3A_842 = arith.index_cast %get3A_840 : i32 to index
        %get3A_843 = arith.constant 48 : index
        %get3A_844 = tpu.vector_load %arg10[%get3A_841, %get3A_842, %get3A_843] {strides = array<i32>} : memref<8x80x64xf32, #tpu.memory_space<vmem>>, vector<16xf32>,
        %mul3A_845 = arith.mulf %get3A_732, %get3A_844 : vector<16xf32>
        %add3A_846 = arith.addf %add3A_839, %mul3A_845 : vector<16xf32>
        %swap3A_847 = arith.constant 288 : index
        %swap3A_848 = tpu.vector_load %arg11[%swap3A_847] {strides = array<i32>} : memref<1280xf32, #tpu.memory_space<vmem>>, vector<16xf32>,
        tpu.vector_store %arg11[%swap3A_847], %add3A_846 {strides = array<i32>} : memref<1280xf32, #tpu.memory_space<vmem>>, vector<16xf32>,
        %get3A_849 = arith.constant 19 : i32
        %get3A_850 = arith.index_cast %scan3A_235 : i32 to index
        %get3A_851 = arith.index_cast %get3A_849 : i32 to index
        %get3A_852 = arith.constant 0 : index
        %get3A_853 = tpu.vector_load %arg10[%get3A_850, %get3A_851, %get3A_852] {strides = array<i32>} : memref<8x80x64xf32, #tpu.memory_space<vmem>>, vector<16xf32>,
        %mul3A_854 = arith.mulf %get3A_723, %get3A_853 : vector<16xf32>
        %get3A_855 = arith.constant 19 : i32
        %get3A_856 = arith.index_cast %scan3A_235 : i32 to index
        %get3A_857 = arith.index_cast %get3A_855 : i32 to index
        %get3A_858 = arith.constant 16 : index
        %get3A_859 = tpu.vector_load %arg10[%get3A_856, %get3A_857, %get3A_858] {strides = array<i32>} : memref<8x80x64xf32, #tpu.memory_space<vmem>>, vector<16xf32>,
        %mul3A_860 = arith.mulf %get3A_726, %get3A_859 : vector<16xf32>
        %add3A_861 = arith.addf %mul3A_854, %mul3A_860 : vector<16xf32>
        %get3A_862 = arith.constant 19 : i32
        %get3A_863 = arith.index_cast %scan3A_235 : i32 to index
        %get3A_864 = arith.index_cast %get3A_862 : i32 to index
        %get3A_865 = arith.constant 32 : index
        %get3A_866 = tpu.vector_load %arg10[%get3A_863, %get3A_864, %get3A_865] {strides = array<i32>} : memref<8x80x64xf32, #tpu.memory_space<vmem>>, vector<16xf32>,
        %mul3A_867 = arith.mulf %get3A_729, %get3A_866 : vector<16xf32>
        %add3A_868 = arith.addf %add3A_861, %mul3A_867 : vector<16xf32>
        %get3A_869 = arith.constant 19 : i32
        %get3A_870 = arith.index_cast %scan3A_235 : i32 to index
        %get3A_871 = arith.index_cast %get3A_869 : i32 to index
        %get3A_872 = arith.constant 48 : index
        %get3A_873 = tpu.vector_load %arg10[%get3A_870, %get3A_871, %get3A_872] {strides = array<i32>} : memref<8x80x64xf32, #tpu.memory_space<vmem>>, vector<16xf32>,
        %mul3A_874 = arith.mulf %get3A_732, %get3A_873 : vector<16xf32>
        %add3A_875 = arith.addf %add3A_868, %mul3A_874 : vector<16xf32>
        %swap3A_876 = arith.constant 304 : index
        %swap3A_877 = tpu.vector_load %arg11[%swap3A_876] {strides = array<i32>} : memref<1280xf32, #tpu.memory_space<vmem>>, vector<16xf32>,
        tpu.vector_store %arg11[%swap3A_876], %add3A_875 {strides = array<i32>} : memref<1280xf32, #tpu.memory_space<vmem>>, vector<16xf32>,
        %mul3A_878 = arith.constant 16 : i32
        %mul3A_879 = arith.muli %scan3A_235, %mul3A_878 : i32
        %add3A_880 = arith.constant 4 : i32
        %add3A_881 = arith.addi %mul3A_879, %add3A_880 : i32
        %get3A_882 = arith.index_cast %add3A_881 : i32 to index
        %get3A_883 = arith.constant 0 : index
        %get3A_884 = tpu.vector_load %arg9[%get3A_882, %get3A_883] {strides = array<i32>} : memref<128x64xf32, #tpu.memory_space<vmem>>, vector<16xf32>,
        %get3A_885 = arith.index_cast %add3A_881 : i32 to index
        %get3A_886 = arith.constant 16 : index
        %get3A_887 = tpu.vector_load %arg9[%get3A_885, %get3A_886] {strides = array<i32>} : memref<128x64xf32, #tpu.memory_space<vmem>>, vector<16xf32>,
        %get3A_888 = arith.index_cast %add3A_881 : i32 to index
        %get3A_889 = arith.constant 32 : index
        %get3A_890 = tpu.vector_load %arg9[%get3A_888, %get3A_889] {strides = array<i32>} : memref<128x64xf32, #tpu.memory_space<vmem>>, vector<16xf32>,
        %get3A_891 = arith.index_cast %add3A_881 : i32 to index
        %get3A_892 = arith.constant 48 : index
        %get3A_893 = tpu.vector_load %arg9[%get3A_891, %get3A_892] {strides = array<i32>} : memref<128x64xf32, #tpu.memory_space<vmem>>, vector<16xf32>,
        %get3A_894 = arith.constant 20 : i32
        %get3A_895 = arith.index_cast %scan3A_235 : i32 to index
        %get3A_896 = arith.index_cast %get3A_894 : i32 to index
        %get3A_897 = arith.constant 0 : index
        %get3A_898 = tpu.vector_load %arg10[%get3A_895, %get3A_896, %get3A_897] {strides = array<i32>} : memref<8x80x64xf32, #tpu.memory_space<vmem>>, vector<16xf32>,
        %mul3A_899 = arith.mulf %get3A_884, %get3A_898 : vector<16xf32>
        %get3A_900 = arith.constant 20 : i32
        %get3A_901 = arith.index_cast %scan3A_235 : i32 to index
        %get3A_902 = arith.index_cast %get3A_900 : i32 to index
        %get3A_903 = arith.constant 16 : index
        %get3A_904 = tpu.vector_load %arg10[%get3A_901, %get3A_902, %get3A_903] {strides = array<i32>} : memref<8x80x64xf32, #tpu.memory_space<vmem>>, vector<16xf32>,
        %mul3A_905 = arith.mulf %get3A_887, %get3A_904 : vector<16xf32>
        %add3A_906 = arith.addf %mul3A_899, %mul3A_905 : vector<16xf32>
        %get3A_907 = arith.constant 20 : i32
        %get3A_908 = arith.index_cast %scan3A_235 : i32 to index
        %get3A_909 = arith.index_cast %get3A_907 : i32 to index
        %get3A_910 = arith.constant 32 : index
        %get3A_911 = tpu.vector_load %arg10[%get3A_908, %get3A_909, %get3A_910] {strides = array<i32>} : memref<8x80x64xf32, #tpu.memory_space<vmem>>, vector<16xf32>,
        %mul3A_912 = arith.mulf %get3A_890, %get3A_911 : vector<16xf32>
        %add3A_913 = arith.addf %add3A_906, %mul3A_912 : vector<16xf32>
        %get3A_914 = arith.constant 20 : i32
        %get3A_915 = arith.index_cast %scan3A_235 : i32 to index
        %get3A_916 = arith.index_cast %get3A_914 : i32 to index
        %get3A_917 = arith.constant 48 : index
        %get3A_918 = tpu.vector_load %arg10[%get3A_915, %get3A_916, %get3A_917] {strides = array<i32>} : memref<8x80x64xf32, #tpu.memory_space<vmem>>, vector<16xf32>,
        %mul3A_919 = arith.mulf %get3A_893, %get3A_918 : vector<16xf32>
        %add3A_920 = arith.addf %add3A_913, %mul3A_919 : vector<16xf32>
        %swap3A_921 = arith.constant 320 : index
        %swap3A_922 = tpu.vector_load %arg11[%swap3A_921] {strides = array<i32>} : memref<1280xf32, #tpu.memory_space<vmem>>, vector<16xf32>,
        tpu.vector_store %arg11[%swap3A_921], %add3A_920 {strides = array<i32>} : memref<1280xf32, #tpu.memory_space<vmem>>, vector<16xf32>,
        %get3A_923 = arith.constant 21 : i32
        %get3A_924 = arith.index_cast %scan3A_235 : i32 to index
        %get3A_925 = arith.index_cast %get3A_923 : i32 to index
        %get3A_926 = arith.constant 0 : index
        %get3A_927 = tpu.vector_load %arg10[%get3A_924, %get3A_925, %get3A_926] {strides = array<i32>} : memref<8x80x64xf32, #tpu.memory_space<vmem>>, vector<16xf32>,
        %mul3A_928 = arith.mulf %get3A_884, %get3A_927 : vector<16xf32>
        %get3A_929 = arith.constant 21 : i32
        %get3A_930 = arith.index_cast %scan3A_235 : i32 to index
        %get3A_931 = arith.index_cast %get3A_929 : i32 to index
        %get3A_932 = arith.constant 16 : index
        %get3A_933 = tpu.vector_load %arg10[%get3A_930, %get3A_931, %get3A_932] {strides = array<i32>} : memref<8x80x64xf32, #tpu.memory_space<vmem>>, vector<16xf32>,
        %mul3A_934 = arith.mulf %get3A_887, %get3A_933 : vector<16xf32>
        %add3A_935 = arith.addf %mul3A_928, %mul3A_934 : vector<16xf32>
        %get3A_936 = arith.constant 21 : i32
        %get3A_937 = arith.index_cast %scan3A_235 : i32 to index
        %get3A_938 = arith.index_cast %get3A_936 : i32 to index
        %get3A_939 = arith.constant 32 : index
        %get3A_940 = tpu.vector_load %arg10[%get3A_937, %get3A_938, %get3A_939] {strides = array<i32>} : memref<8x80x64xf32, #tpu.memory_space<vmem>>, vector<16xf32>,
        %mul3A_941 = arith.mulf %get3A_890, %get3A_940 : vector<16xf32>
        %add3A_942 = arith.addf %add3A_935, %mul3A_941 : vector<16xf32>
        %get3A_943 = arith.constant 21 : i32
        %get3A_944 = arith.index_cast %scan3A_235 : i32 to index
        %get3A_945 = arith.index_cast %get3A_943 : i32 to index
        %get3A_946 = arith.constant 48 : index
        %get3A_947 = tpu.vector_load %arg10[%get3A_944, %get3A_945, %get3A_946] {strides = array<i32>} : memref<8x80x64xf32, #tpu.memory_space<vmem>>, vector<16xf32>,
        %mul3A_948 = arith.mulf %get3A_893, %get3A_947 : vector<16xf32>
        %add3A_949 = arith.addf %add3A_942, %mul3A_948 : vector<16xf32>
        %swap3A_950 = arith.constant 336 : index
        %swap3A_951 = tpu.vector_load %arg11[%swap3A_950] {strides = array<i32>} : memref<1280xf32, #tpu.memory_space<vmem>>, vector<16xf32>,
        tpu.vector_store %arg11[%swap3A_950], %add3A_949 {strides = array<i32>} : memref<1280xf32, #tpu.memory_space<vmem>>, vector<16xf32>,
        %get3A_952 = arith.constant 22 : i32
        %get3A_953 = arith.index_cast %scan3A_235 : i32 to index
        %get3A_954 = arith.index_cast %get3A_952 : i32 to index
        %get3A_955 = arith.constant 0 : index
        %get3A_956 = tpu.vector_load %arg10[%get3A_953, %get3A_954, %get3A_955] {strides = array<i32>} : memref<8x80x64xf32, #tpu.memory_space<vmem>>, vector<16xf32>,
        %mul3A_957 = arith.mulf %get3A_884, %get3A_956 : vector<16xf32>
        %get3A_958 = arith.constant 22 : i32
        %get3A_959 = arith.index_cast %scan3A_235 : i32 to index
        %get3A_960 = arith.index_cast %get3A_958 : i32 to index
        %get3A_961 = arith.constant 16 : index
        %get3A_962 = tpu.vector_load %arg10[%get3A_959, %get3A_960, %get3A_961] {strides = array<i32>} : memref<8x80x64xf32, #tpu.memory_space<vmem>>, vector<16xf32>,
        %mul3A_963 = arith.mulf %get3A_887, %get3A_962 : vector<16xf32>
        %add3A_964 = arith.addf %mul3A_957, %mul3A_963 : vector<16xf32>
        %get3A_965 = arith.constant 22 : i32
        %get3A_966 = arith.index_cast %scan3A_235 : i32 to index
        %get3A_967 = arith.index_cast %get3A_965 : i32 to index
        %get3A_968 = arith.constant 32 : index
        %get3A_969 = tpu.vector_load %arg10[%get3A_966, %get3A_967, %get3A_968] {strides = array<i32>} : memref<8x80x64xf32, #tpu.memory_space<vmem>>, vector<16xf32>,
        %mul3A_970 = arith.mulf %get3A_890, %get3A_969 : vector<16xf32>
        %add3A_971 = arith.addf %add3A_964, %mul3A_970 : vector<16xf32>
        %get3A_972 = arith.constant 22 : i32
        %get3A_973 = arith.index_cast %scan3A_235 : i32 to index
        %get3A_974 = arith.index_cast %get3A_972 : i32 to index
        %get3A_975 = arith.constant 48 : index
        %get3A_976 = tpu.vector_load %arg10[%get3A_973, %get3A_974, %get3A_975] {strides = array<i32>} : memref<8x80x64xf32, #tpu.memory_space<vmem>>, vector<16xf32>,
        %mul3A_977 = arith.mulf %get3A_893, %get3A_976 : vector<16xf32>
        %add3A_978 = arith.addf %add3A_971, %mul3A_977 : vector<16xf32>
        %swap3A_979 = arith.constant 352 : index
        %swap3A_980 = tpu.vector_load %arg11[%swap3A_979] {strides = array<i32>} : memref<1280xf32, #tpu.memory_space<vmem>>, vector<16xf32>,
        tpu.vector_store %arg11[%swap3A_979], %add3A_978 {strides = array<i32>} : memref<1280xf32, #tpu.memory_space<vmem>>, vector<16xf32>,
        %get3A_981 = arith.constant 23 : i32
        %get3A_982 = arith.index_cast %scan3A_235 : i32 to index
        %get3A_983 = arith.index_cast %get3A_981 : i32 to index
        %get3A_984 = arith.constant 0 : index
        %get3A_985 = tpu.vector_load %arg10[%get3A_982, %get3A_983, %get3A_984] {strides = array<i32>} : memref<8x80x64xf32, #tpu.memory_space<vmem>>, vector<16xf32>,
        %mul3A_986 = arith.mulf %get3A_884, %get3A_985 : vector<16xf32>
        %get3A_987 = arith.constant 23 : i32
        %get3A_988 = arith.index_cast %scan3A_235 : i32 to index
        %get3A_989 = arith.index_cast %get3A_987 : i32 to index
        %get3A_990 = arith.constant 16 : index
        %get3A_991 = tpu.vector_load %arg10[%get3A_988, %get3A_989, %get3A_990] {strides = array<i32>} : memref<8x80x64xf32, #tpu.memory_space<vmem>>, vector<16xf32>,
        %mul3A_992 = arith.mulf %get3A_887, %get3A_991 : vector<16xf32>
        %add3A_993 = arith.addf %mul3A_986, %mul3A_992 : vector<16xf32>
        %get3A_994 = arith.constant 23 : i32
        %get3A_995 = arith.index_cast %scan3A_235 : i32 to index
        %get3A_996 = arith.index_cast %get3A_994 : i32 to index
        %get3A_997 = arith.constant 32 : index
        %get3A_998 = tpu.vector_load %arg10[%get3A_995, %get3A_996, %get3A_997] {strides = array<i32>} : memref<8x80x64xf32, #tpu.memory_space<vmem>>, vector<16xf32>,
        %mul3A_999 = arith.mulf %get3A_890, %get3A_998 : vector<16xf32>
        %add3A_1000 = arith.addf %add3A_993, %mul3A_999 : vector<16xf32>
        %get3A_1001 = arith.constant 23 : i32
        %get3A_1002 = arith.index_cast %scan3A_235 : i32 to index
        %get3A_1003 = arith.index_cast %get3A_1001 : i32 to index
        %get3A_1004 = arith.constant 48 : index
        %get3A_1005 = tpu.vector_load %arg10[%get3A_1002, %get3A_1003, %get3A_1004] {strides = array<i32>} : memref<8x80x64xf32, #tpu.memory_space<vmem>>, vector<16xf32>,
        %mul3A_1006 = arith.mulf %get3A_893, %get3A_1005 : vector<16xf32>
        %add3A_1007 = arith.addf %add3A_1000, %mul3A_1006 : vector<16xf32>
        %swap3A_1008 = arith.constant 368 : index
        %swap3A_1009 = tpu.vector_load %arg11[%swap3A_1008] {strides = array<i32>} : memref<1280xf32, #tpu.memory_space<vmem>>, vector<16xf32>,
        tpu.vector_store %arg11[%swap3A_1008], %add3A_1007 {strides = array<i32>} : memref<1280xf32, #tpu.memory_space<vmem>>, vector<16xf32>,
        %get3A_1010 = arith.constant 24 : i32
        %get3A_1011 = arith.index_cast %scan3A_235 : i32 to index
        %get3A_1012 = arith.index_cast %get3A_1010 : i32 to index
        %get3A_1013 = arith.constant 0 : index
        %get3A_1014 = tpu.vector_load %arg10[%get3A_1011, %get3A_1012, %get3A_1013] {strides = array<i32>} : memref<8x80x64xf32, #tpu.memory_space<vmem>>, vector<16xf32>,
        %mul3A_1015 = arith.mulf %get3A_884, %get3A_1014 : vector<16xf32>
        %get3A_1016 = arith.constant 24 : i32
        %get3A_1017 = arith.index_cast %scan3A_235 : i32 to index
        %get3A_1018 = arith.index_cast %get3A_1016 : i32 to index
        %get3A_1019 = arith.constant 16 : index
        %get3A_1020 = tpu.vector_load %arg10[%get3A_1017, %get3A_1018, %get3A_1019] {strides = array<i32>} : memref<8x80x64xf32, #tpu.memory_space<vmem>>, vector<16xf32>,
        %mul3A_1021 = arith.mulf %get3A_887, %get3A_1020 : vector<16xf32>
        %add3A_1022 = arith.addf %mul3A_1015, %mul3A_1021 : vector<16xf32>
        %get3A_1023 = arith.constant 24 : i32
        %get3A_1024 = arith.index_cast %scan3A_235 : i32 to index
        %get3A_1025 = arith.index_cast %get3A_1023 : i32 to index
        %get3A_1026 = arith.constant 32 : index
        %get3A_1027 = tpu.vector_load %arg10[%get3A_1024, %get3A_1025, %get3A_1026] {strides = array<i32>} : memref<8x80x64xf32, #tpu.memory_space<vmem>>, vector<16xf32>,
        %mul3A_1028 = arith.mulf %get3A_890, %get3A_1027 : vector<16xf32>
        %add3A_1029 = arith.addf %add3A_1022, %mul3A_1028 : vector<16xf32>
        %get3A_1030 = arith.constant 24 : i32
        %get3A_1031 = arith.index_cast %scan3A_235 : i32 to index
        %get3A_1032 = arith.index_cast %get3A_1030 : i32 to index
        %get3A_1033 = arith.constant 48 : index
        %get3A_1034 = tpu.vector_load %arg10[%get3A_1031, %get3A_1032, %get3A_1033] {strides = array<i32>} : memref<8x80x64xf32, #tpu.memory_space<vmem>>, vector<16xf32>,
        %mul3A_1035 = arith.mulf %get3A_893, %get3A_1034 : vector<16xf32>
        %add3A_1036 = arith.addf %add3A_1029, %mul3A_1035 : vector<16xf32>
        %swap3A_1037 = arith.constant 384 : index
        %swap3A_1038 = tpu.vector_load %arg11[%swap3A_1037] {strides = array<i32>} : memref<1280xf32, #tpu.memory_space<vmem>>, vector<16xf32>,
        tpu.vector_store %arg11[%swap3A_1037], %add3A_1036 {strides = array<i32>} : memref<1280xf32, #tpu.memory_space<vmem>>, vector<16xf32>,
        %mul3A_1039 = arith.constant 16 : i32
        %mul3A_1040 = arith.muli %scan3A_235, %mul3A_1039 : i32
        %add3A_1041 = arith.constant 5 : i32
        %add3A_1042 = arith.addi %mul3A_1040, %add3A_1041 : i32
        %get3A_1043 = arith.index_cast %add3A_1042 : i32 to index
        %get3A_1044 = arith.constant 0 : index
        %get3A_1045 = tpu.vector_load %arg9[%get3A_1043, %get3A_1044] {strides = array<i32>} : memref<128x64xf32, #tpu.memory_space<vmem>>, vector<16xf32>,
        %get3A_1046 = arith.index_cast %add3A_1042 : i32 to index
        %get3A_1047 = arith.constant 16 : index
        %get3A_1048 = tpu.vector_load %arg9[%get3A_1046, %get3A_1047] {strides = array<i32>} : memref<128x64xf32, #tpu.memory_space<vmem>>, vector<16xf32>,
        %get3A_1049 = arith.index_cast %add3A_1042 : i32 to index
        %get3A_1050 = arith.constant 32 : index
        %get3A_1051 = tpu.vector_load %arg9[%get3A_1049, %get3A_1050] {strides = array<i32>} : memref<128x64xf32, #tpu.memory_space<vmem>>, vector<16xf32>,
        %get3A_1052 = arith.index_cast %add3A_1042 : i32 to index
        %get3A_1053 = arith.constant 48 : index
        %get3A_1054 = tpu.vector_load %arg9[%get3A_1052, %get3A_1053] {strides = array<i32>} : memref<128x64xf32, #tpu.memory_space<vmem>>, vector<16xf32>,
        %get3A_1055 = arith.constant 25 : i32
        %get3A_1056 = arith.index_cast %scan3A_235 : i32 to index
        %get3A_1057 = arith.index_cast %get3A_1055 : i32 to index
        %get3A_1058 = arith.constant 0 : index
        %get3A_1059 = tpu.vector_load %arg10[%get3A_1056, %get3A_1057, %get3A_1058] {strides = array<i32>} : memref<8x80x64xf32, #tpu.memory_space<vmem>>, vector<16xf32>,
        %mul3A_1060 = arith.mulf %get3A_1045, %get3A_1059 : vector<16xf32>
        %get3A_1061 = arith.constant 25 : i32
        %get3A_1062 = arith.index_cast %scan3A_235 : i32 to index
        %get3A_1063 = arith.index_cast %get3A_1061 : i32 to index
        %get3A_1064 = arith.constant 16 : index
        %get3A_1065 = tpu.vector_load %arg10[%get3A_1062, %get3A_1063, %get3A_1064] {strides = array<i32>} : memref<8x80x64xf32, #tpu.memory_space<vmem>>, vector<16xf32>,
        %mul3A_1066 = arith.mulf %get3A_1048, %get3A_1065 : vector<16xf32>
        %add3A_1067 = arith.addf %mul3A_1060, %mul3A_1066 : vector<16xf32>
        %get3A_1068 = arith.constant 25 : i32
        %get3A_1069 = arith.index_cast %scan3A_235 : i32 to index
        %get3A_1070 = arith.index_cast %get3A_1068 : i32 to index
        %get3A_1071 = arith.constant 32 : index
        %get3A_1072 = tpu.vector_load %arg10[%get3A_1069, %get3A_1070, %get3A_1071] {strides = array<i32>} : memref<8x80x64xf32, #tpu.memory_space<vmem>>, vector<16xf32>,
        %mul3A_1073 = arith.mulf %get3A_1051, %get3A_1072 : vector<16xf32>
        %add3A_1074 = arith.addf %add3A_1067, %mul3A_1073 : vector<16xf32>
        %get3A_1075 = arith.constant 25 : i32
        %get3A_1076 = arith.index_cast %scan3A_235 : i32 to index
        %get3A_1077 = arith.index_cast %get3A_1075 : i32 to index
        %get3A_1078 = arith.constant 48 : index
        %get3A_1079 = tpu.vector_load %arg10[%get3A_1076, %get3A_1077, %get3A_1078] {strides = array<i32>} : memref<8x80x64xf32, #tpu.memory_space<vmem>>, vector<16xf32>,
        %mul3A_1080 = arith.mulf %get3A_1054, %get3A_1079 : vector<16xf32>
        %add3A_1081 = arith.addf %add3A_1074, %mul3A_1080 : vector<16xf32>
        %swap3A_1082 = arith.constant 400 : index
        %swap3A_1083 = tpu.vector_load %arg11[%swap3A_1082] {strides = array<i32>} : memref<1280xf32, #tpu.memory_space<vmem>>, vector<16xf32>,
        tpu.vector_store %arg11[%swap3A_1082], %add3A_1081 {strides = array<i32>} : memref<1280xf32, #tpu.memory_space<vmem>>, vector<16xf32>,
        %get3A_1084 = arith.constant 26 : i32
        %get3A_1085 = arith.index_cast %scan3A_235 : i32 to index
        %get3A_1086 = arith.index_cast %get3A_1084 : i32 to index
        %get3A_1087 = arith.constant 0 : index
        %get3A_1088 = tpu.vector_load %arg10[%get3A_1085, %get3A_1086, %get3A_1087] {strides = array<i32>} : memref<8x80x64xf32, #tpu.memory_space<vmem>>, vector<16xf32>,
        %mul3A_1089 = arith.mulf %get3A_1045, %get3A_1088 : vector<16xf32>
        %get3A_1090 = arith.constant 26 : i32
        %get3A_1091 = arith.index_cast %scan3A_235 : i32 to index
        %get3A_1092 = arith.index_cast %get3A_1090 : i32 to index
        %get3A_1093 = arith.constant 16 : index
        %get3A_1094 = tpu.vector_load %arg10[%get3A_1091, %get3A_1092, %get3A_1093] {strides = array<i32>} : memref<8x80x64xf32, #tpu.memory_space<vmem>>, vector<16xf32>,
        %mul3A_1095 = arith.mulf %get3A_1048, %get3A_1094 : vector<16xf32>
        %add3A_1096 = arith.addf %mul3A_1089, %mul3A_1095 : vector<16xf32>
        %get3A_1097 = arith.constant 26 : i32
        %get3A_1098 = arith.index_cast %scan3A_235 : i32 to index
        %get3A_1099 = arith.index_cast %get3A_1097 : i32 to index
        %get3A_1100 = arith.constant 32 : index
        %get3A_1101 = tpu.vector_load %arg10[%get3A_1098, %get3A_1099, %get3A_1100] {strides = array<i32>} : memref<8x80x64xf32, #tpu.memory_space<vmem>>, vector<16xf32>,
        %mul3A_1102 = arith.mulf %get3A_1051, %get3A_1101 : vector<16xf32>
        %add3A_1103 = arith.addf %add3A_1096, %mul3A_1102 : vector<16xf32>
        %get3A_1104 = arith.constant 26 : i32
        %get3A_1105 = arith.index_cast %scan3A_235 : i32 to index
        %get3A_1106 = arith.index_cast %get3A_1104 : i32 to index
        %get3A_1107 = arith.constant 48 : index
        %get3A_1108 = tpu.vector_load %arg10[%get3A_1105, %get3A_1106, %get3A_1107] {strides = array<i32>} : memref<8x80x64xf32, #tpu.memory_space<vmem>>, vector<16xf32>,
        %mul3A_1109 = arith.mulf %get3A_1054, %get3A_1108 : vector<16xf32>
        %add3A_1110 = arith.addf %add3A_1103, %mul3A_1109 : vector<16xf32>
        %swap3A_1111 = arith.constant 416 : index
        %swap3A_1112 = tpu.vector_load %arg11[%swap3A_1111] {strides = array<i32>} : memref<1280xf32, #tpu.memory_space<vmem>>, vector<16xf32>,
        tpu.vector_store %arg11[%swap3A_1111], %add3A_1110 {strides = array<i32>} : memref<1280xf32, #tpu.memory_space<vmem>>, vector<16xf32>,
        %get3A_1113 = arith.constant 27 : i32
        %get3A_1114 = arith.index_cast %scan3A_235 : i32 to index
        %get3A_1115 = arith.index_cast %get3A_1113 : i32 to index
        %get3A_1116 = arith.constant 0 : index
        %get3A_1117 = tpu.vector_load %arg10[%get3A_1114, %get3A_1115, %get3A_1116] {strides = array<i32>} : memref<8x80x64xf32, #tpu.memory_space<vmem>>, vector<16xf32>,
        %mul3A_1118 = arith.mulf %get3A_1045, %get3A_1117 : vector<16xf32>
        %get3A_1119 = arith.constant 27 : i32
        %get3A_1120 = arith.index_cast %scan3A_235 : i32 to index
        %get3A_1121 = arith.index_cast %get3A_1119 : i32 to index
        %get3A_1122 = arith.constant 16 : index
        %get3A_1123 = tpu.vector_load %arg10[%get3A_1120, %get3A_1121, %get3A_1122] {strides = array<i32>} : memref<8x80x64xf32, #tpu.memory_space<vmem>>, vector<16xf32>,
        %mul3A_1124 = arith.mulf %get3A_1048, %get3A_1123 : vector<16xf32>
        %add3A_1125 = arith.addf %mul3A_1118, %mul3A_1124 : vector<16xf32>
        %get3A_1126 = arith.constant 27 : i32
        %get3A_1127 = arith.index_cast %scan3A_235 : i32 to index
        %get3A_1128 = arith.index_cast %get3A_1126 : i32 to index
        %get3A_1129 = arith.constant 32 : index
        %get3A_1130 = tpu.vector_load %arg10[%get3A_1127, %get3A_1128, %get3A_1129] {strides = array<i32>} : memref<8x80x64xf32, #tpu.memory_space<vmem>>, vector<16xf32>,
        %mul3A_1131 = arith.mulf %get3A_1051, %get3A_1130 : vector<16xf32>
        %add3A_1132 = arith.addf %add3A_1125, %mul3A_1131 : vector<16xf32>
        %get3A_1133 = arith.constant 27 : i32
        %get3A_1134 = arith.index_cast %scan3A_235 : i32 to index
        %get3A_1135 = arith.index_cast %get3A_1133 : i32 to index
        %get3A_1136 = arith.constant 48 : index
        %get3A_1137 = tpu.vector_load %arg10[%get3A_1134, %get3A_1135, %get3A_1136] {strides = array<i32>} : memref<8x80x64xf32, #tpu.memory_space<vmem>>, vector<16xf32>,
        %mul3A_1138 = arith.mulf %get3A_1054, %get3A_1137 : vector<16xf32>
        %add3A_1139 = arith.addf %add3A_1132, %mul3A_1138 : vector<16xf32>
        %swap3A_1140 = arith.constant 432 : index
        %swap3A_1141 = tpu.vector_load %arg11[%swap3A_1140] {strides = array<i32>} : memref<1280xf32, #tpu.memory_space<vmem>>, vector<16xf32>,
        tpu.vector_store %arg11[%swap3A_1140], %add3A_1139 {strides = array<i32>} : memref<1280xf32, #tpu.memory_space<vmem>>, vector<16xf32>,
        %get3A_1142 = arith.constant 28 : i32
        %get3A_1143 = arith.index_cast %scan3A_235 : i32 to index
        %get3A_1144 = arith.index_cast %get3A_1142 : i32 to index
        %get3A_1145 = arith.constant 0 : index
        %get3A_1146 = tpu.vector_load %arg10[%get3A_1143, %get3A_1144, %get3A_1145] {strides = array<i32>} : memref<8x80x64xf32, #tpu.memory_space<vmem>>, vector<16xf32>,
        %mul3A_1147 = arith.mulf %get3A_1045, %get3A_1146 : vector<16xf32>
        %get3A_1148 = arith.constant 28 : i32
        %get3A_1149 = arith.index_cast %scan3A_235 : i32 to index
        %get3A_1150 = arith.index_cast %get3A_1148 : i32 to index
        %get3A_1151 = arith.constant 16 : index
        %get3A_1152 = tpu.vector_load %arg10[%get3A_1149, %get3A_1150, %get3A_1151] {strides = array<i32>} : memref<8x80x64xf32, #tpu.memory_space<vmem>>, vector<16xf32>,
        %mul3A_1153 = arith.mulf %get3A_1048, %get3A_1152 : vector<16xf32>
        %add3A_1154 = arith.addf %mul3A_1147, %mul3A_1153 : vector<16xf32>
        %get3A_1155 = arith.constant 28 : i32
        %get3A_1156 = arith.index_cast %scan3A_235 : i32 to index
        %get3A_1157 = arith.index_cast %get3A_1155 : i32 to index
        %get3A_1158 = arith.constant 32 : index
        %get3A_1159 = tpu.vector_load %arg10[%get3A_1156, %get3A_1157, %get3A_1158] {strides = array<i32>} : memref<8x80x64xf32, #tpu.memory_space<vmem>>, vector<16xf32>,
        %mul3A_1160 = arith.mulf %get3A_1051, %get3A_1159 : vector<16xf32>
        %add3A_1161 = arith.addf %add3A_1154, %mul3A_1160 : vector<16xf32>
        %get3A_1162 = arith.constant 28 : i32
        %get3A_1163 = arith.index_cast %scan3A_235 : i32 to index
        %get3A_1164 = arith.index_cast %get3A_1162 : i32 to index
        %get3A_1165 = arith.constant 48 : index
        %get3A_1166 = tpu.vector_load %arg10[%get3A_1163, %get3A_1164, %get3A_1165] {strides = array<i32>} : memref<8x80x64xf32, #tpu.memory_space<vmem>>, vector<16xf32>,
        %mul3A_1167 = arith.mulf %get3A_1054, %get3A_1166 : vector<16xf32>
        %add3A_1168 = arith.addf %add3A_1161, %mul3A_1167 : vector<16xf32>
        %swap3A_1169 = arith.constant 448 : index
        %swap3A_1170 = tpu.vector_load %arg11[%swap3A_1169] {strides = array<i32>} : memref<1280xf32, #tpu.memory_space<vmem>>, vector<16xf32>,
        tpu.vector_store %arg11[%swap3A_1169], %add3A_1168 {strides = array<i32>} : memref<1280xf32, #tpu.memory_space<vmem>>, vector<16xf32>,
        %get3A_1171 = arith.constant 29 : i32
        %get3A_1172 = arith.index_cast %scan3A_235 : i32 to index
        %get3A_1173 = arith.index_cast %get3A_1171 : i32 to index
        %get3A_1174 = arith.constant 0 : index
        %get3A_1175 = tpu.vector_load %arg10[%get3A_1172, %get3A_1173, %get3A_1174] {strides = array<i32>} : memref<8x80x64xf32, #tpu.memory_space<vmem>>, vector<16xf32>,
        %mul3A_1176 = arith.mulf %get3A_1045, %get3A_1175 : vector<16xf32>
        %get3A_1177 = arith.constant 29 : i32
        %get3A_1178 = arith.index_cast %scan3A_235 : i32 to index
        %get3A_1179 = arith.index_cast %get3A_1177 : i32 to index
        %get3A_1180 = arith.constant 16 : index
        %get3A_1181 = tpu.vector_load %arg10[%get3A_1178, %get3A_1179, %get3A_1180] {strides = array<i32>} : memref<8x80x64xf32, #tpu.memory_space<vmem>>, vector<16xf32>,
        %mul3A_1182 = arith.mulf %get3A_1048, %get3A_1181 : vector<16xf32>
        %add3A_1183 = arith.addf %mul3A_1176, %mul3A_1182 : vector<16xf32>
        %get3A_1184 = arith.constant 29 : i32
        %get3A_1185 = arith.index_cast %scan3A_235 : i32 to index
        %get3A_1186 = arith.index_cast %get3A_1184 : i32 to index
        %get3A_1187 = arith.constant 32 : index
        %get3A_1188 = tpu.vector_load %arg10[%get3A_1185, %get3A_1186, %get3A_1187] {strides = array<i32>} : memref<8x80x64xf32, #tpu.memory_space<vmem>>, vector<16xf32>,
        %mul3A_1189 = arith.mulf %get3A_1051, %get3A_1188 : vector<16xf32>
        %add3A_1190 = arith.addf %add3A_1183, %mul3A_1189 : vector<16xf32>
        %get3A_1191 = arith.constant 29 : i32
        %get3A_1192 = arith.index_cast %scan3A_235 : i32 to index
        %get3A_1193 = arith.index_cast %get3A_1191 : i32 to index
        %get3A_1194 = arith.constant 48 : index
        %get3A_1195 = tpu.vector_load %arg10[%get3A_1192, %get3A_1193, %get3A_1194] {strides = array<i32>} : memref<8x80x64xf32, #tpu.memory_space<vmem>>, vector<16xf32>,
        %mul3A_1196 = arith.mulf %get3A_1054, %get3A_1195 : vector<16xf32>
        %add3A_1197 = arith.addf %add3A_1190, %mul3A_1196 : vector<16xf32>
        %swap3A_1198 = arith.constant 464 : index
        %swap3A_1199 = tpu.vector_load %arg11[%swap3A_1198] {strides = array<i32>} : memref<1280xf32, #tpu.memory_space<vmem>>, vector<16xf32>,
        tpu.vector_store %arg11[%swap3A_1198], %add3A_1197 {strides = array<i32>} : memref<1280xf32, #tpu.memory_space<vmem>>, vector<16xf32>,
        %mul3A_1200 = arith.constant 16 : i32
        %mul3A_1201 = arith.muli %scan3A_235, %mul3A_1200 : i32
        %add3A_1202 = arith.constant 6 : i32
        %add3A_1203 = arith.addi %mul3A_1201, %add3A_1202 : i32
        %get3A_1204 = arith.index_cast %add3A_1203 : i32 to index
        %get3A_1205 = arith.constant 0 : index
        %get3A_1206 = tpu.vector_load %arg9[%get3A_1204, %get3A_1205] {strides = array<i32>} : memref<128x64xf32, #tpu.memory_space<vmem>>, vector<16xf32>,
        %get3A_1207 = arith.index_cast %add3A_1203 : i32 to index
        %get3A_1208 = arith.constant 16 : index
        %get3A_1209 = tpu.vector_load %arg9[%get3A_1207, %get3A_1208] {strides = array<i32>} : memref<128x64xf32, #tpu.memory_space<vmem>>, vector<16xf32>,
        %get3A_1210 = arith.index_cast %add3A_1203 : i32 to index
        %get3A_1211 = arith.constant 32 : index
        %get3A_1212 = tpu.vector_load %arg9[%get3A_1210, %get3A_1211] {strides = array<i32>} : memref<128x64xf32, #tpu.memory_space<vmem>>, vector<16xf32>,
        %get3A_1213 = arith.index_cast %add3A_1203 : i32 to index
        %get3A_1214 = arith.constant 48 : index
        %get3A_1215 = tpu.vector_load %arg9[%get3A_1213, %get3A_1214] {strides = array<i32>} : memref<128x64xf32, #tpu.memory_space<vmem>>, vector<16xf32>,
        %get3A_1216 = arith.constant 30 : i32
        %get3A_1217 = arith.index_cast %scan3A_235 : i32 to index
        %get3A_1218 = arith.index_cast %get3A_1216 : i32 to index
        %get3A_1219 = arith.constant 0 : index
        %get3A_1220 = tpu.vector_load %arg10[%get3A_1217, %get3A_1218, %get3A_1219] {strides = array<i32>} : memref<8x80x64xf32, #tpu.memory_space<vmem>>, vector<16xf32>,
        %mul3A_1221 = arith.mulf %get3A_1206, %get3A_1220 : vector<16xf32>
        %get3A_1222 = arith.constant 30 : i32
        %get3A_1223 = arith.index_cast %scan3A_235 : i32 to index
        %get3A_1224 = arith.index_cast %get3A_1222 : i32 to index
        %get3A_1225 = arith.constant 16 : index
        %get3A_1226 = tpu.vector_load %arg10[%get3A_1223, %get3A_1224, %get3A_1225] {strides = array<i32>} : memref<8x80x64xf32, #tpu.memory_space<vmem>>, vector<16xf32>,
        %mul3A_1227 = arith.mulf %get3A_1209, %get3A_1226 : vector<16xf32>
        %add3A_1228 = arith.addf %mul3A_1221, %mul3A_1227 : vector<16xf32>
        %get3A_1229 = arith.constant 30 : i32
        %get3A_1230 = arith.index_cast %scan3A_235 : i32 to index
        %get3A_1231 = arith.index_cast %get3A_1229 : i32 to index
        %get3A_1232 = arith.constant 32 : index
        %get3A_1233 = tpu.vector_load %arg10[%get3A_1230, %get3A_1231, %get3A_1232] {strides = array<i32>} : memref<8x80x64xf32, #tpu.memory_space<vmem>>, vector<16xf32>,
        %mul3A_1234 = arith.mulf %get3A_1212, %get3A_1233 : vector<16xf32>
        %add3A_1235 = arith.addf %add3A_1228, %mul3A_1234 : vector<16xf32>
        %get3A_1236 = arith.constant 30 : i32
        %get3A_1237 = arith.index_cast %scan3A_235 : i32 to index
        %get3A_1238 = arith.index_cast %get3A_1236 : i32 to index
        %get3A_1239 = arith.constant 48 : index
        %get3A_1240 = tpu.vector_load %arg10[%get3A_1237, %get3A_1238, %get3A_1239] {strides = array<i32>} : memref<8x80x64xf32, #tpu.memory_space<vmem>>, vector<16xf32>,
        %mul3A_1241 = arith.mulf %get3A_1215, %get3A_1240 : vector<16xf32>
        %add3A_1242 = arith.addf %add3A_1235, %mul3A_1241 : vector<16xf32>
        %swap3A_1243 = arith.constant 480 : index
        %swap3A_1244 = tpu.vector_load %arg11[%swap3A_1243] {strides = array<i32>} : memref<1280xf32, #tpu.memory_space<vmem>>, vector<16xf32>,
        tpu.vector_store %arg11[%swap3A_1243], %add3A_1242 {strides = array<i32>} : memref<1280xf32, #tpu.memory_space<vmem>>, vector<16xf32>,
        %get3A_1245 = arith.constant 31 : i32
        %get3A_1246 = arith.index_cast %scan3A_235 : i32 to index
        %get3A_1247 = arith.index_cast %get3A_1245 : i32 to index
        %get3A_1248 = arith.constant 0 : index
        %get3A_1249 = tpu.vector_load %arg10[%get3A_1246, %get3A_1247, %get3A_1248] {strides = array<i32>} : memref<8x80x64xf32, #tpu.memory_space<vmem>>, vector<16xf32>,
        %mul3A_1250 = arith.mulf %get3A_1206, %get3A_1249 : vector<16xf32>
        %get3A_1251 = arith.constant 31 : i32
        %get3A_1252 = arith.index_cast %scan3A_235 : i32 to index
        %get3A_1253 = arith.index_cast %get3A_1251 : i32 to index
        %get3A_1254 = arith.constant 16 : index
        %get3A_1255 = tpu.vector_load %arg10[%get3A_1252, %get3A_1253, %get3A_1254] {strides = array<i32>} : memref<8x80x64xf32, #tpu.memory_space<vmem>>, vector<16xf32>,
        %mul3A_1256 = arith.mulf %get3A_1209, %get3A_1255 : vector<16xf32>
        %add3A_1257 = arith.addf %mul3A_1250, %mul3A_1256 : vector<16xf32>
        %get3A_1258 = arith.constant 31 : i32
        %get3A_1259 = arith.index_cast %scan3A_235 : i32 to index
        %get3A_1260 = arith.index_cast %get3A_1258 : i32 to index
        %get3A_1261 = arith.constant 32 : index
        %get3A_1262 = tpu.vector_load %arg10[%get3A_1259, %get3A_1260, %get3A_1261] {strides = array<i32>} : memref<8x80x64xf32, #tpu.memory_space<vmem>>, vector<16xf32>,
        %mul3A_1263 = arith.mulf %get3A_1212, %get3A_1262 : vector<16xf32>
        %add3A_1264 = arith.addf %add3A_1257, %mul3A_1263 : vector<16xf32>
        %get3A_1265 = arith.constant 31 : i32
        %get3A_1266 = arith.index_cast %scan3A_235 : i32 to index
        %get3A_1267 = arith.index_cast %get3A_1265 : i32 to index
        %get3A_1268 = arith.constant 48 : index
        %get3A_1269 = tpu.vector_load %arg10[%get3A_1266, %get3A_1267, %get3A_1268] {strides = array<i32>} : memref<8x80x64xf32, #tpu.memory_space<vmem>>, vector<16xf32>,
        %mul3A_1270 = arith.mulf %get3A_1215, %get3A_1269 : vector<16xf32>
        %add3A_1271 = arith.addf %add3A_1264, %mul3A_1270 : vector<16xf32>
        %swap3A_1272 = arith.constant 496 : index
        %swap3A_1273 = tpu.vector_load %arg11[%swap3A_1272] {strides = array<i32>} : memref<1280xf32, #tpu.memory_space<vmem>>, vector<16xf32>,
        tpu.vector_store %arg11[%swap3A_1272], %add3A_1271 {strides = array<i32>} : memref<1280xf32, #tpu.memory_space<vmem>>, vector<16xf32>,
        %get3A_1274 = arith.constant 32 : i32
        %get3A_1275 = arith.index_cast %scan3A_235 : i32 to index
        %get3A_1276 = arith.index_cast %get3A_1274 : i32 to index
        %get3A_1277 = arith.constant 0 : index
        %get3A_1278 = tpu.vector_load %arg10[%get3A_1275, %get3A_1276, %get3A_1277] {strides = array<i32>} : memref<8x80x64xf32, #tpu.memory_space<vmem>>, vector<16xf32>,
        %mul3A_1279 = arith.mulf %get3A_1206, %get3A_1278 : vector<16xf32>
        %get3A_1280 = arith.constant 32 : i32
        %get3A_1281 = arith.index_cast %scan3A_235 : i32 to index
        %get3A_1282 = arith.index_cast %get3A_1280 : i32 to index
        %get3A_1283 = arith.constant 16 : index
        %get3A_1284 = tpu.vector_load %arg10[%get3A_1281, %get3A_1282, %get3A_1283] {strides = array<i32>} : memref<8x80x64xf32, #tpu.memory_space<vmem>>, vector<16xf32>,
        %mul3A_1285 = arith.mulf %get3A_1209, %get3A_1284 : vector<16xf32>
        %add3A_1286 = arith.addf %mul3A_1279, %mul3A_1285 : vector<16xf32>
        %get3A_1287 = arith.constant 32 : i32
        %get3A_1288 = arith.index_cast %scan3A_235 : i32 to index
        %get3A_1289 = arith.index_cast %get3A_1287 : i32 to index
        %get3A_1290 = arith.constant 32 : index
        %get3A_1291 = tpu.vector_load %arg10[%get3A_1288, %get3A_1289, %get3A_1290] {strides = array<i32>} : memref<8x80x64xf32, #tpu.memory_space<vmem>>, vector<16xf32>,
        %mul3A_1292 = arith.mulf %get3A_1212, %get3A_1291 : vector<16xf32>
        %add3A_1293 = arith.addf %add3A_1286, %mul3A_1292 : vector<16xf32>
        %get3A_1294 = arith.constant 32 : i32
        %get3A_1295 = arith.index_cast %scan3A_235 : i32 to index
        %get3A_1296 = arith.index_cast %get3A_1294 : i32 to index
        %get3A_1297 = arith.constant 48 : index
        %get3A_1298 = tpu.vector_load %arg10[%get3A_1295, %get3A_1296, %get3A_1297] {strides = array<i32>} : memref<8x80x64xf32, #tpu.memory_space<vmem>>, vector<16xf32>,
        %mul3A_1299 = arith.mulf %get3A_1215, %get3A_1298 : vector<16xf32>
        %add3A_1300 = arith.addf %add3A_1293, %mul3A_1299 : vector<16xf32>
        %swap3A_1301 = arith.constant 512 : index
        %swap3A_1302 = tpu.vector_load %arg11[%swap3A_1301] {strides = array<i32>} : memref<1280xf32, #tpu.memory_space<vmem>>, vector<16xf32>,
        tpu.vector_store %arg11[%swap3A_1301], %add3A_1300 {strides = array<i32>} : memref<1280xf32, #tpu.memory_space<vmem>>, vector<16xf32>,
        %get3A_1303 = arith.constant 33 : i32
        %get3A_1304 = arith.index_cast %scan3A_235 : i32 to index
        %get3A_1305 = arith.index_cast %get3A_1303 : i32 to index
        %get3A_1306 = arith.constant 0 : index
        %get3A_1307 = tpu.vector_load %arg10[%get3A_1304, %get3A_1305, %get3A_1306] {strides = array<i32>} : memref<8x80x64xf32, #tpu.memory_space<vmem>>, vector<16xf32>,
        %mul3A_1308 = arith.mulf %get3A_1206, %get3A_1307 : vector<16xf32>
        %get3A_1309 = arith.constant 33 : i32
        %get3A_1310 = arith.index_cast %scan3A_235 : i32 to index
        %get3A_1311 = arith.index_cast %get3A_1309 : i32 to index
        %get3A_1312 = arith.constant 16 : index
        %get3A_1313 = tpu.vector_load %arg10[%get3A_1310, %get3A_1311, %get3A_1312] {strides = array<i32>} : memref<8x80x64xf32, #tpu.memory_space<vmem>>, vector<16xf32>,
        %mul3A_1314 = arith.mulf %get3A_1209, %get3A_1313 : vector<16xf32>
        %add3A_1315 = arith.addf %mul3A_1308, %mul3A_1314 : vector<16xf32>
        %get3A_1316 = arith.constant 33 : i32
        %get3A_1317 = arith.index_cast %scan3A_235 : i32 to index
        %get3A_1318 = arith.index_cast %get3A_1316 : i32 to index
        %get3A_1319 = arith.constant 32 : index
        %get3A_1320 = tpu.vector_load %arg10[%get3A_1317, %get3A_1318, %get3A_1319] {strides = array<i32>} : memref<8x80x64xf32, #tpu.memory_space<vmem>>, vector<16xf32>,
        %mul3A_1321 = arith.mulf %get3A_1212, %get3A_1320 : vector<16xf32>
        %add3A_1322 = arith.addf %add3A_1315, %mul3A_1321 : vector<16xf32>
        %get3A_1323 = arith.constant 33 : i32
        %get3A_1324 = arith.index_cast %scan3A_235 : i32 to index
        %get3A_1325 = arith.index_cast %get3A_1323 : i32 to index
        %get3A_1326 = arith.constant 48 : index
        %get3A_1327 = tpu.vector_load %arg10[%get3A_1324, %get3A_1325, %get3A_1326] {strides = array<i32>} : memref<8x80x64xf32, #tpu.memory_space<vmem>>, vector<16xf32>,
        %mul3A_1328 = arith.mulf %get3A_1215, %get3A_1327 : vector<16xf32>
        %add3A_1329 = arith.addf %add3A_1322, %mul3A_1328 : vector<16xf32>
        %swap3A_1330 = arith.constant 528 : index
        %swap3A_1331 = tpu.vector_load %arg11[%swap3A_1330] {strides = array<i32>} : memref<1280xf32, #tpu.memory_space<vmem>>, vector<16xf32>,
        tpu.vector_store %arg11[%swap3A_1330], %add3A_1329 {strides = array<i32>} : memref<1280xf32, #tpu.memory_space<vmem>>, vector<16xf32>,
        %get3A_1332 = arith.constant 34 : i32
        %get3A_1333 = arith.index_cast %scan3A_235 : i32 to index
        %get3A_1334 = arith.index_cast %get3A_1332 : i32 to index
        %get3A_1335 = arith.constant 0 : index
        %get3A_1336 = tpu.vector_load %arg10[%get3A_1333, %get3A_1334, %get3A_1335] {strides = array<i32>} : memref<8x80x64xf32, #tpu.memory_space<vmem>>, vector<16xf32>,
        %mul3A_1337 = arith.mulf %get3A_1206, %get3A_1336 : vector<16xf32>
        %get3A_1338 = arith.constant 34 : i32
        %get3A_1339 = arith.index_cast %scan3A_235 : i32 to index
        %get3A_1340 = arith.index_cast %get3A_1338 : i32 to index
        %get3A_1341 = arith.constant 16 : index
        %get3A_1342 = tpu.vector_load %arg10[%get3A_1339, %get3A_1340, %get3A_1341] {strides = array<i32>} : memref<8x80x64xf32, #tpu.memory_space<vmem>>, vector<16xf32>,
        %mul3A_1343 = arith.mulf %get3A_1209, %get3A_1342 : vector<16xf32>
        %add3A_1344 = arith.addf %mul3A_1337, %mul3A_1343 : vector<16xf32>
        %get3A_1345 = arith.constant 34 : i32
        %get3A_1346 = arith.index_cast %scan3A_235 : i32 to index
        %get3A_1347 = arith.index_cast %get3A_1345 : i32 to index
        %get3A_1348 = arith.constant 32 : index
        %get3A_1349 = tpu.vector_load %arg10[%get3A_1346, %get3A_1347, %get3A_1348] {strides = array<i32>} : memref<8x80x64xf32, #tpu.memory_space<vmem>>, vector<16xf32>,
        %mul3A_1350 = arith.mulf %get3A_1212, %get3A_1349 : vector<16xf32>
        %add3A_1351 = arith.addf %add3A_1344, %mul3A_1350 : vector<16xf32>
        %get3A_1352 = arith.constant 34 : i32
        %get3A_1353 = arith.index_cast %scan3A_235 : i32 to index
        %get3A_1354 = arith.index_cast %get3A_1352 : i32 to index
        %get3A_1355 = arith.constant 48 : index
        %get3A_1356 = tpu.vector_load %arg10[%get3A_1353, %get3A_1354, %get3A_1355] {strides = array<i32>} : memref<8x80x64xf32, #tpu.memory_space<vmem>>, vector<16xf32>,
        %mul3A_1357 = arith.mulf %get3A_1215, %get3A_1356 : vector<16xf32>
        %add3A_1358 = arith.addf %add3A_1351, %mul3A_1357 : vector<16xf32>
        %swap3A_1359 = arith.constant 544 : index
        %swap3A_1360 = tpu.vector_load %arg11[%swap3A_1359] {strides = array<i32>} : memref<1280xf32, #tpu.memory_space<vmem>>, vector<16xf32>,
        tpu.vector_store %arg11[%swap3A_1359], %add3A_1358 {strides = array<i32>} : memref<1280xf32, #tpu.memory_space<vmem>>, vector<16xf32>,
        %mul3A_1361 = arith.constant 16 : i32
        %mul3A_1362 = arith.muli %scan3A_235, %mul3A_1361 : i32
        %add3A_1363 = arith.constant 7 : i32
        %add3A_1364 = arith.addi %mul3A_1362, %add3A_1363 : i32
        %get3A_1365 = arith.index_cast %add3A_1364 : i32 to index
        %get3A_1366 = arith.constant 0 : index
        %get3A_1367 = tpu.vector_load %arg9[%get3A_1365, %get3A_1366] {strides = array<i32>} : memref<128x64xf32, #tpu.memory_space<vmem>>, vector<16xf32>,
        %get3A_1368 = arith.index_cast %add3A_1364 : i32 to index
        %get3A_1369 = arith.constant 16 : index
        %get3A_1370 = tpu.vector_load %arg9[%get3A_1368, %get3A_1369] {strides = array<i32>} : memref<128x64xf32, #tpu.memory_space<vmem>>, vector<16xf32>,
        %get3A_1371 = arith.index_cast %add3A_1364 : i32 to index
        %get3A_1372 = arith.constant 32 : index
        %get3A_1373 = tpu.vector_load %arg9[%get3A_1371, %get3A_1372] {strides = array<i32>} : memref<128x64xf32, #tpu.memory_space<vmem>>, vector<16xf32>,
        %get3A_1374 = arith.index_cast %add3A_1364 : i32 to index
        %get3A_1375 = arith.constant 48 : index
        %get3A_1376 = tpu.vector_load %arg9[%get3A_1374, %get3A_1375] {strides = array<i32>} : memref<128x64xf32, #tpu.memory_space<vmem>>, vector<16xf32>,
        %get3A_1377 = arith.constant 35 : i32
        %get3A_1378 = arith.index_cast %scan3A_235 : i32 to index
        %get3A_1379 = arith.index_cast %get3A_1377 : i32 to index
        %get3A_1380 = arith.constant 0 : index
        %get3A_1381 = tpu.vector_load %arg10[%get3A_1378, %get3A_1379, %get3A_1380] {strides = array<i32>} : memref<8x80x64xf32, #tpu.memory_space<vmem>>, vector<16xf32>,
        %mul3A_1382 = arith.mulf %get3A_1367, %get3A_1381 : vector<16xf32>
        %get3A_1383 = arith.constant 35 : i32
        %get3A_1384 = arith.index_cast %scan3A_235 : i32 to index
        %get3A_1385 = arith.index_cast %get3A_1383 : i32 to index
        %get3A_1386 = arith.constant 16 : index
        %get3A_1387 = tpu.vector_load %arg10[%get3A_1384, %get3A_1385, %get3A_1386] {strides = array<i32>} : memref<8x80x64xf32, #tpu.memory_space<vmem>>, vector<16xf32>,
        %mul3A_1388 = arith.mulf %get3A_1370, %get3A_1387 : vector<16xf32>
        %add3A_1389 = arith.addf %mul3A_1382, %mul3A_1388 : vector<16xf32>
        %get3A_1390 = arith.constant 35 : i32
        %get3A_1391 = arith.index_cast %scan3A_235 : i32 to index
        %get3A_1392 = arith.index_cast %get3A_1390 : i32 to index
        %get3A_1393 = arith.constant 32 : index
        %get3A_1394 = tpu.vector_load %arg10[%get3A_1391, %get3A_1392, %get3A_1393] {strides = array<i32>} : memref<8x80x64xf32, #tpu.memory_space<vmem>>, vector<16xf32>,
        %mul3A_1395 = arith.mulf %get3A_1373, %get3A_1394 : vector<16xf32>
        %add3A_1396 = arith.addf %add3A_1389, %mul3A_1395 : vector<16xf32>
        %get3A_1397 = arith.constant 35 : i32
        %get3A_1398 = arith.index_cast %scan3A_235 : i32 to index
        %get3A_1399 = arith.index_cast %get3A_1397 : i32 to index
        %get3A_1400 = arith.constant 48 : index
        %get3A_1401 = tpu.vector_load %arg10[%get3A_1398, %get3A_1399, %get3A_1400] {strides = array<i32>} : memref<8x80x64xf32, #tpu.memory_space<vmem>>, vector<16xf32>,
        %mul3A_1402 = arith.mulf %get3A_1376, %get3A_1401 : vector<16xf32>
        %add3A_1403 = arith.addf %add3A_1396, %mul3A_1402 : vector<16xf32>
        %swap3A_1404 = arith.constant 560 : index
        %swap3A_1405 = tpu.vector_load %arg11[%swap3A_1404] {strides = array<i32>} : memref<1280xf32, #tpu.memory_space<vmem>>, vector<16xf32>,
        tpu.vector_store %arg11[%swap3A_1404], %add3A_1403 {strides = array<i32>} : memref<1280xf32, #tpu.memory_space<vmem>>, vector<16xf32>,
        %get3A_1406 = arith.constant 36 : i32
        %get3A_1407 = arith.index_cast %scan3A_235 : i32 to index
        %get3A_1408 = arith.index_cast %get3A_1406 : i32 to index
        %get3A_1409 = arith.constant 0 : index
        %get3A_1410 = tpu.vector_load %arg10[%get3A_1407, %get3A_1408, %get3A_1409] {strides = array<i32>} : memref<8x80x64xf32, #tpu.memory_space<vmem>>, vector<16xf32>,
        %mul3A_1411 = arith.mulf %get3A_1367, %get3A_1410 : vector<16xf32>
        %get3A_1412 = arith.constant 36 : i32
        %get3A_1413 = arith.index_cast %scan3A_235 : i32 to index
        %get3A_1414 = arith.index_cast %get3A_1412 : i32 to index
        %get3A_1415 = arith.constant 16 : index
        %get3A_1416 = tpu.vector_load %arg10[%get3A_1413, %get3A_1414, %get3A_1415] {strides = array<i32>} : memref<8x80x64xf32, #tpu.memory_space<vmem>>, vector<16xf32>,
        %mul3A_1417 = arith.mulf %get3A_1370, %get3A_1416 : vector<16xf32>
        %add3A_1418 = arith.addf %mul3A_1411, %mul3A_1417 : vector<16xf32>
        %get3A_1419 = arith.constant 36 : i32
        %get3A_1420 = arith.index_cast %scan3A_235 : i32 to index
        %get3A_1421 = arith.index_cast %get3A_1419 : i32 to index
        %get3A_1422 = arith.constant 32 : index
        %get3A_1423 = tpu.vector_load %arg10[%get3A_1420, %get3A_1421, %get3A_1422] {strides = array<i32>} : memref<8x80x64xf32, #tpu.memory_space<vmem>>, vector<16xf32>,
        %mul3A_1424 = arith.mulf %get3A_1373, %get3A_1423 : vector<16xf32>
        %add3A_1425 = arith.addf %add3A_1418, %mul3A_1424 : vector<16xf32>
        %get3A_1426 = arith.constant 36 : i32
        %get3A_1427 = arith.index_cast %scan3A_235 : i32 to index
        %get3A_1428 = arith.index_cast %get3A_1426 : i32 to index
        %get3A_1429 = arith.constant 48 : index
        %get3A_1430 = tpu.vector_load %arg10[%get3A_1427, %get3A_1428, %get3A_1429] {strides = array<i32>} : memref<8x80x64xf32, #tpu.memory_space<vmem>>, vector<16xf32>,
        %mul3A_1431 = arith.mulf %get3A_1376, %get3A_1430 : vector<16xf32>
        %add3A_1432 = arith.addf %add3A_1425, %mul3A_1431 : vector<16xf32>
        %swap3A_1433 = arith.constant 576 : index
        %swap3A_1434 = tpu.vector_load %arg11[%swap3A_1433] {strides = array<i32>} : memref<1280xf32, #tpu.memory_space<vmem>>, vector<16xf32>,
        tpu.vector_store %arg11[%swap3A_1433], %add3A_1432 {strides = array<i32>} : memref<1280xf32, #tpu.memory_space<vmem>>, vector<16xf32>,
        %get3A_1435 = arith.constant 37 : i32
        %get3A_1436 = arith.index_cast %scan3A_235 : i32 to index
        %get3A_1437 = arith.index_cast %get3A_1435 : i32 to index
        %get3A_1438 = arith.constant 0 : index
        %get3A_1439 = tpu.vector_load %arg10[%get3A_1436, %get3A_1437, %get3A_1438] {strides = array<i32>} : memref<8x80x64xf32, #tpu.memory_space<vmem>>, vector<16xf32>,
        %mul3A_1440 = arith.mulf %get3A_1367, %get3A_1439 : vector<16xf32>
        %get3A_1441 = arith.constant 37 : i32
        %get3A_1442 = arith.index_cast %scan3A_235 : i32 to index
        %get3A_1443 = arith.index_cast %get3A_1441 : i32 to index
        %get3A_1444 = arith.constant 16 : index
        %get3A_1445 = tpu.vector_load %arg10[%get3A_1442, %get3A_1443, %get3A_1444] {strides = array<i32>} : memref<8x80x64xf32, #tpu.memory_space<vmem>>, vector<16xf32>,
        %mul3A_1446 = arith.mulf %get3A_1370, %get3A_1445 : vector<16xf32>
        %add3A_1447 = arith.addf %mul3A_1440, %mul3A_1446 : vector<16xf32>
        %get3A_1448 = arith.constant 37 : i32
        %get3A_1449 = arith.index_cast %scan3A_235 : i32 to index
        %get3A_1450 = arith.index_cast %get3A_1448 : i32 to index
        %get3A_1451 = arith.constant 32 : index
        %get3A_1452 = tpu.vector_load %arg10[%get3A_1449, %get3A_1450, %get3A_1451] {strides = array<i32>} : memref<8x80x64xf32, #tpu.memory_space<vmem>>, vector<16xf32>,
        %mul3A_1453 = arith.mulf %get3A_1373, %get3A_1452 : vector<16xf32>
        %add3A_1454 = arith.addf %add3A_1447, %mul3A_1453 : vector<16xf32>
        %get3A_1455 = arith.constant 37 : i32
        %get3A_1456 = arith.index_cast %scan3A_235 : i32 to index
        %get3A_1457 = arith.index_cast %get3A_1455 : i32 to index
        %get3A_1458 = arith.constant 48 : index
        %get3A_1459 = tpu.vector_load %arg10[%get3A_1456, %get3A_1457, %get3A_1458] {strides = array<i32>} : memref<8x80x64xf32, #tpu.memory_space<vmem>>, vector<16xf32>,
        %mul3A_1460 = arith.mulf %get3A_1376, %get3A_1459 : vector<16xf32>
        %add3A_1461 = arith.addf %add3A_1454, %mul3A_1460 : vector<16xf32>
        %swap3A_1462 = arith.constant 592 : index
        %swap3A_1463 = tpu.vector_load %arg11[%swap3A_1462] {strides = array<i32>} : memref<1280xf32, #tpu.memory_space<vmem>>, vector<16xf32>,
        tpu.vector_store %arg11[%swap3A_1462], %add3A_1461 {strides = array<i32>} : memref<1280xf32, #tpu.memory_space<vmem>>, vector<16xf32>,
        %get3A_1464 = arith.constant 38 : i32
        %get3A_1465 = arith.index_cast %scan3A_235 : i32 to index
        %get3A_1466 = arith.index_cast %get3A_1464 : i32 to index
        %get3A_1467 = arith.constant 0 : index
        %get3A_1468 = tpu.vector_load %arg10[%get3A_1465, %get3A_1466, %get3A_1467] {strides = array<i32>} : memref<8x80x64xf32, #tpu.memory_space<vmem>>, vector<16xf32>,
        %mul3A_1469 = arith.mulf %get3A_1367, %get3A_1468 : vector<16xf32>
        %get3A_1470 = arith.constant 38 : i32
        %get3A_1471 = arith.index_cast %scan3A_235 : i32 to index
        %get3A_1472 = arith.index_cast %get3A_1470 : i32 to index
        %get3A_1473 = arith.constant 16 : index
        %get3A_1474 = tpu.vector_load %arg10[%get3A_1471, %get3A_1472, %get3A_1473] {strides = array<i32>} : memref<8x80x64xf32, #tpu.memory_space<vmem>>, vector<16xf32>,
        %mul3A_1475 = arith.mulf %get3A_1370, %get3A_1474 : vector<16xf32>
        %add3A_1476 = arith.addf %mul3A_1469, %mul3A_1475 : vector<16xf32>
        %get3A_1477 = arith.constant 38 : i32
        %get3A_1478 = arith.index_cast %scan3A_235 : i32 to index
        %get3A_1479 = arith.index_cast %get3A_1477 : i32 to index
        %get3A_1480 = arith.constant 32 : index
        %get3A_1481 = tpu.vector_load %arg10[%get3A_1478, %get3A_1479, %get3A_1480] {strides = array<i32>} : memref<8x80x64xf32, #tpu.memory_space<vmem>>, vector<16xf32>,
        %mul3A_1482 = arith.mulf %get3A_1373, %get3A_1481 : vector<16xf32>
        %add3A_1483 = arith.addf %add3A_1476, %mul3A_1482 : vector<16xf32>
        %get3A_1484 = arith.constant 38 : i32
        %get3A_1485 = arith.index_cast %scan3A_235 : i32 to index
        %get3A_1486 = arith.index_cast %get3A_1484 : i32 to index
        %get3A_1487 = arith.constant 48 : index
        %get3A_1488 = tpu.vector_load %arg10[%get3A_1485, %get3A_1486, %get3A_1487] {strides = array<i32>} : memref<8x80x64xf32, #tpu.memory_space<vmem>>, vector<16xf32>,
        %mul3A_1489 = arith.mulf %get3A_1376, %get3A_1488 : vector<16xf32>
        %add3A_1490 = arith.addf %add3A_1483, %mul3A_1489 : vector<16xf32>
        %swap3A_1491 = arith.constant 608 : index
        %swap3A_1492 = tpu.vector_load %arg11[%swap3A_1491] {strides = array<i32>} : memref<1280xf32, #tpu.memory_space<vmem>>, vector<16xf32>,
        tpu.vector_store %arg11[%swap3A_1491], %add3A_1490 {strides = array<i32>} : memref<1280xf32, #tpu.memory_space<vmem>>, vector<16xf32>,
        %get3A_1493 = arith.constant 39 : i32
        %get3A_1494 = arith.index_cast %scan3A_235 : i32 to index
        %get3A_1495 = arith.index_cast %get3A_1493 : i32 to index
        %get3A_1496 = arith.constant 0 : index
        %get3A_1497 = tpu.vector_load %arg10[%get3A_1494, %get3A_1495, %get3A_1496] {strides = array<i32>} : memref<8x80x64xf32, #tpu.memory_space<vmem>>, vector<16xf32>,
        %mul3A_1498 = arith.mulf %get3A_1367, %get3A_1497 : vector<16xf32>
        %get3A_1499 = arith.constant 39 : i32
        %get3A_1500 = arith.index_cast %scan3A_235 : i32 to index
        %get3A_1501 = arith.index_cast %get3A_1499 : i32 to index
        %get3A_1502 = arith.constant 16 : index
        %get3A_1503 = tpu.vector_load %arg10[%get3A_1500, %get3A_1501, %get3A_1502] {strides = array<i32>} : memref<8x80x64xf32, #tpu.memory_space<vmem>>, vector<16xf32>,
        %mul3A_1504 = arith.mulf %get3A_1370, %get3A_1503 : vector<16xf32>
        %add3A_1505 = arith.addf %mul3A_1498, %mul3A_1504 : vector<16xf32>
        %get3A_1506 = arith.constant 39 : i32
        %get3A_1507 = arith.index_cast %scan3A_235 : i32 to index
        %get3A_1508 = arith.index_cast %get3A_1506 : i32 to index
        %get3A_1509 = arith.constant 32 : index
        %get3A_1510 = tpu.vector_load %arg10[%get3A_1507, %get3A_1508, %get3A_1509] {strides = array<i32>} : memref<8x80x64xf32, #tpu.memory_space<vmem>>, vector<16xf32>,
        %mul3A_1511 = arith.mulf %get3A_1373, %get3A_1510 : vector<16xf32>
        %add3A_1512 = arith.addf %add3A_1505, %mul3A_1511 : vector<16xf32>
        %get3A_1513 = arith.constant 39 : i32
        %get3A_1514 = arith.index_cast %scan3A_235 : i32 to index
        %get3A_1515 = arith.index_cast %get3A_1513 : i32 to index
        %get3A_1516 = arith.constant 48 : index
        %get3A_1517 = tpu.vector_load %arg10[%get3A_1514, %get3A_1515, %get3A_1516] {strides = array<i32>} : memref<8x80x64xf32, #tpu.memory_space<vmem>>, vector<16xf32>,
        %mul3A_1518 = arith.mulf %get3A_1376, %get3A_1517 : vector<16xf32>
        %add3A_1519 = arith.addf %add3A_1512, %mul3A_1518 : vector<16xf32>
        %swap3A_1520 = arith.constant 624 : index
        %swap3A_1521 = tpu.vector_load %arg11[%swap3A_1520] {strides = array<i32>} : memref<1280xf32, #tpu.memory_space<vmem>>, vector<16xf32>,
        tpu.vector_store %arg11[%swap3A_1520], %add3A_1519 {strides = array<i32>} : memref<1280xf32, #tpu.memory_space<vmem>>, vector<16xf32>,
        %mul3A_1522 = arith.constant 16 : i32
        %mul3A_1523 = arith.muli %scan3A_235, %mul3A_1522 : i32
        %add3A_1524 = arith.constant 8 : i32
        %add3A_1525 = arith.addi %mul3A_1523, %add3A_1524 : i32
        %get3A_1526 = arith.index_cast %add3A_1525 : i32 to index
        %get3A_1527 = arith.constant 0 : index
        %get3A_1528 = tpu.vector_load %arg9[%get3A_1526, %get3A_1527] {strides = array<i32>} : memref<128x64xf32, #tpu.memory_space<vmem>>, vector<16xf32>,
        %get3A_1529 = arith.index_cast %add3A_1525 : i32 to index
        %get3A_1530 = arith.constant 16 : index
        %get3A_1531 = tpu.vector_load %arg9[%get3A_1529, %get3A_1530] {strides = array<i32>} : memref<128x64xf32, #tpu.memory_space<vmem>>, vector<16xf32>,
        %get3A_1532 = arith.index_cast %add3A_1525 : i32 to index
        %get3A_1533 = arith.constant 32 : index
        %get3A_1534 = tpu.vector_load %arg9[%get3A_1532, %get3A_1533] {strides = array<i32>} : memref<128x64xf32, #tpu.memory_space<vmem>>, vector<16xf32>,
        %get3A_1535 = arith.index_cast %add3A_1525 : i32 to index
        %get3A_1536 = arith.constant 48 : index
        %get3A_1537 = tpu.vector_load %arg9[%get3A_1535, %get3A_1536] {strides = array<i32>} : memref<128x64xf32, #tpu.memory_space<vmem>>, vector<16xf32>,
        %get3A_1538 = arith.constant 40 : i32
        %get3A_1539 = arith.index_cast %scan3A_235 : i32 to index
        %get3A_1540 = arith.index_cast %get3A_1538 : i32 to index
        %get3A_1541 = arith.constant 0 : index
        %get3A_1542 = tpu.vector_load %arg10[%get3A_1539, %get3A_1540, %get3A_1541] {strides = array<i32>} : memref<8x80x64xf32, #tpu.memory_space<vmem>>, vector<16xf32>,
        %mul3A_1543 = arith.mulf %get3A_1528, %get3A_1542 : vector<16xf32>
        %get3A_1544 = arith.constant 40 : i32
        %get3A_1545 = arith.index_cast %scan3A_235 : i32 to index
        %get3A_1546 = arith.index_cast %get3A_1544 : i32 to index
        %get3A_1547 = arith.constant 16 : index
        %get3A_1548 = tpu.vector_load %arg10[%get3A_1545, %get3A_1546, %get3A_1547] {strides = array<i32>} : memref<8x80x64xf32, #tpu.memory_space<vmem>>, vector<16xf32>,
        %mul3A_1549 = arith.mulf %get3A_1531, %get3A_1548 : vector<16xf32>
        %add3A_1550 = arith.addf %mul3A_1543, %mul3A_1549 : vector<16xf32>
        %get3A_1551 = arith.constant 40 : i32
        %get3A_1552 = arith.index_cast %scan3A_235 : i32 to index
        %get3A_1553 = arith.index_cast %get3A_1551 : i32 to index
        %get3A_1554 = arith.constant 32 : index
        %get3A_1555 = tpu.vector_load %arg10[%get3A_1552, %get3A_1553, %get3A_1554] {strides = array<i32>} : memref<8x80x64xf32, #tpu.memory_space<vmem>>, vector<16xf32>,
        %mul3A_1556 = arith.mulf %get3A_1534, %get3A_1555 : vector<16xf32>
        %add3A_1557 = arith.addf %add3A_1550, %mul3A_1556 : vector<16xf32>
        %get3A_1558 = arith.constant 40 : i32
        %get3A_1559 = arith.index_cast %scan3A_235 : i32 to index
        %get3A_1560 = arith.index_cast %get3A_1558 : i32 to index
        %get3A_1561 = arith.constant 48 : index
        %get3A_1562 = tpu.vector_load %arg10[%get3A_1559, %get3A_1560, %get3A_1561] {strides = array<i32>} : memref<8x80x64xf32, #tpu.memory_space<vmem>>, vector<16xf32>,
        %mul3A_1563 = arith.mulf %get3A_1537, %get3A_1562 : vector<16xf32>
        %add3A_1564 = arith.addf %add3A_1557, %mul3A_1563 : vector<16xf32>
        %swap3A_1565 = arith.constant 640 : index
        %swap3A_1566 = tpu.vector_load %arg11[%swap3A_1565] {strides = array<i32>} : memref<1280xf32, #tpu.memory_space<vmem>>, vector<16xf32>,
        tpu.vector_store %arg11[%swap3A_1565], %add3A_1564 {strides = array<i32>} : memref<1280xf32, #tpu.memory_space<vmem>>, vector<16xf32>,
        %get3A_1567 = arith.constant 41 : i32
        %get3A_1568 = arith.index_cast %scan3A_235 : i32 to index
        %get3A_1569 = arith.index_cast %get3A_1567 : i32 to index
        %get3A_1570 = arith.constant 0 : index
        %get3A_1571 = tpu.vector_load %arg10[%get3A_1568, %get3A_1569, %get3A_1570] {strides = array<i32>} : memref<8x80x64xf32, #tpu.memory_space<vmem>>, vector<16xf32>,
        %mul3A_1572 = arith.mulf %get3A_1528, %get3A_1571 : vector<16xf32>
        %get3A_1573 = arith.constant 41 : i32
        %get3A_1574 = arith.index_cast %scan3A_235 : i32 to index
        %get3A_1575 = arith.index_cast %get3A_1573 : i32 to index
        %get3A_1576 = arith.constant 16 : index
        %get3A_1577 = tpu.vector_load %arg10[%get3A_1574, %get3A_1575, %get3A_1576] {strides = array<i32>} : memref<8x80x64xf32, #tpu.memory_space<vmem>>, vector<16xf32>,
        %mul3A_1578 = arith.mulf %get3A_1531, %get3A_1577 : vector<16xf32>
        %add3A_1579 = arith.addf %mul3A_1572, %mul3A_1578 : vector<16xf32>
        %get3A_1580 = arith.constant 41 : i32
        %get3A_1581 = arith.index_cast %scan3A_235 : i32 to index
        %get3A_1582 = arith.index_cast %get3A_1580 : i32 to index
        %get3A_1583 = arith.constant 32 : index
        %get3A_1584 = tpu.vector_load %arg10[%get3A_1581, %get3A_1582, %get3A_1583] {strides = array<i32>} : memref<8x80x64xf32, #tpu.memory_space<vmem>>, vector<16xf32>,
        %mul3A_1585 = arith.mulf %get3A_1534, %get3A_1584 : vector<16xf32>
        %add3A_1586 = arith.addf %add3A_1579, %mul3A_1585 : vector<16xf32>
        %get3A_1587 = arith.constant 41 : i32
        %get3A_1588 = arith.index_cast %scan3A_235 : i32 to index
        %get3A_1589 = arith.index_cast %get3A_1587 : i32 to index
        %get3A_1590 = arith.constant 48 : index
        %get3A_1591 = tpu.vector_load %arg10[%get3A_1588, %get3A_1589, %get3A_1590] {strides = array<i32>} : memref<8x80x64xf32, #tpu.memory_space<vmem>>, vector<16xf32>,
        %mul3A_1592 = arith.mulf %get3A_1537, %get3A_1591 : vector<16xf32>
        %add3A_1593 = arith.addf %add3A_1586, %mul3A_1592 : vector<16xf32>
        %swap3A_1594 = arith.constant 656 : index
        %swap3A_1595 = tpu.vector_load %arg11[%swap3A_1594] {strides = array<i32>} : memref<1280xf32, #tpu.memory_space<vmem>>, vector<16xf32>,
        tpu.vector_store %arg11[%swap3A_1594], %add3A_1593 {strides = array<i32>} : memref<1280xf32, #tpu.memory_space<vmem>>, vector<16xf32>,
        %get3A_1596 = arith.constant 42 : i32
        %get3A_1597 = arith.index_cast %scan3A_235 : i32 to index
        %get3A_1598 = arith.index_cast %get3A_1596 : i32 to index
        %get3A_1599 = arith.constant 0 : index
        %get3A_1600 = tpu.vector_load %arg10[%get3A_1597, %get3A_1598, %get3A_1599] {strides = array<i32>} : memref<8x80x64xf32, #tpu.memory_space<vmem>>, vector<16xf32>,
        %mul3A_1601 = arith.mulf %get3A_1528, %get3A_1600 : vector<16xf32>
        %get3A_1602 = arith.constant 42 : i32
        %get3A_1603 = arith.index_cast %scan3A_235 : i32 to index
        %get3A_1604 = arith.index_cast %get3A_1602 : i32 to index
        %get3A_1605 = arith.constant 16 : index
        %get3A_1606 = tpu.vector_load %arg10[%get3A_1603, %get3A_1604, %get3A_1605] {strides = array<i32>} : memref<8x80x64xf32, #tpu.memory_space<vmem>>, vector<16xf32>,
        %mul3A_1607 = arith.mulf %get3A_1531, %get3A_1606 : vector<16xf32>
        %add3A_1608 = arith.addf %mul3A_1601, %mul3A_1607 : vector<16xf32>
        %get3A_1609 = arith.constant 42 : i32
        %get3A_1610 = arith.index_cast %scan3A_235 : i32 to index
        %get3A_1611 = arith.index_cast %get3A_1609 : i32 to index
        %get3A_1612 = arith.constant 32 : index
        %get3A_1613 = tpu.vector_load %arg10[%get3A_1610, %get3A_1611, %get3A_1612] {strides = array<i32>} : memref<8x80x64xf32, #tpu.memory_space<vmem>>, vector<16xf32>,
        %mul3A_1614 = arith.mulf %get3A_1534, %get3A_1613 : vector<16xf32>
        %add3A_1615 = arith.addf %add3A_1608, %mul3A_1614 : vector<16xf32>
        %get3A_1616 = arith.constant 42 : i32
        %get3A_1617 = arith.index_cast %scan3A_235 : i32 to index
        %get3A_1618 = arith.index_cast %get3A_1616 : i32 to index
        %get3A_1619 = arith.constant 48 : index
        %get3A_1620 = tpu.vector_load %arg10[%get3A_1617, %get3A_1618, %get3A_1619] {strides = array<i32>} : memref<8x80x64xf32, #tpu.memory_space<vmem>>, vector<16xf32>,
        %mul3A_1621 = arith.mulf %get3A_1537, %get3A_1620 : vector<16xf32>
        %add3A_1622 = arith.addf %add3A_1615, %mul3A_1621 : vector<16xf32>
        %swap3A_1623 = arith.constant 672 : index
        %swap3A_1624 = tpu.vector_load %arg11[%swap3A_1623] {strides = array<i32>} : memref<1280xf32, #tpu.memory_space<vmem>>, vector<16xf32>,
        tpu.vector_store %arg11[%swap3A_1623], %add3A_1622 {strides = array<i32>} : memref<1280xf32, #tpu.memory_space<vmem>>, vector<16xf32>,
        %get3A_1625 = arith.constant 43 : i32
        %get3A_1626 = arith.index_cast %scan3A_235 : i32 to index
        %get3A_1627 = arith.index_cast %get3A_1625 : i32 to index
        %get3A_1628 = arith.constant 0 : index
        %get3A_1629 = tpu.vector_load %arg10[%get3A_1626, %get3A_1627, %get3A_1628] {strides = array<i32>} : memref<8x80x64xf32, #tpu.memory_space<vmem>>, vector<16xf32>,
        %mul3A_1630 = arith.mulf %get3A_1528, %get3A_1629 : vector<16xf32>
        %get3A_1631 = arith.constant 43 : i32
        %get3A_1632 = arith.index_cast %scan3A_235 : i32 to index
        %get3A_1633 = arith.index_cast %get3A_1631 : i32 to index
        %get3A_1634 = arith.constant 16 : index
        %get3A_1635 = tpu.vector_load %arg10[%get3A_1632, %get3A_1633, %get3A_1634] {strides = array<i32>} : memref<8x80x64xf32, #tpu.memory_space<vmem>>, vector<16xf32>,
        %mul3A_1636 = arith.mulf %get3A_1531, %get3A_1635 : vector<16xf32>
        %add3A_1637 = arith.addf %mul3A_1630, %mul3A_1636 : vector<16xf32>
        %get3A_1638 = arith.constant 43 : i32
        %get3A_1639 = arith.index_cast %scan3A_235 : i32 to index
        %get3A_1640 = arith.index_cast %get3A_1638 : i32 to index
        %get3A_1641 = arith.constant 32 : index
        %get3A_1642 = tpu.vector_load %arg10[%get3A_1639, %get3A_1640, %get3A_1641] {strides = array<i32>} : memref<8x80x64xf32, #tpu.memory_space<vmem>>, vector<16xf32>,
        %mul3A_1643 = arith.mulf %get3A_1534, %get3A_1642 : vector<16xf32>
        %add3A_1644 = arith.addf %add3A_1637, %mul3A_1643 : vector<16xf32>
        %get3A_1645 = arith.constant 43 : i32
        %get3A_1646 = arith.index_cast %scan3A_235 : i32 to index
        %get3A_1647 = arith.index_cast %get3A_1645 : i32 to index
        %get3A_1648 = arith.constant 48 : index
        %get3A_1649 = tpu.vector_load %arg10[%get3A_1646, %get3A_1647, %get3A_1648] {strides = array<i32>} : memref<8x80x64xf32, #tpu.memory_space<vmem>>, vector<16xf32>,
        %mul3A_1650 = arith.mulf %get3A_1537, %get3A_1649 : vector<16xf32>
        %add3A_1651 = arith.addf %add3A_1644, %mul3A_1650 : vector<16xf32>
        %swap3A_1652 = arith.constant 688 : index
        %swap3A_1653 = tpu.vector_load %arg11[%swap3A_1652] {strides = array<i32>} : memref<1280xf32, #tpu.memory_space<vmem>>, vector<16xf32>,
        tpu.vector_store %arg11[%swap3A_1652], %add3A_1651 {strides = array<i32>} : memref<1280xf32, #tpu.memory_space<vmem>>, vector<16xf32>,
        %get3A_1654 = arith.constant 44 : i32
        %get3A_1655 = arith.index_cast %scan3A_235 : i32 to index
        %get3A_1656 = arith.index_cast %get3A_1654 : i32 to index
        %get3A_1657 = arith.constant 0 : index
        %get3A_1658 = tpu.vector_load %arg10[%get3A_1655, %get3A_1656, %get3A_1657] {strides = array<i32>} : memref<8x80x64xf32, #tpu.memory_space<vmem>>, vector<16xf32>,
        %mul3A_1659 = arith.mulf %get3A_1528, %get3A_1658 : vector<16xf32>
        %get3A_1660 = arith.constant 44 : i32
        %get3A_1661 = arith.index_cast %scan3A_235 : i32 to index
        %get3A_1662 = arith.index_cast %get3A_1660 : i32 to index
        %get3A_1663 = arith.constant 16 : index
        %get3A_1664 = tpu.vector_load %arg10[%get3A_1661, %get3A_1662, %get3A_1663] {strides = array<i32>} : memref<8x80x64xf32, #tpu.memory_space<vmem>>, vector<16xf32>,
        %mul3A_1665 = arith.mulf %get3A_1531, %get3A_1664 : vector<16xf32>
        %add3A_1666 = arith.addf %mul3A_1659, %mul3A_1665 : vector<16xf32>
        %get3A_1667 = arith.constant 44 : i32
        %get3A_1668 = arith.index_cast %scan3A_235 : i32 to index
        %get3A_1669 = arith.index_cast %get3A_1667 : i32 to index
        %get3A_1670 = arith.constant 32 : index
        %get3A_1671 = tpu.vector_load %arg10[%get3A_1668, %get3A_1669, %get3A_1670] {strides = array<i32>} : memref<8x80x64xf32, #tpu.memory_space<vmem>>, vector<16xf32>,
        %mul3A_1672 = arith.mulf %get3A_1534, %get3A_1671 : vector<16xf32>
        %add3A_1673 = arith.addf %add3A_1666, %mul3A_1672 : vector<16xf32>
        %get3A_1674 = arith.constant 44 : i32
        %get3A_1675 = arith.index_cast %scan3A_235 : i32 to index
        %get3A_1676 = arith.index_cast %get3A_1674 : i32 to index
        %get3A_1677 = arith.constant 48 : index
        %get3A_1678 = tpu.vector_load %arg10[%get3A_1675, %get3A_1676, %get3A_1677] {strides = array<i32>} : memref<8x80x64xf32, #tpu.memory_space<vmem>>, vector<16xf32>,
        %mul3A_1679 = arith.mulf %get3A_1537, %get3A_1678 : vector<16xf32>
        %add3A_1680 = arith.addf %add3A_1673, %mul3A_1679 : vector<16xf32>
        %swap3A_1681 = arith.constant 704 : index
        %swap3A_1682 = tpu.vector_load %arg11[%swap3A_1681] {strides = array<i32>} : memref<1280xf32, #tpu.memory_space<vmem>>, vector<16xf32>,
        tpu.vector_store %arg11[%swap3A_1681], %add3A_1680 {strides = array<i32>} : memref<1280xf32, #tpu.memory_space<vmem>>, vector<16xf32>,
        %mul3A_1683 = arith.constant 16 : i32
        %mul3A_1684 = arith.muli %scan3A_235, %mul3A_1683 : i32
        %add3A_1685 = arith.constant 9 : i32
        %add3A_1686 = arith.addi %mul3A_1684, %add3A_1685 : i32
        %get3A_1687 = arith.index_cast %add3A_1686 : i32 to index
        %get3A_1688 = arith.constant 0 : index
        %get3A_1689 = tpu.vector_load %arg9[%get3A_1687, %get3A_1688] {strides = array<i32>} : memref<128x64xf32, #tpu.memory_space<vmem>>, vector<16xf32>,
        %get3A_1690 = arith.index_cast %add3A_1686 : i32 to index
        %get3A_1691 = arith.constant 16 : index
        %get3A_1692 = tpu.vector_load %arg9[%get3A_1690, %get3A_1691] {strides = array<i32>} : memref<128x64xf32, #tpu.memory_space<vmem>>, vector<16xf32>,
        %get3A_1693 = arith.index_cast %add3A_1686 : i32 to index
        %get3A_1694 = arith.constant 32 : index
        %get3A_1695 = tpu.vector_load %arg9[%get3A_1693, %get3A_1694] {strides = array<i32>} : memref<128x64xf32, #tpu.memory_space<vmem>>, vector<16xf32>,
        %get3A_1696 = arith.index_cast %add3A_1686 : i32 to index
        %get3A_1697 = arith.constant 48 : index
        %get3A_1698 = tpu.vector_load %arg9[%get3A_1696, %get3A_1697] {strides = array<i32>} : memref<128x64xf32, #tpu.memory_space<vmem>>, vector<16xf32>,
        %get3A_1699 = arith.constant 45 : i32
        %get3A_1700 = arith.index_cast %scan3A_235 : i32 to index
        %get3A_1701 = arith.index_cast %get3A_1699 : i32 to index
        %get3A_1702 = arith.constant 0 : index
        %get3A_1703 = tpu.vector_load %arg10[%get3A_1700, %get3A_1701, %get3A_1702] {strides = array<i32>} : memref<8x80x64xf32, #tpu.memory_space<vmem>>, vector<16xf32>,
        %mul3A_1704 = arith.mulf %get3A_1689, %get3A_1703 : vector<16xf32>
        %get3A_1705 = arith.constant 45 : i32
        %get3A_1706 = arith.index_cast %scan3A_235 : i32 to index
        %get3A_1707 = arith.index_cast %get3A_1705 : i32 to index
        %get3A_1708 = arith.constant 16 : index
        %get3A_1709 = tpu.vector_load %arg10[%get3A_1706, %get3A_1707, %get3A_1708] {strides = array<i32>} : memref<8x80x64xf32, #tpu.memory_space<vmem>>, vector<16xf32>,
        %mul3A_1710 = arith.mulf %get3A_1692, %get3A_1709 : vector<16xf32>
        %add3A_1711 = arith.addf %mul3A_1704, %mul3A_1710 : vector<16xf32>
        %get3A_1712 = arith.constant 45 : i32
        %get3A_1713 = arith.index_cast %scan3A_235 : i32 to index
        %get3A_1714 = arith.index_cast %get3A_1712 : i32 to index
        %get3A_1715 = arith.constant 32 : index
        %get3A_1716 = tpu.vector_load %arg10[%get3A_1713, %get3A_1714, %get3A_1715] {strides = array<i32>} : memref<8x80x64xf32, #tpu.memory_space<vmem>>, vector<16xf32>,
        %mul3A_1717 = arith.mulf %get3A_1695, %get3A_1716 : vector<16xf32>
        %add3A_1718 = arith.addf %add3A_1711, %mul3A_1717 : vector<16xf32>
        %get3A_1719 = arith.constant 45 : i32
        %get3A_1720 = arith.index_cast %scan3A_235 : i32 to index
        %get3A_1721 = arith.index_cast %get3A_1719 : i32 to index
        %get3A_1722 = arith.constant 48 : index
        %get3A_1723 = tpu.vector_load %arg10[%get3A_1720, %get3A_1721, %get3A_1722] {strides = array<i32>} : memref<8x80x64xf32, #tpu.memory_space<vmem>>, vector<16xf32>,
        %mul3A_1724 = arith.mulf %get3A_1698, %get3A_1723 : vector<16xf32>
        %add3A_1725 = arith.addf %add3A_1718, %mul3A_1724 : vector<16xf32>
        %swap3A_1726 = arith.constant 720 : index
        %swap3A_1727 = tpu.vector_load %arg11[%swap3A_1726] {strides = array<i32>} : memref<1280xf32, #tpu.memory_space<vmem>>, vector<16xf32>,
        tpu.vector_store %arg11[%swap3A_1726], %add3A_1725 {strides = array<i32>} : memref<1280xf32, #tpu.memory_space<vmem>>, vector<16xf32>,
        %get3A_1728 = arith.constant 46 : i32
        %get3A_1729 = arith.index_cast %scan3A_235 : i32 to index
        %get3A_1730 = arith.index_cast %get3A_1728 : i32 to index
        %get3A_1731 = arith.constant 0 : index
        %get3A_1732 = tpu.vector_load %arg10[%get3A_1729, %get3A_1730, %get3A_1731] {strides = array<i32>} : memref<8x80x64xf32, #tpu.memory_space<vmem>>, vector<16xf32>,
        %mul3A_1733 = arith.mulf %get3A_1689, %get3A_1732 : vector<16xf32>
        %get3A_1734 = arith.constant 46 : i32
        %get3A_1735 = arith.index_cast %scan3A_235 : i32 to index
        %get3A_1736 = arith.index_cast %get3A_1734 : i32 to index
        %get3A_1737 = arith.constant 16 : index
        %get3A_1738 = tpu.vector_load %arg10[%get3A_1735, %get3A_1736, %get3A_1737] {strides = array<i32>} : memref<8x80x64xf32, #tpu.memory_space<vmem>>, vector<16xf32>,
        %mul3A_1739 = arith.mulf %get3A_1692, %get3A_1738 : vector<16xf32>
        %add3A_1740 = arith.addf %mul3A_1733, %mul3A_1739 : vector<16xf32>
        %get3A_1741 = arith.constant 46 : i32
        %get3A_1742 = arith.index_cast %scan3A_235 : i32 to index
        %get3A_1743 = arith.index_cast %get3A_1741 : i32 to index
        %get3A_1744 = arith.constant 32 : index
        %get3A_1745 = tpu.vector_load %arg10[%get3A_1742, %get3A_1743, %get3A_1744] {strides = array<i32>} : memref<8x80x64xf32, #tpu.memory_space<vmem>>, vector<16xf32>,
        %mul3A_1746 = arith.mulf %get3A_1695, %get3A_1745 : vector<16xf32>
        %add3A_1747 = arith.addf %add3A_1740, %mul3A_1746 : vector<16xf32>
        %get3A_1748 = arith.constant 46 : i32
        %get3A_1749 = arith.index_cast %scan3A_235 : i32 to index
        %get3A_1750 = arith.index_cast %get3A_1748 : i32 to index
        %get3A_1751 = arith.constant 48 : index
        %get3A_1752 = tpu.vector_load %arg10[%get3A_1749, %get3A_1750, %get3A_1751] {strides = array<i32>} : memref<8x80x64xf32, #tpu.memory_space<vmem>>, vector<16xf32>,
        %mul3A_1753 = arith.mulf %get3A_1698, %get3A_1752 : vector<16xf32>
        %add3A_1754 = arith.addf %add3A_1747, %mul3A_1753 : vector<16xf32>
        %swap3A_1755 = arith.constant 736 : index
        %swap3A_1756 = tpu.vector_load %arg11[%swap3A_1755] {strides = array<i32>} : memref<1280xf32, #tpu.memory_space<vmem>>, vector<16xf32>,
        tpu.vector_store %arg11[%swap3A_1755], %add3A_1754 {strides = array<i32>} : memref<1280xf32, #tpu.memory_space<vmem>>, vector<16xf32>,
        %get3A_1757 = arith.constant 47 : i32
        %get3A_1758 = arith.index_cast %scan3A_235 : i32 to index
        %get3A_1759 = arith.index_cast %get3A_1757 : i32 to index
        %get3A_1760 = arith.constant 0 : index
        %get3A_1761 = tpu.vector_load %arg10[%get3A_1758, %get3A_1759, %get3A_1760] {strides = array<i32>} : memref<8x80x64xf32, #tpu.memory_space<vmem>>, vector<16xf32>,
        %mul3A_1762 = arith.mulf %get3A_1689, %get3A_1761 : vector<16xf32>
        %get3A_1763 = arith.constant 47 : i32
        %get3A_1764 = arith.index_cast %scan3A_235 : i32 to index
        %get3A_1765 = arith.index_cast %get3A_1763 : i32 to index
        %get3A_1766 = arith.constant 16 : index
        %get3A_1767 = tpu.vector_load %arg10[%get3A_1764, %get3A_1765, %get3A_1766] {strides = array<i32>} : memref<8x80x64xf32, #tpu.memory_space<vmem>>, vector<16xf32>,
        %mul3A_1768 = arith.mulf %get3A_1692, %get3A_1767 : vector<16xf32>
        %add3A_1769 = arith.addf %mul3A_1762, %mul3A_1768 : vector<16xf32>
        %get3A_1770 = arith.constant 47 : i32
        %get3A_1771 = arith.index_cast %scan3A_235 : i32 to index
        %get3A_1772 = arith.index_cast %get3A_1770 : i32 to index
        %get3A_1773 = arith.constant 32 : index
        %get3A_1774 = tpu.vector_load %arg10[%get3A_1771, %get3A_1772, %get3A_1773] {strides = array<i32>} : memref<8x80x64xf32, #tpu.memory_space<vmem>>, vector<16xf32>,
        %mul3A_1775 = arith.mulf %get3A_1695, %get3A_1774 : vector<16xf32>
        %add3A_1776 = arith.addf %add3A_1769, %mul3A_1775 : vector<16xf32>
        %get3A_1777 = arith.constant 47 : i32
        %get3A_1778 = arith.index_cast %scan3A_235 : i32 to index
        %get3A_1779 = arith.index_cast %get3A_1777 : i32 to index
        %get3A_1780 = arith.constant 48 : index
        %get3A_1781 = tpu.vector_load %arg10[%get3A_1778, %get3A_1779, %get3A_1780] {strides = array<i32>} : memref<8x80x64xf32, #tpu.memory_space<vmem>>, vector<16xf32>,
        %mul3A_1782 = arith.mulf %get3A_1698, %get3A_1781 : vector<16xf32>
        %add3A_1783 = arith.addf %add3A_1776, %mul3A_1782 : vector<16xf32>
        %swap3A_1784 = arith.constant 752 : index
        %swap3A_1785 = tpu.vector_load %arg11[%swap3A_1784] {strides = array<i32>} : memref<1280xf32, #tpu.memory_space<vmem>>, vector<16xf32>,
        tpu.vector_store %arg11[%swap3A_1784], %add3A_1783 {strides = array<i32>} : memref<1280xf32, #tpu.memory_space<vmem>>, vector<16xf32>,
        %get3A_1786 = arith.constant 48 : i32
        %get3A_1787 = arith.index_cast %scan3A_235 : i32 to index
        %get3A_1788 = arith.index_cast %get3A_1786 : i32 to index
        %get3A_1789 = arith.constant 0 : index
        %get3A_1790 = tpu.vector_load %arg10[%get3A_1787, %get3A_1788, %get3A_1789] {strides = array<i32>} : memref<8x80x64xf32, #tpu.memory_space<vmem>>, vector<16xf32>,
        %mul3A_1791 = arith.mulf %get3A_1689, %get3A_1790 : vector<16xf32>
        %get3A_1792 = arith.constant 48 : i32
        %get3A_1793 = arith.index_cast %scan3A_235 : i32 to index
        %get3A_1794 = arith.index_cast %get3A_1792 : i32 to index
        %get3A_1795 = arith.constant 16 : index
        %get3A_1796 = tpu.vector_load %arg10[%get3A_1793, %get3A_1794, %get3A_1795] {strides = array<i32>} : memref<8x80x64xf32, #tpu.memory_space<vmem>>, vector<16xf32>,
        %mul3A_1797 = arith.mulf %get3A_1692, %get3A_1796 : vector<16xf32>
        %add3A_1798 = arith.addf %mul3A_1791, %mul3A_1797 : vector<16xf32>
        %get3A_1799 = arith.constant 48 : i32
        %get3A_1800 = arith.index_cast %scan3A_235 : i32 to index
        %get3A_1801 = arith.index_cast %get3A_1799 : i32 to index
        %get3A_1802 = arith.constant 32 : index
        %get3A_1803 = tpu.vector_load %arg10[%get3A_1800, %get3A_1801, %get3A_1802] {strides = array<i32>} : memref<8x80x64xf32, #tpu.memory_space<vmem>>, vector<16xf32>,
        %mul3A_1804 = arith.mulf %get3A_1695, %get3A_1803 : vector<16xf32>
        %add3A_1805 = arith.addf %add3A_1798, %mul3A_1804 : vector<16xf32>
        %get3A_1806 = arith.constant 48 : i32
        %get3A_1807 = arith.index_cast %scan3A_235 : i32 to index
        %get3A_1808 = arith.index_cast %get3A_1806 : i32 to index
        %get3A_1809 = arith.constant 48 : index
        %get3A_1810 = tpu.vector_load %arg10[%get3A_1807, %get3A_1808, %get3A_1809] {strides = array<i32>} : memref<8x80x64xf32, #tpu.memory_space<vmem>>, vector<16xf32>,
        %mul3A_1811 = arith.mulf %get3A_1698, %get3A_1810 : vector<16xf32>
        %add3A_1812 = arith.addf %add3A_1805, %mul3A_1811 : vector<16xf32>
        %swap3A_1813 = arith.constant 768 : index
        %swap3A_1814 = tpu.vector_load %arg11[%swap3A_1813] {strides = array<i32>} : memref<1280xf32, #tpu.memory_space<vmem>>, vector<16xf32>,
        tpu.vector_store %arg11[%swap3A_1813], %add3A_1812 {strides = array<i32>} : memref<1280xf32, #tpu.memory_space<vmem>>, vector<16xf32>,
        %get3A_1815 = arith.constant 49 : i32
        %get3A_1816 = arith.index_cast %scan3A_235 : i32 to index
        %get3A_1817 = arith.index_cast %get3A_1815 : i32 to index
        %get3A_1818 = arith.constant 0 : index
        %get3A_1819 = tpu.vector_load %arg10[%get3A_1816, %get3A_1817, %get3A_1818] {strides = array<i32>} : memref<8x80x64xf32, #tpu.memory_space<vmem>>, vector<16xf32>,
        %mul3A_1820 = arith.mulf %get3A_1689, %get3A_1819 : vector<16xf32>
        %get3A_1821 = arith.constant 49 : i32
        %get3A_1822 = arith.index_cast %scan3A_235 : i32 to index
        %get3A_1823 = arith.index_cast %get3A_1821 : i32 to index
        %get3A_1824 = arith.constant 16 : index
        %get3A_1825 = tpu.vector_load %arg10[%get3A_1822, %get3A_1823, %get3A_1824] {strides = array<i32>} : memref<8x80x64xf32, #tpu.memory_space<vmem>>, vector<16xf32>,
        %mul3A_1826 = arith.mulf %get3A_1692, %get3A_1825 : vector<16xf32>
        %add3A_1827 = arith.addf %mul3A_1820, %mul3A_1826 : vector<16xf32>
        %get3A_1828 = arith.constant 49 : i32
        %get3A_1829 = arith.index_cast %scan3A_235 : i32 to index
        %get3A_1830 = arith.index_cast %get3A_1828 : i32 to index
        %get3A_1831 = arith.constant 32 : index
        %get3A_1832 = tpu.vector_load %arg10[%get3A_1829, %get3A_1830, %get3A_1831] {strides = array<i32>} : memref<8x80x64xf32, #tpu.memory_space<vmem>>, vector<16xf32>,
        %mul3A_1833 = arith.mulf %get3A_1695, %get3A_1832 : vector<16xf32>
        %add3A_1834 = arith.addf %add3A_1827, %mul3A_1833 : vector<16xf32>
        %get3A_1835 = arith.constant 49 : i32
        %get3A_1836 = arith.index_cast %scan3A_235 : i32 to index
        %get3A_1837 = arith.index_cast %get3A_1835 : i32 to index
        %get3A_1838 = arith.constant 48 : index
        %get3A_1839 = tpu.vector_load %arg10[%get3A_1836, %get3A_1837, %get3A_1838] {strides = array<i32>} : memref<8x80x64xf32, #tpu.memory_space<vmem>>, vector<16xf32>,
        %mul3A_1840 = arith.mulf %get3A_1698, %get3A_1839 : vector<16xf32>
        %add3A_1841 = arith.addf %add3A_1834, %mul3A_1840 : vector<16xf32>
        %swap3A_1842 = arith.constant 784 : index
        %swap3A_1843 = tpu.vector_load %arg11[%swap3A_1842] {strides = array<i32>} : memref<1280xf32, #tpu.memory_space<vmem>>, vector<16xf32>,
        tpu.vector_store %arg11[%swap3A_1842], %add3A_1841 {strides = array<i32>} : memref<1280xf32, #tpu.memory_space<vmem>>, vector<16xf32>,
        %mul3A_1844 = arith.constant 16 : i32
        %mul3A_1845 = arith.muli %scan3A_235, %mul3A_1844 : i32
        %add3A_1846 = arith.constant 10 : i32
        %add3A_1847 = arith.addi %mul3A_1845, %add3A_1846 : i32
        %get3A_1848 = arith.index_cast %add3A_1847 : i32 to index
        %get3A_1849 = arith.constant 0 : index
        %get3A_1850 = tpu.vector_load %arg9[%get3A_1848, %get3A_1849] {strides = array<i32>} : memref<128x64xf32, #tpu.memory_space<vmem>>, vector<16xf32>,
        %get3A_1851 = arith.index_cast %add3A_1847 : i32 to index
        %get3A_1852 = arith.constant 16 : index
        %get3A_1853 = tpu.vector_load %arg9[%get3A_1851, %get3A_1852] {strides = array<i32>} : memref<128x64xf32, #tpu.memory_space<vmem>>, vector<16xf32>,
        %get3A_1854 = arith.index_cast %add3A_1847 : i32 to index
        %get3A_1855 = arith.constant 32 : index
        %get3A_1856 = tpu.vector_load %arg9[%get3A_1854, %get3A_1855] {strides = array<i32>} : memref<128x64xf32, #tpu.memory_space<vmem>>, vector<16xf32>,
        %get3A_1857 = arith.index_cast %add3A_1847 : i32 to index
        %get3A_1858 = arith.constant 48 : index
        %get3A_1859 = tpu.vector_load %arg9[%get3A_1857, %get3A_1858] {strides = array<i32>} : memref<128x64xf32, #tpu.memory_space<vmem>>, vector<16xf32>,
        %get3A_1860 = arith.constant 50 : i32
        %get3A_1861 = arith.index_cast %scan3A_235 : i32 to index
        %get3A_1862 = arith.index_cast %get3A_1860 : i32 to index
        %get3A_1863 = arith.constant 0 : index
        %get3A_1864 = tpu.vector_load %arg10[%get3A_1861, %get3A_1862, %get3A_1863] {strides = array<i32>} : memref<8x80x64xf32, #tpu.memory_space<vmem>>, vector<16xf32>,
        %mul3A_1865 = arith.mulf %get3A_1850, %get3A_1864 : vector<16xf32>
        %get3A_1866 = arith.constant 50 : i32
        %get3A_1867 = arith.index_cast %scan3A_235 : i32 to index
        %get3A_1868 = arith.index_cast %get3A_1866 : i32 to index
        %get3A_1869 = arith.constant 16 : index
        %get3A_1870 = tpu.vector_load %arg10[%get3A_1867, %get3A_1868, %get3A_1869] {strides = array<i32>} : memref<8x80x64xf32, #tpu.memory_space<vmem>>, vector<16xf32>,
        %mul3A_1871 = arith.mulf %get3A_1853, %get3A_1870 : vector<16xf32>
        %add3A_1872 = arith.addf %mul3A_1865, %mul3A_1871 : vector<16xf32>
        %get3A_1873 = arith.constant 50 : i32
        %get3A_1874 = arith.index_cast %scan3A_235 : i32 to index
        %get3A_1875 = arith.index_cast %get3A_1873 : i32 to index
        %get3A_1876 = arith.constant 32 : index
        %get3A_1877 = tpu.vector_load %arg10[%get3A_1874, %get3A_1875, %get3A_1876] {strides = array<i32>} : memref<8x80x64xf32, #tpu.memory_space<vmem>>, vector<16xf32>,
        %mul3A_1878 = arith.mulf %get3A_1856, %get3A_1877 : vector<16xf32>
        %add3A_1879 = arith.addf %add3A_1872, %mul3A_1878 : vector<16xf32>
        %get3A_1880 = arith.constant 50 : i32
        %get3A_1881 = arith.index_cast %scan3A_235 : i32 to index
        %get3A_1882 = arith.index_cast %get3A_1880 : i32 to index
        %get3A_1883 = arith.constant 48 : index
        %get3A_1884 = tpu.vector_load %arg10[%get3A_1881, %get3A_1882, %get3A_1883] {strides = array<i32>} : memref<8x80x64xf32, #tpu.memory_space<vmem>>, vector<16xf32>,
        %mul3A_1885 = arith.mulf %get3A_1859, %get3A_1884 : vector<16xf32>
        %add3A_1886 = arith.addf %add3A_1879, %mul3A_1885 : vector<16xf32>
        %swap3A_1887 = arith.constant 800 : index
        %swap3A_1888 = tpu.vector_load %arg11[%swap3A_1887] {strides = array<i32>} : memref<1280xf32, #tpu.memory_space<vmem>>, vector<16xf32>,
        tpu.vector_store %arg11[%swap3A_1887], %add3A_1886 {strides = array<i32>} : memref<1280xf32, #tpu.memory_space<vmem>>, vector<16xf32>,
        %get3A_1889 = arith.constant 51 : i32
        %get3A_1890 = arith.index_cast %scan3A_235 : i32 to index
        %get3A_1891 = arith.index_cast %get3A_1889 : i32 to index
        %get3A_1892 = arith.constant 0 : index
        %get3A_1893 = tpu.vector_load %arg10[%get3A_1890, %get3A_1891, %get3A_1892] {strides = array<i32>} : memref<8x80x64xf32, #tpu.memory_space<vmem>>, vector<16xf32>,
        %mul3A_1894 = arith.mulf %get3A_1850, %get3A_1893 : vector<16xf32>
        %get3A_1895 = arith.constant 51 : i32
        %get3A_1896 = arith.index_cast %scan3A_235 : i32 to index
        %get3A_1897 = arith.index_cast %get3A_1895 : i32 to index
        %get3A_1898 = arith.constant 16 : index
        %get3A_1899 = tpu.vector_load %arg10[%get3A_1896, %get3A_1897, %get3A_1898] {strides = array<i32>} : memref<8x80x64xf32, #tpu.memory_space<vmem>>, vector<16xf32>,
        %mul3A_1900 = arith.mulf %get3A_1853, %get3A_1899 : vector<16xf32>
        %add3A_1901 = arith.addf %mul3A_1894, %mul3A_1900 : vector<16xf32>
        %get3A_1902 = arith.constant 51 : i32
        %get3A_1903 = arith.index_cast %scan3A_235 : i32 to index
        %get3A_1904 = arith.index_cast %get3A_1902 : i32 to index
        %get3A_1905 = arith.constant 32 : index
        %get3A_1906 = tpu.vector_load %arg10[%get3A_1903, %get3A_1904, %get3A_1905] {strides = array<i32>} : memref<8x80x64xf32, #tpu.memory_space<vmem>>, vector<16xf32>,
        %mul3A_1907 = arith.mulf %get3A_1856, %get3A_1906 : vector<16xf32>
        %add3A_1908 = arith.addf %add3A_1901, %mul3A_1907 : vector<16xf32>
        %get3A_1909 = arith.constant 51 : i32
        %get3A_1910 = arith.index_cast %scan3A_235 : i32 to index
        %get3A_1911 = arith.index_cast %get3A_1909 : i32 to index
        %get3A_1912 = arith.constant 48 : index
        %get3A_1913 = tpu.vector_load %arg10[%get3A_1910, %get3A_1911, %get3A_1912] {strides = array<i32>} : memref<8x80x64xf32, #tpu.memory_space<vmem>>, vector<16xf32>,
        %mul3A_1914 = arith.mulf %get3A_1859, %get3A_1913 : vector<16xf32>
        %add3A_1915 = arith.addf %add3A_1908, %mul3A_1914 : vector<16xf32>
        %swap3A_1916 = arith.constant 816 : index
        %swap3A_1917 = tpu.vector_load %arg11[%swap3A_1916] {strides = array<i32>} : memref<1280xf32, #tpu.memory_space<vmem>>, vector<16xf32>,
        tpu.vector_store %arg11[%swap3A_1916], %add3A_1915 {strides = array<i32>} : memref<1280xf32, #tpu.memory_space<vmem>>, vector<16xf32>,
        %get3A_1918 = arith.constant 52 : i32
        %get3A_1919 = arith.index_cast %scan3A_235 : i32 to index
        %get3A_1920 = arith.index_cast %get3A_1918 : i32 to index
        %get3A_1921 = arith.constant 0 : index
        %get3A_1922 = tpu.vector_load %arg10[%get3A_1919, %get3A_1920, %get3A_1921] {strides = array<i32>} : memref<8x80x64xf32, #tpu.memory_space<vmem>>, vector<16xf32>,
        %mul3A_1923 = arith.mulf %get3A_1850, %get3A_1922 : vector<16xf32>
        %get3A_1924 = arith.constant 52 : i32
        %get3A_1925 = arith.index_cast %scan3A_235 : i32 to index
        %get3A_1926 = arith.index_cast %get3A_1924 : i32 to index
        %get3A_1927 = arith.constant 16 : index
        %get3A_1928 = tpu.vector_load %arg10[%get3A_1925, %get3A_1926, %get3A_1927] {strides = array<i32>} : memref<8x80x64xf32, #tpu.memory_space<vmem>>, vector<16xf32>,
        %mul3A_1929 = arith.mulf %get3A_1853, %get3A_1928 : vector<16xf32>
        %add3A_1930 = arith.addf %mul3A_1923, %mul3A_1929 : vector<16xf32>
        %get3A_1931 = arith.constant 52 : i32
        %get3A_1932 = arith.index_cast %scan3A_235 : i32 to index
        %get3A_1933 = arith.index_cast %get3A_1931 : i32 to index
        %get3A_1934 = arith.constant 32 : index
        %get3A_1935 = tpu.vector_load %arg10[%get3A_1932, %get3A_1933, %get3A_1934] {strides = array<i32>} : memref<8x80x64xf32, #tpu.memory_space<vmem>>, vector<16xf32>,
        %mul3A_1936 = arith.mulf %get3A_1856, %get3A_1935 : vector<16xf32>
        %add3A_1937 = arith.addf %add3A_1930, %mul3A_1936 : vector<16xf32>
        %get3A_1938 = arith.constant 52 : i32
        %get3A_1939 = arith.index_cast %scan3A_235 : i32 to index
        %get3A_1940 = arith.index_cast %get3A_1938 : i32 to index
        %get3A_1941 = arith.constant 48 : index
        %get3A_1942 = tpu.vector_load %arg10[%get3A_1939, %get3A_1940, %get3A_1941] {strides = array<i32>} : memref<8x80x64xf32, #tpu.memory_space<vmem>>, vector<16xf32>,
        %mul3A_1943 = arith.mulf %get3A_1859, %get3A_1942 : vector<16xf32>
        %add3A_1944 = arith.addf %add3A_1937, %mul3A_1943 : vector<16xf32>
        %swap3A_1945 = arith.constant 832 : index
        %swap3A_1946 = tpu.vector_load %arg11[%swap3A_1945] {strides = array<i32>} : memref<1280xf32, #tpu.memory_space<vmem>>, vector<16xf32>,
        tpu.vector_store %arg11[%swap3A_1945], %add3A_1944 {strides = array<i32>} : memref<1280xf32, #tpu.memory_space<vmem>>, vector<16xf32>,
        %get3A_1947 = arith.constant 53 : i32
        %get3A_1948 = arith.index_cast %scan3A_235 : i32 to index
        %get3A_1949 = arith.index_cast %get3A_1947 : i32 to index
        %get3A_1950 = arith.constant 0 : index
        %get3A_1951 = tpu.vector_load %arg10[%get3A_1948, %get3A_1949, %get3A_1950] {strides = array<i32>} : memref<8x80x64xf32, #tpu.memory_space<vmem>>, vector<16xf32>,
        %mul3A_1952 = arith.mulf %get3A_1850, %get3A_1951 : vector<16xf32>
        %get3A_1953 = arith.constant 53 : i32
        %get3A_1954 = arith.index_cast %scan3A_235 : i32 to index
        %get3A_1955 = arith.index_cast %get3A_1953 : i32 to index
        %get3A_1956 = arith.constant 16 : index
        %get3A_1957 = tpu.vector_load %arg10[%get3A_1954, %get3A_1955, %get3A_1956] {strides = array<i32>} : memref<8x80x64xf32, #tpu.memory_space<vmem>>, vector<16xf32>,
        %mul3A_1958 = arith.mulf %get3A_1853, %get3A_1957 : vector<16xf32>
        %add3A_1959 = arith.addf %mul3A_1952, %mul3A_1958 : vector<16xf32>
        %get3A_1960 = arith.constant 53 : i32
        %get3A_1961 = arith.index_cast %scan3A_235 : i32 to index
        %get3A_1962 = arith.index_cast %get3A_1960 : i32 to index
        %get3A_1963 = arith.constant 32 : index
        %get3A_1964 = tpu.vector_load %arg10[%get3A_1961, %get3A_1962, %get3A_1963] {strides = array<i32>} : memref<8x80x64xf32, #tpu.memory_space<vmem>>, vector<16xf32>,
        %mul3A_1965 = arith.mulf %get3A_1856, %get3A_1964 : vector<16xf32>
        %add3A_1966 = arith.addf %add3A_1959, %mul3A_1965 : vector<16xf32>
        %get3A_1967 = arith.constant 53 : i32
        %get3A_1968 = arith.index_cast %scan3A_235 : i32 to index
        %get3A_1969 = arith.index_cast %get3A_1967 : i32 to index
        %get3A_1970 = arith.constant 48 : index
        %get3A_1971 = tpu.vector_load %arg10[%get3A_1968, %get3A_1969, %get3A_1970] {strides = array<i32>} : memref<8x80x64xf32, #tpu.memory_space<vmem>>, vector<16xf32>,
        %mul3A_1972 = arith.mulf %get3A_1859, %get3A_1971 : vector<16xf32>
        %add3A_1973 = arith.addf %add3A_1966, %mul3A_1972 : vector<16xf32>
        %swap3A_1974 = arith.constant 848 : index
        %swap3A_1975 = tpu.vector_load %arg11[%swap3A_1974] {strides = array<i32>} : memref<1280xf32, #tpu.memory_space<vmem>>, vector<16xf32>,
        tpu.vector_store %arg11[%swap3A_1974], %add3A_1973 {strides = array<i32>} : memref<1280xf32, #tpu.memory_space<vmem>>, vector<16xf32>,
        %get3A_1976 = arith.constant 54 : i32
        %get3A_1977 = arith.index_cast %scan3A_235 : i32 to index
        %get3A_1978 = arith.index_cast %get3A_1976 : i32 to index
        %get3A_1979 = arith.constant 0 : index
        %get3A_1980 = tpu.vector_load %arg10[%get3A_1977, %get3A_1978, %get3A_1979] {strides = array<i32>} : memref<8x80x64xf32, #tpu.memory_space<vmem>>, vector<16xf32>,
        %mul3A_1981 = arith.mulf %get3A_1850, %get3A_1980 : vector<16xf32>
        %get3A_1982 = arith.constant 54 : i32
        %get3A_1983 = arith.index_cast %scan3A_235 : i32 to index
        %get3A_1984 = arith.index_cast %get3A_1982 : i32 to index
        %get3A_1985 = arith.constant 16 : index
        %get3A_1986 = tpu.vector_load %arg10[%get3A_1983, %get3A_1984, %get3A_1985] {strides = array<i32>} : memref<8x80x64xf32, #tpu.memory_space<vmem>>, vector<16xf32>,
        %mul3A_1987 = arith.mulf %get3A_1853, %get3A_1986 : vector<16xf32>
        %add3A_1988 = arith.addf %mul3A_1981, %mul3A_1987 : vector<16xf32>
        %get3A_1989 = arith.constant 54 : i32
        %get3A_1990 = arith.index_cast %scan3A_235 : i32 to index
        %get3A_1991 = arith.index_cast %get3A_1989 : i32 to index
        %get3A_1992 = arith.constant 32 : index
        %get3A_1993 = tpu.vector_load %arg10[%get3A_1990, %get3A_1991, %get3A_1992] {strides = array<i32>} : memref<8x80x64xf32, #tpu.memory_space<vmem>>, vector<16xf32>,
        %mul3A_1994 = arith.mulf %get3A_1856, %get3A_1993 : vector<16xf32>
        %add3A_1995 = arith.addf %add3A_1988, %mul3A_1994 : vector<16xf32>
        %get3A_1996 = arith.constant 54 : i32
        %get3A_1997 = arith.index_cast %scan3A_235 : i32 to index
        %get3A_1998 = arith.index_cast %get3A_1996 : i32 to index
        %get3A_1999 = arith.constant 48 : index
        %get3A_2000 = tpu.vector_load %arg10[%get3A_1997, %get3A_1998, %get3A_1999] {strides = array<i32>} : memref<8x80x64xf32, #tpu.memory_space<vmem>>, vector<16xf32>,
        %mul3A_2001 = arith.mulf %get3A_1859, %get3A_2000 : vector<16xf32>
        %add3A_2002 = arith.addf %add3A_1995, %mul3A_2001 : vector<16xf32>
        %swap3A_2003 = arith.constant 864 : index
        %swap3A_2004 = tpu.vector_load %arg11[%swap3A_2003] {strides = array<i32>} : memref<1280xf32, #tpu.memory_space<vmem>>, vector<16xf32>,
        tpu.vector_store %arg11[%swap3A_2003], %add3A_2002 {strides = array<i32>} : memref<1280xf32, #tpu.memory_space<vmem>>, vector<16xf32>,
        %mul3A_2005 = arith.constant 16 : i32
        %mul3A_2006 = arith.muli %scan3A_235, %mul3A_2005 : i32
        %add3A_2007 = arith.constant 11 : i32
        %add3A_2008 = arith.addi %mul3A_2006, %add3A_2007 : i32
        %get3A_2009 = arith.index_cast %add3A_2008 : i32 to index
        %get3A_2010 = arith.constant 0 : index
        %get3A_2011 = tpu.vector_load %arg9[%get3A_2009, %get3A_2010] {strides = array<i32>} : memref<128x64xf32, #tpu.memory_space<vmem>>, vector<16xf32>,
        %get3A_2012 = arith.index_cast %add3A_2008 : i32 to index
        %get3A_2013 = arith.constant 16 : index
        %get3A_2014 = tpu.vector_load %arg9[%get3A_2012, %get3A_2013] {strides = array<i32>} : memref<128x64xf32, #tpu.memory_space<vmem>>, vector<16xf32>,
        %get3A_2015 = arith.index_cast %add3A_2008 : i32 to index
        %get3A_2016 = arith.constant 32 : index
        %get3A_2017 = tpu.vector_load %arg9[%get3A_2015, %get3A_2016] {strides = array<i32>} : memref<128x64xf32, #tpu.memory_space<vmem>>, vector<16xf32>,
        %get3A_2018 = arith.index_cast %add3A_2008 : i32 to index
        %get3A_2019 = arith.constant 48 : index
        %get3A_2020 = tpu.vector_load %arg9[%get3A_2018, %get3A_2019] {strides = array<i32>} : memref<128x64xf32, #tpu.memory_space<vmem>>, vector<16xf32>,
        %get3A_2021 = arith.constant 55 : i32
        %get3A_2022 = arith.index_cast %scan3A_235 : i32 to index
        %get3A_2023 = arith.index_cast %get3A_2021 : i32 to index
        %get3A_2024 = arith.constant 0 : index
        %get3A_2025 = tpu.vector_load %arg10[%get3A_2022, %get3A_2023, %get3A_2024] {strides = array<i32>} : memref<8x80x64xf32, #tpu.memory_space<vmem>>, vector<16xf32>,
        %mul3A_2026 = arith.mulf %get3A_2011, %get3A_2025 : vector<16xf32>
        %get3A_2027 = arith.constant 55 : i32
        %get3A_2028 = arith.index_cast %scan3A_235 : i32 to index
        %get3A_2029 = arith.index_cast %get3A_2027 : i32 to index
        %get3A_2030 = arith.constant 16 : index
        %get3A_2031 = tpu.vector_load %arg10[%get3A_2028, %get3A_2029, %get3A_2030] {strides = array<i32>} : memref<8x80x64xf32, #tpu.memory_space<vmem>>, vector<16xf32>,
        %mul3A_2032 = arith.mulf %get3A_2014, %get3A_2031 : vector<16xf32>
        %add3A_2033 = arith.addf %mul3A_2026, %mul3A_2032 : vector<16xf32>
        %get3A_2034 = arith.constant 55 : i32
        %get3A_2035 = arith.index_cast %scan3A_235 : i32 to index
        %get3A_2036 = arith.index_cast %get3A_2034 : i32 to index
        %get3A_2037 = arith.constant 32 : index
        %get3A_2038 = tpu.vector_load %arg10[%get3A_2035, %get3A_2036, %get3A_2037] {strides = array<i32>} : memref<8x80x64xf32, #tpu.memory_space<vmem>>, vector<16xf32>,
        %mul3A_2039 = arith.mulf %get3A_2017, %get3A_2038 : vector<16xf32>
        %add3A_2040 = arith.addf %add3A_2033, %mul3A_2039 : vector<16xf32>
        %get3A_2041 = arith.constant 55 : i32
        %get3A_2042 = arith.index_cast %scan3A_235 : i32 to index
        %get3A_2043 = arith.index_cast %get3A_2041 : i32 to index
        %get3A_2044 = arith.constant 48 : index
        %get3A_2045 = tpu.vector_load %arg10[%get3A_2042, %get3A_2043, %get3A_2044] {strides = array<i32>} : memref<8x80x64xf32, #tpu.memory_space<vmem>>, vector<16xf32>,
        %mul3A_2046 = arith.mulf %get3A_2020, %get3A_2045 : vector<16xf32>
        %add3A_2047 = arith.addf %add3A_2040, %mul3A_2046 : vector<16xf32>
        %swap3A_2048 = arith.constant 880 : index
        %swap3A_2049 = tpu.vector_load %arg11[%swap3A_2048] {strides = array<i32>} : memref<1280xf32, #tpu.memory_space<vmem>>, vector<16xf32>,
        tpu.vector_store %arg11[%swap3A_2048], %add3A_2047 {strides = array<i32>} : memref<1280xf32, #tpu.memory_space<vmem>>, vector<16xf32>,
        %get3A_2050 = arith.constant 56 : i32
        %get3A_2051 = arith.index_cast %scan3A_235 : i32 to index
        %get3A_2052 = arith.index_cast %get3A_2050 : i32 to index
        %get3A_2053 = arith.constant 0 : index
        %get3A_2054 = tpu.vector_load %arg10[%get3A_2051, %get3A_2052, %get3A_2053] {strides = array<i32>} : memref<8x80x64xf32, #tpu.memory_space<vmem>>, vector<16xf32>,
        %mul3A_2055 = arith.mulf %get3A_2011, %get3A_2054 : vector<16xf32>
        %get3A_2056 = arith.constant 56 : i32
        %get3A_2057 = arith.index_cast %scan3A_235 : i32 to index
        %get3A_2058 = arith.index_cast %get3A_2056 : i32 to index
        %get3A_2059 = arith.constant 16 : index
        %get3A_2060 = tpu.vector_load %arg10[%get3A_2057, %get3A_2058, %get3A_2059] {strides = array<i32>} : memref<8x80x64xf32, #tpu.memory_space<vmem>>, vector<16xf32>,
        %mul3A_2061 = arith.mulf %get3A_2014, %get3A_2060 : vector<16xf32>
        %add3A_2062 = arith.addf %mul3A_2055, %mul3A_2061 : vector<16xf32>
        %get3A_2063 = arith.constant 56 : i32
        %get3A_2064 = arith.index_cast %scan3A_235 : i32 to index
        %get3A_2065 = arith.index_cast %get3A_2063 : i32 to index
        %get3A_2066 = arith.constant 32 : index
        %get3A_2067 = tpu.vector_load %arg10[%get3A_2064, %get3A_2065, %get3A_2066] {strides = array<i32>} : memref<8x80x64xf32, #tpu.memory_space<vmem>>, vector<16xf32>,
        %mul3A_2068 = arith.mulf %get3A_2017, %get3A_2067 : vector<16xf32>
        %add3A_2069 = arith.addf %add3A_2062, %mul3A_2068 : vector<16xf32>
        %get3A_2070 = arith.constant 56 : i32
        %get3A_2071 = arith.index_cast %scan3A_235 : i32 to index
        %get3A_2072 = arith.index_cast %get3A_2070 : i32 to index
        %get3A_2073 = arith.constant 48 : index
        %get3A_2074 = tpu.vector_load %arg10[%get3A_2071, %get3A_2072, %get3A_2073] {strides = array<i32>} : memref<8x80x64xf32, #tpu.memory_space<vmem>>, vector<16xf32>,
        %mul3A_2075 = arith.mulf %get3A_2020, %get3A_2074 : vector<16xf32>
        %add3A_2076 = arith.addf %add3A_2069, %mul3A_2075 : vector<16xf32>
        %swap3A_2077 = arith.constant 896 : index
        %swap3A_2078 = tpu.vector_load %arg11[%swap3A_2077] {strides = array<i32>} : memref<1280xf32, #tpu.memory_space<vmem>>, vector<16xf32>,
        tpu.vector_store %arg11[%swap3A_2077], %add3A_2076 {strides = array<i32>} : memref<1280xf32, #tpu.memory_space<vmem>>, vector<16xf32>,
        %get3A_2079 = arith.constant 57 : i32
        %get3A_2080 = arith.index_cast %scan3A_235 : i32 to index
        %get3A_2081 = arith.index_cast %get3A_2079 : i32 to index
        %get3A_2082 = arith.constant 0 : index
        %get3A_2083 = tpu.vector_load %arg10[%get3A_2080, %get3A_2081, %get3A_2082] {strides = array<i32>} : memref<8x80x64xf32, #tpu.memory_space<vmem>>, vector<16xf32>,
        %mul3A_2084 = arith.mulf %get3A_2011, %get3A_2083 : vector<16xf32>
        %get3A_2085 = arith.constant 57 : i32
        %get3A_2086 = arith.index_cast %scan3A_235 : i32 to index
        %get3A_2087 = arith.index_cast %get3A_2085 : i32 to index
        %get3A_2088 = arith.constant 16 : index
        %get3A_2089 = tpu.vector_load %arg10[%get3A_2086, %get3A_2087, %get3A_2088] {strides = array<i32>} : memref<8x80x64xf32, #tpu.memory_space<vmem>>, vector<16xf32>,
        %mul3A_2090 = arith.mulf %get3A_2014, %get3A_2089 : vector<16xf32>
        %add3A_2091 = arith.addf %mul3A_2084, %mul3A_2090 : vector<16xf32>
        %get3A_2092 = arith.constant 57 : i32
        %get3A_2093 = arith.index_cast %scan3A_235 : i32 to index
        %get3A_2094 = arith.index_cast %get3A_2092 : i32 to index
        %get3A_2095 = arith.constant 32 : index
        %get3A_2096 = tpu.vector_load %arg10[%get3A_2093, %get3A_2094, %get3A_2095] {strides = array<i32>} : memref<8x80x64xf32, #tpu.memory_space<vmem>>, vector<16xf32>,
        %mul3A_2097 = arith.mulf %get3A_2017, %get3A_2096 : vector<16xf32>
        %add3A_2098 = arith.addf %add3A_2091, %mul3A_2097 : vector<16xf32>
        %get3A_2099 = arith.constant 57 : i32
        %get3A_2100 = arith.index_cast %scan3A_235 : i32 to index
        %get3A_2101 = arith.index_cast %get3A_2099 : i32 to index
        %get3A_2102 = arith.constant 48 : index
        %get3A_2103 = tpu.vector_load %arg10[%get3A_2100, %get3A_2101, %get3A_2102] {strides = array<i32>} : memref<8x80x64xf32, #tpu.memory_space<vmem>>, vector<16xf32>,
        %mul3A_2104 = arith.mulf %get3A_2020, %get3A_2103 : vector<16xf32>
        %add3A_2105 = arith.addf %add3A_2098, %mul3A_2104 : vector<16xf32>
        %swap3A_2106 = arith.constant 912 : index
        %swap3A_2107 = tpu.vector_load %arg11[%swap3A_2106] {strides = array<i32>} : memref<1280xf32, #tpu.memory_space<vmem>>, vector<16xf32>,
        tpu.vector_store %arg11[%swap3A_2106], %add3A_2105 {strides = array<i32>} : memref<1280xf32, #tpu.memory_space<vmem>>, vector<16xf32>,
        %get3A_2108 = arith.constant 58 : i32
        %get3A_2109 = arith.index_cast %scan3A_235 : i32 to index
        %get3A_2110 = arith.index_cast %get3A_2108 : i32 to index
        %get3A_2111 = arith.constant 0 : index
        %get3A_2112 = tpu.vector_load %arg10[%get3A_2109, %get3A_2110, %get3A_2111] {strides = array<i32>} : memref<8x80x64xf32, #tpu.memory_space<vmem>>, vector<16xf32>,
        %mul3A_2113 = arith.mulf %get3A_2011, %get3A_2112 : vector<16xf32>
        %get3A_2114 = arith.constant 58 : i32
        %get3A_2115 = arith.index_cast %scan3A_235 : i32 to index
        %get3A_2116 = arith.index_cast %get3A_2114 : i32 to index
        %get3A_2117 = arith.constant 16 : index
        %get3A_2118 = tpu.vector_load %arg10[%get3A_2115, %get3A_2116, %get3A_2117] {strides = array<i32>} : memref<8x80x64xf32, #tpu.memory_space<vmem>>, vector<16xf32>,
        %mul3A_2119 = arith.mulf %get3A_2014, %get3A_2118 : vector<16xf32>
        %add3A_2120 = arith.addf %mul3A_2113, %mul3A_2119 : vector<16xf32>
        %get3A_2121 = arith.constant 58 : i32
        %get3A_2122 = arith.index_cast %scan3A_235 : i32 to index
        %get3A_2123 = arith.index_cast %get3A_2121 : i32 to index
        %get3A_2124 = arith.constant 32 : index
        %get3A_2125 = tpu.vector_load %arg10[%get3A_2122, %get3A_2123, %get3A_2124] {strides = array<i32>} : memref<8x80x64xf32, #tpu.memory_space<vmem>>, vector<16xf32>,
        %mul3A_2126 = arith.mulf %get3A_2017, %get3A_2125 : vector<16xf32>
        %add3A_2127 = arith.addf %add3A_2120, %mul3A_2126 : vector<16xf32>
        %get3A_2128 = arith.constant 58 : i32
        %get3A_2129 = arith.index_cast %scan3A_235 : i32 to index
        %get3A_2130 = arith.index_cast %get3A_2128 : i32 to index
        %get3A_2131 = arith.constant 48 : index
        %get3A_2132 = tpu.vector_load %arg10[%get3A_2129, %get3A_2130, %get3A_2131] {strides = array<i32>} : memref<8x80x64xf32, #tpu.memory_space<vmem>>, vector<16xf32>,
        %mul3A_2133 = arith.mulf %get3A_2020, %get3A_2132 : vector<16xf32>
        %add3A_2134 = arith.addf %add3A_2127, %mul3A_2133 : vector<16xf32>
        %swap3A_2135 = arith.constant 928 : index
        %swap3A_2136 = tpu.vector_load %arg11[%swap3A_2135] {strides = array<i32>} : memref<1280xf32, #tpu.memory_space<vmem>>, vector<16xf32>,
        tpu.vector_store %arg11[%swap3A_2135], %add3A_2134 {strides = array<i32>} : memref<1280xf32, #tpu.memory_space<vmem>>, vector<16xf32>,
        %get3A_2137 = arith.constant 59 : i32
        %get3A_2138 = arith.index_cast %scan3A_235 : i32 to index
        %get3A_2139 = arith.index_cast %get3A_2137 : i32 to index
        %get3A_2140 = arith.constant 0 : index
        %get3A_2141 = tpu.vector_load %arg10[%get3A_2138, %get3A_2139, %get3A_2140] {strides = array<i32>} : memref<8x80x64xf32, #tpu.memory_space<vmem>>, vector<16xf32>,
        %mul3A_2142 = arith.mulf %get3A_2011, %get3A_2141 : vector<16xf32>
        %get3A_2143 = arith.constant 59 : i32
        %get3A_2144 = arith.index_cast %scan3A_235 : i32 to index
        %get3A_2145 = arith.index_cast %get3A_2143 : i32 to index
        %get3A_2146 = arith.constant 16 : index
        %get3A_2147 = tpu.vector_load %arg10[%get3A_2144, %get3A_2145, %get3A_2146] {strides = array<i32>} : memref<8x80x64xf32, #tpu.memory_space<vmem>>, vector<16xf32>,
        %mul3A_2148 = arith.mulf %get3A_2014, %get3A_2147 : vector<16xf32>
        %add3A_2149 = arith.addf %mul3A_2142, %mul3A_2148 : vector<16xf32>
        %get3A_2150 = arith.constant 59 : i32
        %get3A_2151 = arith.index_cast %scan3A_235 : i32 to index
        %get3A_2152 = arith.index_cast %get3A_2150 : i32 to index
        %get3A_2153 = arith.constant 32 : index
        %get3A_2154 = tpu.vector_load %arg10[%get3A_2151, %get3A_2152, %get3A_2153] {strides = array<i32>} : memref<8x80x64xf32, #tpu.memory_space<vmem>>, vector<16xf32>,
        %mul3A_2155 = arith.mulf %get3A_2017, %get3A_2154 : vector<16xf32>
        %add3A_2156 = arith.addf %add3A_2149, %mul3A_2155 : vector<16xf32>
        %get3A_2157 = arith.constant 59 : i32
        %get3A_2158 = arith.index_cast %scan3A_235 : i32 to index
        %get3A_2159 = arith.index_cast %get3A_2157 : i32 to index
        %get3A_2160 = arith.constant 48 : index
        %get3A_2161 = tpu.vector_load %arg10[%get3A_2158, %get3A_2159, %get3A_2160] {strides = array<i32>} : memref<8x80x64xf32, #tpu.memory_space<vmem>>, vector<16xf32>,
        %mul3A_2162 = arith.mulf %get3A_2020, %get3A_2161 : vector<16xf32>
        %add3A_2163 = arith.addf %add3A_2156, %mul3A_2162 : vector<16xf32>
        %swap3A_2164 = arith.constant 944 : index
        %swap3A_2165 = tpu.vector_load %arg11[%swap3A_2164] {strides = array<i32>} : memref<1280xf32, #tpu.memory_space<vmem>>, vector<16xf32>,
        tpu.vector_store %arg11[%swap3A_2164], %add3A_2163 {strides = array<i32>} : memref<1280xf32, #tpu.memory_space<vmem>>, vector<16xf32>,
        %mul3A_2166 = arith.constant 16 : i32
        %mul3A_2167 = arith.muli %scan3A_235, %mul3A_2166 : i32
        %add3A_2168 = arith.constant 12 : i32
        %add3A_2169 = arith.addi %mul3A_2167, %add3A_2168 : i32
        %get3A_2170 = arith.index_cast %add3A_2169 : i32 to index
        %get3A_2171 = arith.constant 0 : index
        %get3A_2172 = tpu.vector_load %arg9[%get3A_2170, %get3A_2171] {strides = array<i32>} : memref<128x64xf32, #tpu.memory_space<vmem>>, vector<16xf32>,
        %get3A_2173 = arith.index_cast %add3A_2169 : i32 to index
        %get3A_2174 = arith.constant 16 : index
        %get3A_2175 = tpu.vector_load %arg9[%get3A_2173, %get3A_2174] {strides = array<i32>} : memref<128x64xf32, #tpu.memory_space<vmem>>, vector<16xf32>,
        %get3A_2176 = arith.index_cast %add3A_2169 : i32 to index
        %get3A_2177 = arith.constant 32 : index
        %get3A_2178 = tpu.vector_load %arg9[%get3A_2176, %get3A_2177] {strides = array<i32>} : memref<128x64xf32, #tpu.memory_space<vmem>>, vector<16xf32>,
        %get3A_2179 = arith.index_cast %add3A_2169 : i32 to index
        %get3A_2180 = arith.constant 48 : index
        %get3A_2181 = tpu.vector_load %arg9[%get3A_2179, %get3A_2180] {strides = array<i32>} : memref<128x64xf32, #tpu.memory_space<vmem>>, vector<16xf32>,
        %get3A_2182 = arith.constant 60 : i32
        %get3A_2183 = arith.index_cast %scan3A_235 : i32 to index
        %get3A_2184 = arith.index_cast %get3A_2182 : i32 to index
        %get3A_2185 = arith.constant 0 : index
        %get3A_2186 = tpu.vector_load %arg10[%get3A_2183, %get3A_2184, %get3A_2185] {strides = array<i32>} : memref<8x80x64xf32, #tpu.memory_space<vmem>>, vector<16xf32>,
        %mul3A_2187 = arith.mulf %get3A_2172, %get3A_2186 : vector<16xf32>
        %get3A_2188 = arith.constant 60 : i32
        %get3A_2189 = arith.index_cast %scan3A_235 : i32 to index
        %get3A_2190 = arith.index_cast %get3A_2188 : i32 to index
        %get3A_2191 = arith.constant 16 : index
        %get3A_2192 = tpu.vector_load %arg10[%get3A_2189, %get3A_2190, %get3A_2191] {strides = array<i32>} : memref<8x80x64xf32, #tpu.memory_space<vmem>>, vector<16xf32>,
        %mul3A_2193 = arith.mulf %get3A_2175, %get3A_2192 : vector<16xf32>
        %add3A_2194 = arith.addf %mul3A_2187, %mul3A_2193 : vector<16xf32>
        %get3A_2195 = arith.constant 60 : i32
        %get3A_2196 = arith.index_cast %scan3A_235 : i32 to index
        %get3A_2197 = arith.index_cast %get3A_2195 : i32 to index
        %get3A_2198 = arith.constant 32 : index
        %get3A_2199 = tpu.vector_load %arg10[%get3A_2196, %get3A_2197, %get3A_2198] {strides = array<i32>} : memref<8x80x64xf32, #tpu.memory_space<vmem>>, vector<16xf32>,
        %mul3A_2200 = arith.mulf %get3A_2178, %get3A_2199 : vector<16xf32>
        %add3A_2201 = arith.addf %add3A_2194, %mul3A_2200 : vector<16xf32>
        %get3A_2202 = arith.constant 60 : i32
        %get3A_2203 = arith.index_cast %scan3A_235 : i32 to index
        %get3A_2204 = arith.index_cast %get3A_2202 : i32 to index
        %get3A_2205 = arith.constant 48 : index
        %get3A_2206 = tpu.vector_load %arg10[%get3A_2203, %get3A_2204, %get3A_2205] {strides = array<i32>} : memref<8x80x64xf32, #tpu.memory_space<vmem>>, vector<16xf32>,
        %mul3A_2207 = arith.mulf %get3A_2181, %get3A_2206 : vector<16xf32>
        %add3A_2208 = arith.addf %add3A_2201, %mul3A_2207 : vector<16xf32>
        %swap3A_2209 = arith.constant 960 : index
        %swap3A_2210 = tpu.vector_load %arg11[%swap3A_2209] {strides = array<i32>} : memref<1280xf32, #tpu.memory_space<vmem>>, vector<16xf32>,
        tpu.vector_store %arg11[%swap3A_2209], %add3A_2208 {strides = array<i32>} : memref<1280xf32, #tpu.memory_space<vmem>>, vector<16xf32>,
        %get3A_2211 = arith.constant 61 : i32
        %get3A_2212 = arith.index_cast %scan3A_235 : i32 to index
        %get3A_2213 = arith.index_cast %get3A_2211 : i32 to index
        %get3A_2214 = arith.constant 0 : index
        %get3A_2215 = tpu.vector_load %arg10[%get3A_2212, %get3A_2213, %get3A_2214] {strides = array<i32>} : memref<8x80x64xf32, #tpu.memory_space<vmem>>, vector<16xf32>,
        %mul3A_2216 = arith.mulf %get3A_2172, %get3A_2215 : vector<16xf32>
        %get3A_2217 = arith.constant 61 : i32
        %get3A_2218 = arith.index_cast %scan3A_235 : i32 to index
        %get3A_2219 = arith.index_cast %get3A_2217 : i32 to index
        %get3A_2220 = arith.constant 16 : index
        %get3A_2221 = tpu.vector_load %arg10[%get3A_2218, %get3A_2219, %get3A_2220] {strides = array<i32>} : memref<8x80x64xf32, #tpu.memory_space<vmem>>, vector<16xf32>,
        %mul3A_2222 = arith.mulf %get3A_2175, %get3A_2221 : vector<16xf32>
        %add3A_2223 = arith.addf %mul3A_2216, %mul3A_2222 : vector<16xf32>
        %get3A_2224 = arith.constant 61 : i32
        %get3A_2225 = arith.index_cast %scan3A_235 : i32 to index
        %get3A_2226 = arith.index_cast %get3A_2224 : i32 to index
        %get3A_2227 = arith.constant 32 : index
        %get3A_2228 = tpu.vector_load %arg10[%get3A_2225, %get3A_2226, %get3A_2227] {strides = array<i32>} : memref<8x80x64xf32, #tpu.memory_space<vmem>>, vector<16xf32>,
        %mul3A_2229 = arith.mulf %get3A_2178, %get3A_2228 : vector<16xf32>
        %add3A_2230 = arith.addf %add3A_2223, %mul3A_2229 : vector<16xf32>
        %get3A_2231 = arith.constant 61 : i32
        %get3A_2232 = arith.index_cast %scan3A_235 : i32 to index
        %get3A_2233 = arith.index_cast %get3A_2231 : i32 to index
        %get3A_2234 = arith.constant 48 : index
        %get3A_2235 = tpu.vector_load %arg10[%get3A_2232, %get3A_2233, %get3A_2234] {strides = array<i32>} : memref<8x80x64xf32, #tpu.memory_space<vmem>>, vector<16xf32>,
        %mul3A_2236 = arith.mulf %get3A_2181, %get3A_2235 : vector<16xf32>
        %add3A_2237 = arith.addf %add3A_2230, %mul3A_2236 : vector<16xf32>
        %swap3A_2238 = arith.constant 976 : index
        %swap3A_2239 = tpu.vector_load %arg11[%swap3A_2238] {strides = array<i32>} : memref<1280xf32, #tpu.memory_space<vmem>>, vector<16xf32>,
        tpu.vector_store %arg11[%swap3A_2238], %add3A_2237 {strides = array<i32>} : memref<1280xf32, #tpu.memory_space<vmem>>, vector<16xf32>,
        %get3A_2240 = arith.constant 62 : i32
        %get3A_2241 = arith.index_cast %scan3A_235 : i32 to index
        %get3A_2242 = arith.index_cast %get3A_2240 : i32 to index
        %get3A_2243 = arith.constant 0 : index
        %get3A_2244 = tpu.vector_load %arg10[%get3A_2241, %get3A_2242, %get3A_2243] {strides = array<i32>} : memref<8x80x64xf32, #tpu.memory_space<vmem>>, vector<16xf32>,
        %mul3A_2245 = arith.mulf %get3A_2172, %get3A_2244 : vector<16xf32>
        %get3A_2246 = arith.constant 62 : i32
        %get3A_2247 = arith.index_cast %scan3A_235 : i32 to index
        %get3A_2248 = arith.index_cast %get3A_2246 : i32 to index
        %get3A_2249 = arith.constant 16 : index
        %get3A_2250 = tpu.vector_load %arg10[%get3A_2247, %get3A_2248, %get3A_2249] {strides = array<i32>} : memref<8x80x64xf32, #tpu.memory_space<vmem>>, vector<16xf32>,
        %mul3A_2251 = arith.mulf %get3A_2175, %get3A_2250 : vector<16xf32>
        %add3A_2252 = arith.addf %mul3A_2245, %mul3A_2251 : vector<16xf32>
        %get3A_2253 = arith.constant 62 : i32
        %get3A_2254 = arith.index_cast %scan3A_235 : i32 to index
        %get3A_2255 = arith.index_cast %get3A_2253 : i32 to index
        %get3A_2256 = arith.constant 32 : index
        %get3A_2257 = tpu.vector_load %arg10[%get3A_2254, %get3A_2255, %get3A_2256] {strides = array<i32>} : memref<8x80x64xf32, #tpu.memory_space<vmem>>, vector<16xf32>,
        %mul3A_2258 = arith.mulf %get3A_2178, %get3A_2257 : vector<16xf32>
        %add3A_2259 = arith.addf %add3A_2252, %mul3A_2258 : vector<16xf32>
        %get3A_2260 = arith.constant 62 : i32
        %get3A_2261 = arith.index_cast %scan3A_235 : i32 to index
        %get3A_2262 = arith.index_cast %get3A_2260 : i32 to index
        %get3A_2263 = arith.constant 48 : index
        %get3A_2264 = tpu.vector_load %arg10[%get3A_2261, %get3A_2262, %get3A_2263] {strides = array<i32>} : memref<8x80x64xf32, #tpu.memory_space<vmem>>, vector<16xf32>,
        %mul3A_2265 = arith.mulf %get3A_2181, %get3A_2264 : vector<16xf32>
        %add3A_2266 = arith.addf %add3A_2259, %mul3A_2265 : vector<16xf32>
        %swap3A_2267 = arith.constant 992 : index
        %swap3A_2268 = tpu.vector_load %arg11[%swap3A_2267] {strides = array<i32>} : memref<1280xf32, #tpu.memory_space<vmem>>, vector<16xf32>,
        tpu.vector_store %arg11[%swap3A_2267], %add3A_2266 {strides = array<i32>} : memref<1280xf32, #tpu.memory_space<vmem>>, vector<16xf32>,
        %get3A_2269 = arith.constant 63 : i32
        %get3A_2270 = arith.index_cast %scan3A_235 : i32 to index
        %get3A_2271 = arith.index_cast %get3A_2269 : i32 to index
        %get3A_2272 = arith.constant 0 : index
        %get3A_2273 = tpu.vector_load %arg10[%get3A_2270, %get3A_2271, %get3A_2272] {strides = array<i32>} : memref<8x80x64xf32, #tpu.memory_space<vmem>>, vector<16xf32>,
        %mul3A_2274 = arith.mulf %get3A_2172, %get3A_2273 : vector<16xf32>
        %get3A_2275 = arith.constant 63 : i32
        %get3A_2276 = arith.index_cast %scan3A_235 : i32 to index
        %get3A_2277 = arith.index_cast %get3A_2275 : i32 to index
        %get3A_2278 = arith.constant 16 : index
        %get3A_2279 = tpu.vector_load %arg10[%get3A_2276, %get3A_2277, %get3A_2278] {strides = array<i32>} : memref<8x80x64xf32, #tpu.memory_space<vmem>>, vector<16xf32>,
        %mul3A_2280 = arith.mulf %get3A_2175, %get3A_2279 : vector<16xf32>
        %add3A_2281 = arith.addf %mul3A_2274, %mul3A_2280 : vector<16xf32>
        %get3A_2282 = arith.constant 63 : i32
        %get3A_2283 = arith.index_cast %scan3A_235 : i32 to index
        %get3A_2284 = arith.index_cast %get3A_2282 : i32 to index
        %get3A_2285 = arith.constant 32 : index
        %get3A_2286 = tpu.vector_load %arg10[%get3A_2283, %get3A_2284, %get3A_2285] {strides = array<i32>} : memref<8x80x64xf32, #tpu.memory_space<vmem>>, vector<16xf32>,
        %mul3A_2287 = arith.mulf %get3A_2178, %get3A_2286 : vector<16xf32>
        %add3A_2288 = arith.addf %add3A_2281, %mul3A_2287 : vector<16xf32>
        %get3A_2289 = arith.constant 63 : i32
        %get3A_2290 = arith.index_cast %scan3A_235 : i32 to index
        %get3A_2291 = arith.index_cast %get3A_2289 : i32 to index
        %get3A_2292 = arith.constant 48 : index
        %get3A_2293 = tpu.vector_load %arg10[%get3A_2290, %get3A_2291, %get3A_2292] {strides = array<i32>} : memref<8x80x64xf32, #tpu.memory_space<vmem>>, vector<16xf32>,
        %mul3A_2294 = arith.mulf %get3A_2181, %get3A_2293 : vector<16xf32>
        %add3A_2295 = arith.addf %add3A_2288, %mul3A_2294 : vector<16xf32>
        %swap3A_2296 = arith.constant 1008 : index
        %swap3A_2297 = tpu.vector_load %arg11[%swap3A_2296] {strides = array<i32>} : memref<1280xf32, #tpu.memory_space<vmem>>, vector<16xf32>,
        tpu.vector_store %arg11[%swap3A_2296], %add3A_2295 {strides = array<i32>} : memref<1280xf32, #tpu.memory_space<vmem>>, vector<16xf32>,
        %get3A_2298 = arith.constant 64 : i32
        %get3A_2299 = arith.index_cast %scan3A_235 : i32 to index
        %get3A_2300 = arith.index_cast %get3A_2298 : i32 to index
        %get3A_2301 = arith.constant 0 : index
        %get3A_2302 = tpu.vector_load %arg10[%get3A_2299, %get3A_2300, %get3A_2301] {strides = array<i32>} : memref<8x80x64xf32, #tpu.memory_space<vmem>>, vector<16xf32>,
        %mul3A_2303 = arith.mulf %get3A_2172, %get3A_2302 : vector<16xf32>
        %get3A_2304 = arith.constant 64 : i32
        %get3A_2305 = arith.index_cast %scan3A_235 : i32 to index
        %get3A_2306 = arith.index_cast %get3A_2304 : i32 to index
        %get3A_2307 = arith.constant 16 : index
        %get3A_2308 = tpu.vector_load %arg10[%get3A_2305, %get3A_2306, %get3A_2307] {strides = array<i32>} : memref<8x80x64xf32, #tpu.memory_space<vmem>>, vector<16xf32>,
        %mul3A_2309 = arith.mulf %get3A_2175, %get3A_2308 : vector<16xf32>
        %add3A_2310 = arith.addf %mul3A_2303, %mul3A_2309 : vector<16xf32>
        %get3A_2311 = arith.constant 64 : i32
        %get3A_2312 = arith.index_cast %scan3A_235 : i32 to index
        %get3A_2313 = arith.index_cast %get3A_2311 : i32 to index
        %get3A_2314 = arith.constant 32 : index
        %get3A_2315 = tpu.vector_load %arg10[%get3A_2312, %get3A_2313, %get3A_2314] {strides = array<i32>} : memref<8x80x64xf32, #tpu.memory_space<vmem>>, vector<16xf32>,
        %mul3A_2316 = arith.mulf %get3A_2178, %get3A_2315 : vector<16xf32>
        %add3A_2317 = arith.addf %add3A_2310, %mul3A_2316 : vector<16xf32>
        %get3A_2318 = arith.constant 64 : i32
        %get3A_2319 = arith.index_cast %scan3A_235 : i32 to index
        %get3A_2320 = arith.index_cast %get3A_2318 : i32 to index
        %get3A_2321 = arith.constant 48 : index
        %get3A_2322 = tpu.vector_load %arg10[%get3A_2319, %get3A_2320, %get3A_2321] {strides = array<i32>} : memref<8x80x64xf32, #tpu.memory_space<vmem>>, vector<16xf32>,
        %mul3A_2323 = arith.mulf %get3A_2181, %get3A_2322 : vector<16xf32>
        %add3A_2324 = arith.addf %add3A_2317, %mul3A_2323 : vector<16xf32>
        %swap3A_2325 = arith.constant 1024 : index
        %swap3A_2326 = tpu.vector_load %arg11[%swap3A_2325] {strides = array<i32>} : memref<1280xf32, #tpu.memory_space<vmem>>, vector<16xf32>,
        tpu.vector_store %arg11[%swap3A_2325], %add3A_2324 {strides = array<i32>} : memref<1280xf32, #tpu.memory_space<vmem>>, vector<16xf32>,
        %mul3A_2327 = arith.constant 16 : i32
        %mul3A_2328 = arith.muli %scan3A_235, %mul3A_2327 : i32
        %add3A_2329 = arith.constant 13 : i32
        %add3A_2330 = arith.addi %mul3A_2328, %add3A_2329 : i32
        %get3A_2331 = arith.index_cast %add3A_2330 : i32 to index
        %get3A_2332 = arith.constant 0 : index
        %get3A_2333 = tpu.vector_load %arg9[%get3A_2331, %get3A_2332] {strides = array<i32>} : memref<128x64xf32, #tpu.memory_space<vmem>>, vector<16xf32>,
        %get3A_2334 = arith.index_cast %add3A_2330 : i32 to index
        %get3A_2335 = arith.constant 16 : index
        %get3A_2336 = tpu.vector_load %arg9[%get3A_2334, %get3A_2335] {strides = array<i32>} : memref<128x64xf32, #tpu.memory_space<vmem>>, vector<16xf32>,
        %get3A_2337 = arith.index_cast %add3A_2330 : i32 to index
        %get3A_2338 = arith.constant 32 : index
        %get3A_2339 = tpu.vector_load %arg9[%get3A_2337, %get3A_2338] {strides = array<i32>} : memref<128x64xf32, #tpu.memory_space<vmem>>, vector<16xf32>,
        %get3A_2340 = arith.index_cast %add3A_2330 : i32 to index
        %get3A_2341 = arith.constant 48 : index
        %get3A_2342 = tpu.vector_load %arg9[%get3A_2340, %get3A_2341] {strides = array<i32>} : memref<128x64xf32, #tpu.memory_space<vmem>>, vector<16xf32>,
        %get3A_2343 = arith.constant 65 : i32
        %get3A_2344 = arith.index_cast %scan3A_235 : i32 to index
        %get3A_2345 = arith.index_cast %get3A_2343 : i32 to index
        %get3A_2346 = arith.constant 0 : index
        %get3A_2347 = tpu.vector_load %arg10[%get3A_2344, %get3A_2345, %get3A_2346] {strides = array<i32>} : memref<8x80x64xf32, #tpu.memory_space<vmem>>, vector<16xf32>,
        %mul3A_2348 = arith.mulf %get3A_2333, %get3A_2347 : vector<16xf32>
        %get3A_2349 = arith.constant 65 : i32
        %get3A_2350 = arith.index_cast %scan3A_235 : i32 to index
        %get3A_2351 = arith.index_cast %get3A_2349 : i32 to index
        %get3A_2352 = arith.constant 16 : index
        %get3A_2353 = tpu.vector_load %arg10[%get3A_2350, %get3A_2351, %get3A_2352] {strides = array<i32>} : memref<8x80x64xf32, #tpu.memory_space<vmem>>, vector<16xf32>,
        %mul3A_2354 = arith.mulf %get3A_2336, %get3A_2353 : vector<16xf32>
        %add3A_2355 = arith.addf %mul3A_2348, %mul3A_2354 : vector<16xf32>
        %get3A_2356 = arith.constant 65 : i32
        %get3A_2357 = arith.index_cast %scan3A_235 : i32 to index
        %get3A_2358 = arith.index_cast %get3A_2356 : i32 to index
        %get3A_2359 = arith.constant 32 : index
        %get3A_2360 = tpu.vector_load %arg10[%get3A_2357, %get3A_2358, %get3A_2359] {strides = array<i32>} : memref<8x80x64xf32, #tpu.memory_space<vmem>>, vector<16xf32>,
        %mul3A_2361 = arith.mulf %get3A_2339, %get3A_2360 : vector<16xf32>
        %add3A_2362 = arith.addf %add3A_2355, %mul3A_2361 : vector<16xf32>
        %get3A_2363 = arith.constant 65 : i32
        %get3A_2364 = arith.index_cast %scan3A_235 : i32 to index
        %get3A_2365 = arith.index_cast %get3A_2363 : i32 to index
        %get3A_2366 = arith.constant 48 : index
        %get3A_2367 = tpu.vector_load %arg10[%get3A_2364, %get3A_2365, %get3A_2366] {strides = array<i32>} : memref<8x80x64xf32, #tpu.memory_space<vmem>>, vector<16xf32>,
        %mul3A_2368 = arith.mulf %get3A_2342, %get3A_2367 : vector<16xf32>
        %add3A_2369 = arith.addf %add3A_2362, %mul3A_2368 : vector<16xf32>
        %swap3A_2370 = arith.constant 1040 : index
        %swap3A_2371 = tpu.vector_load %arg11[%swap3A_2370] {strides = array<i32>} : memref<1280xf32, #tpu.memory_space<vmem>>, vector<16xf32>,
        tpu.vector_store %arg11[%swap3A_2370], %add3A_2369 {strides = array<i32>} : memref<1280xf32, #tpu.memory_space<vmem>>, vector<16xf32>,
        %get3A_2372 = arith.constant 66 : i32
        %get3A_2373 = arith.index_cast %scan3A_235 : i32 to index
        %get3A_2374 = arith.index_cast %get3A_2372 : i32 to index
        %get3A_2375 = arith.constant 0 : index
        %get3A_2376 = tpu.vector_load %arg10[%get3A_2373, %get3A_2374, %get3A_2375] {strides = array<i32>} : memref<8x80x64xf32, #tpu.memory_space<vmem>>, vector<16xf32>,
        %mul3A_2377 = arith.mulf %get3A_2333, %get3A_2376 : vector<16xf32>
        %get3A_2378 = arith.constant 66 : i32
        %get3A_2379 = arith.index_cast %scan3A_235 : i32 to index
        %get3A_2380 = arith.index_cast %get3A_2378 : i32 to index
        %get3A_2381 = arith.constant 16 : index
        %get3A_2382 = tpu.vector_load %arg10[%get3A_2379, %get3A_2380, %get3A_2381] {strides = array<i32>} : memref<8x80x64xf32, #tpu.memory_space<vmem>>, vector<16xf32>,
        %mul3A_2383 = arith.mulf %get3A_2336, %get3A_2382 : vector<16xf32>
        %add3A_2384 = arith.addf %mul3A_2377, %mul3A_2383 : vector<16xf32>
        %get3A_2385 = arith.constant 66 : i32
        %get3A_2386 = arith.index_cast %scan3A_235 : i32 to index
        %get3A_2387 = arith.index_cast %get3A_2385 : i32 to index
        %get3A_2388 = arith.constant 32 : index
        %get3A_2389 = tpu.vector_load %arg10[%get3A_2386, %get3A_2387, %get3A_2388] {strides = array<i32>} : memref<8x80x64xf32, #tpu.memory_space<vmem>>, vector<16xf32>,
        %mul3A_2390 = arith.mulf %get3A_2339, %get3A_2389 : vector<16xf32>
        %add3A_2391 = arith.addf %add3A_2384, %mul3A_2390 : vector<16xf32>
        %get3A_2392 = arith.constant 66 : i32
        %get3A_2393 = arith.index_cast %scan3A_235 : i32 to index
        %get3A_2394 = arith.index_cast %get3A_2392 : i32 to index
        %get3A_2395 = arith.constant 48 : index
        %get3A_2396 = tpu.vector_load %arg10[%get3A_2393, %get3A_2394, %get3A_2395] {strides = array<i32>} : memref<8x80x64xf32, #tpu.memory_space<vmem>>, vector<16xf32>,
        %mul3A_2397 = arith.mulf %get3A_2342, %get3A_2396 : vector<16xf32>
        %add3A_2398 = arith.addf %add3A_2391, %mul3A_2397 : vector<16xf32>
        %swap3A_2399 = arith.constant 1056 : index
        %swap3A_2400 = tpu.vector_load %arg11[%swap3A_2399] {strides = array<i32>} : memref<1280xf32, #tpu.memory_space<vmem>>, vector<16xf32>,
        tpu.vector_store %arg11[%swap3A_2399], %add3A_2398 {strides = array<i32>} : memref<1280xf32, #tpu.memory_space<vmem>>, vector<16xf32>,
        %get3A_2401 = arith.constant 67 : i32
        %get3A_2402 = arith.index_cast %scan3A_235 : i32 to index
        %get3A_2403 = arith.index_cast %get3A_2401 : i32 to index
        %get3A_2404 = arith.constant 0 : index
        %get3A_2405 = tpu.vector_load %arg10[%get3A_2402, %get3A_2403, %get3A_2404] {strides = array<i32>} : memref<8x80x64xf32, #tpu.memory_space<vmem>>, vector<16xf32>,
        %mul3A_2406 = arith.mulf %get3A_2333, %get3A_2405 : vector<16xf32>
        %get3A_2407 = arith.constant 67 : i32
        %get3A_2408 = arith.index_cast %scan3A_235 : i32 to index
        %get3A_2409 = arith.index_cast %get3A_2407 : i32 to index
        %get3A_2410 = arith.constant 16 : index
        %get3A_2411 = tpu.vector_load %arg10[%get3A_2408, %get3A_2409, %get3A_2410] {strides = array<i32>} : memref<8x80x64xf32, #tpu.memory_space<vmem>>, vector<16xf32>,
        %mul3A_2412 = arith.mulf %get3A_2336, %get3A_2411 : vector<16xf32>
        %add3A_2413 = arith.addf %mul3A_2406, %mul3A_2412 : vector<16xf32>
        %get3A_2414 = arith.constant 67 : i32
        %get3A_2415 = arith.index_cast %scan3A_235 : i32 to index
        %get3A_2416 = arith.index_cast %get3A_2414 : i32 to index
        %get3A_2417 = arith.constant 32 : index
        %get3A_2418 = tpu.vector_load %arg10[%get3A_2415, %get3A_2416, %get3A_2417] {strides = array<i32>} : memref<8x80x64xf32, #tpu.memory_space<vmem>>, vector<16xf32>,
        %mul3A_2419 = arith.mulf %get3A_2339, %get3A_2418 : vector<16xf32>
        %add3A_2420 = arith.addf %add3A_2413, %mul3A_2419 : vector<16xf32>
        %get3A_2421 = arith.constant 67 : i32
        %get3A_2422 = arith.index_cast %scan3A_235 : i32 to index
        %get3A_2423 = arith.index_cast %get3A_2421 : i32 to index
        %get3A_2424 = arith.constant 48 : index
        %get3A_2425 = tpu.vector_load %arg10[%get3A_2422, %get3A_2423, %get3A_2424] {strides = array<i32>} : memref<8x80x64xf32, #tpu.memory_space<vmem>>, vector<16xf32>,
        %mul3A_2426 = arith.mulf %get3A_2342, %get3A_2425 : vector<16xf32>
        %add3A_2427 = arith.addf %add3A_2420, %mul3A_2426 : vector<16xf32>
        %swap3A_2428 = arith.constant 1072 : index
        %swap3A_2429 = tpu.vector_load %arg11[%swap3A_2428] {strides = array<i32>} : memref<1280xf32, #tpu.memory_space<vmem>>, vector<16xf32>,
        tpu.vector_store %arg11[%swap3A_2428], %add3A_2427 {strides = array<i32>} : memref<1280xf32, #tpu.memory_space<vmem>>, vector<16xf32>,
        %get3A_2430 = arith.constant 68 : i32
        %get3A_2431 = arith.index_cast %scan3A_235 : i32 to index
        %get3A_2432 = arith.index_cast %get3A_2430 : i32 to index
        %get3A_2433 = arith.constant 0 : index
        %get3A_2434 = tpu.vector_load %arg10[%get3A_2431, %get3A_2432, %get3A_2433] {strides = array<i32>} : memref<8x80x64xf32, #tpu.memory_space<vmem>>, vector<16xf32>,
        %mul3A_2435 = arith.mulf %get3A_2333, %get3A_2434 : vector<16xf32>
        %get3A_2436 = arith.constant 68 : i32
        %get3A_2437 = arith.index_cast %scan3A_235 : i32 to index
        %get3A_2438 = arith.index_cast %get3A_2436 : i32 to index
        %get3A_2439 = arith.constant 16 : index
        %get3A_2440 = tpu.vector_load %arg10[%get3A_2437, %get3A_2438, %get3A_2439] {strides = array<i32>} : memref<8x80x64xf32, #tpu.memory_space<vmem>>, vector<16xf32>,
        %mul3A_2441 = arith.mulf %get3A_2336, %get3A_2440 : vector<16xf32>
        %add3A_2442 = arith.addf %mul3A_2435, %mul3A_2441 : vector<16xf32>
        %get3A_2443 = arith.constant 68 : i32
        %get3A_2444 = arith.index_cast %scan3A_235 : i32 to index
        %get3A_2445 = arith.index_cast %get3A_2443 : i32 to index
        %get3A_2446 = arith.constant 32 : index
        %get3A_2447 = tpu.vector_load %arg10[%get3A_2444, %get3A_2445, %get3A_2446] {strides = array<i32>} : memref<8x80x64xf32, #tpu.memory_space<vmem>>, vector<16xf32>,
        %mul3A_2448 = arith.mulf %get3A_2339, %get3A_2447 : vector<16xf32>
        %add3A_2449 = arith.addf %add3A_2442, %mul3A_2448 : vector<16xf32>
        %get3A_2450 = arith.constant 68 : i32
        %get3A_2451 = arith.index_cast %scan3A_235 : i32 to index
        %get3A_2452 = arith.index_cast %get3A_2450 : i32 to index
        %get3A_2453 = arith.constant 48 : index
        %get3A_2454 = tpu.vector_load %arg10[%get3A_2451, %get3A_2452, %get3A_2453] {strides = array<i32>} : memref<8x80x64xf32, #tpu.memory_space<vmem>>, vector<16xf32>,
        %mul3A_2455 = arith.mulf %get3A_2342, %get3A_2454 : vector<16xf32>
        %add3A_2456 = arith.addf %add3A_2449, %mul3A_2455 : vector<16xf32>
        %swap3A_2457 = arith.constant 1088 : index
        %swap3A_2458 = tpu.vector_load %arg11[%swap3A_2457] {strides = array<i32>} : memref<1280xf32, #tpu.memory_space<vmem>>, vector<16xf32>,
        tpu.vector_store %arg11[%swap3A_2457], %add3A_2456 {strides = array<i32>} : memref<1280xf32, #tpu.memory_space<vmem>>, vector<16xf32>,
        %get3A_2459 = arith.constant 69 : i32
        %get3A_2460 = arith.index_cast %scan3A_235 : i32 to index
        %get3A_2461 = arith.index_cast %get3A_2459 : i32 to index
        %get3A_2462 = arith.constant 0 : index
        %get3A_2463 = tpu.vector_load %arg10[%get3A_2460, %get3A_2461, %get3A_2462] {strides = array<i32>} : memref<8x80x64xf32, #tpu.memory_space<vmem>>, vector<16xf32>,
        %mul3A_2464 = arith.mulf %get3A_2333, %get3A_2463 : vector<16xf32>
        %get3A_2465 = arith.constant 69 : i32
        %get3A_2466 = arith.index_cast %scan3A_235 : i32 to index
        %get3A_2467 = arith.index_cast %get3A_2465 : i32 to index
        %get3A_2468 = arith.constant 16 : index
        %get3A_2469 = tpu.vector_load %arg10[%get3A_2466, %get3A_2467, %get3A_2468] {strides = array<i32>} : memref<8x80x64xf32, #tpu.memory_space<vmem>>, vector<16xf32>,
        %mul3A_2470 = arith.mulf %get3A_2336, %get3A_2469 : vector<16xf32>
        %add3A_2471 = arith.addf %mul3A_2464, %mul3A_2470 : vector<16xf32>
        %get3A_2472 = arith.constant 69 : i32
        %get3A_2473 = arith.index_cast %scan3A_235 : i32 to index
        %get3A_2474 = arith.index_cast %get3A_2472 : i32 to index
        %get3A_2475 = arith.constant 32 : index
        %get3A_2476 = tpu.vector_load %arg10[%get3A_2473, %get3A_2474, %get3A_2475] {strides = array<i32>} : memref<8x80x64xf32, #tpu.memory_space<vmem>>, vector<16xf32>,
        %mul3A_2477 = arith.mulf %get3A_2339, %get3A_2476 : vector<16xf32>
        %add3A_2478 = arith.addf %add3A_2471, %mul3A_2477 : vector<16xf32>
        %get3A_2479 = arith.constant 69 : i32
        %get3A_2480 = arith.index_cast %scan3A_235 : i32 to index
        %get3A_2481 = arith.index_cast %get3A_2479 : i32 to index
        %get3A_2482 = arith.constant 48 : index
        %get3A_2483 = tpu.vector_load %arg10[%get3A_2480, %get3A_2481, %get3A_2482] {strides = array<i32>} : memref<8x80x64xf32, #tpu.memory_space<vmem>>, vector<16xf32>,
        %mul3A_2484 = arith.mulf %get3A_2342, %get3A_2483 : vector<16xf32>
        %add3A_2485 = arith.addf %add3A_2478, %mul3A_2484 : vector<16xf32>
        %swap3A_2486 = arith.constant 1104 : index
        %swap3A_2487 = tpu.vector_load %arg11[%swap3A_2486] {strides = array<i32>} : memref<1280xf32, #tpu.memory_space<vmem>>, vector<16xf32>,
        tpu.vector_store %arg11[%swap3A_2486], %add3A_2485 {strides = array<i32>} : memref<1280xf32, #tpu.memory_space<vmem>>, vector<16xf32>,
        %mul3A_2488 = arith.constant 16 : i32
        %mul3A_2489 = arith.muli %scan3A_235, %mul3A_2488 : i32
        %add3A_2490 = arith.constant 14 : i32
        %add3A_2491 = arith.addi %mul3A_2489, %add3A_2490 : i32
        %get3A_2492 = arith.index_cast %add3A_2491 : i32 to index
        %get3A_2493 = arith.constant 0 : index
        %get3A_2494 = tpu.vector_load %arg9[%get3A_2492, %get3A_2493] {strides = array<i32>} : memref<128x64xf32, #tpu.memory_space<vmem>>, vector<16xf32>,
        %get3A_2495 = arith.index_cast %add3A_2491 : i32 to index
        %get3A_2496 = arith.constant 16 : index
        %get3A_2497 = tpu.vector_load %arg9[%get3A_2495, %get3A_2496] {strides = array<i32>} : memref<128x64xf32, #tpu.memory_space<vmem>>, vector<16xf32>,
        %get3A_2498 = arith.index_cast %add3A_2491 : i32 to index
        %get3A_2499 = arith.constant 32 : index
        %get3A_2500 = tpu.vector_load %arg9[%get3A_2498, %get3A_2499] {strides = array<i32>} : memref<128x64xf32, #tpu.memory_space<vmem>>, vector<16xf32>,
        %get3A_2501 = arith.index_cast %add3A_2491 : i32 to index
        %get3A_2502 = arith.constant 48 : index
        %get3A_2503 = tpu.vector_load %arg9[%get3A_2501, %get3A_2502] {strides = array<i32>} : memref<128x64xf32, #tpu.memory_space<vmem>>, vector<16xf32>,
        %get3A_2504 = arith.constant 70 : i32
        %get3A_2505 = arith.index_cast %scan3A_235 : i32 to index
        %get3A_2506 = arith.index_cast %get3A_2504 : i32 to index
        %get3A_2507 = arith.constant 0 : index
        %get3A_2508 = tpu.vector_load %arg10[%get3A_2505, %get3A_2506, %get3A_2507] {strides = array<i32>} : memref<8x80x64xf32, #tpu.memory_space<vmem>>, vector<16xf32>,
        %mul3A_2509 = arith.mulf %get3A_2494, %get3A_2508 : vector<16xf32>
        %get3A_2510 = arith.constant 70 : i32
        %get3A_2511 = arith.index_cast %scan3A_235 : i32 to index
        %get3A_2512 = arith.index_cast %get3A_2510 : i32 to index
        %get3A_2513 = arith.constant 16 : index
        %get3A_2514 = tpu.vector_load %arg10[%get3A_2511, %get3A_2512, %get3A_2513] {strides = array<i32>} : memref<8x80x64xf32, #tpu.memory_space<vmem>>, vector<16xf32>,
        %mul3A_2515 = arith.mulf %get3A_2497, %get3A_2514 : vector<16xf32>
        %add3A_2516 = arith.addf %mul3A_2509, %mul3A_2515 : vector<16xf32>
        %get3A_2517 = arith.constant 70 : i32
        %get3A_2518 = arith.index_cast %scan3A_235 : i32 to index
        %get3A_2519 = arith.index_cast %get3A_2517 : i32 to index
        %get3A_2520 = arith.constant 32 : index
        %get3A_2521 = tpu.vector_load %arg10[%get3A_2518, %get3A_2519, %get3A_2520] {strides = array<i32>} : memref<8x80x64xf32, #tpu.memory_space<vmem>>, vector<16xf32>,
        %mul3A_2522 = arith.mulf %get3A_2500, %get3A_2521 : vector<16xf32>
        %add3A_2523 = arith.addf %add3A_2516, %mul3A_2522 : vector<16xf32>
        %get3A_2524 = arith.constant 70 : i32
        %get3A_2525 = arith.index_cast %scan3A_235 : i32 to index
        %get3A_2526 = arith.index_cast %get3A_2524 : i32 to index
        %get3A_2527 = arith.constant 48 : index
        %get3A_2528 = tpu.vector_load %arg10[%get3A_2525, %get3A_2526, %get3A_2527] {strides = array<i32>} : memref<8x80x64xf32, #tpu.memory_space<vmem>>, vector<16xf32>,
        %mul3A_2529 = arith.mulf %get3A_2503, %get3A_2528 : vector<16xf32>
        %add3A_2530 = arith.addf %add3A_2523, %mul3A_2529 : vector<16xf32>
        %swap3A_2531 = arith.constant 1120 : index
        %swap3A_2532 = tpu.vector_load %arg11[%swap3A_2531] {strides = array<i32>} : memref<1280xf32, #tpu.memory_space<vmem>>, vector<16xf32>,
        tpu.vector_store %arg11[%swap3A_2531], %add3A_2530 {strides = array<i32>} : memref<1280xf32, #tpu.memory_space<vmem>>, vector<16xf32>,
        %get3A_2533 = arith.constant 71 : i32
        %get3A_2534 = arith.index_cast %scan3A_235 : i32 to index
        %get3A_2535 = arith.index_cast %get3A_2533 : i32 to index
        %get3A_2536 = arith.constant 0 : index
        %get3A_2537 = tpu.vector_load %arg10[%get3A_2534, %get3A_2535, %get3A_2536] {strides = array<i32>} : memref<8x80x64xf32, #tpu.memory_space<vmem>>, vector<16xf32>,
        %mul3A_2538 = arith.mulf %get3A_2494, %get3A_2537 : vector<16xf32>
        %get3A_2539 = arith.constant 71 : i32
        %get3A_2540 = arith.index_cast %scan3A_235 : i32 to index
        %get3A_2541 = arith.index_cast %get3A_2539 : i32 to index
        %get3A_2542 = arith.constant 16 : index
        %get3A_2543 = tpu.vector_load %arg10[%get3A_2540, %get3A_2541, %get3A_2542] {strides = array<i32>} : memref<8x80x64xf32, #tpu.memory_space<vmem>>, vector<16xf32>,
        %mul3A_2544 = arith.mulf %get3A_2497, %get3A_2543 : vector<16xf32>
        %add3A_2545 = arith.addf %mul3A_2538, %mul3A_2544 : vector<16xf32>
        %get3A_2546 = arith.constant 71 : i32
        %get3A_2547 = arith.index_cast %scan3A_235 : i32 to index
        %get3A_2548 = arith.index_cast %get3A_2546 : i32 to index
        %get3A_2549 = arith.constant 32 : index
        %get3A_2550 = tpu.vector_load %arg10[%get3A_2547, %get3A_2548, %get3A_2549] {strides = array<i32>} : memref<8x80x64xf32, #tpu.memory_space<vmem>>, vector<16xf32>,
        %mul3A_2551 = arith.mulf %get3A_2500, %get3A_2550 : vector<16xf32>
        %add3A_2552 = arith.addf %add3A_2545, %mul3A_2551 : vector<16xf32>
        %get3A_2553 = arith.constant 71 : i32
        %get3A_2554 = arith.index_cast %scan3A_235 : i32 to index
        %get3A_2555 = arith.index_cast %get3A_2553 : i32 to index
        %get3A_2556 = arith.constant 48 : index
        %get3A_2557 = tpu.vector_load %arg10[%get3A_2554, %get3A_2555, %get3A_2556] {strides = array<i32>} : memref<8x80x64xf32, #tpu.memory_space<vmem>>, vector<16xf32>,
        %mul3A_2558 = arith.mulf %get3A_2503, %get3A_2557 : vector<16xf32>
        %add3A_2559 = arith.addf %add3A_2552, %mul3A_2558 : vector<16xf32>
        %swap3A_2560 = arith.constant 1136 : index
        %swap3A_2561 = tpu.vector_load %arg11[%swap3A_2560] {strides = array<i32>} : memref<1280xf32, #tpu.memory_space<vmem>>, vector<16xf32>,
        tpu.vector_store %arg11[%swap3A_2560], %add3A_2559 {strides = array<i32>} : memref<1280xf32, #tpu.memory_space<vmem>>, vector<16xf32>,
        %get3A_2562 = arith.constant 72 : i32
        %get3A_2563 = arith.index_cast %scan3A_235 : i32 to index
        %get3A_2564 = arith.index_cast %get3A_2562 : i32 to index
        %get3A_2565 = arith.constant 0 : index
        %get3A_2566 = tpu.vector_load %arg10[%get3A_2563, %get3A_2564, %get3A_2565] {strides = array<i32>} : memref<8x80x64xf32, #tpu.memory_space<vmem>>, vector<16xf32>,
        %mul3A_2567 = arith.mulf %get3A_2494, %get3A_2566 : vector<16xf32>
        %get3A_2568 = arith.constant 72 : i32
        %get3A_2569 = arith.index_cast %scan3A_235 : i32 to index
        %get3A_2570 = arith.index_cast %get3A_2568 : i32 to index
        %get3A_2571 = arith.constant 16 : index
        %get3A_2572 = tpu.vector_load %arg10[%get3A_2569, %get3A_2570, %get3A_2571] {strides = array<i32>} : memref<8x80x64xf32, #tpu.memory_space<vmem>>, vector<16xf32>,
        %mul3A_2573 = arith.mulf %get3A_2497, %get3A_2572 : vector<16xf32>
        %add3A_2574 = arith.addf %mul3A_2567, %mul3A_2573 : vector<16xf32>
        %get3A_2575 = arith.constant 72 : i32
        %get3A_2576 = arith.index_cast %scan3A_235 : i32 to index
        %get3A_2577 = arith.index_cast %get3A_2575 : i32 to index
        %get3A_2578 = arith.constant 32 : index
        %get3A_2579 = tpu.vector_load %arg10[%get3A_2576, %get3A_2577, %get3A_2578] {strides = array<i32>} : memref<8x80x64xf32, #tpu.memory_space<vmem>>, vector<16xf32>,
        %mul3A_2580 = arith.mulf %get3A_2500, %get3A_2579 : vector<16xf32>
        %add3A_2581 = arith.addf %add3A_2574, %mul3A_2580 : vector<16xf32>
        %get3A_2582 = arith.constant 72 : i32
        %get3A_2583 = arith.index_cast %scan3A_235 : i32 to index
        %get3A_2584 = arith.index_cast %get3A_2582 : i32 to index
        %get3A_2585 = arith.constant 48 : index
        %get3A_2586 = tpu.vector_load %arg10[%get3A_2583, %get3A_2584, %get3A_2585] {strides = array<i32>} : memref<8x80x64xf32, #tpu.memory_space<vmem>>, vector<16xf32>,
        %mul3A_2587 = arith.mulf %get3A_2503, %get3A_2586 : vector<16xf32>
        %add3A_2588 = arith.addf %add3A_2581, %mul3A_2587 : vector<16xf32>
        %swap3A_2589 = arith.constant 1152 : index
        %swap3A_2590 = tpu.vector_load %arg11[%swap3A_2589] {strides = array<i32>} : memref<1280xf32, #tpu.memory_space<vmem>>, vector<16xf32>,
        tpu.vector_store %arg11[%swap3A_2589], %add3A_2588 {strides = array<i32>} : memref<1280xf32, #tpu.memory_space<vmem>>, vector<16xf32>,
        %get3A_2591 = arith.constant 73 : i32
        %get3A_2592 = arith.index_cast %scan3A_235 : i32 to index
        %get3A_2593 = arith.index_cast %get3A_2591 : i32 to index
        %get3A_2594 = arith.constant 0 : index
        %get3A_2595 = tpu.vector_load %arg10[%get3A_2592, %get3A_2593, %get3A_2594] {strides = array<i32>} : memref<8x80x64xf32, #tpu.memory_space<vmem>>, vector<16xf32>,
        %mul3A_2596 = arith.mulf %get3A_2494, %get3A_2595 : vector<16xf32>
        %get3A_2597 = arith.constant 73 : i32
        %get3A_2598 = arith.index_cast %scan3A_235 : i32 to index
        %get3A_2599 = arith.index_cast %get3A_2597 : i32 to index
        %get3A_2600 = arith.constant 16 : index
        %get3A_2601 = tpu.vector_load %arg10[%get3A_2598, %get3A_2599, %get3A_2600] {strides = array<i32>} : memref<8x80x64xf32, #tpu.memory_space<vmem>>, vector<16xf32>,
        %mul3A_2602 = arith.mulf %get3A_2497, %get3A_2601 : vector<16xf32>
        %add3A_2603 = arith.addf %mul3A_2596, %mul3A_2602 : vector<16xf32>
        %get3A_2604 = arith.constant 73 : i32
        %get3A_2605 = arith.index_cast %scan3A_235 : i32 to index
        %get3A_2606 = arith.index_cast %get3A_2604 : i32 to index
        %get3A_2607 = arith.constant 32 : index
        %get3A_2608 = tpu.vector_load %arg10[%get3A_2605, %get3A_2606, %get3A_2607] {strides = array<i32>} : memref<8x80x64xf32, #tpu.memory_space<vmem>>, vector<16xf32>,
        %mul3A_2609 = arith.mulf %get3A_2500, %get3A_2608 : vector<16xf32>
        %add3A_2610 = arith.addf %add3A_2603, %mul3A_2609 : vector<16xf32>
        %get3A_2611 = arith.constant 73 : i32
        %get3A_2612 = arith.index_cast %scan3A_235 : i32 to index
        %get3A_2613 = arith.index_cast %get3A_2611 : i32 to index
        %get3A_2614 = arith.constant 48 : index
        %get3A_2615 = tpu.vector_load %arg10[%get3A_2612, %get3A_2613, %get3A_2614] {strides = array<i32>} : memref<8x80x64xf32, #tpu.memory_space<vmem>>, vector<16xf32>,
        %mul3A_2616 = arith.mulf %get3A_2503, %get3A_2615 : vector<16xf32>
        %add3A_2617 = arith.addf %add3A_2610, %mul3A_2616 : vector<16xf32>
        %swap3A_2618 = arith.constant 1168 : index
        %swap3A_2619 = tpu.vector_load %arg11[%swap3A_2618] {strides = array<i32>} : memref<1280xf32, #tpu.memory_space<vmem>>, vector<16xf32>,
        tpu.vector_store %arg11[%swap3A_2618], %add3A_2617 {strides = array<i32>} : memref<1280xf32, #tpu.memory_space<vmem>>, vector<16xf32>,
        %get3A_2620 = arith.constant 74 : i32
        %get3A_2621 = arith.index_cast %scan3A_235 : i32 to index
        %get3A_2622 = arith.index_cast %get3A_2620 : i32 to index
        %get3A_2623 = arith.constant 0 : index
        %get3A_2624 = tpu.vector_load %arg10[%get3A_2621, %get3A_2622, %get3A_2623] {strides = array<i32>} : memref<8x80x64xf32, #tpu.memory_space<vmem>>, vector<16xf32>,
        %mul3A_2625 = arith.mulf %get3A_2494, %get3A_2624 : vector<16xf32>
        %get3A_2626 = arith.constant 74 : i32
        %get3A_2627 = arith.index_cast %scan3A_235 : i32 to index
        %get3A_2628 = arith.index_cast %get3A_2626 : i32 to index
        %get3A_2629 = arith.constant 16 : index
        %get3A_2630 = tpu.vector_load %arg10[%get3A_2627, %get3A_2628, %get3A_2629] {strides = array<i32>} : memref<8x80x64xf32, #tpu.memory_space<vmem>>, vector<16xf32>,
        %mul3A_2631 = arith.mulf %get3A_2497, %get3A_2630 : vector<16xf32>
        %add3A_2632 = arith.addf %mul3A_2625, %mul3A_2631 : vector<16xf32>
        %get3A_2633 = arith.constant 74 : i32
        %get3A_2634 = arith.index_cast %scan3A_235 : i32 to index
        %get3A_2635 = arith.index_cast %get3A_2633 : i32 to index
        %get3A_2636 = arith.constant 32 : index
        %get3A_2637 = tpu.vector_load %arg10[%get3A_2634, %get3A_2635, %get3A_2636] {strides = array<i32>} : memref<8x80x64xf32, #tpu.memory_space<vmem>>, vector<16xf32>,
        %mul3A_2638 = arith.mulf %get3A_2500, %get3A_2637 : vector<16xf32>
        %add3A_2639 = arith.addf %add3A_2632, %mul3A_2638 : vector<16xf32>
        %get3A_2640 = arith.constant 74 : i32
        %get3A_2641 = arith.index_cast %scan3A_235 : i32 to index
        %get3A_2642 = arith.index_cast %get3A_2640 : i32 to index
        %get3A_2643 = arith.constant 48 : index
        %get3A_2644 = tpu.vector_load %arg10[%get3A_2641, %get3A_2642, %get3A_2643] {strides = array<i32>} : memref<8x80x64xf32, #tpu.memory_space<vmem>>, vector<16xf32>,
        %mul3A_2645 = arith.mulf %get3A_2503, %get3A_2644 : vector<16xf32>
        %add3A_2646 = arith.addf %add3A_2639, %mul3A_2645 : vector<16xf32>
        %swap3A_2647 = arith.constant 1184 : index
        %swap3A_2648 = tpu.vector_load %arg11[%swap3A_2647] {strides = array<i32>} : memref<1280xf32, #tpu.memory_space<vmem>>, vector<16xf32>,
        tpu.vector_store %arg11[%swap3A_2647], %add3A_2646 {strides = array<i32>} : memref<1280xf32, #tpu.memory_space<vmem>>, vector<16xf32>,
        %mul3A_2649 = arith.constant 16 : i32
        %mul3A_2650 = arith.muli %scan3A_235, %mul3A_2649 : i32
        %add3A_2651 = arith.constant 15 : i32
        %add3A_2652 = arith.addi %mul3A_2650, %add3A_2651 : i32
        %get3A_2653 = arith.index_cast %add3A_2652 : i32 to index
        %get3A_2654 = arith.constant 0 : index
        %get3A_2655 = tpu.vector_load %arg9[%get3A_2653, %get3A_2654] {strides = array<i32>} : memref<128x64xf32, #tpu.memory_space<vmem>>, vector<16xf32>,
        %get3A_2656 = arith.index_cast %add3A_2652 : i32 to index
        %get3A_2657 = arith.constant 16 : index
        %get3A_2658 = tpu.vector_load %arg9[%get3A_2656, %get3A_2657] {strides = array<i32>} : memref<128x64xf32, #tpu.memory_space<vmem>>, vector<16xf32>,
        %get3A_2659 = arith.index_cast %add3A_2652 : i32 to index
        %get3A_2660 = arith.constant 32 : index
        %get3A_2661 = tpu.vector_load %arg9[%get3A_2659, %get3A_2660] {strides = array<i32>} : memref<128x64xf32, #tpu.memory_space<vmem>>, vector<16xf32>,
        %get3A_2662 = arith.index_cast %add3A_2652 : i32 to index
        %get3A_2663 = arith.constant 48 : index
        %get3A_2664 = tpu.vector_load %arg9[%get3A_2662, %get3A_2663] {strides = array<i32>} : memref<128x64xf32, #tpu.memory_space<vmem>>, vector<16xf32>,
        %get3A_2665 = arith.constant 75 : i32
        %get3A_2666 = arith.index_cast %scan3A_235 : i32 to index
        %get3A_2667 = arith.index_cast %get3A_2665 : i32 to index
        %get3A_2668 = arith.constant 0 : index
        %get3A_2669 = tpu.vector_load %arg10[%get3A_2666, %get3A_2667, %get3A_2668] {strides = array<i32>} : memref<8x80x64xf32, #tpu.memory_space<vmem>>, vector<16xf32>,
        %mul3A_2670 = arith.mulf %get3A_2655, %get3A_2669 : vector<16xf32>
        %get3A_2671 = arith.constant 75 : i32
        %get3A_2672 = arith.index_cast %scan3A_235 : i32 to index
        %get3A_2673 = arith.index_cast %get3A_2671 : i32 to index
        %get3A_2674 = arith.constant 16 : index
        %get3A_2675 = tpu.vector_load %arg10[%get3A_2672, %get3A_2673, %get3A_2674] {strides = array<i32>} : memref<8x80x64xf32, #tpu.memory_space<vmem>>, vector<16xf32>,
        %mul3A_2676 = arith.mulf %get3A_2658, %get3A_2675 : vector<16xf32>
        %add3A_2677 = arith.addf %mul3A_2670, %mul3A_2676 : vector<16xf32>
        %get3A_2678 = arith.constant 75 : i32
        %get3A_2679 = arith.index_cast %scan3A_235 : i32 to index
        %get3A_2680 = arith.index_cast %get3A_2678 : i32 to index
        %get3A_2681 = arith.constant 32 : index
        %get3A_2682 = tpu.vector_load %arg10[%get3A_2679, %get3A_2680, %get3A_2681] {strides = array<i32>} : memref<8x80x64xf32, #tpu.memory_space<vmem>>, vector<16xf32>,
        %mul3A_2683 = arith.mulf %get3A_2661, %get3A_2682 : vector<16xf32>
        %add3A_2684 = arith.addf %add3A_2677, %mul3A_2683 : vector<16xf32>
        %get3A_2685 = arith.constant 75 : i32
        %get3A_2686 = arith.index_cast %scan3A_235 : i32 to index
        %get3A_2687 = arith.index_cast %get3A_2685 : i32 to index
        %get3A_2688 = arith.constant 48 : index
        %get3A_2689 = tpu.vector_load %arg10[%get3A_2686, %get3A_2687, %get3A_2688] {strides = array<i32>} : memref<8x80x64xf32, #tpu.memory_space<vmem>>, vector<16xf32>,
        %mul3A_2690 = arith.mulf %get3A_2664, %get3A_2689 : vector<16xf32>
        %add3A_2691 = arith.addf %add3A_2684, %mul3A_2690 : vector<16xf32>
        %swap3A_2692 = arith.constant 1200 : index
        %swap3A_2693 = tpu.vector_load %arg11[%swap3A_2692] {strides = array<i32>} : memref<1280xf32, #tpu.memory_space<vmem>>, vector<16xf32>,
        tpu.vector_store %arg11[%swap3A_2692], %add3A_2691 {strides = array<i32>} : memref<1280xf32, #tpu.memory_space<vmem>>, vector<16xf32>,
        %get3A_2694 = arith.constant 76 : i32
        %get3A_2695 = arith.index_cast %scan3A_235 : i32 to index
        %get3A_2696 = arith.index_cast %get3A_2694 : i32 to index
        %get3A_2697 = arith.constant 0 : index
        %get3A_2698 = tpu.vector_load %arg10[%get3A_2695, %get3A_2696, %get3A_2697] {strides = array<i32>} : memref<8x80x64xf32, #tpu.memory_space<vmem>>, vector<16xf32>,
        %mul3A_2699 = arith.mulf %get3A_2655, %get3A_2698 : vector<16xf32>
        %get3A_2700 = arith.constant 76 : i32
        %get3A_2701 = arith.index_cast %scan3A_235 : i32 to index
        %get3A_2702 = arith.index_cast %get3A_2700 : i32 to index
        %get3A_2703 = arith.constant 16 : index
        %get3A_2704 = tpu.vector_load %arg10[%get3A_2701, %get3A_2702, %get3A_2703] {strides = array<i32>} : memref<8x80x64xf32, #tpu.memory_space<vmem>>, vector<16xf32>,
        %mul3A_2705 = arith.mulf %get3A_2658, %get3A_2704 : vector<16xf32>
        %add3A_2706 = arith.addf %mul3A_2699, %mul3A_2705 : vector<16xf32>
        %get3A_2707 = arith.constant 76 : i32
        %get3A_2708 = arith.index_cast %scan3A_235 : i32 to index
        %get3A_2709 = arith.index_cast %get3A_2707 : i32 to index
        %get3A_2710 = arith.constant 32 : index
        %get3A_2711 = tpu.vector_load %arg10[%get3A_2708, %get3A_2709, %get3A_2710] {strides = array<i32>} : memref<8x80x64xf32, #tpu.memory_space<vmem>>, vector<16xf32>,
        %mul3A_2712 = arith.mulf %get3A_2661, %get3A_2711 : vector<16xf32>
        %add3A_2713 = arith.addf %add3A_2706, %mul3A_2712 : vector<16xf32>
        %get3A_2714 = arith.constant 76 : i32
        %get3A_2715 = arith.index_cast %scan3A_235 : i32 to index
        %get3A_2716 = arith.index_cast %get3A_2714 : i32 to index
        %get3A_2717 = arith.constant 48 : index
        %get3A_2718 = tpu.vector_load %arg10[%get3A_2715, %get3A_2716, %get3A_2717] {strides = array<i32>} : memref<8x80x64xf32, #tpu.memory_space<vmem>>, vector<16xf32>,
        %mul3A_2719 = arith.mulf %get3A_2664, %get3A_2718 : vector<16xf32>
        %add3A_2720 = arith.addf %add3A_2713, %mul3A_2719 : vector<16xf32>
        %swap3A_2721 = arith.constant 1216 : index
        %swap3A_2722 = tpu.vector_load %arg11[%swap3A_2721] {strides = array<i32>} : memref<1280xf32, #tpu.memory_space<vmem>>, vector<16xf32>,
        tpu.vector_store %arg11[%swap3A_2721], %add3A_2720 {strides = array<i32>} : memref<1280xf32, #tpu.memory_space<vmem>>, vector<16xf32>,
        %get3A_2723 = arith.constant 77 : i32
        %get3A_2724 = arith.index_cast %scan3A_235 : i32 to index
        %get3A_2725 = arith.index_cast %get3A_2723 : i32 to index
        %get3A_2726 = arith.constant 0 : index
        %get3A_2727 = tpu.vector_load %arg10[%get3A_2724, %get3A_2725, %get3A_2726] {strides = array<i32>} : memref<8x80x64xf32, #tpu.memory_space<vmem>>, vector<16xf32>,
        %mul3A_2728 = arith.mulf %get3A_2655, %get3A_2727 : vector<16xf32>
        %get3A_2729 = arith.constant 77 : i32
        %get3A_2730 = arith.index_cast %scan3A_235 : i32 to index
        %get3A_2731 = arith.index_cast %get3A_2729 : i32 to index
        %get3A_2732 = arith.constant 16 : index
        %get3A_2733 = tpu.vector_load %arg10[%get3A_2730, %get3A_2731, %get3A_2732] {strides = array<i32>} : memref<8x80x64xf32, #tpu.memory_space<vmem>>, vector<16xf32>,
        %mul3A_2734 = arith.mulf %get3A_2658, %get3A_2733 : vector<16xf32>
        %add3A_2735 = arith.addf %mul3A_2728, %mul3A_2734 : vector<16xf32>
        %get3A_2736 = arith.constant 77 : i32
        %get3A_2737 = arith.index_cast %scan3A_235 : i32 to index
        %get3A_2738 = arith.index_cast %get3A_2736 : i32 to index
        %get3A_2739 = arith.constant 32 : index
        %get3A_2740 = tpu.vector_load %arg10[%get3A_2737, %get3A_2738, %get3A_2739] {strides = array<i32>} : memref<8x80x64xf32, #tpu.memory_space<vmem>>, vector<16xf32>,
        %mul3A_2741 = arith.mulf %get3A_2661, %get3A_2740 : vector<16xf32>
        %add3A_2742 = arith.addf %add3A_2735, %mul3A_2741 : vector<16xf32>
        %get3A_2743 = arith.constant 77 : i32
        %get3A_2744 = arith.index_cast %scan3A_235 : i32 to index
        %get3A_2745 = arith.index_cast %get3A_2743 : i32 to index
        %get3A_2746 = arith.constant 48 : index
        %get3A_2747 = tpu.vector_load %arg10[%get3A_2744, %get3A_2745, %get3A_2746] {strides = array<i32>} : memref<8x80x64xf32, #tpu.memory_space<vmem>>, vector<16xf32>,
        %mul3A_2748 = arith.mulf %get3A_2664, %get3A_2747 : vector<16xf32>
        %add3A_2749 = arith.addf %add3A_2742, %mul3A_2748 : vector<16xf32>
        %swap3A_2750 = arith.constant 1232 : index
        %swap3A_2751 = tpu.vector_load %arg11[%swap3A_2750] {strides = array<i32>} : memref<1280xf32, #tpu.memory_space<vmem>>, vector<16xf32>,
        tpu.vector_store %arg11[%swap3A_2750], %add3A_2749 {strides = array<i32>} : memref<1280xf32, #tpu.memory_space<vmem>>, vector<16xf32>,
        %get3A_2752 = arith.constant 78 : i32
        %get3A_2753 = arith.index_cast %scan3A_235 : i32 to index
        %get3A_2754 = arith.index_cast %get3A_2752 : i32 to index
        %get3A_2755 = arith.constant 0 : index
        %get3A_2756 = tpu.vector_load %arg10[%get3A_2753, %get3A_2754, %get3A_2755] {strides = array<i32>} : memref<8x80x64xf32, #tpu.memory_space<vmem>>, vector<16xf32>,
        %mul3A_2757 = arith.mulf %get3A_2655, %get3A_2756 : vector<16xf32>
        %get3A_2758 = arith.constant 78 : i32
        %get3A_2759 = arith.index_cast %scan3A_235 : i32 to index
        %get3A_2760 = arith.index_cast %get3A_2758 : i32 to index
        %get3A_2761 = arith.constant 16 : index
        %get3A_2762 = tpu.vector_load %arg10[%get3A_2759, %get3A_2760, %get3A_2761] {strides = array<i32>} : memref<8x80x64xf32, #tpu.memory_space<vmem>>, vector<16xf32>,
        %mul3A_2763 = arith.mulf %get3A_2658, %get3A_2762 : vector<16xf32>
        %add3A_2764 = arith.addf %mul3A_2757, %mul3A_2763 : vector<16xf32>
        %get3A_2765 = arith.constant 78 : i32
        %get3A_2766 = arith.index_cast %scan3A_235 : i32 to index
        %get3A_2767 = arith.index_cast %get3A_2765 : i32 to index
        %get3A_2768 = arith.constant 32 : index
        %get3A_2769 = tpu.vector_load %arg10[%get3A_2766, %get3A_2767, %get3A_2768] {strides = array<i32>} : memref<8x80x64xf32, #tpu.memory_space<vmem>>, vector<16xf32>,
        %mul3A_2770 = arith.mulf %get3A_2661, %get3A_2769 : vector<16xf32>
        %add3A_2771 = arith.addf %add3A_2764, %mul3A_2770 : vector<16xf32>
        %get3A_2772 = arith.constant 78 : i32
        %get3A_2773 = arith.index_cast %scan3A_235 : i32 to index
        %get3A_2774 = arith.index_cast %get3A_2772 : i32 to index
        %get3A_2775 = arith.constant 48 : index
        %get3A_2776 = tpu.vector_load %arg10[%get3A_2773, %get3A_2774, %get3A_2775] {strides = array<i32>} : memref<8x80x64xf32, #tpu.memory_space<vmem>>, vector<16xf32>,
        %mul3A_2777 = arith.mulf %get3A_2664, %get3A_2776 : vector<16xf32>
        %add3A_2778 = arith.addf %add3A_2771, %mul3A_2777 : vector<16xf32>
        %swap3A_2779 = arith.constant 1248 : index
        %swap3A_2780 = tpu.vector_load %arg11[%swap3A_2779] {strides = array<i32>} : memref<1280xf32, #tpu.memory_space<vmem>>, vector<16xf32>,
        tpu.vector_store %arg11[%swap3A_2779], %add3A_2778 {strides = array<i32>} : memref<1280xf32, #tpu.memory_space<vmem>>, vector<16xf32>,
        %get3A_2781 = arith.constant 79 : i32
        %get3A_2782 = arith.index_cast %scan3A_235 : i32 to index
        %get3A_2783 = arith.index_cast %get3A_2781 : i32 to index
        %get3A_2784 = arith.constant 0 : index
        %get3A_2785 = tpu.vector_load %arg10[%get3A_2782, %get3A_2783, %get3A_2784] {strides = array<i32>} : memref<8x80x64xf32, #tpu.memory_space<vmem>>, vector<16xf32>,
        %mul3A_2786 = arith.mulf %get3A_2655, %get3A_2785 : vector<16xf32>
        %get3A_2787 = arith.constant 79 : i32
        %get3A_2788 = arith.index_cast %scan3A_235 : i32 to index
        %get3A_2789 = arith.index_cast %get3A_2787 : i32 to index
        %get3A_2790 = arith.constant 16 : index
        %get3A_2791 = tpu.vector_load %arg10[%get3A_2788, %get3A_2789, %get3A_2790] {strides = array<i32>} : memref<8x80x64xf32, #tpu.memory_space<vmem>>, vector<16xf32>,
        %mul3A_2792 = arith.mulf %get3A_2658, %get3A_2791 : vector<16xf32>
        %add3A_2793 = arith.addf %mul3A_2786, %mul3A_2792 : vector<16xf32>
        %get3A_2794 = arith.constant 79 : i32
        %get3A_2795 = arith.index_cast %scan3A_235 : i32 to index
        %get3A_2796 = arith.index_cast %get3A_2794 : i32 to index
        %get3A_2797 = arith.constant 32 : index
        %get3A_2798 = tpu.vector_load %arg10[%get3A_2795, %get3A_2796, %get3A_2797] {strides = array<i32>} : memref<8x80x64xf32, #tpu.memory_space<vmem>>, vector<16xf32>,
        %mul3A_2799 = arith.mulf %get3A_2661, %get3A_2798 : vector<16xf32>
        %add3A_2800 = arith.addf %add3A_2793, %mul3A_2799 : vector<16xf32>
        %get3A_2801 = arith.constant 79 : i32
        %get3A_2802 = arith.index_cast %scan3A_235 : i32 to index
        %get3A_2803 = arith.index_cast %get3A_2801 : i32 to index
        %get3A_2804 = arith.constant 48 : index
        %get3A_2805 = tpu.vector_load %arg10[%get3A_2802, %get3A_2803, %get3A_2804] {strides = array<i32>} : memref<8x80x64xf32, #tpu.memory_space<vmem>>, vector<16xf32>,
        %mul3A_2806 = arith.mulf %get3A_2664, %get3A_2805 : vector<16xf32>
        %add3A_2807 = arith.addf %add3A_2800, %mul3A_2806 : vector<16xf32>
        %swap3A_2808 = arith.constant 1264 : index
        %swap3A_2809 = tpu.vector_load %arg11[%swap3A_2808] {strides = array<i32>} : memref<1280xf32, #tpu.memory_space<vmem>>, vector<16xf32>,
        tpu.vector_store %arg11[%swap3A_2808], %add3A_2807 {strides = array<i32>} : memref<1280xf32, #tpu.memory_space<vmem>>, vector<16xf32>,
        %add3A_2810 = arith.constant 0 : i32
        %add3A_2811 = vector.broadcast %add3A_2810 : i32 to vector<16xi32>
        %add3A_2812 = arith.addi %iota3A, %add3A_2811 : vector<16xi32>
        %mul3A_2813 = arith.constant 16 : i32
        %mul3A_2814 = vector.broadcast %mul3A_2813 : i32 to vector<16xi32>
        %mul3A_2815 = arith.muli %add3A_2812, %mul3A_2814 : vector<16xi32>
        %gather3A = tpu.vector_load_idx %arg11[%mul3A_2815] : memref<1280xf32, #tpu.memory_space<vmem>>[vector<16xi32>], vector<16xf32>,
        %add3A_2816 = arith.constant 1 : i32
        %add3A_2817 = vector.broadcast %add3A_2816 : i32 to vector<16xi32>
        %add3A_2818 = arith.addi %mul3A_2815, %add3A_2817 : vector<16xi32>
        %gather3A_2819 = tpu.vector_load_idx %arg11[%add3A_2818] : memref<1280xf32, #tpu.memory_space<vmem>>[vector<16xi32>], vector<16xf32>,
        %add3A_2820 = arith.addf %gather3A, %gather3A_2819 : vector<16xf32>
        %add3A_2821 = arith.constant 2 : i32
        %add3A_2822 = vector.broadcast %add3A_2821 : i32 to vector<16xi32>
        %add3A_2823 = arith.addi %mul3A_2815, %add3A_2822 : vector<16xi32>
        %gather3A_2824 = tpu.vector_load_idx %arg11[%add3A_2823] : memref<1280xf32, #tpu.memory_space<vmem>>[vector<16xi32>], vector<16xf32>,
        %add3A_2825 = arith.addf %add3A_2820, %gather3A_2824 : vector<16xf32>
        %add3A_2826 = arith.constant 3 : i32
        %add3A_2827 = vector.broadcast %add3A_2826 : i32 to vector<16xi32>
        %add3A_2828 = arith.addi %mul3A_2815, %add3A_2827 : vector<16xi32>
        %gather3A_2829 = tpu.vector_load_idx %arg11[%add3A_2828] : memref<1280xf32, #tpu.memory_space<vmem>>[vector<16xi32>], vector<16xf32>,
        %add3A_2830 = arith.addf %add3A_2825, %gather3A_2829 : vector<16xf32>
        %add3A_2831 = arith.constant 4 : i32
        %add3A_2832 = vector.broadcast %add3A_2831 : i32 to vector<16xi32>
        %add3A_2833 = arith.addi %mul3A_2815, %add3A_2832 : vector<16xi32>
        %gather3A_2834 = tpu.vector_load_idx %arg11[%add3A_2833] : memref<1280xf32, #tpu.memory_space<vmem>>[vector<16xi32>], vector<16xf32>,
        %add3A_2835 = arith.addf %add3A_2830, %gather3A_2834 : vector<16xf32>
        %add3A_2836 = arith.constant 5 : i32
        %add3A_2837 = vector.broadcast %add3A_2836 : i32 to vector<16xi32>
        %add3A_2838 = arith.addi %mul3A_2815, %add3A_2837 : vector<16xi32>
        %gather3A_2839 = tpu.vector_load_idx %arg11[%add3A_2838] : memref<1280xf32, #tpu.memory_space<vmem>>[vector<16xi32>], vector<16xf32>,
        %add3A_2840 = arith.addf %add3A_2835, %gather3A_2839 : vector<16xf32>
        %add3A_2841 = arith.constant 6 : i32
        %add3A_2842 = vector.broadcast %add3A_2841 : i32 to vector<16xi32>
        %add3A_2843 = arith.addi %mul3A_2815, %add3A_2842 : vector<16xi32>
        %gather3A_2844 = tpu.vector_load_idx %arg11[%add3A_2843] : memref<1280xf32, #tpu.memory_space<vmem>>[vector<16xi32>], vector<16xf32>,
        %add3A_2845 = arith.addf %add3A_2840, %gather3A_2844 : vector<16xf32>
        %add3A_2846 = arith.constant 7 : i32
        %add3A_2847 = vector.broadcast %add3A_2846 : i32 to vector<16xi32>
        %add3A_2848 = arith.addi %mul3A_2815, %add3A_2847 : vector<16xi32>
        %gather3A_2849 = tpu.vector_load_idx %arg11[%add3A_2848] : memref<1280xf32, #tpu.memory_space<vmem>>[vector<16xi32>], vector<16xf32>,
        %add3A_2850 = arith.addf %add3A_2845, %gather3A_2849 : vector<16xf32>
        %add3A_2851 = arith.constant 8 : i32
        %add3A_2852 = vector.broadcast %add3A_2851 : i32 to vector<16xi32>
        %add3A_2853 = arith.addi %mul3A_2815, %add3A_2852 : vector<16xi32>
        %gather3A_2854 = tpu.vector_load_idx %arg11[%add3A_2853] : memref<1280xf32, #tpu.memory_space<vmem>>[vector<16xi32>], vector<16xf32>,
        %add3A_2855 = arith.addf %add3A_2850, %gather3A_2854 : vector<16xf32>
        %add3A_2856 = arith.constant 9 : i32
        %add3A_2857 = vector.broadcast %add3A_2856 : i32 to vector<16xi32>
        %add3A_2858 = arith.addi %mul3A_2815, %add3A_2857 : vector<16xi32>
        %gather3A_2859 = tpu.vector_load_idx %arg11[%add3A_2858] : memref<1280xf32, #tpu.memory_space<vmem>>[vector<16xi32>], vector<16xf32>,
        %add3A_2860 = arith.addf %add3A_2855, %gather3A_2859 : vector<16xf32>
        %add3A_2861 = arith.constant 10 : i32
        %add3A_2862 = vector.broadcast %add3A_2861 : i32 to vector<16xi32>
        %add3A_2863 = arith.addi %mul3A_2815, %add3A_2862 : vector<16xi32>
        %gather3A_2864 = tpu.vector_load_idx %arg11[%add3A_2863] : memref<1280xf32, #tpu.memory_space<vmem>>[vector<16xi32>], vector<16xf32>,
        %add3A_2865 = arith.addf %add3A_2860, %gather3A_2864 : vector<16xf32>
        %add3A_2866 = arith.constant 11 : i32
        %add3A_2867 = vector.broadcast %add3A_2866 : i32 to vector<16xi32>
        %add3A_2868 = arith.addi %mul3A_2815, %add3A_2867 : vector<16xi32>
        %gather3A_2869 = tpu.vector_load_idx %arg11[%add3A_2868] : memref<1280xf32, #tpu.memory_space<vmem>>[vector<16xi32>], vector<16xf32>,
        %add3A_2870 = arith.addf %add3A_2865, %gather3A_2869 : vector<16xf32>
        %add3A_2871 = arith.constant 12 : i32
        %add3A_2872 = vector.broadcast %add3A_2871 : i32 to vector<16xi32>
        %add3A_2873 = arith.addi %mul3A_2815, %add3A_2872 : vector<16xi32>
        %gather3A_2874 = tpu.vector_load_idx %arg11[%add3A_2873] : memref<1280xf32, #tpu.memory_space<vmem>>[vector<16xi32>], vector<16xf32>,
        %add3A_2875 = arith.addf %add3A_2870, %gather3A_2874 : vector<16xf32>
        %add3A_2876 = arith.constant 13 : i32
        %add3A_2877 = vector.broadcast %add3A_2876 : i32 to vector<16xi32>
        %add3A_2878 = arith.addi %mul3A_2815, %add3A_2877 : vector<16xi32>
        %gather3A_2879 = tpu.vector_load_idx %arg11[%add3A_2878] : memref<1280xf32, #tpu.memory_space<vmem>>[vector<16xi32>], vector<16xf32>,
        %add3A_2880 = arith.addf %add3A_2875, %gather3A_2879 : vector<16xf32>
        %add3A_2881 = arith.constant 14 : i32
        %add3A_2882 = vector.broadcast %add3A_2881 : i32 to vector<16xi32>
        %add3A_2883 = arith.addi %mul3A_2815, %add3A_2882 : vector<16xi32>
        %gather3A_2884 = tpu.vector_load_idx %arg11[%add3A_2883] : memref<1280xf32, #tpu.memory_space<vmem>>[vector<16xi32>], vector<16xf32>,
        %add3A_2885 = arith.addf %add3A_2880, %gather3A_2884 : vector<16xf32>
        %add3A_2886 = arith.constant 15 : i32
        %add3A_2887 = vector.broadcast %add3A_2886 : i32 to vector<16xi32>
        %add3A_2888 = arith.addi %mul3A_2815, %add3A_2887 : vector<16xi32>
        %gather3A_2889 = tpu.vector_load_idx %arg11[%add3A_2888] : memref<1280xf32, #tpu.memory_space<vmem>>[vector<16xi32>], vector<16xf32>,
        %add3A_2890 = arith.addf %add3A_2885, %gather3A_2889 : vector<16xf32>
        %mul3A_2891 = arith.constant 80 : i32
        %mul3A_2892 = arith.muli %scan3A_235, %mul3A_2891 : i32
        %add3A_2893 = arith.constant 0 : i32
        %add3A_2894 = arith.addi %mul3A_2892, %add3A_2893 : i32
        %swap3A_2895 = arith.index_cast %add3A_2894 : i32 to index
        %swap3A_2896 = tpu.vector_load %arg12[%swap3A_2895] {strides = array<i32>} : memref<640xf32, #tpu.memory_space<vmem>>, vector<16xf32>,
        tpu.vector_store %arg12[%swap3A_2895], %add3A_2890 {strides = array<i32>} : memref<640xf32, #tpu.memory_space<vmem>>, vector<16xf32>,
        %add3A_2897 = arith.constant 16 : i32
        %add3A_2898 = vector.broadcast %add3A_2897 : i32 to vector<16xi32>
        %add3A_2899 = arith.addi %iota3A, %add3A_2898 : vector<16xi32>
        %mul3A_2900 = arith.constant 16 : i32
        %mul3A_2901 = vector.broadcast %mul3A_2900 : i32 to vector<16xi32>
        %mul3A_2902 = arith.muli %add3A_2899, %mul3A_2901 : vector<16xi32>
        %gather3A_2903 = tpu.vector_load_idx %arg11[%mul3A_2902] : memref<1280xf32, #tpu.memory_space<vmem>>[vector<16xi32>], vector<16xf32>,
        %add3A_2904 = arith.constant 1 : i32
        %add3A_2905 = vector.broadcast %add3A_2904 : i32 to vector<16xi32>
        %add3A_2906 = arith.addi %mul3A_2902, %add3A_2905 : vector<16xi32>
        %gather3A_2907 = tpu.vector_load_idx %arg11[%add3A_2906] : memref<1280xf32, #tpu.memory_space<vmem>>[vector<16xi32>], vector<16xf32>,
        %add3A_2908 = arith.addf %gather3A_2903, %gather3A_2907 : vector<16xf32>
        %add3A_2909 = arith.constant 2 : i32
        %add3A_2910 = vector.broadcast %add3A_2909 : i32 to vector<16xi32>
        %add3A_2911 = arith.addi %mul3A_2902, %add3A_2910 : vector<16xi32>
        %gather3A_2912 = tpu.vector_load_idx %arg11[%add3A_2911] : memref<1280xf32, #tpu.memory_space<vmem>>[vector<16xi32>], vector<16xf32>,
        %add3A_2913 = arith.addf %add3A_2908, %gather3A_2912 : vector<16xf32>
        %add3A_2914 = arith.constant 3 : i32
        %add3A_2915 = vector.broadcast %add3A_2914 : i32 to vector<16xi32>
        %add3A_2916 = arith.addi %mul3A_2902, %add3A_2915 : vector<16xi32>
        %gather3A_2917 = tpu.vector_load_idx %arg11[%add3A_2916] : memref<1280xf32, #tpu.memory_space<vmem>>[vector<16xi32>], vector<16xf32>,
        %add3A_2918 = arith.addf %add3A_2913, %gather3A_2917 : vector<16xf32>
        %add3A_2919 = arith.constant 4 : i32
        %add3A_2920 = vector.broadcast %add3A_2919 : i32 to vector<16xi32>
        %add3A_2921 = arith.addi %mul3A_2902, %add3A_2920 : vector<16xi32>
        %gather3A_2922 = tpu.vector_load_idx %arg11[%add3A_2921] : memref<1280xf32, #tpu.memory_space<vmem>>[vector<16xi32>], vector<16xf32>,
        %add3A_2923 = arith.addf %add3A_2918, %gather3A_2922 : vector<16xf32>
        %add3A_2924 = arith.constant 5 : i32
        %add3A_2925 = vector.broadcast %add3A_2924 : i32 to vector<16xi32>
        %add3A_2926 = arith.addi %mul3A_2902, %add3A_2925 : vector<16xi32>
        %gather3A_2927 = tpu.vector_load_idx %arg11[%add3A_2926] : memref<1280xf32, #tpu.memory_space<vmem>>[vector<16xi32>], vector<16xf32>,
        %add3A_2928 = arith.addf %add3A_2923, %gather3A_2927 : vector<16xf32>
        %add3A_2929 = arith.constant 6 : i32
        %add3A_2930 = vector.broadcast %add3A_2929 : i32 to vector<16xi32>
        %add3A_2931 = arith.addi %mul3A_2902, %add3A_2930 : vector<16xi32>
        %gather3A_2932 = tpu.vector_load_idx %arg11[%add3A_2931] : memref<1280xf32, #tpu.memory_space<vmem>>[vector<16xi32>], vector<16xf32>,
        %add3A_2933 = arith.addf %add3A_2928, %gather3A_2932 : vector<16xf32>
        %add3A_2934 = arith.constant 7 : i32
        %add3A_2935 = vector.broadcast %add3A_2934 : i32 to vector<16xi32>
        %add3A_2936 = arith.addi %mul3A_2902, %add3A_2935 : vector<16xi32>
        %gather3A_2937 = tpu.vector_load_idx %arg11[%add3A_2936] : memref<1280xf32, #tpu.memory_space<vmem>>[vector<16xi32>], vector<16xf32>,
        %add3A_2938 = arith.addf %add3A_2933, %gather3A_2937 : vector<16xf32>
        %add3A_2939 = arith.constant 8 : i32
        %add3A_2940 = vector.broadcast %add3A_2939 : i32 to vector<16xi32>
        %add3A_2941 = arith.addi %mul3A_2902, %add3A_2940 : vector<16xi32>
        %gather3A_2942 = tpu.vector_load_idx %arg11[%add3A_2941] : memref<1280xf32, #tpu.memory_space<vmem>>[vector<16xi32>], vector<16xf32>,
        %add3A_2943 = arith.addf %add3A_2938, %gather3A_2942 : vector<16xf32>
        %add3A_2944 = arith.constant 9 : i32
        %add3A_2945 = vector.broadcast %add3A_2944 : i32 to vector<16xi32>
        %add3A_2946 = arith.addi %mul3A_2902, %add3A_2945 : vector<16xi32>
        %gather3A_2947 = tpu.vector_load_idx %arg11[%add3A_2946] : memref<1280xf32, #tpu.memory_space<vmem>>[vector<16xi32>], vector<16xf32>,
        %add3A_2948 = arith.addf %add3A_2943, %gather3A_2947 : vector<16xf32>
        %add3A_2949 = arith.constant 10 : i32
        %add3A_2950 = vector.broadcast %add3A_2949 : i32 to vector<16xi32>
        %add3A_2951 = arith.addi %mul3A_2902, %add3A_2950 : vector<16xi32>
        %gather3A_2952 = tpu.vector_load_idx %arg11[%add3A_2951] : memref<1280xf32, #tpu.memory_space<vmem>>[vector<16xi32>], vector<16xf32>,
        %add3A_2953 = arith.addf %add3A_2948, %gather3A_2952 : vector<16xf32>
        %add3A_2954 = arith.constant 11 : i32
        %add3A_2955 = vector.broadcast %add3A_2954 : i32 to vector<16xi32>
        %add3A_2956 = arith.addi %mul3A_2902, %add3A_2955 : vector<16xi32>
        %gather3A_2957 = tpu.vector_load_idx %arg11[%add3A_2956] : memref<1280xf32, #tpu.memory_space<vmem>>[vector<16xi32>], vector<16xf32>,
        %add3A_2958 = arith.addf %add3A_2953, %gather3A_2957 : vector<16xf32>
        %add3A_2959 = arith.constant 12 : i32
        %add3A_2960 = vector.broadcast %add3A_2959 : i32 to vector<16xi32>
        %add3A_2961 = arith.addi %mul3A_2902, %add3A_2960 : vector<16xi32>
        %gather3A_2962 = tpu.vector_load_idx %arg11[%add3A_2961] : memref<1280xf32, #tpu.memory_space<vmem>>[vector<16xi32>], vector<16xf32>,
        %add3A_2963 = arith.addf %add3A_2958, %gather3A_2962 : vector<16xf32>
        %add3A_2964 = arith.constant 13 : i32
        %add3A_2965 = vector.broadcast %add3A_2964 : i32 to vector<16xi32>
        %add3A_2966 = arith.addi %mul3A_2902, %add3A_2965 : vector<16xi32>
        %gather3A_2967 = tpu.vector_load_idx %arg11[%add3A_2966] : memref<1280xf32, #tpu.memory_space<vmem>>[vector<16xi32>], vector<16xf32>,
        %add3A_2968 = arith.addf %add3A_2963, %gather3A_2967 : vector<16xf32>
        %add3A_2969 = arith.constant 14 : i32
        %add3A_2970 = vector.broadcast %add3A_2969 : i32 to vector<16xi32>
        %add3A_2971 = arith.addi %mul3A_2902, %add3A_2970 : vector<16xi32>
        %gather3A_2972 = tpu.vector_load_idx %arg11[%add3A_2971] : memref<1280xf32, #tpu.memory_space<vmem>>[vector<16xi32>], vector<16xf32>,
        %add3A_2973 = arith.addf %add3A_2968, %gather3A_2972 : vector<16xf32>
        %add3A_2974 = arith.constant 15 : i32
        %add3A_2975 = vector.broadcast %add3A_2974 : i32 to vector<16xi32>
        %add3A_2976 = arith.addi %mul3A_2902, %add3A_2975 : vector<16xi32>
        %gather3A_2977 = tpu.vector_load_idx %arg11[%add3A_2976] : memref<1280xf32, #tpu.memory_space<vmem>>[vector<16xi32>], vector<16xf32>,
        %add3A_2978 = arith.addf %add3A_2973, %gather3A_2977 : vector<16xf32>
        %mul3A_2979 = arith.constant 80 : i32
        %mul3A_2980 = arith.muli %scan3A_235, %mul3A_2979 : i32
        %add3A_2981 = arith.constant 16 : i32
        %add3A_2982 = arith.addi %mul3A_2980, %add3A_2981 : i32
        %swap3A_2983 = arith.index_cast %add3A_2982 : i32 to index
        %swap3A_2984 = tpu.vector_load %arg12[%swap3A_2983] {strides = array<i32>} : memref<640xf32, #tpu.memory_space<vmem>>, vector<16xf32>,
        tpu.vector_store %arg12[%swap3A_2983], %add3A_2978 {strides = array<i32>} : memref<640xf32, #tpu.memory_space<vmem>>, vector<16xf32>,
        %add3A_2985 = arith.constant 32 : i32
        %add3A_2986 = vector.broadcast %add3A_2985 : i32 to vector<16xi32>
        %add3A_2987 = arith.addi %iota3A, %add3A_2986 : vector<16xi32>
        %mul3A_2988 = arith.constant 16 : i32
        %mul3A_2989 = vector.broadcast %mul3A_2988 : i32 to vector<16xi32>
        %mul3A_2990 = arith.muli %add3A_2987, %mul3A_2989 : vector<16xi32>
        %gather3A_2991 = tpu.vector_load_idx %arg11[%mul3A_2990] : memref<1280xf32, #tpu.memory_space<vmem>>[vector<16xi32>], vector<16xf32>,
        %add3A_2992 = arith.constant 1 : i32
        %add3A_2993 = vector.broadcast %add3A_2992 : i32 to vector<16xi32>
        %add3A_2994 = arith.addi %mul3A_2990, %add3A_2993 : vector<16xi32>
        %gather3A_2995 = tpu.vector_load_idx %arg11[%add3A_2994] : memref<1280xf32, #tpu.memory_space<vmem>>[vector<16xi32>], vector<16xf32>,
        %add3A_2996 = arith.addf %gather3A_2991, %gather3A_2995 : vector<16xf32>
        %add3A_2997 = arith.constant 2 : i32
        %add3A_2998 = vector.broadcast %add3A_2997 : i32 to vector<16xi32>
        %add3A_2999 = arith.addi %mul3A_2990, %add3A_2998 : vector<16xi32>
        %gather3A_3000 = tpu.vector_load_idx %arg11[%add3A_2999] : memref<1280xf32, #tpu.memory_space<vmem>>[vector<16xi32>], vector<16xf32>,
        %add3A_3001 = arith.addf %add3A_2996, %gather3A_3000 : vector<16xf32>
        %add3A_3002 = arith.constant 3 : i32
        %add3A_3003 = vector.broadcast %add3A_3002 : i32 to vector<16xi32>
        %add3A_3004 = arith.addi %mul3A_2990, %add3A_3003 : vector<16xi32>
        %gather3A_3005 = tpu.vector_load_idx %arg11[%add3A_3004] : memref<1280xf32, #tpu.memory_space<vmem>>[vector<16xi32>], vector<16xf32>,
        %add3A_3006 = arith.addf %add3A_3001, %gather3A_3005 : vector<16xf32>
        %add3A_3007 = arith.constant 4 : i32
        %add3A_3008 = vector.broadcast %add3A_3007 : i32 to vector<16xi32>
        %add3A_3009 = arith.addi %mul3A_2990, %add3A_3008 : vector<16xi32>
        %gather3A_3010 = tpu.vector_load_idx %arg11[%add3A_3009] : memref<1280xf32, #tpu.memory_space<vmem>>[vector<16xi32>], vector<16xf32>,
        %add3A_3011 = arith.addf %add3A_3006, %gather3A_3010 : vector<16xf32>
        %add3A_3012 = arith.constant 5 : i32
        %add3A_3013 = vector.broadcast %add3A_3012 : i32 to vector<16xi32>
        %add3A_3014 = arith.addi %mul3A_2990, %add3A_3013 : vector<16xi32>
        %gather3A_3015 = tpu.vector_load_idx %arg11[%add3A_3014] : memref<1280xf32, #tpu.memory_space<vmem>>[vector<16xi32>], vector<16xf32>,
        %add3A_3016 = arith.addf %add3A_3011, %gather3A_3015 : vector<16xf32>
        %add3A_3017 = arith.constant 6 : i32
        %add3A_3018 = vector.broadcast %add3A_3017 : i32 to vector<16xi32>
        %add3A_3019 = arith.addi %mul3A_2990, %add3A_3018 : vector<16xi32>
        %gather3A_3020 = tpu.vector_load_idx %arg11[%add3A_3019] : memref<1280xf32, #tpu.memory_space<vmem>>[vector<16xi32>], vector<16xf32>,
        %add3A_3021 = arith.addf %add3A_3016, %gather3A_3020 : vector<16xf32>
        %add3A_3022 = arith.constant 7 : i32
        %add3A_3023 = vector.broadcast %add3A_3022 : i32 to vector<16xi32>
        %add3A_3024 = arith.addi %mul3A_2990, %add3A_3023 : vector<16xi32>
        %gather3A_3025 = tpu.vector_load_idx %arg11[%add3A_3024] : memref<1280xf32, #tpu.memory_space<vmem>>[vector<16xi32>], vector<16xf32>,
        %add3A_3026 = arith.addf %add3A_3021, %gather3A_3025 : vector<16xf32>
        %add3A_3027 = arith.constant 8 : i32
        %add3A_3028 = vector.broadcast %add3A_3027 : i32 to vector<16xi32>
        %add3A_3029 = arith.addi %mul3A_2990, %add3A_3028 : vector<16xi32>
        %gather3A_3030 = tpu.vector_load_idx %arg11[%add3A_3029] : memref<1280xf32, #tpu.memory_space<vmem>>[vector<16xi32>], vector<16xf32>,
        %add3A_3031 = arith.addf %add3A_3026, %gather3A_3030 : vector<16xf32>
        %add3A_3032 = arith.constant 9 : i32
        %add3A_3033 = vector.broadcast %add3A_3032 : i32 to vector<16xi32>
        %add3A_3034 = arith.addi %mul3A_2990, %add3A_3033 : vector<16xi32>
        %gather3A_3035 = tpu.vector_load_idx %arg11[%add3A_3034] : memref<1280xf32, #tpu.memory_space<vmem>>[vector<16xi32>], vector<16xf32>,
        %add3A_3036 = arith.addf %add3A_3031, %gather3A_3035 : vector<16xf32>
        %add3A_3037 = arith.constant 10 : i32
        %add3A_3038 = vector.broadcast %add3A_3037 : i32 to vector<16xi32>
        %add3A_3039 = arith.addi %mul3A_2990, %add3A_3038 : vector<16xi32>
        %gather3A_3040 = tpu.vector_load_idx %arg11[%add3A_3039] : memref<1280xf32, #tpu.memory_space<vmem>>[vector<16xi32>], vector<16xf32>,
        %add3A_3041 = arith.addf %add3A_3036, %gather3A_3040 : vector<16xf32>
        %add3A_3042 = arith.constant 11 : i32
        %add3A_3043 = vector.broadcast %add3A_3042 : i32 to vector<16xi32>
        %add3A_3044 = arith.addi %mul3A_2990, %add3A_3043 : vector<16xi32>
        %gather3A_3045 = tpu.vector_load_idx %arg11[%add3A_3044] : memref<1280xf32, #tpu.memory_space<vmem>>[vector<16xi32>], vector<16xf32>,
        %add3A_3046 = arith.addf %add3A_3041, %gather3A_3045 : vector<16xf32>
        %add3A_3047 = arith.constant 12 : i32
        %add3A_3048 = vector.broadcast %add3A_3047 : i32 to vector<16xi32>
        %add3A_3049 = arith.addi %mul3A_2990, %add3A_3048 : vector<16xi32>
        %gather3A_3050 = tpu.vector_load_idx %arg11[%add3A_3049] : memref<1280xf32, #tpu.memory_space<vmem>>[vector<16xi32>], vector<16xf32>,
        %add3A_3051 = arith.addf %add3A_3046, %gather3A_3050 : vector<16xf32>
        %add3A_3052 = arith.constant 13 : i32
        %add3A_3053 = vector.broadcast %add3A_3052 : i32 to vector<16xi32>
        %add3A_3054 = arith.addi %mul3A_2990, %add3A_3053 : vector<16xi32>
        %gather3A_3055 = tpu.vector_load_idx %arg11[%add3A_3054] : memref<1280xf32, #tpu.memory_space<vmem>>[vector<16xi32>], vector<16xf32>,
        %add3A_3056 = arith.addf %add3A_3051, %gather3A_3055 : vector<16xf32>
        %add3A_3057 = arith.constant 14 : i32
        %add3A_3058 = vector.broadcast %add3A_3057 : i32 to vector<16xi32>
        %add3A_3059 = arith.addi %mul3A_2990, %add3A_3058 : vector<16xi32>
        %gather3A_3060 = tpu.vector_load_idx %arg11[%add3A_3059] : memref<1280xf32, #tpu.memory_space<vmem>>[vector<16xi32>], vector<16xf32>,
        %add3A_3061 = arith.addf %add3A_3056, %gather3A_3060 : vector<16xf32>
        %add3A_3062 = arith.constant 15 : i32
        %add3A_3063 = vector.broadcast %add3A_3062 : i32 to vector<16xi32>
        %add3A_3064 = arith.addi %mul3A_2990, %add3A_3063 : vector<16xi32>
        %gather3A_3065 = tpu.vector_load_idx %arg11[%add3A_3064] : memref<1280xf32, #tpu.memory_space<vmem>>[vector<16xi32>], vector<16xf32>,
        %add3A_3066 = arith.addf %add3A_3061, %gather3A_3065 : vector<16xf32>
        %mul3A_3067 = arith.constant 80 : i32
        %mul3A_3068 = arith.muli %scan3A_235, %mul3A_3067 : i32
        %add3A_3069 = arith.constant 32 : i32
        %add3A_3070 = arith.addi %mul3A_3068, %add3A_3069 : i32
        %swap3A_3071 = arith.index_cast %add3A_3070 : i32 to index
        %swap3A_3072 = tpu.vector_load %arg12[%swap3A_3071] {strides = array<i32>} : memref<640xf32, #tpu.memory_space<vmem>>, vector<16xf32>,
        tpu.vector_store %arg12[%swap3A_3071], %add3A_3066 {strides = array<i32>} : memref<640xf32, #tpu.memory_space<vmem>>, vector<16xf32>,
        %add3A_3073 = arith.constant 48 : i32
        %add3A_3074 = vector.broadcast %add3A_3073 : i32 to vector<16xi32>
        %add3A_3075 = arith.addi %iota3A, %add3A_3074 : vector<16xi32>
        %mul3A_3076 = arith.constant 16 : i32
        %mul3A_3077 = vector.broadcast %mul3A_3076 : i32 to vector<16xi32>
        %mul3A_3078 = arith.muli %add3A_3075, %mul3A_3077 : vector<16xi32>
        %gather3A_3079 = tpu.vector_load_idx %arg11[%mul3A_3078] : memref<1280xf32, #tpu.memory_space<vmem>>[vector<16xi32>], vector<16xf32>,
        %add3A_3080 = arith.constant 1 : i32
        %add3A_3081 = vector.broadcast %add3A_3080 : i32 to vector<16xi32>
        %add3A_3082 = arith.addi %mul3A_3078, %add3A_3081 : vector<16xi32>
        %gather3A_3083 = tpu.vector_load_idx %arg11[%add3A_3082] : memref<1280xf32, #tpu.memory_space<vmem>>[vector<16xi32>], vector<16xf32>,
        %add3A_3084 = arith.addf %gather3A_3079, %gather3A_3083 : vector<16xf32>
        %add3A_3085 = arith.constant 2 : i32
        %add3A_3086 = vector.broadcast %add3A_3085 : i32 to vector<16xi32>
        %add3A_3087 = arith.addi %mul3A_3078, %add3A_3086 : vector<16xi32>
        %gather3A_3088 = tpu.vector_load_idx %arg11[%add3A_3087] : memref<1280xf32, #tpu.memory_space<vmem>>[vector<16xi32>], vector<16xf32>,
        %add3A_3089 = arith.addf %add3A_3084, %gather3A_3088 : vector<16xf32>
        %add3A_3090 = arith.constant 3 : i32
        %add3A_3091 = vector.broadcast %add3A_3090 : i32 to vector<16xi32>
        %add3A_3092 = arith.addi %mul3A_3078, %add3A_3091 : vector<16xi32>
        %gather3A_3093 = tpu.vector_load_idx %arg11[%add3A_3092] : memref<1280xf32, #tpu.memory_space<vmem>>[vector<16xi32>], vector<16xf32>,
        %add3A_3094 = arith.addf %add3A_3089, %gather3A_3093 : vector<16xf32>
        %add3A_3095 = arith.constant 4 : i32
        %add3A_3096 = vector.broadcast %add3A_3095 : i32 to vector<16xi32>
        %add3A_3097 = arith.addi %mul3A_3078, %add3A_3096 : vector<16xi32>
        %gather3A_3098 = tpu.vector_load_idx %arg11[%add3A_3097] : memref<1280xf32, #tpu.memory_space<vmem>>[vector<16xi32>], vector<16xf32>,
        %add3A_3099 = arith.addf %add3A_3094, %gather3A_3098 : vector<16xf32>
        %add3A_3100 = arith.constant 5 : i32
        %add3A_3101 = vector.broadcast %add3A_3100 : i32 to vector<16xi32>
        %add3A_3102 = arith.addi %mul3A_3078, %add3A_3101 : vector<16xi32>
        %gather3A_3103 = tpu.vector_load_idx %arg11[%add3A_3102] : memref<1280xf32, #tpu.memory_space<vmem>>[vector<16xi32>], vector<16xf32>,
        %add3A_3104 = arith.addf %add3A_3099, %gather3A_3103 : vector<16xf32>
        %add3A_3105 = arith.constant 6 : i32
        %add3A_3106 = vector.broadcast %add3A_3105 : i32 to vector<16xi32>
        %add3A_3107 = arith.addi %mul3A_3078, %add3A_3106 : vector<16xi32>
        %gather3A_3108 = tpu.vector_load_idx %arg11[%add3A_3107] : memref<1280xf32, #tpu.memory_space<vmem>>[vector<16xi32>], vector<16xf32>,
        %add3A_3109 = arith.addf %add3A_3104, %gather3A_3108 : vector<16xf32>
        %add3A_3110 = arith.constant 7 : i32
        %add3A_3111 = vector.broadcast %add3A_3110 : i32 to vector<16xi32>
        %add3A_3112 = arith.addi %mul3A_3078, %add3A_3111 : vector<16xi32>
        %gather3A_3113 = tpu.vector_load_idx %arg11[%add3A_3112] : memref<1280xf32, #tpu.memory_space<vmem>>[vector<16xi32>], vector<16xf32>,
        %add3A_3114 = arith.addf %add3A_3109, %gather3A_3113 : vector<16xf32>
        %add3A_3115 = arith.constant 8 : i32
        %add3A_3116 = vector.broadcast %add3A_3115 : i32 to vector<16xi32>
        %add3A_3117 = arith.addi %mul3A_3078, %add3A_3116 : vector<16xi32>
        %gather3A_3118 = tpu.vector_load_idx %arg11[%add3A_3117] : memref<1280xf32, #tpu.memory_space<vmem>>[vector<16xi32>], vector<16xf32>,
        %add3A_3119 = arith.addf %add3A_3114, %gather3A_3118 : vector<16xf32>
        %add3A_3120 = arith.constant 9 : i32
        %add3A_3121 = vector.broadcast %add3A_3120 : i32 to vector<16xi32>
        %add3A_3122 = arith.addi %mul3A_3078, %add3A_3121 : vector<16xi32>
        %gather3A_3123 = tpu.vector_load_idx %arg11[%add3A_3122] : memref<1280xf32, #tpu.memory_space<vmem>>[vector<16xi32>], vector<16xf32>,
        %add3A_3124 = arith.addf %add3A_3119, %gather3A_3123 : vector<16xf32>
        %add3A_3125 = arith.constant 10 : i32
        %add3A_3126 = vector.broadcast %add3A_3125 : i32 to vector<16xi32>
        %add3A_3127 = arith.addi %mul3A_3078, %add3A_3126 : vector<16xi32>
        %gather3A_3128 = tpu.vector_load_idx %arg11[%add3A_3127] : memref<1280xf32, #tpu.memory_space<vmem>>[vector<16xi32>], vector<16xf32>,
        %add3A_3129 = arith.addf %add3A_3124, %gather3A_3128 : vector<16xf32>
        %add3A_3130 = arith.constant 11 : i32
        %add3A_3131 = vector.broadcast %add3A_3130 : i32 to vector<16xi32>
        %add3A_3132 = arith.addi %mul3A_3078, %add3A_3131 : vector<16xi32>
        %gather3A_3133 = tpu.vector_load_idx %arg11[%add3A_3132] : memref<1280xf32, #tpu.memory_space<vmem>>[vector<16xi32>], vector<16xf32>,
        %add3A_3134 = arith.addf %add3A_3129, %gather3A_3133 : vector<16xf32>
        %add3A_3135 = arith.constant 12 : i32
        %add3A_3136 = vector.broadcast %add3A_3135 : i32 to vector<16xi32>
        %add3A_3137 = arith.addi %mul3A_3078, %add3A_3136 : vector<16xi32>
        %gather3A_3138 = tpu.vector_load_idx %arg11[%add3A_3137] : memref<1280xf32, #tpu.memory_space<vmem>>[vector<16xi32>], vector<16xf32>,
        %add3A_3139 = arith.addf %add3A_3134, %gather3A_3138 : vector<16xf32>
        %add3A_3140 = arith.constant 13 : i32
        %add3A_3141 = vector.broadcast %add3A_3140 : i32 to vector<16xi32>
        %add3A_3142 = arith.addi %mul3A_3078, %add3A_3141 : vector<16xi32>
        %gather3A_3143 = tpu.vector_load_idx %arg11[%add3A_3142] : memref<1280xf32, #tpu.memory_space<vmem>>[vector<16xi32>], vector<16xf32>,
        %add3A_3144 = arith.addf %add3A_3139, %gather3A_3143 : vector<16xf32>
        %add3A_3145 = arith.constant 14 : i32
        %add3A_3146 = vector.broadcast %add3A_3145 : i32 to vector<16xi32>
        %add3A_3147 = arith.addi %mul3A_3078, %add3A_3146 : vector<16xi32>
        %gather3A_3148 = tpu.vector_load_idx %arg11[%add3A_3147] : memref<1280xf32, #tpu.memory_space<vmem>>[vector<16xi32>], vector<16xf32>,
        %add3A_3149 = arith.addf %add3A_3144, %gather3A_3148 : vector<16xf32>
        %add3A_3150 = arith.constant 15 : i32
        %add3A_3151 = vector.broadcast %add3A_3150 : i32 to vector<16xi32>
        %add3A_3152 = arith.addi %mul3A_3078, %add3A_3151 : vector<16xi32>
        %gather3A_3153 = tpu.vector_load_idx %arg11[%add3A_3152] : memref<1280xf32, #tpu.memory_space<vmem>>[vector<16xi32>], vector<16xf32>,
        %add3A_3154 = arith.addf %add3A_3149, %gather3A_3153 : vector<16xf32>
        %mul3A_3155 = arith.constant 80 : i32
        %mul3A_3156 = arith.muli %scan3A_235, %mul3A_3155 : i32
        %add3A_3157 = arith.constant 48 : i32
        %add3A_3158 = arith.addi %mul3A_3156, %add3A_3157 : i32
        %swap3A_3159 = arith.index_cast %add3A_3158 : i32 to index
        %swap3A_3160 = tpu.vector_load %arg12[%swap3A_3159] {strides = array<i32>} : memref<640xf32, #tpu.memory_space<vmem>>, vector<16xf32>,
        tpu.vector_store %arg12[%swap3A_3159], %add3A_3154 {strides = array<i32>} : memref<640xf32, #tpu.memory_space<vmem>>, vector<16xf32>,
        %add3A_3161 = arith.constant 64 : i32
        %add3A_3162 = vector.broadcast %add3A_3161 : i32 to vector<16xi32>
        %add3A_3163 = arith.addi %iota3A, %add3A_3162 : vector<16xi32>
        %mul3A_3164 = arith.constant 16 : i32
        %mul3A_3165 = vector.broadcast %mul3A_3164 : i32 to vector<16xi32>
        %mul3A_3166 = arith.muli %add3A_3163, %mul3A_3165 : vector<16xi32>
        %gather3A_3167 = tpu.vector_load_idx %arg11[%mul3A_3166] : memref<1280xf32, #tpu.memory_space<vmem>>[vector<16xi32>], vector<16xf32>,
        %add3A_3168 = arith.constant 1 : i32
        %add3A_3169 = vector.broadcast %add3A_3168 : i32 to vector<16xi32>
        %add3A_3170 = arith.addi %mul3A_3166, %add3A_3169 : vector<16xi32>
        %gather3A_3171 = tpu.vector_load_idx %arg11[%add3A_3170] : memref<1280xf32, #tpu.memory_space<vmem>>[vector<16xi32>], vector<16xf32>,
        %add3A_3172 = arith.addf %gather3A_3167, %gather3A_3171 : vector<16xf32>
        %add3A_3173 = arith.constant 2 : i32
        %add3A_3174 = vector.broadcast %add3A_3173 : i32 to vector<16xi32>
        %add3A_3175 = arith.addi %mul3A_3166, %add3A_3174 : vector<16xi32>
        %gather3A_3176 = tpu.vector_load_idx %arg11[%add3A_3175] : memref<1280xf32, #tpu.memory_space<vmem>>[vector<16xi32>], vector<16xf32>,
        %add3A_3177 = arith.addf %add3A_3172, %gather3A_3176 : vector<16xf32>
        %add3A_3178 = arith.constant 3 : i32
        %add3A_3179 = vector.broadcast %add3A_3178 : i32 to vector<16xi32>
        %add3A_3180 = arith.addi %mul3A_3166, %add3A_3179 : vector<16xi32>
        %gather3A_3181 = tpu.vector_load_idx %arg11[%add3A_3180] : memref<1280xf32, #tpu.memory_space<vmem>>[vector<16xi32>], vector<16xf32>,
        %add3A_3182 = arith.addf %add3A_3177, %gather3A_3181 : vector<16xf32>
        %add3A_3183 = arith.constant 4 : i32
        %add3A_3184 = vector.broadcast %add3A_3183 : i32 to vector<16xi32>
        %add3A_3185 = arith.addi %mul3A_3166, %add3A_3184 : vector<16xi32>
        %gather3A_3186 = tpu.vector_load_idx %arg11[%add3A_3185] : memref<1280xf32, #tpu.memory_space<vmem>>[vector<16xi32>], vector<16xf32>,
        %add3A_3187 = arith.addf %add3A_3182, %gather3A_3186 : vector<16xf32>
        %add3A_3188 = arith.constant 5 : i32
        %add3A_3189 = vector.broadcast %add3A_3188 : i32 to vector<16xi32>
        %add3A_3190 = arith.addi %mul3A_3166, %add3A_3189 : vector<16xi32>
        %gather3A_3191 = tpu.vector_load_idx %arg11[%add3A_3190] : memref<1280xf32, #tpu.memory_space<vmem>>[vector<16xi32>], vector<16xf32>,
        %add3A_3192 = arith.addf %add3A_3187, %gather3A_3191 : vector<16xf32>
        %add3A_3193 = arith.constant 6 : i32
        %add3A_3194 = vector.broadcast %add3A_3193 : i32 to vector<16xi32>
        %add3A_3195 = arith.addi %mul3A_3166, %add3A_3194 : vector<16xi32>
        %gather3A_3196 = tpu.vector_load_idx %arg11[%add3A_3195] : memref<1280xf32, #tpu.memory_space<vmem>>[vector<16xi32>], vector<16xf32>,
        %add3A_3197 = arith.addf %add3A_3192, %gather3A_3196 : vector<16xf32>
        %add3A_3198 = arith.constant 7 : i32
        %add3A_3199 = vector.broadcast %add3A_3198 : i32 to vector<16xi32>
        %add3A_3200 = arith.addi %mul3A_3166, %add3A_3199 : vector<16xi32>
        %gather3A_3201 = tpu.vector_load_idx %arg11[%add3A_3200] : memref<1280xf32, #tpu.memory_space<vmem>>[vector<16xi32>], vector<16xf32>,
        %add3A_3202 = arith.addf %add3A_3197, %gather3A_3201 : vector<16xf32>
        %add3A_3203 = arith.constant 8 : i32
        %add3A_3204 = vector.broadcast %add3A_3203 : i32 to vector<16xi32>
        %add3A_3205 = arith.addi %mul3A_3166, %add3A_3204 : vector<16xi32>
        %gather3A_3206 = tpu.vector_load_idx %arg11[%add3A_3205] : memref<1280xf32, #tpu.memory_space<vmem>>[vector<16xi32>], vector<16xf32>,
        %add3A_3207 = arith.addf %add3A_3202, %gather3A_3206 : vector<16xf32>
        %add3A_3208 = arith.constant 9 : i32
        %add3A_3209 = vector.broadcast %add3A_3208 : i32 to vector<16xi32>
        %add3A_3210 = arith.addi %mul3A_3166, %add3A_3209 : vector<16xi32>
        %gather3A_3211 = tpu.vector_load_idx %arg11[%add3A_3210] : memref<1280xf32, #tpu.memory_space<vmem>>[vector<16xi32>], vector<16xf32>,
        %add3A_3212 = arith.addf %add3A_3207, %gather3A_3211 : vector<16xf32>
        %add3A_3213 = arith.constant 10 : i32
        %add3A_3214 = vector.broadcast %add3A_3213 : i32 to vector<16xi32>
        %add3A_3215 = arith.addi %mul3A_3166, %add3A_3214 : vector<16xi32>
        %gather3A_3216 = tpu.vector_load_idx %arg11[%add3A_3215] : memref<1280xf32, #tpu.memory_space<vmem>>[vector<16xi32>], vector<16xf32>,
        %add3A_3217 = arith.addf %add3A_3212, %gather3A_3216 : vector<16xf32>
        %add3A_3218 = arith.constant 11 : i32
        %add3A_3219 = vector.broadcast %add3A_3218 : i32 to vector<16xi32>
        %add3A_3220 = arith.addi %mul3A_3166, %add3A_3219 : vector<16xi32>
        %gather3A_3221 = tpu.vector_load_idx %arg11[%add3A_3220] : memref<1280xf32, #tpu.memory_space<vmem>>[vector<16xi32>], vector<16xf32>,
        %add3A_3222 = arith.addf %add3A_3217, %gather3A_3221 : vector<16xf32>
        %add3A_3223 = arith.constant 12 : i32
        %add3A_3224 = vector.broadcast %add3A_3223 : i32 to vector<16xi32>
        %add3A_3225 = arith.addi %mul3A_3166, %add3A_3224 : vector<16xi32>
        %gather3A_3226 = tpu.vector_load_idx %arg11[%add3A_3225] : memref<1280xf32, #tpu.memory_space<vmem>>[vector<16xi32>], vector<16xf32>,
        %add3A_3227 = arith.addf %add3A_3222, %gather3A_3226 : vector<16xf32>
        %add3A_3228 = arith.constant 13 : i32
        %add3A_3229 = vector.broadcast %add3A_3228 : i32 to vector<16xi32>
        %add3A_3230 = arith.addi %mul3A_3166, %add3A_3229 : vector<16xi32>
        %gather3A_3231 = tpu.vector_load_idx %arg11[%add3A_3230] : memref<1280xf32, #tpu.memory_space<vmem>>[vector<16xi32>], vector<16xf32>,
        %add3A_3232 = arith.addf %add3A_3227, %gather3A_3231 : vector<16xf32>
        %add3A_3233 = arith.constant 14 : i32
        %add3A_3234 = vector.broadcast %add3A_3233 : i32 to vector<16xi32>
        %add3A_3235 = arith.addi %mul3A_3166, %add3A_3234 : vector<16xi32>
        %gather3A_3236 = tpu.vector_load_idx %arg11[%add3A_3235] : memref<1280xf32, #tpu.memory_space<vmem>>[vector<16xi32>], vector<16xf32>,
        %add3A_3237 = arith.addf %add3A_3232, %gather3A_3236 : vector<16xf32>
        %add3A_3238 = arith.constant 15 : i32
        %add3A_3239 = vector.broadcast %add3A_3238 : i32 to vector<16xi32>
        %add3A_3240 = arith.addi %mul3A_3166, %add3A_3239 : vector<16xi32>
        %gather3A_3241 = tpu.vector_load_idx %arg11[%add3A_3240] : memref<1280xf32, #tpu.memory_space<vmem>>[vector<16xi32>], vector<16xf32>,
        %add3A_3242 = arith.addf %add3A_3237, %gather3A_3241 : vector<16xf32>
        %mul3A_3243 = arith.constant 80 : i32
        %mul3A_3244 = arith.muli %scan3A_235, %mul3A_3243 : i32
        %add3A_3245 = arith.constant 64 : i32
        %add3A_3246 = arith.addi %mul3A_3244, %add3A_3245 : i32
        %swap3A_3247 = arith.index_cast %add3A_3246 : i32 to index
        %swap3A_3248 = tpu.vector_load %arg12[%swap3A_3247] {strides = array<i32>} : memref<640xf32, #tpu.memory_space<vmem>>, vector<16xf32>,
        tpu.vector_store %arg12[%swap3A_3247], %add3A_3242 {strides = array<i32>} : memref<640xf32, #tpu.memory_space<vmem>>, vector<16xf32>,
      }
      %scan3A_232 = arith.constant 8 : i32
      %mul3A_233 = arith.constant 5 : i32
      %mul3A_234 = arith.muli %multiple_of3A, %mul3A_233 : i32
      "tpu.region"() ({
        %run_scoped3A = tpu.sem_alloc : memref<!tpu.dma_semaphore, #tpu.memory_space<semaphore_mem>>
        %dma_start3A_235 = tpu.memref_slice %arg6[%mul3A_234] : memref<81920xf32, #tpu.memory_space<hbm>> -> memref<640xf32, #tpu.memory_space<hbm>>
        %dma_start3A_236 = tpu.memref_slice %arg6[%mul3A_234] : memref<81920xf32, #tpu.memory_space<hbm>> -> memref<640xf32, #tpu.memory_space<hbm>>
        tpu.enqueue_dma source(%arg12 : memref<640xf32, #tpu.memory_space<vmem>>) target(%dma_start3A_236 : memref<640xf32, #tpu.memory_space<hbm>>) target_semaphore(%run_scoped3A : memref<!tpu.dma_semaphore, #tpu.memory_space<semaphore_mem>>)
        %dma_wait3A_237 = tpu.memref_slice %arg6[%mul3A_234] : memref<81920xf32, #tpu.memory_space<hbm>> -> memref<640xf32, #tpu.memory_space<hbm>>
        %dma_wait3A_238 = tpu.memref_slice %arg6[%mul3A_234] : memref<81920xf32, #tpu.memory_space<hbm>> -> memref<640xf32, #tpu.memory_space<hbm>>
        tpu.wait_dma2 semaphore(%run_scoped3A : memref<!tpu.dma_semaphore, #tpu.memory_space<semaphore_mem>>) src(%arg12 : memref<640xf32, #tpu.memory_space<vmem>>) dst(%dma_wait3A_238 : memref<640xf32, #tpu.memory_space<hbm>>)
        tpu.yield
      }) : () -> ()
    }
    %scan3A_5 = arith.constant 4 : i32
    return
  }
}

</mosaic_0001>

<sc_bundles>
// kernel: kernel.3.cloned.1.call-start
scs
__scs_entry_jumppad:
0x0: {  	(pc) =	sbr.rel $0x88, $3  }
0x1: {  	(tag) =	ssettag $0x0;
	lr =	simm.s32 $0x1  }
0x2: {  	[smem:$0x3F9D] =	sst lr;
	_ =	strace $0xD0000000  }
0x3: {  	_ = 	snop  }
0x4: {  	_ = 	snop  }
0x5: {  	_ = 	snop  }
0x6: {  	_ = 	snop  }
0x7: {  	_ = 	snop  }
__scs_overlays_trampoline_lowered:
0x8: {  	[smem:$0x3FAC] =	sst s0  }
0x9: {  	[smem:$0x3FAD] =	sst s1  }
0xa: {  	[smem:$0x3FAE] =	sst s2  }
0xb: {  	[smem:$0x3FAF] =	sst s3  }
0xc: {  	[smem:$0x3FB0] =	sst s4  }
0xd: {  	[smem:$0x3FB1] =	sst s5  }
0xe: {  	[smem:$0x3FB2] =	sst s6  }
0xf: {  	[smem:$0x3FB3] =	sst s7  }
0x10: {  	[smem:$0x3FB4] =	sst s8  }
0x11: {  	[smem:$0x3FB5] =	sst s9;
	s0 =	simm.s32 @!p0 $0x0  }
0x12: {  	s1 =	sld [smem:$0x3F9B];
	s0 =	simm.s32 @p0 $0x1  }
0x13: {  	[smem:$0x3FB6] =	sst s0;
	s0 =	simm.s32 @!p1 $0x0  }
0x14: {  	s2 =	sld [smem:$0x3F9A];
	s0 =	simm.s32 @p1 $0x1  }
0x15: {  	[smem:$0x3FB7] =	sst s0;
	s0 =	simm.s32 @!p2 $0x0  }
0x16: {  	s3 =	sld [smem:$0x3FDB];
	s0 =	simm.s32 @p2 $0x1  }
0x17: {  	s4 =	simm.s32 $0x1BF5;
	[smem:$0x3FB9] =	sst s0  }
0x18: {  	s0 =	sld [smem:$0x3F9C];
	_ =	swait.ge [sflag:s4], $0x0  }
0x19: {  	s7 =	sld [smem:$0x3F9D]  }
0x1a: {  	s8 =	sadd.s32 $0xFFFFE003, lr  }
0x1b: {  	s9 =	sadd.s32 $0xFFFFFEF7, lr;
	s5 =	simm.s32 $0xFFFFFFFF;
	p2 =	slt.u32 s8, $0xFFFFF086  }
0x1c: {  	p1 =	slt.u32 s9, $0xF7A;
	s5 =	simm.s32 @!p2 $0x0  }
0x1d: {  	s5 =	simm.s32 @p1 $0x1;
	p0 =	seq.s32 s7, s2  }
0x1e: {  	s7 =	smul.u32 @!p0 $0xF7A, s2;
	p2 =	seq.s32 @!p0 s5, $0x0  }
0x1f: {  	s9 =	smul.u32 $0xF7A, s1;
	s8 =	simm.s32 @!p0 $0x1BF5;
	p2 =	por !p2, p0  }
0x20: {  	[sflag:s8] =	ssyncset.s32 @!p0 $0xFFFFF086;
	s6 =	sadd.s32 @!p0 s3, s7;
	s7 =	simm.s32 @!p0 $0x108  }
0x21: {  	s3 =	sadd.s32 s3, s9;
	s6 =	sadd.s32 @!p0 $0x88, s6;
	s7 =	simm.s32 @p2 $0x1082  }
0x22: {  	[simem:s7], [sflag:s8] =	dma.local @!p0 [hbm:s6], $0xF7A  }
0x23: {  	s9 =	sor.u32 $0xD0000000, s2;
	s6 =	simm.s32 $0x108;
	_ =	swait.ge @!p0 [sflag:s8], $0x0  }
0x24: {  	s3 =	sadd.s32 $0x88, s3;
	s6 =	simm.s32 @!p1 $0x1082;
	[sflag:s4] =	ssyncset.s32 $0xFFFFF086  }
0x25: {  	[simem:s6], [sflag:s4] =	dma.local [hbm:s3], $0xF7A  }
0x26: {  	[smem:$0x3F9D] =	sst s1;
	(tag) =	ssettag s2;
	_ =	strace s9  }
0x27: {  	s1 =	sld [smem:$0x3FAD]  }
0x28: {  	s2 =	sld [smem:$0x3FAE]  }
0x29: {  	s4 =	sld [smem:$0x3FB0]  }
0x2a: {  	p0 =	seq.s32 s5, $0x0;
	s5 =	sld [smem:$0x3FB1]  }
0x2b: {  	s6 =	sld [smem:$0x3FB2]  }
0x2c: {  	s7 =	sld [smem:$0x3FB3]  }
0x2d: {  	s3 =	simm.s32 $0x108;
	s8 =	sld [smem:$0x3FB4]  }
0x2e: {  	s3 =	simm.s32 @!p0 $0x1082;
	s9 =	sld [smem:$0x3FB5]  }
0x2f: {  	lr =	sadd.s32 s0, s3;
	s0 =	sld [smem:$0x3FAC]  }
0x30: {  	s3 =	sld [smem:$0x3FAF]  }
0x31: {  	[smem:$0x3FB8] =	sst s10  }
0x32: {  	s10 =	sld [smem:$0x3FB6];
	_ =	sdelay $0x3  }
0x33: {  	p0 =	seq.s32 s10, $0x1;
	s10 =	sld [smem:$0x3FB8];
	_ =	sdelay $0x3  }
0x34: {  	[smem:$0x3FB8] =	sst s10  }
0x35: {  	s10 =	sld [smem:$0x3FB7];
	_ =	sdelay $0x3  }
0x36: {  	p1 =	seq.s32 s10, $0x1;
	s10 =	sld [smem:$0x3FB8];
	_ =	sdelay $0x3  }
0x37: {  	[smem:$0x3FB8] =	sst s10  }
0x38: {  	s10 =	sld [smem:$0x3FB9]  }
0x39: {  	_ = 	snop;
	(pc) =	sbr.ind lr, $3  }
0x3a: {  	_ = 	snop  }
0x3b: {  	_ = 	snop  }
0x3c: {  	p2 =	seq.s32 s10, $0x1;
	s10 =	sld [smem:$0x3FB8]  }
0x3d: {  	_ =	shalt  }
0x3e: {  	_ =	shalt  }
0x3f: {  	_ =	shalt  }
0x40: {  	_ =	shalt  }
0x41: {  	_ =	shalt  }
0x42: {  	_ =	shalt  }
0x43: {  	_ =	shalt  }
0x44: {  	_ =	shalt  }
0x45: {  	_ =	shalt  }
0x46: {  	_ =	shalt  }
0x47: {  	_ =	shalt  }
0x48: {  	_ =	shalt  }
0x49: {  	_ =	shalt  }
0x4a: {  	_ =	shalt  }
0x4b: {  	_ =	shalt  }
0x4c: {  	_ =	shalt  }
0x4d: {  	_ =	shalt  }
0x4e: {  	_ =	shalt  }
0x4f: {  	_ =	shalt  }
0x50: {  	_ =	shalt  }
0x51: {  	_ =	shalt  }
0x52: {  	_ =	shalt  }
0x53: {  	_ =	shalt  }
0x54: {  	_ =	shalt  }
0x55: {  	_ =	shalt  }
0x56: {  	_ =	shalt  }
0x57: {  	_ =	shalt  }
0x58: {  	_ =	shalt  }
0x59: {  	_ =	shalt  }
0x5a: {  	_ =	shalt  }
0x5b: {  	_ =	shalt  }
0x5c: {  	_ =	shalt  }
0x5d: {  	_ =	shalt  }
0x5e: {  	_ =	shalt  }
0x5f: {  	_ =	shalt  }
0x60: {  	_ =	shalt  }
0x61: {  	_ =	shalt  }
0x62: {  	_ =	shalt  }
0x63: {  	_ =	shalt  }
0x64: {  	_ =	shalt  }
0x65: {  	_ =	shalt  }
0x66: {  	_ =	shalt  }
0x67: {  	_ =	shalt  }
0x68: {  	_ =	shalt  }
0x69: {  	_ =	shalt  }
0x6a: {  	_ =	shalt  }
0x6b: {  	_ =	shalt  }
0x6c: {  	_ =	shalt  }
0x6d: {  	_ =	shalt  }
0x6e: {  	_ =	shalt  }
0x6f: {  	_ =	shalt  }
0x70: {  	_ =	shalt  }
0x71: {  	_ =	shalt  }
0x72: {  	_ =	shalt  }
0x73: {  	_ =	shalt  }
0x74: {  	_ =	shalt  }
0x75: {  	_ =	shalt  }
0x76: {  	_ =	shalt  }
0x77: {  	_ =	shalt  }
0x78: {  	_ =	shalt  }
0x79: {  	_ =	shalt  }
0x7a: {  	_ =	shalt  }
0x7b: {  	_ =	shalt  }
0x7c: {  	_ =	shalt  }
0x7d: {  	_ =	shalt  }
0x7e: {  	_ =	shalt  }
0x7f: {  	_ =	shalt  }
0x80: {  	_ =	shalt  }
0x81: {  	_ =	shalt  }
0x82: {  	_ =	shalt  }
0x83: {  	_ =	shalt  }
0x84: {  	_ =	shalt  }
0x85: {  	_ =	shalt  }
0x86: {  	_ =	shalt  }
0x87: {  	_ =	shalt  }
.Lfunc_end0:
.L_simem_size_0:
called_computation_lowered:
.L_overlay_start_0:
0x88: {  	s2 =	sld [smem:$0x3FD9]  }
0x89: {  	s3 =	sld [smem:$0x3FFE];
	_ =	sdelay $0x1  }
0x8a: {  	s1 =	srdreg.scid  }
0x8b: {  	s0 =	sand.u32 $0x1, s1  }
0x8c: {  	s17 =	sshll.u32 s0, $0xA;
	s2 =	sadd.s32 s3, s2  }
0x8d: {  	s2 =	sadd.s32 s2, s17  }
0x8e: {  	[smem:$0x3FC4] =	sst s2  }
0x8f: {  	_ = 	snop  }
0x90: {  	s2 =	sld [smem:$0x3FC9]  }
0x91: {  	s18 =	sld [smem:$0x3FD0];
	(tm) =	ssettm $0x1  }
0x92: {  	s4 =	sld [smem:$0x3FFB];
	_ =	sdelay $0x3  }
0x93: {  	_ =	strace s4  }
0x94: {  	s4 =	sld [smem:$0x3FFC];
	_ =	sdelay $0x3  }
0x95: {  	_ =	strace s4  }
0x96: {  	s4 =	sld [smem:$0x3FFD];
	_ =	sdelay $0x3  }
0x97: {  	_ =	strace s4  }
0x98: {  	_ =	strace $0x8FFFFFFF  }
0x99: {  	s19 =	sld [smem:$0x3FDB];
	_ =	sdelay $0x1  }
0x9a: {  	s5 =	simm.s32 $_scs_section_size  }
0x9b: {  	s6 =	simm.s32 $_size__tile_overlayer_lowered;
	s7 =	simm.s32 $_tile_overlayer_lowered  }
0x9c: {  	s22 =	simm.s32 $0x1BFF;
	s21 =	sshll.u32 s7, $0x1;
	s4 =	sadd.s32 s5, s19  }
0x9d: {  	s8 =	simm.s32 $0x0;
	s20 =	sshll.u32 s6, $0x1;
	s6 =	sadd.s32 s21, s4  }
0x9e: {  	[timem:s8], [sflag:s22] =	dma.local [hbm:s6], s20  }
0x9f: {  	_ =	swait.ge [sflag:s22], s20  }
0xa0: {  	s5 =	ssub.s32 $0x0, s20;
	[sflag:s22] =	ssyncset.done $0x0  }
0xa1: {  	[sflag:s22] =	ssyncadd.s32 s5;
	_ =	sdelay $0x1  }
0xa2: {  	s23 =	simm.s32 $0x1B8B  }
0xa3: {  	_ =	swait.ge [sflag:s23], $0x1  }
0xa4: {  	[sflag:s23] =	ssyncset.done $0x0  }
0xa5: {  	s25 =	simm.s32 $0x1B8E;
	s24 =	sld [smem:$0x3FFE];
	[sflag:s23] =	ssyncadd.s32 $0xFFFFFFFF  }
0xa6: {  	s26 =	simm.s32 $execute0_lowered;
	[smem:$0x3FD2] =	sst s25  }
0xa7: {  	s6 =	sshll.u32 s26, $0x1;
	_ =	strace $0x80000046;
	[dreg:$0x1] =	wrdreg $0xFFFFFFFF  }
0xa8: {  	s28 =	simm.s32 $_size_execute0_lowered;
	s4 =	sadd.s32 s4, s6;
	[dreg:$0x0] =	wrdreg $0x0  }
0xa9: {  	s6 =	sshll.u32 s28, $0x1;
	[dreg:$0x2] =	wrdreg s4  }
0xaa: {  	[dreg:$0x3] =	wrdreg s6  }
0xab: {  	[dreg:$0x4] =	wrdreg $0xC0  }
0xac: {  	_ =	task [dreg:s8], $0x5FFFF  }
0xad: {  	[dreg:$0x1] =	wrdreg $0xFFFFFFFF  }
0xae: {  	[dreg:$0x0] =	wrdreg $0x60  }
0xaf: {  	[dreg:$0x2] =	wrdreg s2  }
0xb0: {  	[dreg:$0x3] =	wrdreg s18  }
0xb1: {  	[dreg:$0x4] =	wrdreg s24  }
0xb2: {  	[dreg:$0x5] =	wrdreg $0x9  }
0xb3: {  	_ =	task.clear_ibuf [dreg:s8], $0x6FFFF;
	_ =	strace $0x90000046  }
0xb4: {  	s29 =	simm.s32 $0x9;
	_ =	strace $0x80000048  }
0xb5: {  	_ =	swait.ge [sflag:s29], $0x1  }
0xb6: {  	[sflag:s29] =	ssyncadd.s32 $0xFFFFFFFF  }
0xb7: {  	_ =	strace $0x90000048  }
0xb8: {  	_ =	sfence  }
0xb9: {  	s30 =	sld [smem:$0x0];
	_ =	sdelay $0x2  }
0xba: {  	s31 =	sshll.u32 s1, $0xD;
	s1 =	sshrl.u32 s1, $0x2  }
0xbb: {  	s3 =	sand.u32 $0x4000, s31;
	s1 =	sadd.s32 s1, s30  }
0xbc: {  	s0 =	sor.u32 s3, s0;
	s1 =	sshll.u32 s1, $0x11  }
0xbd: {  	s0 =	sor.u32 s1, s0  }
0xbe: {  	s0 =	sadd.s32 $0x8F2B, s0  }
0xbf: {  	[sflag:s0] =	ssyncadd.remote.s32 $0x1  }
0xc0: {  	_ =	sfence.sel $0xFFFF  }
0xc1: {  	[dreg:$0x0] =	wrdreg $0xFFFFFFFF;
	(pc) =	sbr.abs _section_cstart, $3  }
0xc2: {  	[dreg:$0x1] =	wrdreg $0xFFFFFFFF  }
0xc3: {  	_ =	task.clear_ibuf [dreg:s8], $0x2FFFF;
	_ =	strace $0x9FFFFFFF  }
0xc4: {  	(tm) =	ssettm $0x7FFFFFFF  }
0xc5: {  	_ =	shalt  }
tec
execute0_lowered:
.L_overlay_start_1:
0x0: {  	(tag) =	ssettag $0x1  }
0x1: {  	v0 =	vlaneseq.u32  }
0x2: {  	v0 =	vmul.u32 $0x10, v0;
	_ =	sdelay $0x1  }
0x3: {  	v7 =	vor.u32 $0x1, v0;
	v8 =	vor.u32 $0x2, v0;
	v11 =	vor.u32 $0x3, v0  }
0x4: {  	v12 =	vor.u32 $0x4, v0;
	v13 =	vor.u32 $0x5, v0;
	v14 =	vor.u32 $0x6, v0  }
0x5: {  	v15 =	vor.u32 $0x7, v0;
	v16 =	vor.u32 $0x8, v0;
	v17 =	vor.u32 $0x9, v0  }
0x6: {  	v18 =	vor.u32 $0xA, v0;
	v19 =	vor.u32 $0xB, v0;
	v20 =	vor.u32 $0xC, v0  }
0x7: {  	v21 =	vor.u32 $0xD, v0;
	v22 =	vor.u32 $0xE, v0;
	v23 =	vor.u32 $0xF, v0  }
0x8: {  	v24 =	vor.u32 $0x100, v0;
	v25 =	vor.u32 $0x101, v0;
	v26 =	vor.u32 $0x102, v0  }
0x9: {  	v27 =	vor.u32 $0x103, v0;
	v28 =	vor.u32 $0x104, v0;
	v29 =	vor.u32 $0x105, v0  }
0xa: {  	s0 =	rddreg [dreg:$0x2];
	s1 =	simm.s32 $0x0;
	v30 =	vor.u32 $0x106, v0;
	v31 =	vor.u32 $0x107, v0;
	v32 =	vor.u32 $0x108, v0  }
0xb: {  	s24 =	srdreg.scid;
	s13 =	simm.s32 $0x50;
	s14 =	simm.s32 $0x2300;
	v33 =	vor.u32 $0x109, v0;
	v34 =	vor.u32 $0x10A, v0;
	v35 =	vor.u32 $0x10B, v0  }
0xc: {  	s15 =	simm.s32 $0xD0;
	s16 =	simm.s32 $0x3700;
	s17 =	simm.s32 $0x120;
	v36 =	vor.u32 $0x10C, v0;
	v37 =	vor.u32 $0x10D, v0;
	v38 =	vor.u32 $0x10E, v0  }
0xd: {  	s18 =	simm.s32 $0x4B00;
	s19 =	simm.s32 $0x170;
	s20 =	simm.s32 $0x5F00;
	v39 =	vor.u32 $0x10F, v0;
	v40 =	vor.u32 $0x200, v0;
	v41 =	vor.u32 $0x201, v0  }
0xe: {  	s21 =	simm.s32 $0x1C0;
	s22 =	simm.s32 $0x7300;
	s23 =	simm.s32 $0x210;
	v42 =	vor.u32 $0x202, v0;
	v43 =	vor.u32 $0x203, v0;
	v44 =	vor.u32 $0x204, v0  }
0xf: {  	s28 =	simm.s32 $0x2B0;
	s29 =	simm.s32 $0xAF00;
	[smem:$0x7FF] =	sst s1;
	v45 =	vor.u32 $0x205, v0;
	v46 =	vor.u32 $0x206, v0;
	v1 =	vor.u32 $0x30A, v0  }
0x10: {  	s5 =	stileid.u32;
	s10 =	simm.s32 $0x3;
	_ =	strace $0x80000047;
	v47 =	vor.u32 $0x207, v0;
	v48 =	vor.u32 $0x208, v0;
	v49 =	vor.u32 $0x209, v0;
	[tilespmem:$0x1FF80] =	vst v1  }
0x11: {  	s11 =	simm.s32 $0x80;
	s30 =	simm.s32 $0x1;
	s4 =	sadd.s32 $0x16E3C00, s0;
	v50 =	vor.u32 $0x20A, v0;
	v51 =	vor.u32 $0x20B, v0;
	v52 =	vor.u32 $0x20C, v0;
	[tilespmem:$0x1FFE0] =	vst v7  }
0x12: {  	s31 =	simm.s32 $0x2;
	s1 =	sand.u32 $0x1, s24;
	s6 =	sadd.s32 $0xF42A00, s0;
	v53 =	vor.u32 $0x20D, v0;
	v54 =	vor.u32 $0x20E, v0;
	v1 =	vor.u32 $0x30B, v0;
	[tilespmem:$0x1FFF0] =	vst v8  }
0x13: {  	s25 =	sshll.u32 s5, $0xA;
	s7 =	sadd.s32 $0x600, s0;
	s2 =	ssub.s32 $0x2, s1;
	v55 =	vor.u32 $0x20F, v0;
	v56 =	vor.u32 $0x300, v0;
	[tilespmem:$0x1FF90] =	vst v1;
	v1 =	vor.u32 $0x30C, v0  }
0x14: {  	s24 =	simm.s32 $0x8700;
	s1 =	sshll.u32 s1, $0x9;
	s3 =	sshrl.u32 s2, $0x1;
	v57 =	vor.u32 $0x301, v0;
	v58 =	vor.u32 $0x302, v0;
	[tilespmem:$0x1FFA0] =	vst v1;
	v1 =	vor.u32 $0x30D, v0  }
0x15: {  	s5 =	simm.s32 $0xC800;
	s8 =	sor.u32 s1, s25;
	v59 =	vor.u32 $0x303, v0;
	v60 =	vor.u32 $0x304, v0;
	s2 =	ssub.s32 s2, s3;
	[tilespmem:$0x1FFB0] =	vst v1;
	v1 =	vor.u32 $0x30E, v0  }
0x16: {  	v61 =	vor.u32 $0x305, v0;
	v62 =	vor.u32 $0x306, v0;
	s25 =	simm.s32 $0x260;
	s1 =	simm.s32 $0x0;
	s26 =	smax.u32 s2, $0x1;
	[tilespmem:$0x1FFC0] =	vst v1;
	v1 =	vor.u32 $0x30F, v0  }
0x17: {  	v63 =	vor.u32 $0x307, v0;
	v10 =	vor.u32 $0x308, v0;
	v9 =	vor.u32 $0x309, v0;
	s2 =	simm.s32 $0xC300;
	[dreg:$0x4] =	wrdreg s26;
	s26 =	simm.s32 $0x9B00;
	[tilespmem:$0x1FFD0] =	vst v1  }
.LBB2_1:
0x18: {  	[dreg:$0x5] =	wrdreg s1;
	s9 =	simm.s32 $0x0  }
.LBB2_2:
0x19: {  	s0 =	sshll.u32 s9, $0x7  }
0x1a: {  	s0 =	sadd.s32 s8, s0  }
0x1b: {  	s3 =	rddreg [dreg:$0x0];
	s1 =	sshrl.u32 s0, $0x3  }
0x1c: {  	s3 =	sadd.s32 s3, s1;
	s1 =	simm.s32 $0x0  }
0x1d: {  	[tilespmem:s1], [sflag:$0x3] =	stream.linear.gather [hbm4b:s3+s1], $0x80, $0x38;
	[tilespmem:$0xCA80] =	vst v63  }
0x1e: {  	_ =	swait.ge [sflag:s10], $0x80  }
0x1f: {  	s12 =	sshrl.u32 s0, $0x4;
	[sflag:s10] =	ssyncset.done $0x0  }
0x20: {  	s3 =	smul.u32 $0xA, s12;
	[sflag:s10] =	ssyncadd.s32 $0xFFFFFF80  }
0x21: {  	s12 =	rddreg [dreg:$0x1]  }
0x22: {  	s3 =	sadd.s32 s12, s3  }
0x23: {  	[tilespmem:s11], [sflag:$0x3] =	stream.linear.gather [hbm4b:s3+s1], $0x280, $0x38;
	[tilespmem:$0xCA80] =	vst v63  }
0x24: {  	_ =	swait.ge [sflag:s10], $0x280  }
0x25: {  	[sflag:s10] =	ssyncset.done $0x0  }
0x26: {  	s12 =	simm.s32 $0x300;
	[sflag:s10] =	ssyncadd.s32 $0xFFFFFD80  }
0x27: {  	[tilespmem:s12], [sflag:$0x1] =	stream.indirect.gather [hbm4b:s4+s11], $0x40, s1, s11, $0xb8;
	[tilespmem:$0xCA80] =	vst v63  }
0x28: {  	_ = 	snop  }
0x29: {  	[tilespmem:s14], [sflag:$0x2] =	stream.indirect.gather [hbm4b:s6+s13], $0x40, s11, s13, $0xb8;
	[tilespmem:$0xCA80] =	vst v63  }
0x2a: {  	_ = 	snop  }
0x2b: {  	[tilespmem:s16], [sflag:$0x2] =	stream.indirect.gather [hbm4b:s6+s13], $0x40, s15, s13, $0xb8;
	[tilespmem:$0xCA80] =	vst v63  }
0x2c: {  	_ = 	snop  }
0x2d: {  	[tilespmem:s18], [sflag:$0x2] =	stream.indirect.gather [hbm4b:s6+s13], $0x40, s17, s13, $0xb8;
	[tilespmem:$0xCA80] =	vst v63  }
0x2e: {  	_ = 	snop  }
0x2f: {  	[tilespmem:s20], [sflag:$0x2] =	stream.indirect.gather [hbm4b:s6+s13], $0x40, s19, s13, $0xb8;
	[tilespmem:$0xCA80] =	vst v63  }
0x30: {  	_ = 	snop  }
0x31: {  	[tilespmem:s22], [sflag:$0x2] =	stream.indirect.gather [hbm4b:s6+s13], $0x40, s21, s13, $0xb8;
	[tilespmem:$0xCA80] =	vst v63  }
0x32: {  	_ = 	snop  }
0x33: {  	[tilespmem:s24], [sflag:$0x2] =	stream.indirect.gather [hbm4b:s6+s13], $0x40, s23, s13, $0xb8;
	[tilespmem:$0xCA80] =	vst v63  }
0x34: {  	_ = 	snop  }
0x35: {  	[tilespmem:s26], [sflag:$0x2] =	stream.indirect.gather [hbm4b:s6+s13], $0x40, s25, s13, $0xb8;
	[tilespmem:$0xCA80] =	vst v63  }
0x36: {  	_ = 	snop  }
0x37: {  	[tilespmem:s29], [sflag:$0x2] =	stream.indirect.gather [hbm4b:s6+s13], $0x40, s28, s13, $0xb8;
	[tilespmem:$0xCA80] =	vst v63  }
0x38: {  	_ =	swait.ge [sflag:s30], $0x2000  }
0x39: {  	[sflag:s30] =	ssyncset.done $0x0  }
0x3a: {  	[sflag:s30] =	ssyncadd.s32 $0xFFFFE000  }
0x3b: {  	_ =	swait.ge [sflag:s31], $0x1400  }
0x3c: {  	[sflag:s31] =	ssyncset.done $0x0  }
0x3d: {  	[sflag:s31] =	ssyncadd.s32 $0xFFFFEC00  }
0x3e: {  	_ =	swait.ge [sflag:s31], $0x1400  }
0x3f: {  	[sflag:s31] =	ssyncset.done $0x0  }
0x40: {  	[sflag:s31] =	ssyncadd.s32 $0xFFFFEC00  }
0x41: {  	_ =	swait.ge [sflag:s31], $0x1400  }
0x42: {  	[sflag:s31] =	ssyncset.done $0x0  }
0x43: {  	[sflag:s31] =	ssyncadd.s32 $0xFFFFEC00  }
0x44: {  	_ =	swait.ge [sflag:s31], $0x1400  }
0x45: {  	[sflag:s31] =	ssyncset.done $0x0  }
0x46: {  	[sflag:s31] =	ssyncadd.s32 $0xFFFFEC00  }
0x47: {  	_ =	swait.ge [sflag:s31], $0x1400  }
0x48: {  	[sflag:s31] =	ssyncset.done $0x0  }
0x49: {  	[sflag:s31] =	ssyncadd.s32 $0xFFFFEC00  }
0x4a: {  	_ =	swait.ge [sflag:s31], $0x1400  }
0x4b: {  	[sflag:s31] =	ssyncset.done $0x0  }
0x4c: {  	[sflag:s31] =	ssyncadd.s32 $0xFFFFEC00  }
0x4d: {  	_ =	swait.ge [sflag:s31], $0x1400  }
0x4e: {  	[sflag:s31] =	ssyncset.done $0x0  }
0x4f: {  	[sflag:s31] =	ssyncadd.s32 $0xFFFFEC00  }
0x50: {  	_ =	swait.ge [sflag:s31], $0x1400  }
0x51: {  	[sflag:s31] =	ssyncset.done $0x0  }
0x52: {  	[sflag:s31] =	ssyncadd.s32 $0xFFFFEC00  }
.LBB2_3:
0x53: {  	s3 =	sshll.u32 s1, $0xA  }
0x54: {  	s12 =	sand.u32 $0x3FFFFC00, s3;
	s3 =	smul.u32 $0x5000, s1  }
0x55: {  	v1 =	vld [tilespmem:s12+$0x300]  }
0x56: {  	v2 =	vld [tilespmem:s12+$0x310];
	s3 =	sshra.s32 s3, $0x2  }
0x57: {  	v3 =	vld [tilespmem:s3+$0x2300]  }
0x58: {  	v4 =	vld [tilespmem:s3+$0x2310]  }
0x59: {  	v5 =	vld [tilespmem:s12+$0x320]  }
0x5a: {  	v6 =	vld [tilespmem:s3+$0x2320]  }
0x5b: {  	v7 =	vld [tilespmem:s12+$0x330]  }
0x5c: {  	v8 =	vld [tilespmem:s3+$0x2330]  }
0x5d: {  	v3 =	vmul.f32 v3, v1;
	v4 =	vmul.f32 v4, v2;
	_ =	sdelay $0x1  }
0x5e: {  	v3 =	vadd.f32 v4, v3;
	v4 =	vmul.f32 v6, v5;
	_ =	sdelay $0x1  }
0x5f: {  	v3 =	vadd.f32 v4, v3;
	v4 =	vmul.f32 v8, v7;
	_ =	sdelay $0x1  }
0x60: {  	v3 =	vadd.f32 v4, v3;
	_ =	sdelay $0x1  }
0x61: {  	[tilespmem:$0xC300] =	vst v3  }
0x62: {  	v3 =	vld [tilespmem:s3+$0x2340]  }
0x63: {  	v4 =	vld [tilespmem:s3+$0x2350];
	_ =	sdelay $0x1  }
0x64: {  	v6 =	vld [tilespmem:s3+$0x2360];
	_ =	sdelay $0x1  }
0x65: {  	v8 =	vld [tilespmem:s3+$0x2370]  }
0x66: {  	v3 =	vmul.f32 v3, v1;
	v4 =	vmul.f32 v4, v2;
	_ =	sdelay $0x1  }
0x67: {  	v3 =	vadd.f32 v4, v3;
	v4 =	vmul.f32 v6, v5;
	_ =	sdelay $0x1  }
0x68: {  	v3 =	vadd.f32 v4, v3;
	v4 =	vmul.f32 v8, v7;
	_ =	sdelay $0x1  }
0x69: {  	v3 =	vadd.f32 v4, v3;
	_ =	sdelay $0x1  }
0x6a: {  	[tilespmem:$0xC310] =	vst v3  }
0x6b: {  	v3 =	vld [tilespmem:s3+$0x2380]  }
0x6c: {  	v4 =	vld [tilespmem:s3+$0x2390];
	_ =	sdelay $0x1  }
0x6d: {  	v6 =	vld [tilespmem:s3+$0x23A0];
	_ =	sdelay $0x1  }
0x6e: {  	v8 =	vld [tilespmem:s3+$0x23B0]  }
0x6f: {  	v3 =	vmul.f32 v3, v1;
	v4 =	vmul.f32 v4, v2;
	_ =	sdelay $0x1  }
0x70: {  	v3 =	vadd.f32 v4, v3;
	v4 =	vmul.f32 v6, v5;
	_ =	sdelay $0x1  }
0x71: {  	v3 =	vadd.f32 v4, v3;
	v4 =	vmul.f32 v8, v7;
	_ =	sdelay $0x1  }
0x72: {  	v3 =	vadd.f32 v4, v3;
	_ =	sdelay $0x1  }
0x73: {  	[tilespmem:$0xC320] =	vst v3  }
0x74: {  	v3 =	vld [tilespmem:s3+$0x23C0]  }
0x75: {  	v4 =	vld [tilespmem:s3+$0x23D0];
	_ =	sdelay $0x1  }
0x76: {  	v6 =	vld [tilespmem:s3+$0x23E0];
	_ =	sdelay $0x1  }
0x77: {  	v8 =	vld [tilespmem:s3+$0x23F0]  }
0x78: {  	v3 =	vmul.f32 v3, v1;
	v4 =	vmul.f32 v4, v2;
	_ =	sdelay $0x1  }
0x79: {  	v3 =	vadd.f32 v4, v3;
	v4 =	vmul.f32 v6, v5;
	_ =	sdelay $0x1  }
0x7a: {  	v3 =	vadd.f32 v4, v3;
	v4 =	vmul.f32 v8, v7;
	_ =	sdelay $0x1  }
0x7b: {  	v3 =	vadd.f32 v4, v3;
	_ =	sdelay $0x1  }
0x7c: {  	[tilespmem:$0xC330] =	vst v3  }
0x7d: {  	v3 =	vld [tilespmem:s3+$0x2400]  }
0x7e: {  	v4 =	vld [tilespmem:s3+$0x2410];
	_ =	sdelay $0x1  }
0x7f: {  	v6 =	vld [tilespmem:s3+$0x2420];
	_ =	sdelay $0x1  }
0x80: {  	v8 =	vld [tilespmem:s3+$0x2430]  }
0x81: {  	v1 =	vmul.f32 v3, v1;
	v2 =	vmul.f32 v4, v2;
	_ =	sdelay $0x1  }
0x82: {  	v1 =	vadd.f32 v2, v1;
	v2 =	vmul.f32 v6, v5;
	_ =	sdelay $0x1  }
0x83: {  	v1 =	vadd.f32 v2, v1;
	v2 =	vmul.f32 v8, v7;
	_ =	sdelay $0x1  }
0x84: {  	v1 =	vadd.f32 v2, v1;
	_ =	sdelay $0x1  }
0x85: {  	[tilespmem:$0xC340] =	vst v1  }
0x86: {  	v1 =	vld [tilespmem:s12+$0x340]  }
0x87: {  	v2 =	vld [tilespmem:s12+$0x350]  }
0x88: {  	v3 =	vld [tilespmem:s3+$0x2440]  }
0x89: {  	v4 =	vld [tilespmem:s3+$0x2450]  }
0x8a: {  	v5 =	vld [tilespmem:s12+$0x360]  }
0x8b: {  	v6 =	vld [tilespmem:s3+$0x2460]  }
0x8c: {  	v7 =	vld [tilespmem:s12+$0x370]  }
0x8d: {  	v8 =	vld [tilespmem:s3+$0x2470]  }
0x8e: {  	v3 =	vmul.f32 v3, v1;
	v4 =	vmul.f32 v4, v2;
	_ =	sdelay $0x1  }
0x8f: {  	v3 =	vadd.f32 v4, v3;
	v4 =	vmul.f32 v6, v5;
	_ =	sdelay $0x1  }
0x90: {  	v3 =	vadd.f32 v4, v3;
	v4 =	vmul.f32 v8, v7;
	_ =	sdelay $0x1  }
0x91: {  	v3 =	vadd.f32 v4, v3;
	_ =	sdelay $0x1  }
0x92: {  	[tilespmem:$0xC350] =	vst v3  }
0x93: {  	v3 =	vld [tilespmem:s3+$0x2480]  }
0x94: {  	v4 =	vld [tilespmem:s3+$0x2490];
	_ =	sdelay $0x1  }
0x95: {  	v6 =	vld [tilespmem:s3+$0x24A0];
	_ =	sdelay $0x1  }
0x96: {  	v8 =	vld [tilespmem:s3+$0x24B0]  }
0x97: {  	v3 =	vmul.f32 v3, v1;
	v4 =	vmul.f32 v4, v2;
	_ =	sdelay $0x1  }
0x98: {  	v3 =	vadd.f32 v4, v3;
	v4 =	vmul.f32 v6, v5;
	_ =	sdelay $0x1  }
0x99: {  	v3 =	vadd.f32 v4, v3;
	v4 =	vmul.f32 v8, v7;
	_ =	sdelay $0x1  }
0x9a: {  	v3 =	vadd.f32 v4, v3;
	_ =	sdelay $0x1  }
0x9b: {  	[tilespmem:$0xC360] =	vst v3  }
0x9c: {  	v3 =	vld [tilespmem:s3+$0x24C0]  }
0x9d: {  	v4 =	vld [tilespmem:s3+$0x24D0];
	_ =	sdelay $0x1  }
0x9e: {  	v6 =	vld [tilespmem:s3+$0x24E0];
	_ =	sdelay $0x1  }
0x9f: {  	v8 =	vld [tilespmem:s3+$0x24F0]  }
0xa0: {  	v3 =	vmul.f32 v3, v1;
	v4 =	vmul.f32 v4, v2;
	_ =	sdelay $0x1  }
0xa1: {  	v3 =	vadd.f32 v4, v3;
	v4 =	vmul.f32 v6, v5;
	_ =	sdelay $0x1  }
0xa2: {  	v3 =	vadd.f32 v4, v3;
	v4 =	vmul.f32 v8, v7;
	_ =	sdelay $0x1  }
0xa3: {  	v3 =	vadd.f32 v4, v3;
	_ =	sdelay $0x1  }
0xa4: {  	[tilespmem:$0xC370] =	vst v3  }
0xa5: {  	v3 =	vld [tilespmem:s3+$0x2500]  }
0xa6: {  	v4 =	vld [tilespmem:s3+$0x2510];
	_ =	sdelay $0x1  }
0xa7: {  	v6 =	vld [tilespmem:s3+$0x2520];
	_ =	sdelay $0x1  }
0xa8: {  	v8 =	vld [tilespmem:s3+$0x2530]  }
0xa9: {  	v3 =	vmul.f32 v3, v1;
	v4 =	vmul.f32 v4, v2;
	_ =	sdelay $0x1  }
0xaa: {  	v3 =	vadd.f32 v4, v3;
	v4 =	vmul.f32 v6, v5;
	_ =	sdelay $0x1  }
0xab: {  	v3 =	vadd.f32 v4, v3;
	v4 =	vmul.f32 v8, v7;
	_ =	sdelay $0x1  }
0xac: {  	v3 =	vadd.f32 v4, v3;
	_ =	sdelay $0x1  }
0xad: {  	[tilespmem:$0xC380] =	vst v3  }
0xae: {  	v3 =	vld [tilespmem:s3+$0x2540]  }
0xaf: {  	v4 =	vld [tilespmem:s3+$0x2550];
	_ =	sdelay $0x1  }
0xb0: {  	v6 =	vld [tilespmem:s3+$0x2560];
	_ =	sdelay $0x1  }
0xb1: {  	v8 =	vld [tilespmem:s3+$0x2570]  }
0xb2: {  	v1 =	vmul.f32 v3, v1;
	v2 =	vmul.f32 v4, v2;
	_ =	sdelay $0x1  }
0xb3: {  	v1 =	vadd.f32 v2, v1;
	v2 =	vmul.f32 v6, v5;
	_ =	sdelay $0x1  }
0xb4: {  	v1 =	vadd.f32 v2, v1;
	v2 =	vmul.f32 v8, v7;
	_ =	sdelay $0x1  }
0xb5: {  	v1 =	vadd.f32 v2, v1;
	_ =	sdelay $0x1  }
0xb6: {  	[tilespmem:$0xC390] =	vst v1  }
0xb7: {  	v1 =	vld [tilespmem:s12+$0x380]  }
0xb8: {  	v2 =	vld [tilespmem:s12+$0x390]  }
0xb9: {  	v3 =	vld [tilespmem:s3+$0x2580]  }
0xba: {  	v4 =	vld [tilespmem:s3+$0x2590]  }
0xbb: {  	v5 =	vld [tilespmem:s12+$0x3A0]  }
0xbc: {  	v6 =	vld [tilespmem:s3+$0x25A0]  }
0xbd: {  	v7 =	vld [tilespmem:s12+$0x3B0]  }
0xbe: {  	v8 =	vld [tilespmem:s3+$0x25B0]  }
0xbf: {  	v3 =	vmul.f32 v3, v1;
	v4 =	vmul.f32 v4, v2;
	_ =	sdelay $0x1  }
0xc0: {  	v3 =	vadd.f32 v4, v3;
	v4 =	vmul.f32 v6, v5;
	_ =	sdelay $0x1  }
0xc1: {  	v3 =	vadd.f32 v4, v3;
	v4 =	vmul.f32 v8, v7;
	_ =	sdelay $0x1  }
0xc2: {  	v3 =	vadd.f32 v4, v3;
	_ =	sdelay $0x1  }
0xc3: {  	[tilespmem:$0xC3A0] =	vst v3  }
0xc4: {  	v3 =	vld [tilespmem:s3+$0x25C0]  }
0xc5: {  	v4 =	vld [tilespmem:s3+$0x25D0];
	_ =	sdelay $0x1  }
0xc6: {  	v6 =	vld [tilespmem:s3+$0x25E0];
	_ =	sdelay $0x1  }
0xc7: {  	v8 =	vld [tilespmem:s3+$0x25F0]  }
0xc8: {  	v3 =	vmul.f32 v3, v1;
	v4 =	vmul.f32 v4, v2;
	_ =	sdelay $0x1  }
0xc9: {  	v3 =	vadd.f32 v4, v3;
	v4 =	vmul.f32 v6, v5;
	_ =	sdelay $0x1  }
0xca: {  	v3 =	vadd.f32 v4, v3;
	v4 =	vmul.f32 v8, v7;
	_ =	sdelay $0x1  }
0xcb: {  	v3 =	vadd.f32 v4, v3;
	_ =	sdelay $0x1  }
0xcc: {  	[tilespmem:$0xC3B0] =	vst v3  }
0xcd: {  	v3 =	vld [tilespmem:s3+$0x2600]  }
0xce: {  	v4 =	vld [tilespmem:s3+$0x2610];
	_ =	sdelay $0x1  }
0xcf: {  	v6 =	vld [tilespmem:s3+$0x2620];
	_ =	sdelay $0x1  }
0xd0: {  	v8 =	vld [tilespmem:s3+$0x2630]  }
0xd1: {  	v3 =	vmul.f32 v3, v1;
	v4 =	vmul.f32 v4, v2;
	_ =	sdelay $0x1  }
0xd2: {  	v3 =	vadd.f32 v4, v3;
	v4 =	vmul.f32 v6, v5;
	_ =	sdelay $0x1  }
0xd3: {  	v3 =	vadd.f32 v4, v3;
	v4 =	vmul.f32 v8, v7;
	_ =	sdelay $0x1  }
0xd4: {  	v3 =	vadd.f32 v4, v3;
	_ =	sdelay $0x1  }
0xd5: {  	[tilespmem:$0xC3C0] =	vst v3  }
0xd6: {  	v3 =	vld [tilespmem:s3+$0x2640]  }
0xd7: {  	v4 =	vld [tilespmem:s3+$0x2650];
	_ =	sdelay $0x1  }
0xd8: {  	v6 =	vld [tilespmem:s3+$0x2660];
	_ =	sdelay $0x1  }
0xd9: {  	v8 =	vld [tilespmem:s3+$0x2670]  }
0xda: {  	v3 =	vmul.f32 v3, v1;
	v4 =	vmul.f32 v4, v2;
	_ =	sdelay $0x1  }
0xdb: {  	v3 =	vadd.f32 v4, v3;
	v4 =	vmul.f32 v6, v5;
	_ =	sdelay $0x1  }
0xdc: {  	v3 =	vadd.f32 v4, v3;
	v4 =	vmul.f32 v8, v7;
	_ =	sdelay $0x1  }
0xdd: {  	v3 =	vadd.f32 v4, v3;
	_ =	sdelay $0x1  }
0xde: {  	[tilespmem:$0xC3D0] =	vst v3  }
0xdf: {  	v3 =	vld [tilespmem:s3+$0x2680]  }
0xe0: {  	v4 =	vld [tilespmem:s3+$0x2690];
	_ =	sdelay $0x1  }
0xe1: {  	v6 =	vld [tilespmem:s3+$0x26A0];
	_ =	sdelay $0x1  }
0xe2: {  	v8 =	vld [tilespmem:s3+$0x26B0]  }
0xe3: {  	v1 =	vmul.f32 v3, v1;
	v2 =	vmul.f32 v4, v2;
	_ =	sdelay $0x1  }
0xe4: {  	v1 =	vadd.f32 v2, v1;
	v2 =	vmul.f32 v6, v5;
	_ =	sdelay $0x1  }
0xe5: {  	v1 =	vadd.f32 v2, v1;
	v2 =	vmul.f32 v8, v7;
	_ =	sdelay $0x1  }
0xe6: {  	v1 =	vadd.f32 v2, v1;
	_ =	sdelay $0x1  }
0xe7: {  	[tilespmem:$0xC3E0] =	vst v1  }
0xe8: {  	v1 =	vld [tilespmem:s12+$0x3C0]  }
0xe9: {  	v2 =	vld [tilespmem:s12+$0x3D0]  }
0xea: {  	v3 =	vld [tilespmem:s3+$0x26C0]  }
0xeb: {  	v4 =	vld [tilespmem:s3+$0x26D0]  }
0xec: {  	v5 =	vld [tilespmem:s12+$0x3E0]  }
0xed: {  	v6 =	vld [tilespmem:s3+$0x26E0]  }
0xee: {  	v7 =	vld [tilespmem:s12+$0x3F0]  }
0xef: {  	v8 =	vld [tilespmem:s3+$0x26F0]  }
0xf0: {  	v3 =	vmul.f32 v3, v1;
	v4 =	vmul.f32 v4, v2;
	_ =	sdelay $0x1  }
0xf1: {  	v3 =	vadd.f32 v4, v3;
	v4 =	vmul.f32 v6, v5;
	_ =	sdelay $0x1  }
0xf2: {  	v3 =	vadd.f32 v4, v3;
	v4 =	vmul.f32 v8, v7;
	_ =	sdelay $0x1  }
0xf3: {  	v3 =	vadd.f32 v4, v3;
	_ =	sdelay $0x1  }
0xf4: {  	[tilespmem:$0xC3F0] =	vst v3  }
0xf5: {  	v3 =	vld [tilespmem:s3+$0x2700]  }
0xf6: {  	v4 =	vld [tilespmem:s3+$0x2710];
	_ =	sdelay $0x1  }
0xf7: {  	v6 =	vld [tilespmem:s3+$0x2720];
	_ =	sdelay $0x1  }
0xf8: {  	v8 =	vld [tilespmem:s3+$0x2730]  }
0xf9: {  	v3 =	vmul.f32 v3, v1;
	v4 =	vmul.f32 v4, v2;
	_ =	sdelay $0x1  }
0xfa: {  	v3 =	vadd.f32 v4, v3;
	v4 =	vmul.f32 v6, v5;
	_ =	sdelay $0x1  }
0xfb: {  	v3 =	vadd.f32 v4, v3;
	v4 =	vmul.f32 v8, v7;
	_ =	sdelay $0x1  }
0xfc: {  	v3 =	vadd.f32 v4, v3;
	_ =	sdelay $0x1  }
0xfd: {  	[tilespmem:$0xC400] =	vst v3  }
0xfe: {  	v3 =	vld [tilespmem:s3+$0x2740]  }
0xff: {  	v4 =	vld [tilespmem:s3+$0x2750];
	_ =	sdelay $0x1  }
0x100: {  	v6 =	vld [tilespmem:s3+$0x2760];
	_ =	sdelay $0x1  }
0x101: {  	v8 =	vld [tilespmem:s3+$0x2770]  }
0x102: {  	v3 =	vmul.f32 v3, v1;
	v4 =	vmul.f32 v4, v2;
	_ =	sdelay $0x1  }
0x103: {  	v3 =	vadd.f32 v4, v3;
	v4 =	vmul.f32 v6, v5;
	_ =	sdelay $0x1  }
0x104: {  	v3 =	vadd.f32 v4, v3;
	v4 =	vmul.f32 v8, v7;
	_ =	sdelay $0x1  }
0x105: {  	v3 =	vadd.f32 v4, v3;
	_ =	sdelay $0x1  }
0x106: {  	[tilespmem:$0xC410] =	vst v3  }
0x107: {  	v3 =	vld [tilespmem:s3+$0x2780]  }
0x108: {  	v4 =	vld [tilespmem:s3+$0x2790];
	_ =	sdelay $0x1  }
0x109: {  	v6 =	vld [tilespmem:s3+$0x27A0];
	_ =	sdelay $0x1  }
0x10a: {  	v8 =	vld [tilespmem:s3+$0x27B0]  }
0x10b: {  	v3 =	vmul.f32 v3, v1;
	v4 =	vmul.f32 v4, v2;
	_ =	sdelay $0x1  }
0x10c: {  	v3 =	vadd.f32 v4, v3;
	v4 =	vmul.f32 v6, v5;
	_ =	sdelay $0x1  }
0x10d: {  	v3 =	vadd.f32 v4, v3;
	v4 =	vmul.f32 v8, v7;
	_ =	sdelay $0x1  }
0x10e: {  	v3 =	vadd.f32 v4, v3;
	_ =	sdelay $0x1  }
0x10f: {  	[tilespmem:$0xC420] =	vst v3  }
0x110: {  	v3 =	vld [tilespmem:s3+$0x27C0]  }
0x111: {  	v4 =	vld [tilespmem:s3+$0x27D0];
	_ =	sdelay $0x1  }
0x112: {  	v6 =	vld [tilespmem:s3+$0x27E0];
	_ =	sdelay $0x1  }
0x113: {  	v8 =	vld [tilespmem:s3+$0x27F0]  }
0x114: {  	v1 =	vmul.f32 v3, v1;
	v2 =	vmul.f32 v4, v2;
	_ =	sdelay $0x1  }
0x115: {  	v1 =	vadd.f32 v2, v1;
	v2 =	vmul.f32 v6, v5;
	_ =	sdelay $0x1  }
0x116: {  	v1 =	vadd.f32 v2, v1;
	v2 =	vmul.f32 v8, v7;
	_ =	sdelay $0x1  }
0x117: {  	v1 =	vadd.f32 v2, v1;
	_ =	sdelay $0x1  }
0x118: {  	[tilespmem:$0xC430] =	vst v1  }
0x119: {  	v1 =	vld [tilespmem:s12+$0x400]  }
0x11a: {  	v2 =	vld [tilespmem:s12+$0x410]  }
0x11b: {  	v3 =	vld [tilespmem:s3+$0x2800]  }
0x11c: {  	v4 =	vld [tilespmem:s3+$0x2810]  }
0x11d: {  	v5 =	vld [tilespmem:s12+$0x420]  }
0x11e: {  	v6 =	vld [tilespmem:s3+$0x2820]  }
0x11f: {  	v7 =	vld [tilespmem:s12+$0x430]  }
0x120: {  	v8 =	vld [tilespmem:s3+$0x2830]  }
0x121: {  	v3 =	vmul.f32 v3, v1;
	v4 =	vmul.f32 v4, v2;
	_ =	sdelay $0x1  }
0x122: {  	v3 =	vadd.f32 v4, v3;
	v4 =	vmul.f32 v6, v5;
	_ =	sdelay $0x1  }
0x123: {  	v3 =	vadd.f32 v4, v3;
	v4 =	vmul.f32 v8, v7;
	_ =	sdelay $0x1  }
0x124: {  	v3 =	vadd.f32 v4, v3;
	_ =	sdelay $0x1  }
0x125: {  	[tilespmem:$0xC440] =	vst v3  }
0x126: {  	v3 =	vld [tilespmem:s3+$0x2840]  }
0x127: {  	v4 =	vld [tilespmem:s3+$0x2850];
	_ =	sdelay $0x1  }
0x128: {  	v6 =	vld [tilespmem:s3+$0x2860];
	_ =	sdelay $0x1  }
0x129: {  	v8 =	vld [tilespmem:s3+$0x2870]  }
0x12a: {  	v3 =	vmul.f32 v3, v1;
	v4 =	vmul.f32 v4, v2;
	_ =	sdelay $0x1  }
0x12b: {  	v3 =	vadd.f32 v4, v3;
	v4 =	vmul.f32 v6, v5;
	_ =	sdelay $0x1  }
0x12c: {  	v3 =	vadd.f32 v4, v3;
	v4 =	vmul.f32 v8, v7;
	_ =	sdelay $0x1  }
0x12d: {  	v3 =	vadd.f32 v4, v3;
	_ =	sdelay $0x1  }
0x12e: {  	[tilespmem:$0xC450] =	vst v3  }
0x12f: {  	v3 =	vld [tilespmem:s3+$0x2880]  }
0x130: {  	v4 =	vld [tilespmem:s3+$0x2890];
	_ =	sdelay $0x1  }
0x131: {  	v6 =	vld [tilespmem:s3+$0x28A0];
	_ =	sdelay $0x1  }
0x132: {  	v8 =	vld [tilespmem:s3+$0x28B0]  }
0x133: {  	v3 =	vmul.f32 v3, v1;
	v4 =	vmul.f32 v4, v2;
	_ =	sdelay $0x1  }
0x134: {  	v3 =	vadd.f32 v4, v3;
	v4 =	vmul.f32 v6, v5;
	_ =	sdelay $0x1  }
0x135: {  	v3 =	vadd.f32 v4, v3;
	v4 =	vmul.f32 v8, v7;
	_ =	sdelay $0x1  }
0x136: {  	v3 =	vadd.f32 v4, v3;
	_ =	sdelay $0x1  }
0x137: {  	[tilespmem:$0xC460] =	vst v3  }
0x138: {  	v3 =	vld [tilespmem:s3+$0x28C0]  }
0x139: {  	v4 =	vld [tilespmem:s3+$0x28D0];
	_ =	sdelay $0x1  }
0x13a: {  	v6 =	vld [tilespmem:s3+$0x28E0];
	_ =	sdelay $0x1  }
0x13b: {  	v8 =	vld [tilespmem:s3+$0x28F0]  }
0x13c: {  	v3 =	vmul.f32 v3, v1;
	v4 =	vmul.f32 v4, v2;
	_ =	sdelay $0x1  }
0x13d: {  	v3 =	vadd.f32 v4, v3;
	v4 =	vmul.f32 v6, v5;
	_ =	sdelay $0x1  }
0x13e: {  	v3 =	vadd.f32 v4, v3;
	v4 =	vmul.f32 v8, v7;
	_ =	sdelay $0x1  }
0x13f: {  	v3 =	vadd.f32 v4, v3;
	_ =	sdelay $0x1  }
0x140: {  	[tilespmem:$0xC470] =	vst v3  }
0x141: {  	v3 =	vld [tilespmem:s3+$0x2900]  }
0x142: {  	v4 =	vld [tilespmem:s3+$0x2910];
	_ =	sdelay $0x1  }
0x143: {  	v6 =	vld [tilespmem:s3+$0x2920];
	_ =	sdelay $0x1  }
0x144: {  	v8 =	vld [tilespmem:s3+$0x2930]  }
0x145: {  	v1 =	vmul.f32 v3, v1;
	v2 =	vmul.f32 v4, v2;
	_ =	sdelay $0x1  }
0x146: {  	v1 =	vadd.f32 v2, v1;
	v2 =	vmul.f32 v6, v5;
	_ =	sdelay $0x1  }
0x147: {  	v1 =	vadd.f32 v2, v1;
	v2 =	vmul.f32 v8, v7;
	_ =	sdelay $0x1  }
0x148: {  	v1 =	vadd.f32 v2, v1;
	_ =	sdelay $0x1  }
0x149: {  	[tilespmem:$0xC480] =	vst v1  }
0x14a: {  	v1 =	vld [tilespmem:s12+$0x440]  }
0x14b: {  	v2 =	vld [tilespmem:s12+$0x450]  }
0x14c: {  	v3 =	vld [tilespmem:s3+$0x2940]  }
0x14d: {  	v4 =	vld [tilespmem:s3+$0x2950]  }
0x14e: {  	v5 =	vld [tilespmem:s12+$0x460]  }
0x14f: {  	v6 =	vld [tilespmem:s3+$0x2960]  }
0x150: {  	v7 =	vld [tilespmem:s12+$0x470]  }
0x151: {  	v8 =	vld [tilespmem:s3+$0x2970]  }
0x152: {  	v3 =	vmul.f32 v3, v1;
	v4 =	vmul.f32 v4, v2;
	_ =	sdelay $0x1  }
0x153: {  	v3 =	vadd.f32 v4, v3;
	v4 =	vmul.f32 v6, v5;
	_ =	sdelay $0x1  }
0x154: {  	v3 =	vadd.f32 v4, v3;
	v4 =	vmul.f32 v8, v7;
	_ =	sdelay $0x1  }
0x155: {  	v3 =	vadd.f32 v4, v3;
	_ =	sdelay $0x1  }
0x156: {  	[tilespmem:$0xC490] =	vst v3  }
0x157: {  	v3 =	vld [tilespmem:s3+$0x2980]  }
0x158: {  	v4 =	vld [tilespmem:s3+$0x2990];
	_ =	sdelay $0x1  }
0x159: {  	v6 =	vld [tilespmem:s3+$0x29A0];
	_ =	sdelay $0x1  }
0x15a: {  	v8 =	vld [tilespmem:s3+$0x29B0]  }
0x15b: {  	v3 =	vmul.f32 v3, v1;
	v4 =	vmul.f32 v4, v2;
	_ =	sdelay $0x1  }
0x15c: {  	v3 =	vadd.f32 v4, v3;
	v4 =	vmul.f32 v6, v5;
	_ =	sdelay $0x1  }
0x15d: {  	v3 =	vadd.f32 v4, v3;
	v4 =	vmul.f32 v8, v7;
	_ =	sdelay $0x1  }
0x15e: {  	v3 =	vadd.f32 v4, v3;
	_ =	sdelay $0x1  }
0x15f: {  	[tilespmem:$0xC4A0] =	vst v3  }
0x160: {  	v3 =	vld [tilespmem:s3+$0x29C0]  }
0x161: {  	v4 =	vld [tilespmem:s3+$0x29D0];
	_ =	sdelay $0x1  }
0x162: {  	v6 =	vld [tilespmem:s3+$0x29E0];
	_ =	sdelay $0x1  }
0x163: {  	v8 =	vld [tilespmem:s3+$0x29F0]  }
0x164: {  	v3 =	vmul.f32 v3, v1;
	v4 =	vmul.f32 v4, v2;
	_ =	sdelay $0x1  }
0x165: {  	v3 =	vadd.f32 v4, v3;
	v4 =	vmul.f32 v6, v5;
	_ =	sdelay $0x1  }
0x166: {  	v3 =	vadd.f32 v4, v3;
	v4 =	vmul.f32 v8, v7;
	_ =	sdelay $0x1  }
0x167: {  	v3 =	vadd.f32 v4, v3;
	_ =	sdelay $0x1  }
0x168: {  	[tilespmem:$0xC4B0] =	vst v3  }
0x169: {  	v3 =	vld [tilespmem:s3+$0x2A00]  }
0x16a: {  	v4 =	vld [tilespmem:s3+$0x2A10];
	_ =	sdelay $0x1  }
0x16b: {  	v6 =	vld [tilespmem:s3+$0x2A20];
	_ =	sdelay $0x1  }
0x16c: {  	v8 =	vld [tilespmem:s3+$0x2A30]  }
0x16d: {  	v3 =	vmul.f32 v3, v1;
	v4 =	vmul.f32 v4, v2;
	_ =	sdelay $0x1  }
0x16e: {  	v3 =	vadd.f32 v4, v3;
	v4 =	vmul.f32 v6, v5;
	_ =	sdelay $0x1  }
0x16f: {  	v3 =	vadd.f32 v4, v3;
	v4 =	vmul.f32 v8, v7;
	_ =	sdelay $0x1  }
0x170: {  	v3 =	vadd.f32 v4, v3;
	_ =	sdelay $0x1  }
0x171: {  	[tilespmem:$0xC4C0] =	vst v3  }
0x172: {  	v3 =	vld [tilespmem:s3+$0x2A40]  }
0x173: {  	v4 =	vld [tilespmem:s3+$0x2A50];
	_ =	sdelay $0x1  }
0x174: {  	v6 =	vld [tilespmem:s3+$0x2A60];
	_ =	sdelay $0x1  }
0x175: {  	v8 =	vld [tilespmem:s3+$0x2A70]  }
0x176: {  	v1 =	vmul.f32 v3, v1;
	v2 =	vmul.f32 v4, v2;
	_ =	sdelay $0x1  }
0x177: {  	v1 =	vadd.f32 v2, v1;
	v2 =	vmul.f32 v6, v5;
	_ =	sdelay $0x1  }
0x178: {  	v1 =	vadd.f32 v2, v1;
	v2 =	vmul.f32 v8, v7;
	_ =	sdelay $0x1  }
0x179: {  	v1 =	vadd.f32 v2, v1;
	_ =	sdelay $0x1  }
0x17a: {  	[tilespmem:$0xC4D0] =	vst v1  }
0x17b: {  	v1 =	vld [tilespmem:s12+$0x480]  }
0x17c: {  	v2 =	vld [tilespmem:s12+$0x490]  }
0x17d: {  	v3 =	vld [tilespmem:s3+$0x2A80]  }
0x17e: {  	v4 =	vld [tilespmem:s3+$0x2A90]  }
0x17f: {  	v5 =	vld [tilespmem:s12+$0x4A0]  }
0x180: {  	v6 =	vld [tilespmem:s3+$0x2AA0]  }
0x181: {  	v7 =	vld [tilespmem:s12+$0x4B0]  }
0x182: {  	v8 =	vld [tilespmem:s3+$0x2AB0]  }
0x183: {  	v3 =	vmul.f32 v3, v1;
	v4 =	vmul.f32 v4, v2;
	_ =	sdelay $0x1  }
0x184: {  	v3 =	vadd.f32 v4, v3;
	v4 =	vmul.f32 v6, v5;
	_ =	sdelay $0x1  }
0x185: {  	v3 =	vadd.f32 v4, v3;
	v4 =	vmul.f32 v8, v7;
	_ =	sdelay $0x1  }
0x186: {  	v3 =	vadd.f32 v4, v3;
	_ =	sdelay $0x1  }
0x187: {  	[tilespmem:$0xC4E0] =	vst v3  }
0x188: {  	v3 =	vld [tilespmem:s3+$0x2AC0]  }
0x189: {  	v4 =	vld [tilespmem:s3+$0x2AD0];
	_ =	sdelay $0x1  }
0x18a: {  	v6 =	vld [tilespmem:s3+$0x2AE0];
	_ =	sdelay $0x1  }
0x18b: {  	v8 =	vld [tilespmem:s3+$0x2AF0]  }
0x18c: {  	v3 =	vmul.f32 v3, v1;
	v4 =	vmul.f32 v4, v2;
	_ =	sdelay $0x1  }
0x18d: {  	v3 =	vadd.f32 v4, v3;
	v4 =	vmul.f32 v6, v5;
	_ =	sdelay $0x1  }
0x18e: {  	v3 =	vadd.f32 v4, v3;
	v4 =	vmul.f32 v8, v7;
	_ =	sdelay $0x1  }
0x18f: {  	v3 =	vadd.f32 v4, v3;
	_ =	sdelay $0x1  }
0x190: {  	[tilespmem:$0xC4F0] =	vst v3  }
0x191: {  	v3 =	vld [tilespmem:s3+$0x2B00]  }
0x192: {  	v4 =	vld [tilespmem:s3+$0x2B10];
	_ =	sdelay $0x1  }
0x193: {  	v6 =	vld [tilespmem:s3+$0x2B20];
	_ =	sdelay $0x1  }
0x194: {  	v8 =	vld [tilespmem:s3+$0x2B30]  }
0x195: {  	v3 =	vmul.f32 v3, v1;
	v4 =	vmul.f32 v4, v2;
	_ =	sdelay $0x1  }
0x196: {  	v3 =	vadd.f32 v4, v3;
	v4 =	vmul.f32 v6, v5;
	_ =	sdelay $0x1  }
0x197: {  	v3 =	vadd.f32 v4, v3;
	v4 =	vmul.f32 v8, v7;
	_ =	sdelay $0x1  }
0x198: {  	v3 =	vadd.f32 v4, v3;
	_ =	sdelay $0x1  }
0x199: {  	[tilespmem:$0xC500] =	vst v3  }
0x19a: {  	v3 =	vld [tilespmem:s3+$0x2B40]  }
0x19b: {  	v4 =	vld [tilespmem:s3+$0x2B50];
	_ =	sdelay $0x1  }
0x19c: {  	v6 =	vld [tilespmem:s3+$0x2B60];
	_ =	sdelay $0x1  }
0x19d: {  	v8 =	vld [tilespmem:s3+$0x2B70]  }
0x19e: {  	v3 =	vmul.f32 v3, v1;
	v4 =	vmul.f32 v4, v2;
	_ =	sdelay $0x1  }
0x19f: {  	v3 =	vadd.f32 v4, v3;
	v4 =	vmul.f32 v6, v5;
	_ =	sdelay $0x1  }
0x1a0: {  	v3 =	vadd.f32 v4, v3;
	v4 =	vmul.f32 v8, v7;
	_ =	sdelay $0x1  }
0x1a1: {  	v3 =	vadd.f32 v4, v3;
	_ =	sdelay $0x1  }
0x1a2: {  	[tilespmem:$0xC510] =	vst v3  }
0x1a3: {  	v3 =	vld [tilespmem:s3+$0x2B80]  }
0x1a4: {  	v4 =	vld [tilespmem:s3+$0x2B90];
	_ =	sdelay $0x1  }
0x1a5: {  	v6 =	vld [tilespmem:s3+$0x2BA0];
	_ =	sdelay $0x1  }
0x1a6: {  	v8 =	vld [tilespmem:s3+$0x2BB0]  }
0x1a7: {  	v1 =	vmul.f32 v3, v1;
	v2 =	vmul.f32 v4, v2;
	_ =	sdelay $0x1  }
0x1a8: {  	v1 =	vadd.f32 v2, v1;
	v2 =	vmul.f32 v6, v5;
	_ =	sdelay $0x1  }
0x1a9: {  	v1 =	vadd.f32 v2, v1;
	v2 =	vmul.f32 v8, v7;
	_ =	sdelay $0x1  }
0x1aa: {  	v1 =	vadd.f32 v2, v1;
	_ =	sdelay $0x1  }
0x1ab: {  	[tilespmem:$0xC520] =	vst v1  }
0x1ac: {  	v1 =	vld [tilespmem:s12+$0x4C0]  }
0x1ad: {  	v2 =	vld [tilespmem:s12+$0x4D0]  }
0x1ae: {  	v3 =	vld [tilespmem:s3+$0x2BC0]  }
0x1af: {  	v4 =	vld [tilespmem:s3+$0x2BD0]  }
0x1b0: {  	v5 =	vld [tilespmem:s12+$0x4E0]  }
0x1b1: {  	v6 =	vld [tilespmem:s3+$0x2BE0]  }
0x1b2: {  	v7 =	vld [tilespmem:s12+$0x4F0]  }
0x1b3: {  	v8 =	vld [tilespmem:s3+$0x2BF0]  }
0x1b4: {  	v3 =	vmul.f32 v3, v1;
	v4 =	vmul.f32 v4, v2;
	_ =	sdelay $0x1  }
0x1b5: {  	v3 =	vadd.f32 v4, v3;
	v4 =	vmul.f32 v6, v5;
	_ =	sdelay $0x1  }
0x1b6: {  	v3 =	vadd.f32 v4, v3;
	v4 =	vmul.f32 v8, v7;
	_ =	sdelay $0x1  }
0x1b7: {  	v3 =	vadd.f32 v4, v3;
	_ =	sdelay $0x1  }
0x1b8: {  	[tilespmem:$0xC530] =	vst v3  }
0x1b9: {  	v3 =	vld [tilespmem:s3+$0x2C00]  }
0x1ba: {  	v4 =	vld [tilespmem:s3+$0x2C10];
	_ =	sdelay $0x1  }
0x1bb: {  	v6 =	vld [tilespmem:s3+$0x2C20];
	_ =	sdelay $0x1  }
0x1bc: {  	v8 =	vld [tilespmem:s3+$0x2C30]  }
0x1bd: {  	v3 =	vmul.f32 v3, v1;
	v4 =	vmul.f32 v4, v2;
	_ =	sdelay $0x1  }
0x1be: {  	v3 =	vadd.f32 v4, v3;
	v4 =	vmul.f32 v6, v5;
	_ =	sdelay $0x1  }
0x1bf: {  	v3 =	vadd.f32 v4, v3;
	v4 =	vmul.f32 v8, v7;
	_ =	sdelay $0x1  }
0x1c0: {  	v3 =	vadd.f32 v4, v3;
	_ =	sdelay $0x1  }
0x1c1: {  	[tilespmem:$0xC540] =	vst v3  }
0x1c2: {  	v3 =	vld [tilespmem:s3+$0x2C40]  }
0x1c3: {  	v4 =	vld [tilespmem:s3+$0x2C50];
	_ =	sdelay $0x1  }
0x1c4: {  	v6 =	vld [tilespmem:s3+$0x2C60];
	_ =	sdelay $0x1  }
0x1c5: {  	v8 =	vld [tilespmem:s3+$0x2C70]  }
0x1c6: {  	v3 =	vmul.f32 v3, v1;
	v4 =	vmul.f32 v4, v2;
	_ =	sdelay $0x1  }
0x1c7: {  	v3 =	vadd.f32 v4, v3;
	v4 =	vmul.f32 v6, v5;
	_ =	sdelay $0x1  }
0x1c8: {  	v3 =	vadd.f32 v4, v3;
	v4 =	vmul.f32 v8, v7;
	_ =	sdelay $0x1  }
0x1c9: {  	v3 =	vadd.f32 v4, v3;
	_ =	sdelay $0x1  }
0x1ca: {  	[tilespmem:$0xC550] =	vst v3  }
0x1cb: {  	v3 =	vld [tilespmem:s3+$0x2C80]  }
0x1cc: {  	v4 =	vld [tilespmem:s3+$0x2C90];
	_ =	sdelay $0x1  }
0x1cd: {  	v6 =	vld [tilespmem:s3+$0x2CA0];
	_ =	sdelay $0x1  }
0x1ce: {  	v8 =	vld [tilespmem:s3+$0x2CB0]  }
0x1cf: {  	v3 =	vmul.f32 v3, v1;
	v4 =	vmul.f32 v4, v2;
	_ =	sdelay $0x1  }
0x1d0: {  	v3 =	vadd.f32 v4, v3;
	v4 =	vmul.f32 v6, v5;
	_ =	sdelay $0x1  }
0x1d1: {  	v3 =	vadd.f32 v4, v3;
	v4 =	vmul.f32 v8, v7;
	_ =	sdelay $0x1  }
0x1d2: {  	v3 =	vadd.f32 v4, v3;
	_ =	sdelay $0x1  }
0x1d3: {  	[tilespmem:$0xC560] =	vst v3  }
0x1d4: {  	v3 =	vld [tilespmem:s3+$0x2CC0]  }
0x1d5: {  	v4 =	vld [tilespmem:s3+$0x2CD0];
	_ =	sdelay $0x1  }
0x1d6: {  	v6 =	vld [tilespmem:s3+$0x2CE0];
	_ =	sdelay $0x1  }
0x1d7: {  	v8 =	vld [tilespmem:s3+$0x2CF0]  }
0x1d8: {  	v1 =	vmul.f32 v3, v1;
	v2 =	vmul.f32 v4, v2;
	_ =	sdelay $0x1  }
0x1d9: {  	v1 =	vadd.f32 v2, v1;
	v2 =	vmul.f32 v6, v5;
	_ =	sdelay $0x1  }
0x1da: {  	v1 =	vadd.f32 v2, v1;
	v2 =	vmul.f32 v8, v7;
	_ =	sdelay $0x1  }
0x1db: {  	v1 =	vadd.f32 v2, v1;
	_ =	sdelay $0x1  }
0x1dc: {  	[tilespmem:$0xC570] =	vst v1  }
0x1dd: {  	v1 =	vld [tilespmem:s12+$0x500]  }
0x1de: {  	v2 =	vld [tilespmem:s12+$0x510]  }
0x1df: {  	v3 =	vld [tilespmem:s3+$0x2D00]  }
0x1e0: {  	v4 =	vld [tilespmem:s3+$0x2D10]  }
0x1e1: {  	v5 =	vld [tilespmem:s12+$0x520]  }
0x1e2: {  	v6 =	vld [tilespmem:s3+$0x2D20]  }
0x1e3: {  	v7 =	vld [tilespmem:s12+$0x530]  }
0x1e4: {  	v8 =	vld [tilespmem:s3+$0x2D30]  }
0x1e5: {  	v3 =	vmul.f32 v3, v1;
	v4 =	vmul.f32 v4, v2;
	_ =	sdelay $0x1  }
0x1e6: {  	v3 =	vadd.f32 v4, v3;
	v4 =	vmul.f32 v6, v5;
	_ =	sdelay $0x1  }
0x1e7: {  	v3 =	vadd.f32 v4, v3;
	v4 =	vmul.f32 v8, v7;
	_ =	sdelay $0x1  }
0x1e8: {  	v3 =	vadd.f32 v4, v3;
	_ =	sdelay $0x1  }
0x1e9: {  	[tilespmem:$0xC580] =	vst v3  }
0x1ea: {  	v3 =	vld [tilespmem:s3+$0x2D40]  }
0x1eb: {  	v4 =	vld [tilespmem:s3+$0x2D50];
	_ =	sdelay $0x1  }
0x1ec: {  	v6 =	vld [tilespmem:s3+$0x2D60];
	_ =	sdelay $0x1  }
0x1ed: {  	v8 =	vld [tilespmem:s3+$0x2D70]  }
0x1ee: {  	v3 =	vmul.f32 v3, v1;
	v4 =	vmul.f32 v4, v2;
	_ =	sdelay $0x1  }
0x1ef: {  	v3 =	vadd.f32 v4, v3;
	v4 =	vmul.f32 v6, v5;
	_ =	sdelay $0x1  }
0x1f0: {  	v3 =	vadd.f32 v4, v3;
	v4 =	vmul.f32 v8, v7;
	_ =	sdelay $0x1  }
0x1f1: {  	v3 =	vadd.f32 v4, v3;
	_ =	sdelay $0x1  }
0x1f2: {  	[tilespmem:$0xC590] =	vst v3  }
0x1f3: {  	v3 =	vld [tilespmem:s3+$0x2D80]  }
0x1f4: {  	v4 =	vld [tilespmem:s3+$0x2D90];
	_ =	sdelay $0x1  }
0x1f5: {  	v6 =	vld [tilespmem:s3+$0x2DA0];
	_ =	sdelay $0x1  }
0x1f6: {  	v8 =	vld [tilespmem:s3+$0x2DB0]  }
0x1f7: {  	v3 =	vmul.f32 v3, v1;
	v4 =	vmul.f32 v4, v2;
	_ =	sdelay $0x1  }
0x1f8: {  	v3 =	vadd.f32 v4, v3;
	v4 =	vmul.f32 v6, v5;
	_ =	sdelay $0x1  }
0x1f9: {  	v3 =	vadd.f32 v4, v3;
	v4 =	vmul.f32 v8, v7;
	_ =	sdelay $0x1  }
0x1fa: {  	v3 =	vadd.f32 v4, v3;
	_ =	sdelay $0x1  }
0x1fb: {  	[tilespmem:$0xC5A0] =	vst v3  }
0x1fc: {  	v3 =	vld [tilespmem:s3+$0x2DC0]  }
0x1fd: {  	v4 =	vld [tilespmem:s3+$0x2DD0];
	_ =	sdelay $0x1  }
0x1fe: {  	v6 =	vld [tilespmem:s3+$0x2DE0];
	_ =	sdelay $0x1  }
0x1ff: {  	v8 =	vld [tilespmem:s3+$0x2DF0]  }
0x200: {  	v3 =	vmul.f32 v3, v1;
	v4 =	vmul.f32 v4, v2;
	_ =	sdelay $0x1  }
0x201: {  	v3 =	vadd.f32 v4, v3;
	v4 =	vmul.f32 v6, v5;
	_ =	sdelay $0x1  }
0x202: {  	v3 =	vadd.f32 v4, v3;
	v4 =	vmul.f32 v8, v7;
	_ =	sdelay $0x1  }
0x203: {  	v3 =	vadd.f32 v4, v3;
	_ =	sdelay $0x1  }
0x204: {  	[tilespmem:$0xC5B0] =	vst v3  }
0x205: {  	v3 =	vld [tilespmem:s3+$0x2E00]  }
0x206: {  	v4 =	vld [tilespmem:s3+$0x2E10];
	_ =	sdelay $0x1  }
0x207: {  	v6 =	vld [tilespmem:s3+$0x2E20];
	_ =	sdelay $0x1  }
0x208: {  	v8 =	vld [tilespmem:s3+$0x2E30]  }
0x209: {  	v1 =	vmul.f32 v3, v1;
	v2 =	vmul.f32 v4, v2;
	_ =	sdelay $0x1  }
0x20a: {  	v1 =	vadd.f32 v2, v1;
	v2 =	vmul.f32 v6, v5;
	_ =	sdelay $0x1  }
0x20b: {  	v1 =	vadd.f32 v2, v1;
	v2 =	vmul.f32 v8, v7;
	_ =	sdelay $0x1  }
0x20c: {  	v1 =	vadd.f32 v2, v1;
	_ =	sdelay $0x1  }
0x20d: {  	[tilespmem:$0xC5C0] =	vst v1  }
0x20e: {  	v1 =	vld [tilespmem:s12+$0x540]  }
0x20f: {  	v2 =	vld [tilespmem:s12+$0x550]  }
0x210: {  	v3 =	vld [tilespmem:s3+$0x2E40]  }
0x211: {  	v4 =	vld [tilespmem:s3+$0x2E50]  }
0x212: {  	v5 =	vld [tilespmem:s12+$0x560]  }
0x213: {  	v6 =	vld [tilespmem:s3+$0x2E60]  }
0x214: {  	v7 =	vld [tilespmem:s12+$0x570]  }
0x215: {  	v8 =	vld [tilespmem:s3+$0x2E70]  }
0x216: {  	v3 =	vmul.f32 v3, v1;
	v4 =	vmul.f32 v4, v2;
	_ =	sdelay $0x1  }
0x217: {  	v3 =	vadd.f32 v4, v3;
	v4 =	vmul.f32 v6, v5;
	_ =	sdelay $0x1  }
0x218: {  	v3 =	vadd.f32 v4, v3;
	v4 =	vmul.f32 v8, v7;
	_ =	sdelay $0x1  }
0x219: {  	v3 =	vadd.f32 v4, v3;
	_ =	sdelay $0x1  }
0x21a: {  	[tilespmem:$0xC5D0] =	vst v3  }
0x21b: {  	v3 =	vld [tilespmem:s3+$0x2E80]  }
0x21c: {  	v4 =	vld [tilespmem:s3+$0x2E90];
	_ =	sdelay $0x1  }
0x21d: {  	v6 =	vld [tilespmem:s3+$0x2EA0];
	_ =	sdelay $0x1  }
0x21e: {  	v8 =	vld [tilespmem:s3+$0x2EB0]  }
0x21f: {  	v3 =	vmul.f32 v3, v1;
	v4 =	vmul.f32 v4, v2;
	_ =	sdelay $0x1  }
0x220: {  	v3 =	vadd.f32 v4, v3;
	v4 =	vmul.f32 v6, v5;
	_ =	sdelay $0x1  }
0x221: {  	v3 =	vadd.f32 v4, v3;
	v4 =	vmul.f32 v8, v7;
	_ =	sdelay $0x1  }
0x222: {  	v3 =	vadd.f32 v4, v3;
	_ =	sdelay $0x1  }
0x223: {  	[tilespmem:$0xC5E0] =	vst v3  }
0x224: {  	v3 =	vld [tilespmem:s3+$0x2EC0]  }
0x225: {  	v4 =	vld [tilespmem:s3+$0x2ED0];
	_ =	sdelay $0x1  }
0x226: {  	v6 =	vld [tilespmem:s3+$0x2EE0];
	_ =	sdelay $0x1  }
0x227: {  	v8 =	vld [tilespmem:s3+$0x2EF0]  }
0x228: {  	v3 =	vmul.f32 v3, v1;
	v4 =	vmul.f32 v4, v2;
	_ =	sdelay $0x1  }
0x229: {  	v3 =	vadd.f32 v4, v3;
	v4 =	vmul.f32 v6, v5;
	_ =	sdelay $0x1  }
0x22a: {  	v3 =	vadd.f32 v4, v3;
	v4 =	vmul.f32 v8, v7;
	_ =	sdelay $0x1  }
0x22b: {  	v3 =	vadd.f32 v4, v3;
	_ =	sdelay $0x1  }
0x22c: {  	[tilespmem:$0xC5F0] =	vst v3  }
0x22d: {  	v3 =	vld [tilespmem:s3+$0x2F00]  }
0x22e: {  	v4 =	vld [tilespmem:s3+$0x2F10];
	_ =	sdelay $0x1  }
0x22f: {  	v6 =	vld [tilespmem:s3+$0x2F20];
	_ =	sdelay $0x1  }
0x230: {  	v8 =	vld [tilespmem:s3+$0x2F30]  }
0x231: {  	v3 =	vmul.f32 v3, v1;
	v4 =	vmul.f32 v4, v2;
	_ =	sdelay $0x1  }
0x232: {  	v3 =	vadd.f32 v4, v3;
	v4 =	vmul.f32 v6, v5;
	_ =	sdelay $0x1  }
0x233: {  	v3 =	vadd.f32 v4, v3;
	v4 =	vmul.f32 v8, v7;
	_ =	sdelay $0x1  }
0x234: {  	v3 =	vadd.f32 v4, v3;
	_ =	sdelay $0x1  }
0x235: {  	[tilespmem:$0xC600] =	vst v3  }
0x236: {  	v3 =	vld [tilespmem:s3+$0x2F40]  }
0x237: {  	v4 =	vld [tilespmem:s3+$0x2F50];
	_ =	sdelay $0x1  }
0x238: {  	v6 =	vld [tilespmem:s3+$0x2F60];
	_ =	sdelay $0x1  }
0x239: {  	v8 =	vld [tilespmem:s3+$0x2F70]  }
0x23a: {  	v1 =	vmul.f32 v3, v1;
	v2 =	vmul.f32 v4, v2;
	_ =	sdelay $0x1  }
0x23b: {  	v1 =	vadd.f32 v2, v1;
	v2 =	vmul.f32 v6, v5;
	_ =	sdelay $0x1  }
0x23c: {  	v1 =	vadd.f32 v2, v1;
	v2 =	vmul.f32 v8, v7;
	_ =	sdelay $0x1  }
0x23d: {  	v1 =	vadd.f32 v2, v1;
	_ =	sdelay $0x1  }
0x23e: {  	[tilespmem:$0xC610] =	vst v1  }
0x23f: {  	v1 =	vld [tilespmem:s12+$0x580]  }
0x240: {  	v2 =	vld [tilespmem:s12+$0x590]  }
0x241: {  	v3 =	vld [tilespmem:s3+$0x2F80]  }
0x242: {  	v4 =	vld [tilespmem:s3+$0x2F90]  }
0x243: {  	v5 =	vld [tilespmem:s12+$0x5A0]  }
0x244: {  	v6 =	vld [tilespmem:s3+$0x2FA0]  }
0x245: {  	v7 =	vld [tilespmem:s12+$0x5B0]  }
0x246: {  	v8 =	vld [tilespmem:s3+$0x2FB0]  }
0x247: {  	v3 =	vmul.f32 v3, v1;
	v4 =	vmul.f32 v4, v2;
	_ =	sdelay $0x1  }
0x248: {  	v3 =	vadd.f32 v4, v3;
	v4 =	vmul.f32 v6, v5;
	_ =	sdelay $0x1  }
0x249: {  	v3 =	vadd.f32 v4, v3;
	v4 =	vmul.f32 v8, v7;
	_ =	sdelay $0x1  }
0x24a: {  	v3 =	vadd.f32 v4, v3;
	_ =	sdelay $0x1  }
0x24b: {  	[tilespmem:$0xC620] =	vst v3  }
0x24c: {  	v3 =	vld [tilespmem:s3+$0x2FC0]  }
0x24d: {  	v4 =	vld [tilespmem:s3+$0x2FD0];
	_ =	sdelay $0x1  }
0x24e: {  	v6 =	vld [tilespmem:s3+$0x2FE0];
	_ =	sdelay $0x1  }
0x24f: {  	v8 =	vld [tilespmem:s3+$0x2FF0]  }
0x250: {  	v3 =	vmul.f32 v3, v1;
	v4 =	vmul.f32 v4, v2;
	_ =	sdelay $0x1  }
0x251: {  	v3 =	vadd.f32 v4, v3;
	v4 =	vmul.f32 v6, v5;
	_ =	sdelay $0x1  }
0x252: {  	v3 =	vadd.f32 v4, v3;
	v4 =	vmul.f32 v8, v7;
	_ =	sdelay $0x1  }
0x253: {  	v3 =	vadd.f32 v4, v3;
	_ =	sdelay $0x1  }
0x254: {  	[tilespmem:$0xC630] =	vst v3  }
0x255: {  	v3 =	vld [tilespmem:s3+$0x3000]  }
0x256: {  	v4 =	vld [tilespmem:s3+$0x3010];
	_ =	sdelay $0x1  }
0x257: {  	v6 =	vld [tilespmem:s3+$0x3020];
	_ =	sdelay $0x1  }
0x258: {  	v8 =	vld [tilespmem:s3+$0x3030]  }
0x259: {  	v3 =	vmul.f32 v3, v1;
	v4 =	vmul.f32 v4, v2;
	_ =	sdelay $0x1  }
0x25a: {  	v3 =	vadd.f32 v4, v3;
	v4 =	vmul.f32 v6, v5;
	_ =	sdelay $0x1  }
0x25b: {  	v3 =	vadd.f32 v4, v3;
	v4 =	vmul.f32 v8, v7;
	_ =	sdelay $0x1  }
0x25c: {  	v3 =	vadd.f32 v4, v3;
	_ =	sdelay $0x1  }
0x25d: {  	[tilespmem:$0xC640] =	vst v3  }
0x25e: {  	v3 =	vld [tilespmem:s3+$0x3040]  }
0x25f: {  	v4 =	vld [tilespmem:s3+$0x3050];
	_ =	sdelay $0x1  }
0x260: {  	v6 =	vld [tilespmem:s3+$0x3060];
	_ =	sdelay $0x1  }
0x261: {  	v8 =	vld [tilespmem:s3+$0x3070]  }
0x262: {  	v3 =	vmul.f32 v3, v1;
	v4 =	vmul.f32 v4, v2;
	_ =	sdelay $0x1  }
0x263: {  	v3 =	vadd.f32 v4, v3;
	v4 =	vmul.f32 v6, v5;
	_ =	sdelay $0x1  }
0x264: {  	v3 =	vadd.f32 v4, v3;
	v4 =	vmul.f32 v8, v7;
	_ =	sdelay $0x1  }
0x265: {  	v3 =	vadd.f32 v4, v3;
	_ =	sdelay $0x1  }
0x266: {  	[tilespmem:$0xC650] =	vst v3  }
0x267: {  	v3 =	vld [tilespmem:s3+$0x3080]  }
0x268: {  	v4 =	vld [tilespmem:s3+$0x3090];
	_ =	sdelay $0x1  }
0x269: {  	v6 =	vld [tilespmem:s3+$0x30A0];
	_ =	sdelay $0x1  }
0x26a: {  	v8 =	vld [tilespmem:s3+$0x30B0]  }
0x26b: {  	v1 =	vmul.f32 v3, v1;
	v2 =	vmul.f32 v4, v2;
	_ =	sdelay $0x1  }
0x26c: {  	v1 =	vadd.f32 v2, v1;
	v2 =	vmul.f32 v6, v5;
	_ =	sdelay $0x1  }
0x26d: {  	v1 =	vadd.f32 v2, v1;
	v2 =	vmul.f32 v8, v7;
	_ =	sdelay $0x1  }
0x26e: {  	v1 =	vadd.f32 v2, v1;
	_ =	sdelay $0x1  }
0x26f: {  	[tilespmem:$0xC660] =	vst v1  }
0x270: {  	v1 =	vld [tilespmem:s12+$0x5C0]  }
0x271: {  	v2 =	vld [tilespmem:s12+$0x5D0]  }
0x272: {  	v3 =	vld [tilespmem:s3+$0x30C0]  }
0x273: {  	v4 =	vld [tilespmem:s3+$0x30D0]  }
0x274: {  	v5 =	vld [tilespmem:s12+$0x5E0]  }
0x275: {  	v6 =	vld [tilespmem:s3+$0x30E0]  }
0x276: {  	v7 =	vld [tilespmem:s12+$0x5F0]  }
0x277: {  	v8 =	vld [tilespmem:s3+$0x30F0]  }
0x278: {  	v3 =	vmul.f32 v3, v1;
	v4 =	vmul.f32 v4, v2;
	_ =	sdelay $0x1  }
0x279: {  	v3 =	vadd.f32 v4, v3;
	v4 =	vmul.f32 v6, v5;
	_ =	sdelay $0x1  }
0x27a: {  	v3 =	vadd.f32 v4, v3;
	v4 =	vmul.f32 v8, v7;
	_ =	sdelay $0x1  }
0x27b: {  	v3 =	vadd.f32 v4, v3;
	_ =	sdelay $0x1  }
0x27c: {  	[tilespmem:$0xC670] =	vst v3  }
0x27d: {  	v3 =	vld [tilespmem:s3+$0x3100]  }
0x27e: {  	v4 =	vld [tilespmem:s3+$0x3110];
	_ =	sdelay $0x1  }
0x27f: {  	v6 =	vld [tilespmem:s3+$0x3120];
	_ =	sdelay $0x1  }
0x280: {  	v8 =	vld [tilespmem:s3+$0x3130]  }
0x281: {  	v3 =	vmul.f32 v3, v1;
	v4 =	vmul.f32 v4, v2;
	_ =	sdelay $0x1  }
0x282: {  	v3 =	vadd.f32 v4, v3;
	v4 =	vmul.f32 v6, v5;
	_ =	sdelay $0x1  }
0x283: {  	v3 =	vadd.f32 v4, v3;
	v4 =	vmul.f32 v8, v7;
	_ =	sdelay $0x1  }
0x284: {  	v3 =	vadd.f32 v4, v3;
	_ =	sdelay $0x1  }
0x285: {  	[tilespmem:$0xC680] =	vst v3  }
0x286: {  	v3 =	vld [tilespmem:s3+$0x3140]  }
0x287: {  	v4 =	vld [tilespmem:s3+$0x3150];
	_ =	sdelay $0x1  }
0x288: {  	v6 =	vld [tilespmem:s3+$0x3160];
	_ =	sdelay $0x1  }
0x289: {  	v8 =	vld [tilespmem:s3+$0x3170]  }
0x28a: {  	v3 =	vmul.f32 v3, v1;
	v4 =	vmul.f32 v4, v2;
	_ =	sdelay $0x1  }
0x28b: {  	v3 =	vadd.f32 v4, v3;
	v4 =	vmul.f32 v6, v5;
	_ =	sdelay $0x1  }
0x28c: {  	v3 =	vadd.f32 v4, v3;
	v4 =	vmul.f32 v8, v7;
	_ =	sdelay $0x1  }
0x28d: {  	v3 =	vadd.f32 v4, v3;
	_ =	sdelay $0x1  }
0x28e: {  	[tilespmem:$0xC690] =	vst v3  }
0x28f: {  	v3 =	vld [tilespmem:s3+$0x3180]  }
0x290: {  	v4 =	vld [tilespmem:s3+$0x3190];
	_ =	sdelay $0x1  }
0x291: {  	v6 =	vld [tilespmem:s3+$0x31A0];
	_ =	sdelay $0x1  }
0x292: {  	v8 =	vld [tilespmem:s3+$0x31B0]  }
0x293: {  	v3 =	vmul.f32 v3, v1;
	v4 =	vmul.f32 v4, v2;
	_ =	sdelay $0x1  }
0x294: {  	v3 =	vadd.f32 v4, v3;
	v4 =	vmul.f32 v6, v5;
	_ =	sdelay $0x1  }
0x295: {  	v3 =	vadd.f32 v4, v3;
	v4 =	vmul.f32 v8, v7;
	_ =	sdelay $0x1  }
0x296: {  	v3 =	vadd.f32 v4, v3;
	_ =	sdelay $0x1  }
0x297: {  	[tilespmem:$0xC6A0] =	vst v3  }
0x298: {  	v3 =	vld [tilespmem:s3+$0x31C0]  }
0x299: {  	v4 =	vld [tilespmem:s3+$0x31D0];
	_ =	sdelay $0x1  }
0x29a: {  	v6 =	vld [tilespmem:s3+$0x31E0];
	_ =	sdelay $0x1  }
0x29b: {  	v8 =	vld [tilespmem:s3+$0x31F0]  }
0x29c: {  	v1 =	vmul.f32 v3, v1;
	v2 =	vmul.f32 v4, v2;
	_ =	sdelay $0x1  }
0x29d: {  	v1 =	vadd.f32 v2, v1;
	v2 =	vmul.f32 v6, v5;
	_ =	sdelay $0x1  }
0x29e: {  	v1 =	vadd.f32 v2, v1;
	v2 =	vmul.f32 v8, v7;
	_ =	sdelay $0x1  }
0x29f: {  	v1 =	vadd.f32 v2, v1;
	_ =	sdelay $0x1  }
0x2a0: {  	[tilespmem:$0xC6B0] =	vst v1  }
0x2a1: {  	v1 =	vld [tilespmem:s12+$0x600]  }
0x2a2: {  	v2 =	vld [tilespmem:s12+$0x610]  }
0x2a3: {  	v3 =	vld [tilespmem:s3+$0x3200]  }
0x2a4: {  	v4 =	vld [tilespmem:s3+$0x3210]  }
0x2a5: {  	v5 =	vld [tilespmem:s12+$0x620]  }
0x2a6: {  	v6 =	vld [tilespmem:s3+$0x3220]  }
0x2a7: {  	v7 =	vld [tilespmem:s12+$0x630]  }
0x2a8: {  	v8 =	vld [tilespmem:s3+$0x3230]  }
0x2a9: {  	v3 =	vmul.f32 v3, v1;
	v4 =	vmul.f32 v4, v2;
	_ =	sdelay $0x1  }
0x2aa: {  	v3 =	vadd.f32 v4, v3;
	v4 =	vmul.f32 v6, v5;
	_ =	sdelay $0x1  }
0x2ab: {  	v3 =	vadd.f32 v4, v3;
	v4 =	vmul.f32 v8, v7;
	_ =	sdelay $0x1  }
0x2ac: {  	v3 =	vadd.f32 v4, v3;
	_ =	sdelay $0x1  }
0x2ad: {  	[tilespmem:$0xC6C0] =	vst v3  }
0x2ae: {  	v3 =	vld [tilespmem:s3+$0x3240]  }
0x2af: {  	v4 =	vld [tilespmem:s3+$0x3250];
	_ =	sdelay $0x1  }
0x2b0: {  	v6 =	vld [tilespmem:s3+$0x3260];
	_ =	sdelay $0x1  }
0x2b1: {  	v8 =	vld [tilespmem:s3+$0x3270]  }
0x2b2: {  	v3 =	vmul.f32 v3, v1;
	v4 =	vmul.f32 v4, v2;
	_ =	sdelay $0x1  }
0x2b3: {  	v3 =	vadd.f32 v4, v3;
	v4 =	vmul.f32 v6, v5;
	_ =	sdelay $0x1  }
0x2b4: {  	v3 =	vadd.f32 v4, v3;
	v4 =	vmul.f32 v8, v7;
	_ =	sdelay $0x1  }
0x2b5: {  	v3 =	vadd.f32 v4, v3;
	_ =	sdelay $0x1  }
0x2b6: {  	[tilespmem:$0xC6D0] =	vst v3  }
0x2b7: {  	v3 =	vld [tilespmem:s3+$0x3280]  }
0x2b8: {  	v4 =	vld [tilespmem:s3+$0x3290];
	_ =	sdelay $0x1  }
0x2b9: {  	v6 =	vld [tilespmem:s3+$0x32A0];
	_ =	sdelay $0x1  }
0x2ba: {  	v8 =	vld [tilespmem:s3+$0x32B0]  }
0x2bb: {  	v3 =	vmul.f32 v3, v1;
	v4 =	vmul.f32 v4, v2;
	_ =	sdelay $0x1  }
0x2bc: {  	v3 =	vadd.f32 v4, v3;
	v4 =	vmul.f32 v6, v5;
	_ =	sdelay $0x1  }
0x2bd: {  	v3 =	vadd.f32 v4, v3;
	v4 =	vmul.f32 v8, v7;
	_ =	sdelay $0x1  }
0x2be: {  	v3 =	vadd.f32 v4, v3;
	_ =	sdelay $0x1  }
0x2bf: {  	[tilespmem:$0xC6E0] =	vst v3  }
0x2c0: {  	v3 =	vld [tilespmem:s3+$0x32C0]  }
0x2c1: {  	v4 =	vld [tilespmem:s3+$0x32D0];
	_ =	sdelay $0x1  }
0x2c2: {  	v6 =	vld [tilespmem:s3+$0x32E0];
	_ =	sdelay $0x1  }
0x2c3: {  	v8 =	vld [tilespmem:s3+$0x32F0]  }
0x2c4: {  	v3 =	vmul.f32 v3, v1;
	v4 =	vmul.f32 v4, v2;
	_ =	sdelay $0x1  }
0x2c5: {  	v3 =	vadd.f32 v4, v3;
	v4 =	vmul.f32 v6, v5;
	_ =	sdelay $0x1  }
0x2c6: {  	v3 =	vadd.f32 v4, v3;
	v4 =	vmul.f32 v8, v7;
	_ =	sdelay $0x1  }
0x2c7: {  	v3 =	vadd.f32 v4, v3;
	_ =	sdelay $0x1  }
0x2c8: {  	[tilespmem:$0xC6F0] =	vst v3  }
0x2c9: {  	v3 =	vld [tilespmem:s3+$0x3300]  }
0x2ca: {  	v4 =	vld [tilespmem:s3+$0x3310];
	_ =	sdelay $0x1  }
0x2cb: {  	v6 =	vld [tilespmem:s3+$0x3320];
	_ =	sdelay $0x1  }
0x2cc: {  	v8 =	vld [tilespmem:s3+$0x3330]  }
0x2cd: {  	v1 =	vmul.f32 v3, v1;
	v2 =	vmul.f32 v4, v2;
	_ =	sdelay $0x1  }
0x2ce: {  	v1 =	vadd.f32 v2, v1;
	v2 =	vmul.f32 v6, v5;
	_ =	sdelay $0x1  }
0x2cf: {  	v1 =	vadd.f32 v2, v1;
	v2 =	vmul.f32 v8, v7;
	_ =	sdelay $0x1  }
0x2d0: {  	v1 =	vadd.f32 v2, v1;
	_ =	sdelay $0x1  }
0x2d1: {  	[tilespmem:$0xC700] =	vst v1  }
0x2d2: {  	v1 =	vld [tilespmem:s12+$0x640]  }
0x2d3: {  	v2 =	vld [tilespmem:s12+$0x650]  }
0x2d4: {  	v3 =	vld [tilespmem:s3+$0x3340]  }
0x2d5: {  	v4 =	vld [tilespmem:s3+$0x3350]  }
0x2d6: {  	v5 =	vld [tilespmem:s12+$0x660]  }
0x2d7: {  	v6 =	vld [tilespmem:s3+$0x3360]  }
0x2d8: {  	v7 =	vld [tilespmem:s12+$0x670]  }
0x2d9: {  	v8 =	vld [tilespmem:s3+$0x3370]  }
0x2da: {  	v3 =	vmul.f32 v3, v1;
	v4 =	vmul.f32 v4, v2;
	_ =	sdelay $0x1  }
0x2db: {  	v3 =	vadd.f32 v4, v3;
	v4 =	vmul.f32 v6, v5;
	_ =	sdelay $0x1  }
0x2dc: {  	v3 =	vadd.f32 v4, v3;
	v4 =	vmul.f32 v8, v7;
	_ =	sdelay $0x1  }
0x2dd: {  	v3 =	vadd.f32 v4, v3;
	_ =	sdelay $0x1  }
0x2de: {  	[tilespmem:$0xC710] =	vst v3  }
0x2df: {  	v3 =	vld [tilespmem:s3+$0x3380]  }
0x2e0: {  	v4 =	vld [tilespmem:s3+$0x3390];
	_ =	sdelay $0x1  }
0x2e1: {  	v6 =	vld [tilespmem:s3+$0x33A0];
	_ =	sdelay $0x1  }
0x2e2: {  	v8 =	vld [tilespmem:s3+$0x33B0]  }
0x2e3: {  	v3 =	vmul.f32 v3, v1;
	v4 =	vmul.f32 v4, v2;
	_ =	sdelay $0x1  }
0x2e4: {  	v3 =	vadd.f32 v4, v3;
	v4 =	vmul.f32 v6, v5;
	_ =	sdelay $0x1  }
0x2e5: {  	v3 =	vadd.f32 v4, v3;
	v4 =	vmul.f32 v8, v7;
	_ =	sdelay $0x1  }
0x2e6: {  	v3 =	vadd.f32 v4, v3;
	_ =	sdelay $0x1  }
0x2e7: {  	[tilespmem:$0xC720] =	vst v3  }
0x2e8: {  	v3 =	vld [tilespmem:s3+$0x33C0]  }
0x2e9: {  	v4 =	vld [tilespmem:s3+$0x33D0];
	_ =	sdelay $0x1  }
0x2ea: {  	v6 =	vld [tilespmem:s3+$0x33E0];
	_ =	sdelay $0x1  }
0x2eb: {  	v8 =	vld [tilespmem:s3+$0x33F0]  }
0x2ec: {  	v3 =	vmul.f32 v3, v1;
	v4 =	vmul.f32 v4, v2;
	_ =	sdelay $0x1  }
0x2ed: {  	v3 =	vadd.f32 v4, v3;
	v4 =	vmul.f32 v6, v5;
	_ =	sdelay $0x1  }
0x2ee: {  	v3 =	vadd.f32 v4, v3;
	v4 =	vmul.f32 v8, v7;
	_ =	sdelay $0x1  }
0x2ef: {  	v3 =	vadd.f32 v4, v3;
	_ =	sdelay $0x1  }
0x2f0: {  	[tilespmem:$0xC730] =	vst v3  }
0x2f1: {  	v3 =	vld [tilespmem:s3+$0x3400]  }
0x2f2: {  	v4 =	vld [tilespmem:s3+$0x3410];
	_ =	sdelay $0x1  }
0x2f3: {  	v6 =	vld [tilespmem:s3+$0x3420];
	_ =	sdelay $0x1  }
0x2f4: {  	v8 =	vld [tilespmem:s3+$0x3430]  }
0x2f5: {  	v3 =	vmul.f32 v3, v1;
	v4 =	vmul.f32 v4, v2;
	_ =	sdelay $0x1  }
0x2f6: {  	v3 =	vadd.f32 v4, v3;
	v4 =	vmul.f32 v6, v5;
	_ =	sdelay $0x1  }
0x2f7: {  	v3 =	vadd.f32 v4, v3;
	v4 =	vmul.f32 v8, v7;
	_ =	sdelay $0x1  }
0x2f8: {  	v3 =	vadd.f32 v4, v3;
	_ =	sdelay $0x1  }
0x2f9: {  	[tilespmem:$0xC740] =	vst v3  }
0x2fa: {  	v3 =	vld [tilespmem:s3+$0x3440]  }
0x2fb: {  	v4 =	vld [tilespmem:s3+$0x3450];
	_ =	sdelay $0x1  }
0x2fc: {  	v6 =	vld [tilespmem:s3+$0x3460];
	_ =	sdelay $0x1  }
0x2fd: {  	v8 =	vld [tilespmem:s3+$0x3470]  }
0x2fe: {  	v1 =	vmul.f32 v3, v1;
	v2 =	vmul.f32 v4, v2;
	_ =	sdelay $0x1  }
0x2ff: {  	v1 =	vadd.f32 v2, v1;
	v2 =	vmul.f32 v6, v5;
	_ =	sdelay $0x1  }
0x300: {  	v1 =	vadd.f32 v2, v1;
	v2 =	vmul.f32 v8, v7;
	_ =	sdelay $0x1  }
0x301: {  	v1 =	vadd.f32 v2, v1;
	_ =	sdelay $0x1  }
0x302: {  	[tilespmem:$0xC750] =	vst v1  }
0x303: {  	v1 =	vld [tilespmem:s12+$0x680]  }
0x304: {  	v2 =	vld [tilespmem:s12+$0x690]  }
0x305: {  	v3 =	vld [tilespmem:s3+$0x3480]  }
0x306: {  	v4 =	vld [tilespmem:s3+$0x3490]  }
0x307: {  	v5 =	vld [tilespmem:s12+$0x6A0]  }
0x308: {  	v6 =	vld [tilespmem:s3+$0x34A0]  }
0x309: {  	v7 =	vld [tilespmem:s12+$0x6B0]  }
0x30a: {  	v8 =	vld [tilespmem:s3+$0x34B0]  }
0x30b: {  	v3 =	vmul.f32 v3, v1;
	v4 =	vmul.f32 v4, v2;
	_ =	sdelay $0x1  }
0x30c: {  	v3 =	vadd.f32 v4, v3;
	v4 =	vmul.f32 v6, v5;
	_ =	sdelay $0x1  }
0x30d: {  	v3 =	vadd.f32 v4, v3;
	v4 =	vmul.f32 v8, v7;
	_ =	sdelay $0x1  }
0x30e: {  	v3 =	vadd.f32 v4, v3;
	_ =	sdelay $0x1  }
0x30f: {  	[tilespmem:$0xC760] =	vst v3  }
0x310: {  	v3 =	vld [tilespmem:s3+$0x34C0]  }
0x311: {  	v4 =	vld [tilespmem:s3+$0x34D0];
	_ =	sdelay $0x1  }
0x312: {  	v6 =	vld [tilespmem:s3+$0x34E0];
	_ =	sdelay $0x1  }
0x313: {  	v8 =	vld [tilespmem:s3+$0x34F0]  }
0x314: {  	v3 =	vmul.f32 v3, v1;
	v4 =	vmul.f32 v4, v2;
	_ =	sdelay $0x1  }
0x315: {  	v3 =	vadd.f32 v4, v3;
	v4 =	vmul.f32 v6, v5;
	_ =	sdelay $0x1  }
0x316: {  	v3 =	vadd.f32 v4, v3;
	v4 =	vmul.f32 v8, v7;
	_ =	sdelay $0x1  }
0x317: {  	v3 =	vadd.f32 v4, v3;
	_ =	sdelay $0x1  }
0x318: {  	[tilespmem:$0xC770] =	vst v3  }
0x319: {  	v3 =	vld [tilespmem:s3+$0x3500]  }
0x31a: {  	v4 =	vld [tilespmem:s3+$0x3510];
	_ =	sdelay $0x1  }
0x31b: {  	v6 =	vld [tilespmem:s3+$0x3520];
	_ =	sdelay $0x1  }
0x31c: {  	v8 =	vld [tilespmem:s3+$0x3530]  }
0x31d: {  	v3 =	vmul.f32 v3, v1;
	v4 =	vmul.f32 v4, v2;
	_ =	sdelay $0x1  }
0x31e: {  	v3 =	vadd.f32 v4, v3;
	v4 =	vmul.f32 v6, v5;
	_ =	sdelay $0x1  }
0x31f: {  	v3 =	vadd.f32 v4, v3;
	v4 =	vmul.f32 v8, v7;
	_ =	sdelay $0x1  }
0x320: {  	v3 =	vadd.f32 v4, v3;
	_ =	sdelay $0x1  }
0x321: {  	[tilespmem:$0xC780] =	vst v3  }
0x322: {  	v3 =	vld [tilespmem:s3+$0x3540]  }
0x323: {  	v4 =	vld [tilespmem:s3+$0x3550];
	_ =	sdelay $0x1  }
0x324: {  	v6 =	vld [tilespmem:s3+$0x3560];
	_ =	sdelay $0x1  }
0x325: {  	v8 =	vld [tilespmem:s3+$0x3570]  }
0x326: {  	v3 =	vmul.f32 v3, v1;
	v4 =	vmul.f32 v4, v2;
	_ =	sdelay $0x1  }
0x327: {  	v3 =	vadd.f32 v4, v3;
	v4 =	vmul.f32 v6, v5;
	_ =	sdelay $0x1  }
0x328: {  	v3 =	vadd.f32 v4, v3;
	v4 =	vmul.f32 v8, v7;
	_ =	sdelay $0x1  }
0x329: {  	v3 =	vadd.f32 v4, v3;
	_ =	sdelay $0x1  }
0x32a: {  	[tilespmem:$0xC790] =	vst v3  }
0x32b: {  	v3 =	vld [tilespmem:s3+$0x3580]  }
0x32c: {  	v4 =	vld [tilespmem:s3+$0x3590];
	_ =	sdelay $0x1  }
0x32d: {  	v6 =	vld [tilespmem:s3+$0x35A0];
	_ =	sdelay $0x1  }
0x32e: {  	v8 =	vld [tilespmem:s3+$0x35B0]  }
0x32f: {  	v1 =	vmul.f32 v3, v1;
	v2 =	vmul.f32 v4, v2;
	_ =	sdelay $0x1  }
0x330: {  	v1 =	vadd.f32 v2, v1;
	v2 =	vmul.f32 v6, v5;
	_ =	sdelay $0x1  }
0x331: {  	v1 =	vadd.f32 v2, v1;
	v2 =	vmul.f32 v8, v7;
	_ =	sdelay $0x1  }
0x332: {  	v1 =	vadd.f32 v2, v1;
	_ =	sdelay $0x1  }
0x333: {  	[tilespmem:$0xC7A0] =	vst v1  }
0x334: {  	v1 =	vld [tilespmem:s12+$0x6C0]  }
0x335: {  	v2 =	vld [tilespmem:s12+$0x6D0]  }
0x336: {  	v3 =	vld [tilespmem:s3+$0x35C0]  }
0x337: {  	v4 =	vld [tilespmem:s3+$0x35D0]  }
0x338: {  	v5 =	vld [tilespmem:s12+$0x6E0]  }
0x339: {  	v6 =	vld [tilespmem:s3+$0x35E0]  }
0x33a: {  	v7 =	vld [tilespmem:s12+$0x6F0]  }
0x33b: {  	v8 =	vld [tilespmem:s3+$0x35F0]  }
0x33c: {  	v3 =	vmul.f32 v3, v1;
	v4 =	vmul.f32 v4, v2;
	_ =	sdelay $0x1  }
0x33d: {  	v3 =	vadd.f32 v4, v3;
	v4 =	vmul.f32 v6, v5;
	_ =	sdelay $0x1  }
0x33e: {  	v3 =	vadd.f32 v4, v3;
	v4 =	vmul.f32 v8, v7;
	_ =	sdelay $0x1  }
0x33f: {  	v3 =	vadd.f32 v4, v3;
	_ =	sdelay $0x1  }
0x340: {  	[tilespmem:$0xC7B0] =	vst v3  }
0x341: {  	v3 =	vld [tilespmem:s3+$0x3600]  }
0x342: {  	v4 =	vld [tilespmem:s3+$0x3610];
	_ =	sdelay $0x1  }
0x343: {  	v6 =	vld [tilespmem:s3+$0x3620];
	_ =	sdelay $0x1  }
0x344: {  	v8 =	vld [tilespmem:s3+$0x3630]  }
0x345: {  	v3 =	vmul.f32 v3, v1;
	v4 =	vmul.f32 v4, v2;
	_ =	sdelay $0x1  }
0x346: {  	v3 =	vadd.f32 v4, v3;
	v4 =	vmul.f32 v6, v5;
	_ =	sdelay $0x1  }
0x347: {  	v3 =	vadd.f32 v4, v3;
	v4 =	vmul.f32 v8, v7;
	_ =	sdelay $0x1  }
0x348: {  	v3 =	vadd.f32 v4, v3;
	_ =	sdelay $0x1  }
0x349: {  	[tilespmem:$0xC7C0] =	vst v3  }
0x34a: {  	v3 =	vld [tilespmem:s3+$0x3640]  }
0x34b: {  	v4 =	vld [tilespmem:s3+$0x3650];
	_ =	sdelay $0x1  }
0x34c: {  	v6 =	vld [tilespmem:s3+$0x3660];
	_ =	sdelay $0x1  }
0x34d: {  	v8 =	vld [tilespmem:s3+$0x3670]  }
0x34e: {  	v3 =	vmul.f32 v3, v1;
	v4 =	vmul.f32 v4, v2;
	_ =	sdelay $0x1  }
0x34f: {  	v3 =	vadd.f32 v4, v3;
	v4 =	vmul.f32 v6, v5;
	_ =	sdelay $0x1  }
0x350: {  	v3 =	vadd.f32 v4, v3;
	v4 =	vmul.f32 v8, v7;
	_ =	sdelay $0x1  }
0x351: {  	v3 =	vadd.f32 v4, v3;
	_ =	sdelay $0x1  }
0x352: {  	[tilespmem:$0xC7D0] =	vst v3  }
0x353: {  	v3 =	vld [tilespmem:s3+$0x3680]  }
0x354: {  	v4 =	vld [tilespmem:s3+$0x3690];
	_ =	sdelay $0x1  }
0x355: {  	v6 =	vld [tilespmem:s3+$0x36A0];
	_ =	sdelay $0x1  }
0x356: {  	v8 =	vld [tilespmem:s3+$0x36B0]  }
0x357: {  	v3 =	vmul.f32 v3, v1;
	v4 =	vmul.f32 v4, v2;
	_ =	sdelay $0x1  }
0x358: {  	v3 =	vadd.f32 v4, v3;
	v4 =	vmul.f32 v6, v5;
	_ =	sdelay $0x1  }
0x359: {  	v3 =	vadd.f32 v4, v3;
	v4 =	vmul.f32 v8, v7;
	_ =	sdelay $0x1  }
0x35a: {  	v3 =	vadd.f32 v4, v3;
	_ =	sdelay $0x1  }
0x35b: {  	[tilespmem:$0xC7E0] =	vst v3  }
0x35c: {  	v3 =	vld [tilespmem:s3+$0x36C0]  }
0x35d: {  	v4 =	vld [tilespmem:s3+$0x36D0];
	_ =	sdelay $0x1  }
0x35e: {  	v6 =	vld [tilespmem:s3+$0x36E0];
	_ =	sdelay $0x1  }
0x35f: {  	v8 =	vld [tilespmem:s3+$0x36F0]  }
0x360: {  	v1 =	vmul.f32 v3, v1;
	v2 =	vmul.f32 v4, v2;
	_ =	sdelay $0x1  }
0x361: {  	v1 =	vadd.f32 v2, v1;
	v2 =	vmul.f32 v6, v5;
	_ =	sdelay $0x1  }
0x362: {  	v1 =	vadd.f32 v2, v1;
	v2 =	vmul.f32 v8, v7;
	v7 =	vld [tilespmem:$0x1FFE0];
	_ =	sdelay $0x1  }
0x363: {  	v8 =	vld [tilespmem:$0x1FFF0];
	_ =	sdelay $0x1  }
0x364: {  	v1 =	vadd.f32 v2, v1;
	_ =	sdelay $0x1  }
0x365: {  	[tilespmem:$0xC7F0] =	vst v1  }
0x366: {  	v1 =	vld.idx.msk [tilespmem:v0+s2+$0x0], $0xffff  }
0x367: {  	v2 =	vld.idx.msk [tilespmem:v7+s2+$0x0], $0xffff;
	_ =	sdelay $0x1  }
0x368: {  	v3 =	vld.idx.msk [tilespmem:v8+s2+$0x0], $0xffff;
	_ =	sdelay $0x1  }
0x369: {  	v4 =	vld.idx.msk [tilespmem:v11+s2+$0x0], $0xffff  }
0x36a: {  	v1 =	vadd.f32 v2, v1  }
0x36b: {  	v2 =	vld.idx.msk [tilespmem:v12+s2+$0x0], $0xffff  }
0x36c: {  	v1 =	vadd.f32 v3, v1  }
0x36d: {  	v3 =	vld.idx.msk [tilespmem:v13+s2+$0x0], $0xffff  }
0x36e: {  	v1 =	vadd.f32 v4, v1  }
0x36f: {  	v4 =	vld.idx.msk [tilespmem:v14+s2+$0x0], $0xffff  }
0x370: {  	v1 =	vadd.f32 v2, v1  }
0x371: {  	v2 =	vld.idx.msk [tilespmem:v15+s2+$0x0], $0xffff  }
0x372: {  	v1 =	vadd.f32 v3, v1  }
0x373: {  	v3 =	vld.idx.msk [tilespmem:v16+s2+$0x0], $0xffff  }
0x374: {  	v1 =	vadd.f32 v4, v1  }
0x375: {  	v4 =	vld.idx.msk [tilespmem:v17+s2+$0x0], $0xffff  }
0x376: {  	v1 =	vadd.f32 v2, v1  }
0x377: {  	v2 =	vld.idx.msk [tilespmem:v18+s2+$0x0], $0xffff  }
0x378: {  	v1 =	vadd.f32 v3, v1  }
0x379: {  	v3 =	vld.idx.msk [tilespmem:v19+s2+$0x0], $0xffff  }
0x37a: {  	v1 =	vadd.f32 v4, v1  }
0x37b: {  	v4 =	vld.idx.msk [tilespmem:v20+s2+$0x0], $0xffff  }
0x37c: {  	v1 =	vadd.f32 v2, v1  }
0x37d: {  	v2 =	vld.idx.msk [tilespmem:v21+s2+$0x0], $0xffff  }
0x37e: {  	v1 =	vadd.f32 v3, v1  }
0x37f: {  	v3 =	vld.idx.msk [tilespmem:v22+s2+$0x0], $0xffff  }
0x380: {  	v1 =	vadd.f32 v4, v1  }
0x381: {  	v4 =	vld.idx.msk [tilespmem:v23+s2+$0x0], $0xffff  }
0x382: {  	v1 =	vadd.f32 v2, v1;
	_ =	sdelay $0x1  }
0x383: {  	v1 =	vadd.f32 v3, v1  }
0x384: {  	s12 =	smul.u32 $0x140, s1  }
0x385: {  	v1 =	vadd.f32 v4, v1  }
0x386: {  	s3 =	sshra.s32 s12, $0x2  }
0x387: {  	[tilespmem:s3+$0xC800] =	vst v1  }
0x388: {  	v1 =	vld.idx.msk [tilespmem:v24+s2+$0x0], $0xffff  }
0x389: {  	v2 =	vld.idx.msk [tilespmem:v25+s2+$0x0], $0xffff;
	_ =	sdelay $0x1  }
0x38a: {  	v3 =	vld.idx.msk [tilespmem:v26+s2+$0x0], $0xffff;
	_ =	sdelay $0x1  }
0x38b: {  	v4 =	vld.idx.msk [tilespmem:v27+s2+$0x0], $0xffff  }
0x38c: {  	v1 =	vadd.f32 v2, v1  }
0x38d: {  	v2 =	vld.idx.msk [tilespmem:v28+s2+$0x0], $0xffff  }
0x38e: {  	v1 =	vadd.f32 v3, v1  }
0x38f: {  	v3 =	vld.idx.msk [tilespmem:v29+s2+$0x0], $0xffff  }
0x390: {  	v1 =	vadd.f32 v4, v1  }
0x391: {  	v4 =	vld.idx.msk [tilespmem:v30+s2+$0x0], $0xffff  }
0x392: {  	v1 =	vadd.f32 v2, v1  }
0x393: {  	v2 =	vld.idx.msk [tilespmem:v31+s2+$0x0], $0xffff  }
0x394: {  	v1 =	vadd.f32 v3, v1  }
0x395: {  	v3 =	vld.idx.msk [tilespmem:v32+s2+$0x0], $0xffff  }
0x396: {  	v1 =	vadd.f32 v4, v1  }
0x397: {  	v4 =	vld.idx.msk [tilespmem:v33+s2+$0x0], $0xffff  }
0x398: {  	v1 =	vadd.f32 v2, v1  }
0x399: {  	v2 =	vld.idx.msk [tilespmem:v34+s2+$0x0], $0xffff  }
0x39a: {  	v1 =	vadd.f32 v3, v1  }
0x39b: {  	v3 =	vld.idx.msk [tilespmem:v35+s2+$0x0], $0xffff  }
0x39c: {  	v1 =	vadd.f32 v4, v1  }
0x39d: {  	v4 =	vld.idx.msk [tilespmem:v36+s2+$0x0], $0xffff  }
0x39e: {  	v1 =	vadd.f32 v2, v1  }
0x39f: {  	v2 =	vld.idx.msk [tilespmem:v37+s2+$0x0], $0xffff  }
0x3a0: {  	v1 =	vadd.f32 v3, v1  }
0x3a1: {  	v3 =	vld.idx.msk [tilespmem:v38+s2+$0x0], $0xffff  }
0x3a2: {  	v1 =	vadd.f32 v4, v1  }
0x3a3: {  	v4 =	vld.idx.msk [tilespmem:v39+s2+$0x0], $0xffff  }
0x3a4: {  	v1 =	vadd.f32 v2, v1;
	_ =	sdelay $0x1  }
0x3a5: {  	v1 =	vadd.f32 v3, v1;
	_ =	sdelay $0x1  }
0x3a6: {  	v1 =	vadd.f32 v4, v1;
	_ =	sdelay $0x1  }
0x3a7: {  	[tilespmem:s3+$0xC810] =	vst v1  }
0x3a8: {  	v1 =	vld.idx.msk [tilespmem:v40+s2+$0x0], $0xffff  }
0x3a9: {  	v2 =	vld.idx.msk [tilespmem:v41+s2+$0x0], $0xffff;
	_ =	sdelay $0x1  }
0x3aa: {  	v3 =	vld.idx.msk [tilespmem:v42+s2+$0x0], $0xffff;
	_ =	sdelay $0x1  }
0x3ab: {  	v4 =	vld.idx.msk [tilespmem:v43+s2+$0x0], $0xffff  }
0x3ac: {  	v1 =	vadd.f32 v2, v1  }
0x3ad: {  	v2 =	vld.idx.msk [tilespmem:v44+s2+$0x0], $0xffff  }
0x3ae: {  	v1 =	vadd.f32 v3, v1  }
0x3af: {  	v3 =	vld.idx.msk [tilespmem:v45+s2+$0x0], $0xffff  }
0x3b0: {  	v1 =	vadd.f32 v4, v1  }
0x3b1: {  	v4 =	vld.idx.msk [tilespmem:v46+s2+$0x0], $0xffff  }
0x3b2: {  	v1 =	vadd.f32 v2, v1  }
0x3b3: {  	v2 =	vld.idx.msk [tilespmem:v47+s2+$0x0], $0xffff  }
0x3b4: {  	v1 =	vadd.f32 v3, v1  }
0x3b5: {  	v3 =	vld.idx.msk [tilespmem:v48+s2+$0x0], $0xffff  }
0x3b6: {  	v1 =	vadd.f32 v4, v1  }
0x3b7: {  	v4 =	vld.idx.msk [tilespmem:v49+s2+$0x0], $0xffff  }
0x3b8: {  	v1 =	vadd.f32 v2, v1  }
0x3b9: {  	v2 =	vld.idx.msk [tilespmem:v50+s2+$0x0], $0xffff  }
0x3ba: {  	v1 =	vadd.f32 v3, v1  }
0x3bb: {  	v3 =	vld.idx.msk [tilespmem:v51+s2+$0x0], $0xffff  }
0x3bc: {  	v1 =	vadd.f32 v4, v1  }
0x3bd: {  	v4 =	vld.idx.msk [tilespmem:v52+s2+$0x0], $0xffff  }
0x3be: {  	v1 =	vadd.f32 v2, v1  }
0x3bf: {  	v2 =	vld.idx.msk [tilespmem:v53+s2+$0x0], $0xffff  }
0x3c0: {  	v1 =	vadd.f32 v3, v1  }
0x3c1: {  	v3 =	vld.idx.msk [tilespmem:v54+s2+$0x0], $0xffff  }
0x3c2: {  	v1 =	vadd.f32 v4, v1  }
0x3c3: {  	v4 =	vld.idx.msk [tilespmem:v55+s2+$0x0], $0xffff  }
0x3c4: {  	v1 =	vadd.f32 v2, v1;
	_ =	sdelay $0x1  }
0x3c5: {  	v1 =	vadd.f32 v3, v1;
	_ =	sdelay $0x1  }
0x3c6: {  	v1 =	vadd.f32 v4, v1;
	_ =	sdelay $0x1  }
0x3c7: {  	[tilespmem:s3+$0xC820] =	vst v1  }
0x3c8: {  	v1 =	vld.idx.msk [tilespmem:v56+s2+$0x0], $0xffff  }
0x3c9: {  	v2 =	vld.idx.msk [tilespmem:v57+s2+$0x0], $0xffff;
	_ =	sdelay $0x1  }
0x3ca: {  	v3 =	vld.idx.msk [tilespmem:v58+s2+$0x0], $0xffff;
	_ =	sdelay $0x1  }
0x3cb: {  	v4 =	vld.idx.msk [tilespmem:v59+s2+$0x0], $0xffff  }
0x3cc: {  	v1 =	vadd.f32 v2, v1  }
0x3cd: {  	v2 =	vld.idx.msk [tilespmem:v60+s2+$0x0], $0xffff  }
0x3ce: {  	v1 =	vadd.f32 v3, v1  }
0x3cf: {  	v3 =	vld.idx.msk [tilespmem:v61+s2+$0x0], $0xffff  }
0x3d0: {  	v1 =	vadd.f32 v4, v1  }
0x3d1: {  	v4 =	vld.idx.msk [tilespmem:v62+s2+$0x0], $0xffff  }
0x3d2: {  	v1 =	vadd.f32 v2, v1  }
0x3d3: {  	v2 =	vld.idx.msk [tilespmem:v63+s2+$0x0], $0xffff  }
0x3d4: {  	v1 =	vadd.f32 v3, v1  }
0x3d5: {  	v3 =	vld.idx.msk [tilespmem:v10+s2+$0x0], $0xffff  }
0x3d6: {  	v1 =	vadd.f32 v4, v1  }
0x3d7: {  	v4 =	vld.idx.msk [tilespmem:v9+s2+$0x0], $0xffff  }
0x3d8: {  	v1 =	vadd.f32 v2, v1;
	v2 =	vld [tilespmem:$0x1FF80];
	_ =	sdelay $0x1  }
0x3d9: {  	v1 =	vadd.f32 v3, v1;
	v3 =	vld [tilespmem:$0x1FF90];
	_ =	sdelay $0x1  }
0x3da: {  	v1 =	vadd.f32 v4, v1;
	v4 =	vld [tilespmem:$0x1FFA0];
	_ =	sdelay $0x3  }
0x3db: {  	v2 =	vld.idx.msk [tilespmem:v2+s2+$0x0], $0xffff;
	_ =	sdelay $0x1  }
0x3dc: {  	v3 =	vld.idx.msk [tilespmem:v3+s2+$0x0], $0xffff;
	_ =	sdelay $0x1  }
0x3dd: {  	v4 =	vld.idx.msk [tilespmem:v4+s2+$0x0], $0xffff  }
0x3de: {  	v1 =	vadd.f32 v2, v1;
	v2 =	vld [tilespmem:$0x1FFB0];
	_ =	sdelay $0x1  }
0x3df: {  	v1 =	vadd.f32 v3, v1;
	v3 =	vld [tilespmem:$0x1FFC0];
	_ =	sdelay $0x1  }
0x3e0: {  	v1 =	vadd.f32 v4, v1;
	v4 =	vld [tilespmem:$0x1FFD0];
	_ =	sdelay $0x3  }
0x3e1: {  	v2 =	vld.idx.msk [tilespmem:v2+s2+$0x0], $0xffff;
	_ =	sdelay $0x1  }
0x3e2: {  	v3 =	vld.idx.msk [tilespmem:v3+s2+$0x0], $0xffff;
	_ =	sdelay $0x1  }
0x3e3: {  	v4 =	vld.idx.msk [tilespmem:v4+s2+$0x0], $0xffff  }
0x3e4: {  	v1 =	vadd.f32 v2, v1;
	_ =	sdelay $0x1  }
0x3e5: {  	v2 =	vor.u32 $0x400, v0;
	v1 =	vadd.f32 v3, v1  }
0x3e6: {  	v3 =	vor.u32 $0x401, v0  }
0x3e7: {  	v1 =	vadd.f32 v4, v1  }
0x3e8: {  	v4 =	vor.u32 $0x402, v0  }
0x3e9: {  	[tilespmem:s3+$0xC830] =	vst v1  }
0x3ea: {  	v1 =	vld.idx.msk [tilespmem:v2+s2+$0x0], $0xffff;
	v2 =	vor.u32 $0x403, v0  }
0x3eb: {  	v3 =	vld.idx.msk [tilespmem:v3+s2+$0x0], $0xffff  }
0x3ec: {  	v5 =	vor.u32 $0x404, v0  }
0x3ed: {  	v4 =	vld.idx.msk [tilespmem:v4+s2+$0x0], $0xffff  }
0x3ee: {  	v6 =	vor.u32 $0x405, v0  }
0x3ef: {  	v2 =	vld.idx.msk [tilespmem:v2+s2+$0x0], $0xffff  }
0x3f0: {  	v1 =	vadd.f32 v3, v1;
	v3 =	vor.u32 $0x406, v0  }
0x3f1: {  	v5 =	vld.idx.msk [tilespmem:v5+s2+$0x0], $0xffff  }
0x3f2: {  	v1 =	vadd.f32 v4, v1;
	v4 =	vor.u32 $0x407, v0  }
0x3f3: {  	v6 =	vld.idx.msk [tilespmem:v6+s2+$0x0], $0xffff  }
0x3f4: {  	v1 =	vadd.f32 v2, v1;
	v2 =	vor.u32 $0x408, v0  }
0x3f5: {  	v3 =	vld.idx.msk [tilespmem:v3+s2+$0x0], $0xffff  }
0x3f6: {  	v1 =	vadd.f32 v5, v1;
	v5 =	vor.u32 $0x409, v0  }
0x3f7: {  	v4 =	vld.idx.msk [tilespmem:v4+s2+$0x0], $0xffff  }
0x3f8: {  	v1 =	vadd.f32 v6, v1;
	v6 =	vor.u32 $0x40A, v0  }
0x3f9: {  	v2 =	vld.idx.msk [tilespmem:v2+s2+$0x0], $0xffff  }
0x3fa: {  	v1 =	vadd.f32 v3, v1;
	v3 =	vor.u32 $0x40B, v0  }
0x3fb: {  	v5 =	vld.idx.msk [tilespmem:v5+s2+$0x0], $0xffff  }
0x3fc: {  	v1 =	vadd.f32 v4, v1;
	v4 =	vor.u32 $0x40C, v0  }
0x3fd: {  	v6 =	vld.idx.msk [tilespmem:v6+s2+$0x0], $0xffff  }
0x3fe: {  	v1 =	vadd.f32 v2, v1;
	v2 =	vor.u32 $0x40D, v0  }
0x3ff: {  	v3 =	vld.idx.msk [tilespmem:v3+s2+$0x0], $0xffff  }
0x400: {  	v1 =	vadd.f32 v5, v1;
	v5 =	vor.u32 $0x40E, v0  }
0x401: {  	v4 =	vld.idx.msk [tilespmem:v4+s2+$0x0], $0xffff  }
0x402: {  	v1 =	vadd.f32 v6, v1;
	v6 =	vor.u32 $0x40F, v0  }
0x403: {  	v2 =	vld.idx.msk [tilespmem:v2+s2+$0x0], $0xffff  }
0x404: {  	v1 =	vadd.f32 v3, v1  }
0x405: {  	v3 =	vld.idx.msk [tilespmem:v5+s2+$0x0], $0xffff  }
0x406: {  	v1 =	vadd.f32 v4, v1  }
0x407: {  	v4 =	vld.idx.msk [tilespmem:v6+s2+$0x0], $0xffff  }
0x408: {  	v1 =	vadd.f32 v2, v1  }
0x409: {  	p0 =	sne.s32 s1, $0x7  }
.Ltmp0:
0x40a: {  	v1 =	vadd.f32 v3, v1;
	(pc) =	sbr.rel @p0 .LBB2_3-.Ltmp0, $3  }
0x40b: {  	_ = 	snop  }
0x40c: {  	v1 =	vadd.f32 v4, v1;
	_ =	sdelay $0x1  }
0x40d: {  	s1 =	sadd.s32 $0x1, s1;
	[tilespmem:s3+$0xC840] =	vst v1  }
0x40e: {  	s0 =	smul.u32 $0x5, s0  }
0x40f: {  	s9 =	sadd.s32 $0x1, s9  }
0x410: {  	p0 =	sne.s32 s9, $0x4;
	s0 =	sshrl.u32 s0, $0x3  }
.Ltmp1:
0x411: {  	s1 =	simm.s32 $0x0;
	s0 =	sadd.s32 s7, s0;
	(pc) =	sbr.rel @p0 .LBB2_2-.Ltmp1, $4  }
0x412: {  	[hbm4b:s0+s1] =	stream.linear.scatter [tilespmem:s5], [sflag:$0x3], $0x280, $0x38;
	[tilespmem:$0xCA80] =	vst v63  }
0x413: {  	_ =	swait.ge [sflag:s10], $0x280  }
0x414: {  	[sflag:s10] =	ssyncset.done $0x0  }
0x415: {  	[sflag:s10] =	ssyncadd.s32 $0xFFFFFD80  }
0x416: {  	s1 =	rddreg [dreg:$0x5]  }
0x417: {  	s0 =	rddreg [dreg:$0x4];
	s1 =	sadd.s32 $0x1, s1  }
0x418: {  	p0 =	sne.s32 s1, s0  }
.Ltmp2:
0x419: {  	_ = 	snop;
	(pc) =	sbr.rel @p0 .LBB2_1-.Ltmp2, $1  }
0x41a: {  	_ =	sdelay $0x3  }
0x41b: {  	_ =	sfence.sel $0x180000  }
0x41c: {  	[bflag:$0x0] =	sbarrier.arrive $0xFFFF  }
0x41d: {  	_ =	strace $0x90000047  }
0x41e: {  	s0 =	stileid.u32;
	[bflag:$0x2] =	sbarrier.arrive $0xFFFF  }
0x41f: {  	p0 =	sne.s32 s0, $0x0;
	s0 =	rddreg [dreg:$0x3]  }
0x420: {  	s0 =	sadd.s32 @!p0 $0x100000, s0  }
0x421: {  	[sflag:s0] =	ssyncadd.tile.s32 @!p0 $0x1;
	_ =	shalt  }
.Lfunc_end2:
_tile_overlayer_lowered:
.L_overlay_start_2:
0x422: {  	(tag) =	ssettag $0x2  }
0x423: {  	s0 =	rddreg [dreg:$0x0];
	s2 =	stileid.u32  }
0x424: {  	s1 =	rddreg [dreg:$0x1];
	p0 =	sne.s32 s2, $0x0  }
0x425: {  	s3 =	rddreg [dreg:$0x2];
	[bflag:$0x3] =	sbarrier.arrive $0xFFFF;
	s2 =	simm.s32 @!p0 $0x1C03  }
0x426: {  	[timem:s3], [sflag:s2] =	dma.local @!p0 [hbm:s0], s1  }
0x427: {  	s0 =	simm.s32 @!p0 $0x3  }
0x428: {  	_ =	swait.ge @!p0 [sflag:s0], s1  }
0x429: {  	s1 =	ssub.s32 @!p0 $0x0, s1;
	[sflag:s0] =	ssyncset.done @!p0 $0x0  }
0x42a: {  	[sflag:s0] =	ssyncadd.s32 @!p0 s1  }
0x42b: {  	[bflag:$0x3] =	sbarrier.arrive $0xFFFF  }
0x42c: {  	_ =	shalt  }

</sc_bundles>
